<compile_context>
chip_gen: v7x
topology: tpu7x:2x2x1
jax: 0.10.2.dev20260603
libtpu: 0.0.44.dev20260713+nightly
codegen_flags: <defaults>
</compile_context>

<pallas_src>
import functools

import jax
import jax.numpy as jnp
from jax import lax
from jax.experimental import pallas as pl
from jax.experimental.pallas import tpu as pltpu
from jax.experimental.pallas import tpu_sc as plsc

NC = 2
NS = 16
LANES = 16
NW = NC * NS


def _dot_bf16(a, w):
    return jnp.dot(a.astype(jnp.bfloat16), w.astype(jnp.bfloat16),
                   preferred_element_type=jnp.float32)


def _sc_segment_relu_sum(src_arr, dst_arr, x, edge_weight):
    N, D = x.shape
    E = src_arr.shape[0]
    per_w = E // NW
    CH = 128
    n_chunks = per_w // CH
    tail = per_w - n_chunks * CH
    rows_per_tile = -(-N // (NS * CH)) * CH
    Npad = rows_per_tile * NS
    full, rem = divmod(rows_per_tile, CH)

    mesh = plsc.VectorSubcoreMesh(core_axis_name="c", subcore_axis_name="s")

    scratch = [
        pltpu.VMEM((CH,), jnp.int32),
        pltpu.VMEM((CH,), jnp.int32),
        pltpu.VMEM((CH, D), jnp.float32),
        pltpu.VMEM((CH, D), jnp.float32),
        pltpu.VMEM_SHARED((Npad, D), jnp.float32),
        pltpu.SemaphoreType.DMA,
    ]
    if tail:
        scratch += [
            pltpu.VMEM((tail,), jnp.int32),
            pltpu.VMEM((tail,), jnp.int32),
            pltpu.VMEM((tail, D), jnp.float32),
            pltpu.VMEM((tail, D), jnp.float32),
        ]

    @functools.partial(
        pl.kernel,
        out_type=jax.ShapeDtypeStruct((NC, Npad, D), jnp.float32),
        mesh=mesh,
        scratch_types=scratch,
    )
    def k(src_hbm, dst_hbm, x_hbm, ew_hbm, out_hbm, src_v, dst_v, rows_v, ew_v,
          agg_sh, sem, *tail_bufs):
        cid = lax.axis_index("c")
        sid = lax.axis_index("s")
        wid = cid * NS + sid

        zero16 = jnp.zeros((LANES,), jnp.float32)

        @pl.loop(0, CH)
        def _(r):
            for c0 in range(0, D, LANES):
                rows_v[r, pl.ds(c0, LANES)] = zero16

        row0 = sid * rows_per_tile
        for kb in range(full):
            pltpu.sync_copy(rows_v, agg_sh.at[pl.ds(row0 + kb * CH, CH)])
        if rem:
            pltpu.sync_copy(rows_v.at[pl.ds(0, rem)],
                            agg_sh.at[pl.ds(row0 + full * CH, rem)])
        plsc.subcore_barrier()

        ebase = wid * per_w

        @pl.loop(0, n_chunks)
        def _(ci):
            b = pl.multiple_of(ebase + ci * CH, 8)
            pltpu.sync_copy(src_hbm.at[pl.ds(b, CH)], src_v)
            pltpu.sync_copy(dst_hbm.at[pl.ds(b, CH)], dst_v)
            g = pltpu.async_copy(x_hbm.at[src_v], rows_v, sem)
            pltpu.sync_copy(ew_hbm.at[pl.ds(b, CH)], ew_v)
            g.wait()

            @pl.loop(0, CH)
            def _(r):
                for c0 in range(0, D, LANES):
                    v = rows_v[r, pl.ds(c0, LANES)] + ew_v[r, pl.ds(c0, LANES)]
                    rows_v[r, pl.ds(c0, LANES)] = jnp.maximum(v, 0.0)

            pltpu.sync_copy(rows_v, agg_sh.at[dst_v], add=True)

        if tail:
            src_t, dst_t, rows_t, ew_t = tail_bufs
            b = pl.multiple_of(ebase + n_chunks * CH, 8)
            pltpu.sync_copy(src_hbm.at[pl.ds(b, tail)], src_t)
            pltpu.sync_copy(dst_hbm.at[pl.ds(b, tail)], dst_t)
            g = pltpu.async_copy(x_hbm.at[src_t], rows_t, sem)
            pltpu.sync_copy(ew_hbm.at[pl.ds(b, tail)], ew_t)
            g.wait()

            @pl.loop(0, tail)
            def _(r):
                for c0 in range(0, D, LANES):
                    v = rows_t[r, pl.ds(c0, LANES)] + ew_t[r, pl.ds(c0, LANES)]
                    rows_t[r, pl.ds(c0, LANES)] = jnp.maximum(v, 0.0)

            pltpu.sync_copy(rows_t, agg_sh.at[dst_t], add=True)

        plsc.subcore_barrier()

        for kb in range(full):
            r0 = row0 + kb * CH
            pltpu.sync_copy(agg_sh.at[pl.ds(r0, CH)], out_hbm.at[cid, pl.ds(r0, CH)])
        if rem:
            r0 = row0 + full * CH
            pltpu.sync_copy(agg_sh.at[pl.ds(r0, rem)],
                            out_hbm.at[cid, pl.ds(r0, rem)])

    return k(src_arr, dst_arr, x, edge_weight)[:, :N, :]


def _tc_linear(x, agg, Wt, b, eps):
    N, D = x.shape
    BN = 1000
    eps11 = jnp.reshape(eps, (1, 1)).astype(jnp.float32)
    b2d = jnp.reshape(b, (1, D))

    def body(eps_ref, x_ref, a0_ref, a1_ref, w_ref, b_ref, o_ref):
        rst = (1.0 + eps_ref[0, 0]) * x_ref[...] + a0_ref[...] + a1_ref[...]
        o_ref[...] = (_dot_bf16(rst, w_ref[...])
                      + b_ref[...])

    return pl.pallas_call(
        body,
        grid=(N // BN,),
        in_specs=[
            pl.BlockSpec(memory_space=pltpu.SMEM),
            pl.BlockSpec((BN, D), lambda i: (i, 0)),
            pl.BlockSpec((BN, D), lambda i: (i, 0)),
            pl.BlockSpec((BN, D), lambda i: (i, 0)),
            pl.BlockSpec((D, D), lambda i: (0, 0)),
            pl.BlockSpec((1, D), lambda i: (0, 0)),
        ],
        out_specs=pl.BlockSpec((BN, D), lambda i: (i, 0)),
        out_shape=jax.ShapeDtypeStruct((N, D), jnp.float32),
    )(eps11, x, agg[0], agg[1], Wt, b2d)


def _tc_lstm(xs, Wi0t, Wh0t, bb0, Wi1t, Wh1t, bb1):
    N, D = xs[0].shape
    H = D
    BN = 1000

    def body(x1_ref, x2_ref, x3_ref, x4_ref, wi0, wh0, b0, wi1, wh1, b1, o_ref):
        zeros = jnp.zeros((BN, H), jnp.float32)
        h0, c0, h1, c1, acc = zeros, zeros, zeros, zeros, zeros
        for x_ref in (x1_ref, x2_ref, x3_ref, x4_ref):
            xt = x_ref[...]
            g = (_dot_bf16(xt, wi0[...])
                 + _dot_bf16(h0, wh0[...])
                 + b0[...])
            i = jax.nn.sigmoid(g[:, 0 * H:1 * H])
            f = jax.nn.sigmoid(g[:, 1 * H:2 * H])
            gg = jnp.tanh(g[:, 2 * H:3 * H])
            o = jax.nn.sigmoid(g[:, 3 * H:4 * H])
            c0 = f * c0 + i * gg
            h0 = o * jnp.tanh(c0)
            g = (_dot_bf16(h0, wi1[...])
                 + _dot_bf16(h1, wh1[...])
                 + b1[...])
            i = jax.nn.sigmoid(g[:, 0 * H:1 * H])
            f = jax.nn.sigmoid(g[:, 1 * H:2 * H])
            gg = jnp.tanh(g[:, 2 * H:3 * H])
            o = jax.nn.sigmoid(g[:, 3 * H:4 * H])
            c1 = f * c1 + i * gg
            h1 = o * jnp.tanh(c1)
            acc = acc + h1
        o_ref[...] = acc * 0.25

    wspec = pl.BlockSpec((D, 4 * H), lambda i: (0, 0))
    bspec = pl.BlockSpec((1, 4 * H), lambda i: (0, 0))
    xspec = pl.BlockSpec((BN, D), lambda i: (i, 0))
    return pl.pallas_call(
        body,
        grid=(N // BN,),
        in_specs=[xspec, xspec, xspec, xspec,
                  wspec, wspec, bspec, wspec, wspec, bspec],
        out_specs=pl.BlockSpec((BN, H), lambda i: (i, 0)),
        out_shape=jax.ShapeDtypeStruct((N, H), jnp.float32),
    )(*xs, Wi0t, Wh0t, bb0, Wi1t, Wh1t, bb1)


def kernel(edge_index, x, edge_weight, W1, b1, eps1, W2, b2, eps2, W3, b3,
           eps3, W4, b4, eps4, W_ih0, W_hh0, b_ih0, b_hh0, W_ih1, W_hh1,
           b_ih1, b_hh1):
    layers = ((W1, b1, eps1), (W2, b2, eps2), (W3, b3, eps3), (W4, b4, eps4))
    src_arr = edge_index[0]
    dst_arr = edge_index[1]
    xs = []
    h = x
    for W, b, eps in layers:
        agg = _sc_segment_relu_sum(src_arr, dst_arr, h, edge_weight)
        h = _tc_linear(h, agg, W.T, b, eps)
        xs.append(h)
    bb0 = jnp.reshape(b_ih0 + b_hh0, (1, -1))
    bb1 = jnp.reshape(b_ih1 + b_hh1, (1, -1))
    return _tc_lstm(xs, W_ih0.T, W_hh0.T, bb0, W_ih1.T, W_hh1.T, bb1)

# --- scband reference (transcript-rebuilt; emitter-appended) ---
"""Pipeline reference for scband-gnn-dgl-91242285236267 (READ-ONLY COPY).

The authoritative reference and input builder live on the scoring server;
editing this copy changes nothing except your own understanding.
"""

import jax, jax.numpy as jnp
import numpy as np

N = 10000
E = 320000
D = 128

def setup_inputs(seed: int = 0):
    key = jax.random.key(seed)
    ks = jax.random.split(key, 32)
    inp = {}
    inp["edge_index"] = jax.random.randint(ks[0], (2, E), 0, N, dtype=jnp.int32)
    inp["x"] = jax.random.normal(ks[1], (N, D), dtype=jnp.float32)
    inp["edge_weight"] = jax.random.normal(ks[2], (E, D), dtype=jnp.float32)
    for l in range(1, 5):
        inp["W%d" % l] = jax.random.normal(ks[2 + 2 * l], (D, D), dtype=jnp.float32) * (1.0 / np.sqrt(D))
        inp["b%d" % l] = jnp.zeros((D,), dtype=jnp.float32)
        inp["eps%d" % l] = jnp.zeros((), dtype=jnp.float32)
    s = 1.0 / np.sqrt(D)
    for l in range(2):
        inp["W_ih%d" % l] = jax.random.uniform(ks[12 + 4 * l], (4 * D, D), minval=-s, maxval=s, dtype=jnp.float32)
        inp["W_hh%d" % l] = jax.random.uniform(ks[13 + 4 * l], (4 * D, D), minval=-s, maxval=s, dtype=jnp.float32)
        inp["b_ih%d" % l] = jax.random.uniform(ks[14 + 4 * l], (4 * D,), minval=-s, maxval=s, dtype=jnp.float32)
        inp["b_hh%d" % l] = jax.random.uniform(ks[15 + 4 * l], (4 * D,), minval=-s, maxval=s, dtype=jnp.float32)
    return inp

def _gine(x, edge_index, edge_weight, W, b, eps):
    # DGL GINEConv with learn_eps: msg = relu(x_src + e), sum-aggregate to dst,
    # rst = (1+eps)*x + agg, then apply_func = Linear(num_feature, nhid)
    src = edge_index[0]
    dst = edge_index[1]
    msg = jax.nn.relu(x[src] + edge_weight)
    agg = jax.ops.segment_sum(msg, dst, num_segments=x.shape[0])
    rst = (1.0 + eps) * x + agg
    return rst @ W.T + b

def _lstm_layer(seq, W_ih, W_hh, b_ih, b_hh):
    # PyTorch nn.LSTM single-layer semantics, zero initial state
    T = seq.shape[0]
    B = seq.shape[1]
    H = W_hh.shape[1]
    h = jnp.zeros((B, H), dtype=seq.dtype)
    c = jnp.zeros((B, H), dtype=seq.dtype)
    outs = []
    for t in range(T):
        gates = seq[t] @ W_ih.T + b_ih + h @ W_hh.T + b_hh
        i, f, g, o = jnp.split(gates, 4, axis=-1)
        i = jax.nn.sigmoid(i)
        f = jax.nn.sigmoid(f)
        g = jnp.tanh(g)
        o = jax.nn.sigmoid(o)
        c = f * c + i * g
        h = o * jnp.tanh(c)
        outs.append(h)
    return jnp.stack(outs, axis=0)

def reference(edge_index, x, edge_weight, W1, b1, eps1, W2, b2, eps2, W3, b3, eps3, W4, b4, eps4, W_ih0, W_hh0, b_ih0, b_hh0, W_ih1, W_hh1, b_ih1, b_hh1):
    x1 = _gine(x, edge_index, edge_weight, W1, b1, eps1)
    x2 = _gine(x1, edge_index, edge_weight, W2, b2, eps2)
    x3 = _gine(x2, edge_index, edge_weight, W3, b3, eps3)
    x4 = _gine(x3, edge_index, edge_weight, W4, b4, eps4)
    seq = jnp.stack([x1, x2, x3, x4], axis=0)  # [4, N, D]
    out = _lstm_layer(seq, W_ih0, W_hh0, b_ih0, b_hh0)
    out = _lstm_layer(out, W_ih1, W_hh1, b_ih1, b_hh1)
    return out.mean(axis=0)

if __name__ == "__main__":
    import jax
    _d = setup_inputs()
    print(jax.jit(kernel)(*tuple(_d.values())))

</pallas_src>

<mosaic_0001>
#map = affine_map<(d0, d1) -> (0)>
#map1 = affine_map<(d0, d1) -> (0, 0)>
#map2 = affine_map<(d0, d1) -> (0, 0, 0)>
module attributes {stable_mosaic.version = 14 : i64} {
  func.func @k(%arg0: i32, %arg1: i32, %arg2: memref<320000xi32, #tpu.memory_space<hbm>>, %arg3: memref<320000xi32, #tpu.memory_space<hbm>>, %arg4: memref<10000x128xf32, #tpu.memory_space<hbm>>, %arg5: memref<320000x128xf32, #tpu.memory_space<hbm>>, %arg6: memref<2x10240x128xf32, #tpu.memory_space<hbm>>, %arg7: memref<128xi32, #tpu.memory_space<vmem>>, %arg8: memref<128xi32, #tpu.memory_space<vmem>>, %arg9: memref<128x128xf32, #tpu.memory_space<vmem>>, %arg10: memref<128x128xf32, #tpu.memory_space<vmem>>, %arg11: memref<10240x128xf32, #tpu.memory_space<vmem_shared>>, %arg12: memref<!tpu.dma_semaphore, #tpu.memory_space<semaphore_mem>>, %arg13: memref<16xi32, #tpu.memory_space<vmem>>, %arg14: memref<16xi32, #tpu.memory_space<vmem>>, %arg15: memref<16x128xf32, #tpu.memory_space<vmem>>, %arg16: memref<16x128xf32, #tpu.memory_space<vmem>>) attributes {dimension_semantics = [#tpu.dimension_semantics<core_parallel>, #tpu.dimension_semantics<subcore_parallel>], iteration_bounds = array<i64: 2, 16>, scalar_prefetch = 0 : i64, scratch_operands = 10 : i64, tpu.core_type = #tpu.core_type<sc_vector_subcore>, window_params = [{transform_indices = #map}, {transform_indices = #map}, {transform_indices = #map1}, {transform_indices = #map1}, {transform_indices = #map2}]} {
    %mul3A = arith.constant 16 : i32
    %mul3A_0 = arith.muli %arg0, %mul3A : i32
    %add3A = arith.addi %mul3A_0, %arg1 : i32
    %broadcast_in_dim3A = arith.constant 0.000000e+00 : f32
    %broadcast_in_dim3A_1 = vector.broadcast %broadcast_in_dim3A : f32 to vector<16xf32>
    %scan3A = arith.constant 0 : i32
    %scan3A_2 = arith.constant 128 : i32
    %scan3A_3 = arith.addi %scan3A, %scan3A_2 : i32
    %scan3A_4 = arith.constant 1 : i32
    scf.for %scan3A_47 = %scan3A to %scan3A_3 step %scan3A_4  : i32 {
      %mul3A_48 = arith.constant 1 : i32
      %mul3A_49 = arith.muli %scan3A_47, %mul3A_48 : i32
      %add3A_50 = arith.constant 0 : i32
      %add3A_51 = arith.addi %add3A_50, %mul3A_49 : i32
      %swap3A = arith.index_cast %add3A_51 : i32 to index
      %swap3A_52 = arith.constant 0 : index
      %swap3A_53 = tpu.vector_load %arg9[%swap3A, %swap3A_52] {strides = array<i32>} : memref<128x128xf32, #tpu.memory_space<vmem>>, vector<1x16xf32>,
      %swap3A_54 = vector.shape_cast %swap3A_53 : vector<1x16xf32> to vector<16xf32>
      %swap3A_55 = vector.shape_cast %broadcast_in_dim3A_1 : vector<16xf32> to vector<1x16xf32>
      tpu.vector_store %arg9[%swap3A, %swap3A_52], %swap3A_55 {strides = array<i32>} : memref<128x128xf32, #tpu.memory_space<vmem>>, vector<1x16xf32>,
      %swap3A_56 = arith.index_cast %add3A_51 : i32 to index
      %swap3A_57 = arith.constant 16 : index
      %swap3A_58 = tpu.vector_load %arg9[%swap3A_56, %swap3A_57] {strides = array<i32>} : memref<128x128xf32, #tpu.memory_space<vmem>>, vector<1x16xf32>,
      %swap3A_59 = vector.shape_cast %swap3A_58 : vector<1x16xf32> to vector<16xf32>
      %swap3A_60 = vector.shape_cast %broadcast_in_dim3A_1 : vector<16xf32> to vector<1x16xf32>
      tpu.vector_store %arg9[%swap3A_56, %swap3A_57], %swap3A_60 {strides = array<i32>} : memref<128x128xf32, #tpu.memory_space<vmem>>, vector<1x16xf32>,
      %swap3A_61 = arith.index_cast %add3A_51 : i32 to index
      %swap3A_62 = arith.constant 32 : index
      %swap3A_63 = tpu.vector_load %arg9[%swap3A_61, %swap3A_62] {strides = array<i32>} : memref<128x128xf32, #tpu.memory_space<vmem>>, vector<1x16xf32>,
      %swap3A_64 = vector.shape_cast %swap3A_63 : vector<1x16xf32> to vector<16xf32>
      %swap3A_65 = vector.shape_cast %broadcast_in_dim3A_1 : vector<16xf32> to vector<1x16xf32>
      tpu.vector_store %arg9[%swap3A_61, %swap3A_62], %swap3A_65 {strides = array<i32>} : memref<128x128xf32, #tpu.memory_space<vmem>>, vector<1x16xf32>,
      %swap3A_66 = arith.index_cast %add3A_51 : i32 to index
      %swap3A_67 = arith.constant 48 : index
      %swap3A_68 = tpu.vector_load %arg9[%swap3A_66, %swap3A_67] {strides = array<i32>} : memref<128x128xf32, #tpu.memory_space<vmem>>, vector<1x16xf32>,
      %swap3A_69 = vector.shape_cast %swap3A_68 : vector<1x16xf32> to vector<16xf32>
      %swap3A_70 = vector.shape_cast %broadcast_in_dim3A_1 : vector<16xf32> to vector<1x16xf32>
      tpu.vector_store %arg9[%swap3A_66, %swap3A_67], %swap3A_70 {strides = array<i32>} : memref<128x128xf32, #tpu.memory_space<vmem>>, vector<1x16xf32>,
      %swap3A_71 = arith.index_cast %add3A_51 : i32 to index
      %swap3A_72 = arith.constant 64 : index
      %swap3A_73 = tpu.vector_load %arg9[%swap3A_71, %swap3A_72] {strides = array<i32>} : memref<128x128xf32, #tpu.memory_space<vmem>>, vector<1x16xf32>,
      %swap3A_74 = vector.shape_cast %swap3A_73 : vector<1x16xf32> to vector<16xf32>
      %swap3A_75 = vector.shape_cast %broadcast_in_dim3A_1 : vector<16xf32> to vector<1x16xf32>
      tpu.vector_store %arg9[%swap3A_71, %swap3A_72], %swap3A_75 {strides = array<i32>} : memref<128x128xf32, #tpu.memory_space<vmem>>, vector<1x16xf32>,
      %swap3A_76 = arith.index_cast %add3A_51 : i32 to index
      %swap3A_77 = arith.constant 80 : index
      %swap3A_78 = tpu.vector_load %arg9[%swap3A_76, %swap3A_77] {strides = array<i32>} : memref<128x128xf32, #tpu.memory_space<vmem>>, vector<1x16xf32>,
      %swap3A_79 = vector.shape_cast %swap3A_78 : vector<1x16xf32> to vector<16xf32>
      %swap3A_80 = vector.shape_cast %broadcast_in_dim3A_1 : vector<16xf32> to vector<1x16xf32>
      tpu.vector_store %arg9[%swap3A_76, %swap3A_77], %swap3A_80 {strides = array<i32>} : memref<128x128xf32, #tpu.memory_space<vmem>>, vector<1x16xf32>,
      %swap3A_81 = arith.index_cast %add3A_51 : i32 to index
      %swap3A_82 = arith.constant 96 : index
      %swap3A_83 = tpu.vector_load %arg9[%swap3A_81, %swap3A_82] {strides = array<i32>} : memref<128x128xf32, #tpu.memory_space<vmem>>, vector<1x16xf32>,
      %swap3A_84 = vector.shape_cast %swap3A_83 : vector<1x16xf32> to vector<16xf32>
      %swap3A_85 = vector.shape_cast %broadcast_in_dim3A_1 : vector<16xf32> to vector<1x16xf32>
      tpu.vector_store %arg9[%swap3A_81, %swap3A_82], %swap3A_85 {strides = array<i32>} : memref<128x128xf32, #tpu.memory_space<vmem>>, vector<1x16xf32>,
      %swap3A_86 = arith.index_cast %add3A_51 : i32 to index
      %swap3A_87 = arith.constant 112 : index
      %swap3A_88 = tpu.vector_load %arg9[%swap3A_86, %swap3A_87] {strides = array<i32>} : memref<128x128xf32, #tpu.memory_space<vmem>>, vector<1x16xf32>,
      %swap3A_89 = vector.shape_cast %swap3A_88 : vector<1x16xf32> to vector<16xf32>
      %swap3A_90 = vector.shape_cast %broadcast_in_dim3A_1 : vector<16xf32> to vector<1x16xf32>
      tpu.vector_store %arg9[%swap3A_86, %swap3A_87], %swap3A_90 {strides = array<i32>} : memref<128x128xf32, #tpu.memory_space<vmem>>, vector<1x16xf32>,
    }
    %scan3A_5 = arith.constant 128 : i32
    %mul3A_6 = arith.constant 640 : i32
    %mul3A_7 = arith.muli %arg1, %mul3A_6 : i32
    %add3A_8 = arith.constant 0 : i32
    %add3A_9 = arith.addi %mul3A_7, %add3A_8 : i32
    "tpu.region"() ({
      %run_scoped3A = tpu.sem_alloc : memref<!tpu.dma_semaphore, #tpu.memory_space<semaphore_mem>>
      %dma_start3A_47 = arith.constant 0 : i32
      %dma_start3A_48 = tpu.memref_slice %arg11[%add3A_9, %dma_start3A_47] : memref<10240x128xf32, #tpu.memory_space<vmem_shared>> -> memref<128x128xf32, #tpu.memory_space<vmem_shared>>
      %dma_start3A_49 = arith.constant 0 : i32
      %dma_start3A_50 = tpu.memref_slice %arg11[%add3A_9, %dma_start3A_49] : memref<10240x128xf32, #tpu.memory_space<vmem_shared>> -> memref<128x128xf32, #tpu.memory_space<vmem_shared>>
      tpu.enqueue_dma source(%arg9 : memref<128x128xf32, #tpu.memory_space<vmem>>) target(%dma_start3A_50 : memref<128x128xf32, #tpu.memory_space<vmem_shared>>) target_semaphore(%run_scoped3A : memref<!tpu.dma_semaphore, #tpu.memory_space<semaphore_mem>>)
      %dma_wait3A_51 = arith.constant 0 : i32
      %dma_wait3A_52 = tpu.memref_slice %arg11[%add3A_9, %dma_wait3A_51] : memref<10240x128xf32, #tpu.memory_space<vmem_shared>> -> memref<128x128xf32, #tpu.memory_space<vmem_shared>>
      %dma_wait3A_53 = arith.constant 0 : i32
      %dma_wait3A_54 = tpu.memref_slice %arg11[%add3A_9, %dma_wait3A_53] : memref<10240x128xf32, #tpu.memory_space<vmem_shared>> -> memref<128x128xf32, #tpu.memory_space<vmem_shared>>
      tpu.wait_dma2 semaphore(%run_scoped3A : memref<!tpu.dma_semaphore, #tpu.memory_space<semaphore_mem>>) src(%arg9 : memref<128x128xf32, #tpu.memory_space<vmem>>) dst(%dma_wait3A_54 : memref<128x128xf32, #tpu.memory_space<vmem_shared>>)
      tpu.yield
    }) : () -> ()
    %add3A_10 = arith.constant 128 : i32
    %add3A_11 = arith.addi %mul3A_7, %add3A_10 : i32
    "tpu.region"() ({
      %run_scoped3A = tpu.sem_alloc : memref<!tpu.dma_semaphore, #tpu.memory_space<semaphore_mem>>
      %dma_start3A_47 = arith.constant 0 : i32
      %dma_start3A_48 = tpu.memref_slice %arg11[%add3A_11, %dma_start3A_47] : memref<10240x128xf32, #tpu.memory_space<vmem_shared>> -> memref<128x128xf32, #tpu.memory_space<vmem_shared>>
      %dma_start3A_49 = arith.constant 0 : i32
      %dma_start3A_50 = tpu.memref_slice %arg11[%add3A_11, %dma_start3A_49] : memref<10240x128xf32, #tpu.memory_space<vmem_shared>> -> memref<128x128xf32, #tpu.memory_space<vmem_shared>>
      tpu.enqueue_dma source(%arg9 : memref<128x128xf32, #tpu.memory_space<vmem>>) target(%dma_start3A_50 : memref<128x128xf32, #tpu.memory_space<vmem_shared>>) target_semaphore(%run_scoped3A : memref<!tpu.dma_semaphore, #tpu.memory_space<semaphore_mem>>)
      %dma_wait3A_51 = arith.constant 0 : i32
      %dma_wait3A_52 = tpu.memref_slice %arg11[%add3A_11, %dma_wait3A_51] : memref<10240x128xf32, #tpu.memory_space<vmem_shared>> -> memref<128x128xf32, #tpu.memory_space<vmem_shared>>
      %dma_wait3A_53 = arith.constant 0 : i32
      %dma_wait3A_54 = tpu.memref_slice %arg11[%add3A_11, %dma_wait3A_53] : memref<10240x128xf32, #tpu.memory_space<vmem_shared>> -> memref<128x128xf32, #tpu.memory_space<vmem_shared>>
      tpu.wait_dma2 semaphore(%run_scoped3A : memref<!tpu.dma_semaphore, #tpu.memory_space<semaphore_mem>>) src(%arg9 : memref<128x128xf32, #tpu.memory_space<vmem>>) dst(%dma_wait3A_54 : memref<128x128xf32, #tpu.memory_space<vmem_shared>>)
      tpu.yield
    }) : () -> ()
    %add3A_12 = arith.constant 256 : i32
    %add3A_13 = arith.addi %mul3A_7, %add3A_12 : i32
    "tpu.region"() ({
      %run_scoped3A = tpu.sem_alloc : memref<!tpu.dma_semaphore, #tpu.memory_space<semaphore_mem>>
      %dma_start3A_47 = arith.constant 0 : i32
      %dma_start3A_48 = tpu.memref_slice %arg11[%add3A_13, %dma_start3A_47] : memref<10240x128xf32, #tpu.memory_space<vmem_shared>> -> memref<128x128xf32, #tpu.memory_space<vmem_shared>>
      %dma_start3A_49 = arith.constant 0 : i32
      %dma_start3A_50 = tpu.memref_slice %arg11[%add3A_13, %dma_start3A_49] : memref<10240x128xf32, #tpu.memory_space<vmem_shared>> -> memref<128x128xf32, #tpu.memory_space<vmem_shared>>
      tpu.enqueue_dma source(%arg9 : memref<128x128xf32, #tpu.memory_space<vmem>>) target(%dma_start3A_50 : memref<128x128xf32, #tpu.memory_space<vmem_shared>>) target_semaphore(%run_scoped3A : memref<!tpu.dma_semaphore, #tpu.memory_space<semaphore_mem>>)
      %dma_wait3A_51 = arith.constant 0 : i32
      %dma_wait3A_52 = tpu.memref_slice %arg11[%add3A_13, %dma_wait3A_51] : memref<10240x128xf32, #tpu.memory_space<vmem_shared>> -> memref<128x128xf32, #tpu.memory_space<vmem_shared>>
      %dma_wait3A_53 = arith.constant 0 : i32
      %dma_wait3A_54 = tpu.memref_slice %arg11[%add3A_13, %dma_wait3A_53] : memref<10240x128xf32, #tpu.memory_space<vmem_shared>> -> memref<128x128xf32, #tpu.memory_space<vmem_shared>>
      tpu.wait_dma2 semaphore(%run_scoped3A : memref<!tpu.dma_semaphore, #tpu.memory_space<semaphore_mem>>) src(%arg9 : memref<128x128xf32, #tpu.memory_space<vmem>>) dst(%dma_wait3A_54 : memref<128x128xf32, #tpu.memory_space<vmem_shared>>)
      tpu.yield
    }) : () -> ()
    %add3A_14 = arith.constant 384 : i32
    %add3A_15 = arith.addi %mul3A_7, %add3A_14 : i32
    "tpu.region"() ({
      %run_scoped3A = tpu.sem_alloc : memref<!tpu.dma_semaphore, #tpu.memory_space<semaphore_mem>>
      %dma_start3A_47 = arith.constant 0 : i32
      %dma_start3A_48 = tpu.memref_slice %arg11[%add3A_15, %dma_start3A_47] : memref<10240x128xf32, #tpu.memory_space<vmem_shared>> -> memref<128x128xf32, #tpu.memory_space<vmem_shared>>
      %dma_start3A_49 = arith.constant 0 : i32
      %dma_start3A_50 = tpu.memref_slice %arg11[%add3A_15, %dma_start3A_49] : memref<10240x128xf32, #tpu.memory_space<vmem_shared>> -> memref<128x128xf32, #tpu.memory_space<vmem_shared>>
      tpu.enqueue_dma source(%arg9 : memref<128x128xf32, #tpu.memory_space<vmem>>) target(%dma_start3A_50 : memref<128x128xf32, #tpu.memory_space<vmem_shared>>) target_semaphore(%run_scoped3A : memref<!tpu.dma_semaphore, #tpu.memory_space<semaphore_mem>>)
      %dma_wait3A_51 = arith.constant 0 : i32
      %dma_wait3A_52 = tpu.memref_slice %arg11[%add3A_15, %dma_wait3A_51] : memref<10240x128xf32, #tpu.memory_space<vmem_shared>> -> memref<128x128xf32, #tpu.memory_space<vmem_shared>>
      %dma_wait3A_53 = arith.constant 0 : i32
      %dma_wait3A_54 = tpu.memref_slice %arg11[%add3A_15, %dma_wait3A_53] : memref<10240x128xf32, #tpu.memory_space<vmem_shared>> -> memref<128x128xf32, #tpu.memory_space<vmem_shared>>
      tpu.wait_dma2 semaphore(%run_scoped3A : memref<!tpu.dma_semaphore, #tpu.memory_space<semaphore_mem>>) src(%arg9 : memref<128x128xf32, #tpu.memory_space<vmem>>) dst(%dma_wait3A_54 : memref<128x128xf32, #tpu.memory_space<vmem_shared>>)
      tpu.yield
    }) : () -> ()
    %add3A_16 = arith.constant 512 : i32
    %add3A_17 = arith.addi %mul3A_7, %add3A_16 : i32
    "tpu.region"() ({
      %run_scoped3A = tpu.sem_alloc : memref<!tpu.dma_semaphore, #tpu.memory_space<semaphore_mem>>
      %dma_start3A_47 = arith.constant 0 : i32
      %dma_start3A_48 = tpu.memref_slice %arg11[%add3A_17, %dma_start3A_47] : memref<10240x128xf32, #tpu.memory_space<vmem_shared>> -> memref<128x128xf32, #tpu.memory_space<vmem_shared>>
      %dma_start3A_49 = arith.constant 0 : i32
      %dma_start3A_50 = tpu.memref_slice %arg11[%add3A_17, %dma_start3A_49] : memref<10240x128xf32, #tpu.memory_space<vmem_shared>> -> memref<128x128xf32, #tpu.memory_space<vmem_shared>>
      tpu.enqueue_dma source(%arg9 : memref<128x128xf32, #tpu.memory_space<vmem>>) target(%dma_start3A_50 : memref<128x128xf32, #tpu.memory_space<vmem_shared>>) target_semaphore(%run_scoped3A : memref<!tpu.dma_semaphore, #tpu.memory_space<semaphore_mem>>)
      %dma_wait3A_51 = arith.constant 0 : i32
      %dma_wait3A_52 = tpu.memref_slice %arg11[%add3A_17, %dma_wait3A_51] : memref<10240x128xf32, #tpu.memory_space<vmem_shared>> -> memref<128x128xf32, #tpu.memory_space<vmem_shared>>
      %dma_wait3A_53 = arith.constant 0 : i32
      %dma_wait3A_54 = tpu.memref_slice %arg11[%add3A_17, %dma_wait3A_53] : memref<10240x128xf32, #tpu.memory_space<vmem_shared>> -> memref<128x128xf32, #tpu.memory_space<vmem_shared>>
      tpu.wait_dma2 semaphore(%run_scoped3A : memref<!tpu.dma_semaphore, #tpu.memory_space<semaphore_mem>>) src(%arg9 : memref<128x128xf32, #tpu.memory_space<vmem>>) dst(%dma_wait3A_54 : memref<128x128xf32, #tpu.memory_space<vmem_shared>>)
      tpu.yield
    }) : () -> ()
    %barrier3A = arith.constant 0 : index
    tpu.barrier barrier_id(%barrier3A)
    %mul3A_18 = arith.constant 10000 : i32
    %mul3A_19 = arith.muli %add3A, %mul3A_18 : i32
    %scan3A_20 = arith.constant 0 : i32
    %scan3A_21 = arith.constant 78 : i32
    %scan3A_22 = arith.addi %scan3A_20, %scan3A_21 : i32
    %scan3A_23 = arith.constant 1 : i32
    scf.for %scan3A_47 = %scan3A_20 to %scan3A_22 step %scan3A_23  : i32 {
      %mul3A_48 = arith.constant 1 : i32
      %mul3A_49 = arith.muli %scan3A_47, %mul3A_48 : i32
      %add3A_50 = arith.constant 0 : i32
      %add3A_51 = arith.addi %add3A_50, %mul3A_49 : i32
      %mul3A_52 = arith.constant 128 : i32
      %mul3A_53 = arith.muli %add3A_51, %mul3A_52 : i32
      %add3A_54 = arith.addi %mul3A_19, %mul3A_53 : i32
      %multiple_of3A_55 = tpu.assume_multiple %add3A_54, 8 : i32
      "tpu.region"() ({
        %run_scoped3A = tpu.sem_alloc : memref<!tpu.dma_semaphore, #tpu.memory_space<semaphore_mem>>
        %dma_start3A_67 = tpu.memref_slice %arg2[%multiple_of3A_55] : memref<320000xi32, #tpu.memory_space<hbm>> -> memref<128xi32, #tpu.memory_space<hbm>>
        %dma_start3A_68 = tpu.memref_slice %arg2[%multiple_of3A_55] : memref<320000xi32, #tpu.memory_space<hbm>> -> memref<128xi32, #tpu.memory_space<hbm>>
        tpu.enqueue_dma source(%dma_start3A_68 : memref<128xi32, #tpu.memory_space<hbm>>) target(%arg7 : memref<128xi32, #tpu.memory_space<vmem>>) target_semaphore(%run_scoped3A : memref<!tpu.dma_semaphore, #tpu.memory_space<semaphore_mem>>)
        %dma_wait3A_69 = tpu.memref_slice %arg2[%multiple_of3A_55] : memref<320000xi32, #tpu.memory_space<hbm>> -> memref<128xi32, #tpu.memory_space<hbm>>
        %dma_wait3A_70 = tpu.memref_slice %arg2[%multiple_of3A_55] : memref<320000xi32, #tpu.memory_space<hbm>> -> memref<128xi32, #tpu.memory_space<hbm>>
        tpu.wait_dma2 semaphore(%run_scoped3A : memref<!tpu.dma_semaphore, #tpu.memory_space<semaphore_mem>>) src(%dma_wait3A_70 : memref<128xi32, #tpu.memory_space<hbm>>) dst(%arg7 : memref<128xi32, #tpu.memory_space<vmem>>)
        tpu.yield
      }) : () -> ()
      "tpu.region"() ({
        %run_scoped3A = tpu.sem_alloc : memref<!tpu.dma_semaphore, #tpu.memory_space<semaphore_mem>>
        %dma_start3A_67 = tpu.memref_slice %arg3[%multiple_of3A_55] : memref<320000xi32, #tpu.memory_space<hbm>> -> memref<128xi32, #tpu.memory_space<hbm>>
        %dma_start3A_68 = tpu.memref_slice %arg3[%multiple_of3A_55] : memref<320000xi32, #tpu.memory_space<hbm>> -> memref<128xi32, #tpu.memory_space<hbm>>
        tpu.enqueue_dma source(%dma_start3A_68 : memref<128xi32, #tpu.memory_space<hbm>>) target(%arg8 : memref<128xi32, #tpu.memory_space<vmem>>) target_semaphore(%run_scoped3A : memref<!tpu.dma_semaphore, #tpu.memory_space<semaphore_mem>>)
        %dma_wait3A_69 = tpu.memref_slice %arg3[%multiple_of3A_55] : memref<320000xi32, #tpu.memory_space<hbm>> -> memref<128xi32, #tpu.memory_space<hbm>>
        %dma_wait3A_70 = tpu.memref_slice %arg3[%multiple_of3A_55] : memref<320000xi32, #tpu.memory_space<hbm>> -> memref<128xi32, #tpu.memory_space<hbm>>
        tpu.wait_dma2 semaphore(%run_scoped3A : memref<!tpu.dma_semaphore, #tpu.memory_space<semaphore_mem>>) src(%dma_wait3A_70 : memref<128xi32, #tpu.memory_space<hbm>>) dst(%arg8 : memref<128xi32, #tpu.memory_space<vmem>>)
        tpu.yield
      }) : () -> ()
      %dma_start3A_56 = arith.constant 0 : i32
      %dma_start3A_57 = arith.constant 0 : i32
      %dma_start3A_58 = tpu.memref_slice %arg4[%dma_start3A_56, %dma_start3A_57] : memref<10000x128xf32, #tpu.memory_space<hbm>> -> memref<10000x128xf32, #tpu.memory_space<hbm>>
      tpu.enqueue_indirect_dma source(%dma_start3A_58 : memref<10000x128xf32, #tpu.memory_space<hbm>>) target(%arg9 : memref<128x128xf32, #tpu.memory_space<vmem>>) offsets(%arg7 : memref<128xi32, #tpu.memory_space<vmem>>) semaphore(%arg12 : memref<!tpu.dma_semaphore, #tpu.memory_space<semaphore_mem>>)
      "tpu.region"() ({
        %run_scoped3A = tpu.sem_alloc : memref<!tpu.dma_semaphore, #tpu.memory_space<semaphore_mem>>
        %dma_start3A_67 = arith.constant 0 : i32
        %dma_start3A_68 = tpu.memref_slice %arg5[%multiple_of3A_55, %dma_start3A_67] : memref<320000x128xf32, #tpu.memory_space<hbm>> -> memref<128x128xf32, #tpu.memory_space<hbm>>
        %dma_start3A_69 = arith.constant 0 : i32
        %dma_start3A_70 = tpu.memref_slice %arg5[%multiple_of3A_55, %dma_start3A_69] : memref<320000x128xf32, #tpu.memory_space<hbm>> -> memref<128x128xf32, #tpu.memory_space<hbm>>
        tpu.enqueue_dma source(%dma_start3A_70 : memref<128x128xf32, #tpu.memory_space<hbm>>) target(%arg10 : memref<128x128xf32, #tpu.memory_space<vmem>>) target_semaphore(%run_scoped3A : memref<!tpu.dma_semaphore, #tpu.memory_space<semaphore_mem>>)
        %dma_wait3A_71 = arith.constant 0 : i32
        %dma_wait3A_72 = tpu.memref_slice %arg5[%multiple_of3A_55, %dma_wait3A_71] : memref<320000x128xf32, #tpu.memory_space<hbm>> -> memref<128x128xf32, #tpu.memory_space<hbm>>
        %dma_wait3A_73 = arith.constant 0 : i32
        %dma_wait3A_74 = tpu.memref_slice %arg5[%multiple_of3A_55, %dma_wait3A_73] : memref<320000x128xf32, #tpu.memory_space<hbm>> -> memref<128x128xf32, #tpu.memory_space<hbm>>
        tpu.wait_dma2 semaphore(%run_scoped3A : memref<!tpu.dma_semaphore, #tpu.memory_space<semaphore_mem>>) src(%dma_wait3A_74 : memref<128x128xf32, #tpu.memory_space<hbm>>) dst(%arg10 : memref<128x128xf32, #tpu.memory_space<vmem>>)
        tpu.yield
      }) : () -> ()
      %dma_wait3A_59 = arith.constant 0 : i32
      %dma_wait3A_60 = arith.constant 0 : i32
      %dma_wait3A_61 = tpu.memref_slice %arg4[%dma_wait3A_59, %dma_wait3A_60] : memref<10000x128xf32, #tpu.memory_space<hbm>> -> memref<10000x128xf32, #tpu.memory_space<hbm>>
      tpu.wait_indirect_dma semaphore(%arg12 : memref<!tpu.dma_semaphore, #tpu.memory_space<semaphore_mem>>) src(%dma_wait3A_61 : memref<10000x128xf32, #tpu.memory_space<hbm>>) dst(%arg9 : memref<128x128xf32, #tpu.memory_space<vmem>>)
      %scan3A_62 = arith.constant 0 : i32
      %scan3A_63 = arith.constant 128 : i32
      %scan3A_64 = arith.addi %scan3A_62, %scan3A_63 : i32
      %scan3A_65 = arith.constant 1 : i32
      scf.for %scan3A_67 = %scan3A_62 to %scan3A_64 step %scan3A_65  : i32 {
        %mul3A_68 = arith.constant 1 : i32
        %mul3A_69 = arith.muli %scan3A_67, %mul3A_68 : i32
        %add3A_70 = arith.constant 0 : i32
        %add3A_71 = arith.addi %add3A_70, %mul3A_69 : i32
        %get3A = arith.index_cast %add3A_71 : i32 to index
        %get3A_72 = arith.constant 0 : index
        %get3A_73 = tpu.vector_load %arg9[%get3A, %get3A_72] {strides = array<i32>} : memref<128x128xf32, #tpu.memory_space<vmem>>, vector<1x16xf32>,
        %get3A_74 = vector.shape_cast %get3A_73 : vector<1x16xf32> to vector<16xf32>
        %get3A_75 = arith.index_cast %add3A_71 : i32 to index
        %get3A_76 = arith.constant 0 : index
        %get3A_77 = tpu.vector_load %arg10[%get3A_75, %get3A_76] {strides = array<i32>} : memref<128x128xf32, #tpu.memory_space<vmem>>, vector<1x16xf32>,
        %get3A_78 = vector.shape_cast %get3A_77 : vector<1x16xf32> to vector<16xf32>
        %add3A_79 = arith.addf %get3A_74, %get3A_78 : vector<16xf32>
        %max3A = arith.constant 0.000000e+00 : f32
        %max3A_80 = vector.broadcast %max3A : f32 to vector<16xf32>
        %max3A_81 = arith.maximumf %add3A_79, %max3A_80 : vector<16xf32>
        %swap3A = arith.index_cast %add3A_71 : i32 to index
        %swap3A_82 = arith.constant 0 : index
        %swap3A_83 = tpu.vector_load %arg9[%swap3A, %swap3A_82] {strides = array<i32>} : memref<128x128xf32, #tpu.memory_space<vmem>>, vector<1x16xf32>,
        %swap3A_84 = vector.shape_cast %swap3A_83 : vector<1x16xf32> to vector<16xf32>
        %swap3A_85 = vector.shape_cast %max3A_81 : vector<16xf32> to vector<1x16xf32>
        tpu.vector_store %arg9[%swap3A, %swap3A_82], %swap3A_85 {strides = array<i32>} : memref<128x128xf32, #tpu.memory_space<vmem>>, vector<1x16xf32>,
        %get3A_86 = arith.index_cast %add3A_71 : i32 to index
        %get3A_87 = arith.constant 16 : index
        %get3A_88 = tpu.vector_load %arg9[%get3A_86, %get3A_87] {strides = array<i32>} : memref<128x128xf32, #tpu.memory_space<vmem>>, vector<1x16xf32>,
        %get3A_89 = vector.shape_cast %get3A_88 : vector<1x16xf32> to vector<16xf32>
        %get3A_90 = arith.index_cast %add3A_71 : i32 to index
        %get3A_91 = arith.constant 16 : index
        %get3A_92 = tpu.vector_load %arg10[%get3A_90, %get3A_91] {strides = array<i32>} : memref<128x128xf32, #tpu.memory_space<vmem>>, vector<1x16xf32>,
        %get3A_93 = vector.shape_cast %get3A_92 : vector<1x16xf32> to vector<16xf32>
        %add3A_94 = arith.addf %get3A_89, %get3A_93 : vector<16xf32>
        %max3A_95 = arith.constant 0.000000e+00 : f32
        %max3A_96 = vector.broadcast %max3A_95 : f32 to vector<16xf32>
        %max3A_97 = arith.maximumf %add3A_94, %max3A_96 : vector<16xf32>
        %swap3A_98 = arith.index_cast %add3A_71 : i32 to index
        %swap3A_99 = arith.constant 16 : index
        %swap3A_100 = tpu.vector_load %arg9[%swap3A_98, %swap3A_99] {strides = array<i32>} : memref<128x128xf32, #tpu.memory_space<vmem>>, vector<1x16xf32>,
        %swap3A_101 = vector.shape_cast %swap3A_100 : vector<1x16xf32> to vector<16xf32>
        %swap3A_102 = vector.shape_cast %max3A_97 : vector<16xf32> to vector<1x16xf32>
        tpu.vector_store %arg9[%swap3A_98, %swap3A_99], %swap3A_102 {strides = array<i32>} : memref<128x128xf32, #tpu.memory_space<vmem>>, vector<1x16xf32>,
        %get3A_103 = arith.index_cast %add3A_71 : i32 to index
        %get3A_104 = arith.constant 32 : index
        %get3A_105 = tpu.vector_load %arg9[%get3A_103, %get3A_104] {strides = array<i32>} : memref<128x128xf32, #tpu.memory_space<vmem>>, vector<1x16xf32>,
        %get3A_106 = vector.shape_cast %get3A_105 : vector<1x16xf32> to vector<16xf32>
        %get3A_107 = arith.index_cast %add3A_71 : i32 to index
        %get3A_108 = arith.constant 32 : index
        %get3A_109 = tpu.vector_load %arg10[%get3A_107, %get3A_108] {strides = array<i32>} : memref<128x128xf32, #tpu.memory_space<vmem>>, vector<1x16xf32>,
        %get3A_110 = vector.shape_cast %get3A_109 : vector<1x16xf32> to vector<16xf32>
        %add3A_111 = arith.addf %get3A_106, %get3A_110 : vector<16xf32>
        %max3A_112 = arith.constant 0.000000e+00 : f32
        %max3A_113 = vector.broadcast %max3A_112 : f32 to vector<16xf32>
        %max3A_114 = arith.maximumf %add3A_111, %max3A_113 : vector<16xf32>
        %swap3A_115 = arith.index_cast %add3A_71 : i32 to index
        %swap3A_116 = arith.constant 32 : index
        %swap3A_117 = tpu.vector_load %arg9[%swap3A_115, %swap3A_116] {strides = array<i32>} : memref<128x128xf32, #tpu.memory_space<vmem>>, vector<1x16xf32>,
        %swap3A_118 = vector.shape_cast %swap3A_117 : vector<1x16xf32> to vector<16xf32>
        %swap3A_119 = vector.shape_cast %max3A_114 : vector<16xf32> to vector<1x16xf32>
        tpu.vector_store %arg9[%swap3A_115, %swap3A_116], %swap3A_119 {strides = array<i32>} : memref<128x128xf32, #tpu.memory_space<vmem>>, vector<1x16xf32>,
        %get3A_120 = arith.index_cast %add3A_71 : i32 to index
        %get3A_121 = arith.constant 48 : index
        %get3A_122 = tpu.vector_load %arg9[%get3A_120, %get3A_121] {strides = array<i32>} : memref<128x128xf32, #tpu.memory_space<vmem>>, vector<1x16xf32>,
        %get3A_123 = vector.shape_cast %get3A_122 : vector<1x16xf32> to vector<16xf32>
        %get3A_124 = arith.index_cast %add3A_71 : i32 to index
        %get3A_125 = arith.constant 48 : index
        %get3A_126 = tpu.vector_load %arg10[%get3A_124, %get3A_125] {strides = array<i32>} : memref<128x128xf32, #tpu.memory_space<vmem>>, vector<1x16xf32>,
        %get3A_127 = vector.shape_cast %get3A_126 : vector<1x16xf32> to vector<16xf32>
        %add3A_128 = arith.addf %get3A_123, %get3A_127 : vector<16xf32>
        %max3A_129 = arith.constant 0.000000e+00 : f32
        %max3A_130 = vector.broadcast %max3A_129 : f32 to vector<16xf32>
        %max3A_131 = arith.maximumf %add3A_128, %max3A_130 : vector<16xf32>
        %swap3A_132 = arith.index_cast %add3A_71 : i32 to index
        %swap3A_133 = arith.constant 48 : index
        %swap3A_134 = tpu.vector_load %arg9[%swap3A_132, %swap3A_133] {strides = array<i32>} : memref<128x128xf32, #tpu.memory_space<vmem>>, vector<1x16xf32>,
        %swap3A_135 = vector.shape_cast %swap3A_134 : vector<1x16xf32> to vector<16xf32>
        %swap3A_136 = vector.shape_cast %max3A_131 : vector<16xf32> to vector<1x16xf32>
        tpu.vector_store %arg9[%swap3A_132, %swap3A_133], %swap3A_136 {strides = array<i32>} : memref<128x128xf32, #tpu.memory_space<vmem>>, vector<1x16xf32>,
        %get3A_137 = arith.index_cast %add3A_71 : i32 to index
        %get3A_138 = arith.constant 64 : index
        %get3A_139 = tpu.vector_load %arg9[%get3A_137, %get3A_138] {strides = array<i32>} : memref<128x128xf32, #tpu.memory_space<vmem>>, vector<1x16xf32>,
        %get3A_140 = vector.shape_cast %get3A_139 : vector<1x16xf32> to vector<16xf32>
        %get3A_141 = arith.index_cast %add3A_71 : i32 to index
        %get3A_142 = arith.constant 64 : index
        %get3A_143 = tpu.vector_load %arg10[%get3A_141, %get3A_142] {strides = array<i32>} : memref<128x128xf32, #tpu.memory_space<vmem>>, vector<1x16xf32>,
        %get3A_144 = vector.shape_cast %get3A_143 : vector<1x16xf32> to vector<16xf32>
        %add3A_145 = arith.addf %get3A_140, %get3A_144 : vector<16xf32>
        %max3A_146 = arith.constant 0.000000e+00 : f32
        %max3A_147 = vector.broadcast %max3A_146 : f32 to vector<16xf32>
        %max3A_148 = arith.maximumf %add3A_145, %max3A_147 : vector<16xf32>
        %swap3A_149 = arith.index_cast %add3A_71 : i32 to index
        %swap3A_150 = arith.constant 64 : index
        %swap3A_151 = tpu.vector_load %arg9[%swap3A_149, %swap3A_150] {strides = array<i32>} : memref<128x128xf32, #tpu.memory_space<vmem>>, vector<1x16xf32>,
        %swap3A_152 = vector.shape_cast %swap3A_151 : vector<1x16xf32> to vector<16xf32>
        %swap3A_153 = vector.shape_cast %max3A_148 : vector<16xf32> to vector<1x16xf32>
        tpu.vector_store %arg9[%swap3A_149, %swap3A_150], %swap3A_153 {strides = array<i32>} : memref<128x128xf32, #tpu.memory_space<vmem>>, vector<1x16xf32>,
        %get3A_154 = arith.index_cast %add3A_71 : i32 to index
        %get3A_155 = arith.constant 80 : index
        %get3A_156 = tpu.vector_load %arg9[%get3A_154, %get3A_155] {strides = array<i32>} : memref<128x128xf32, #tpu.memory_space<vmem>>, vector<1x16xf32>,
        %get3A_157 = vector.shape_cast %get3A_156 : vector<1x16xf32> to vector<16xf32>
        %get3A_158 = arith.index_cast %add3A_71 : i32 to index
        %get3A_159 = arith.constant 80 : index
        %get3A_160 = tpu.vector_load %arg10[%get3A_158, %get3A_159] {strides = array<i32>} : memref<128x128xf32, #tpu.memory_space<vmem>>, vector<1x16xf32>,
        %get3A_161 = vector.shape_cast %get3A_160 : vector<1x16xf32> to vector<16xf32>
        %add3A_162 = arith.addf %get3A_157, %get3A_161 : vector<16xf32>
        %max3A_163 = arith.constant 0.000000e+00 : f32
        %max3A_164 = vector.broadcast %max3A_163 : f32 to vector<16xf32>
        %max3A_165 = arith.maximumf %add3A_162, %max3A_164 : vector<16xf32>
        %swap3A_166 = arith.index_cast %add3A_71 : i32 to index
        %swap3A_167 = arith.constant 80 : index
        %swap3A_168 = tpu.vector_load %arg9[%swap3A_166, %swap3A_167] {strides = array<i32>} : memref<128x128xf32, #tpu.memory_space<vmem>>, vector<1x16xf32>,
        %swap3A_169 = vector.shape_cast %swap3A_168 : vector<1x16xf32> to vector<16xf32>
        %swap3A_170 = vector.shape_cast %max3A_165 : vector<16xf32> to vector<1x16xf32>
        tpu.vector_store %arg9[%swap3A_166, %swap3A_167], %swap3A_170 {strides = array<i32>} : memref<128x128xf32, #tpu.memory_space<vmem>>, vector<1x16xf32>,
        %get3A_171 = arith.index_cast %add3A_71 : i32 to index
        %get3A_172 = arith.constant 96 : index
        %get3A_173 = tpu.vector_load %arg9[%get3A_171, %get3A_172] {strides = array<i32>} : memref<128x128xf32, #tpu.memory_space<vmem>>, vector<1x16xf32>,
        %get3A_174 = vector.shape_cast %get3A_173 : vector<1x16xf32> to vector<16xf32>
        %get3A_175 = arith.index_cast %add3A_71 : i32 to index
        %get3A_176 = arith.constant 96 : index
        %get3A_177 = tpu.vector_load %arg10[%get3A_175, %get3A_176] {strides = array<i32>} : memref<128x128xf32, #tpu.memory_space<vmem>>, vector<1x16xf32>,
        %get3A_178 = vector.shape_cast %get3A_177 : vector<1x16xf32> to vector<16xf32>
        %add3A_179 = arith.addf %get3A_174, %get3A_178 : vector<16xf32>
        %max3A_180 = arith.constant 0.000000e+00 : f32
        %max3A_181 = vector.broadcast %max3A_180 : f32 to vector<16xf32>
        %max3A_182 = arith.maximumf %add3A_179, %max3A_181 : vector<16xf32>
        %swap3A_183 = arith.index_cast %add3A_71 : i32 to index
        %swap3A_184 = arith.constant 96 : index
        %swap3A_185 = tpu.vector_load %arg9[%swap3A_183, %swap3A_184] {strides = array<i32>} : memref<128x128xf32, #tpu.memory_space<vmem>>, vector<1x16xf32>,
        %swap3A_186 = vector.shape_cast %swap3A_185 : vector<1x16xf32> to vector<16xf32>
        %swap3A_187 = vector.shape_cast %max3A_182 : vector<16xf32> to vector<1x16xf32>
        tpu.vector_store %arg9[%swap3A_183, %swap3A_184], %swap3A_187 {strides = array<i32>} : memref<128x128xf32, #tpu.memory_space<vmem>>, vector<1x16xf32>,
        %get3A_188 = arith.index_cast %add3A_71 : i32 to index
        %get3A_189 = arith.constant 112 : index
        %get3A_190 = tpu.vector_load %arg9[%get3A_188, %get3A_189] {strides = array<i32>} : memref<128x128xf32, #tpu.memory_space<vmem>>, vector<1x16xf32>,
        %get3A_191 = vector.shape_cast %get3A_190 : vector<1x16xf32> to vector<16xf32>
        %get3A_192 = arith.index_cast %add3A_71 : i32 to index
        %get3A_193 = arith.constant 112 : index
        %get3A_194 = tpu.vector_load %arg10[%get3A_192, %get3A_193] {strides = array<i32>} : memref<128x128xf32, #tpu.memory_space<vmem>>, vector<1x16xf32>,
        %get3A_195 = vector.shape_cast %get3A_194 : vector<1x16xf32> to vector<16xf32>
        %add3A_196 = arith.addf %get3A_191, %get3A_195 : vector<16xf32>
        %max3A_197 = arith.constant 0.000000e+00 : f32
        %max3A_198 = vector.broadcast %max3A_197 : f32 to vector<16xf32>
        %max3A_199 = arith.maximumf %add3A_196, %max3A_198 : vector<16xf32>
        %swap3A_200 = arith.index_cast %add3A_71 : i32 to index
        %swap3A_201 = arith.constant 112 : index
        %swap3A_202 = tpu.vector_load %arg9[%swap3A_200, %swap3A_201] {strides = array<i32>} : memref<128x128xf32, #tpu.memory_space<vmem>>, vector<1x16xf32>,
        %swap3A_203 = vector.shape_cast %swap3A_202 : vector<1x16xf32> to vector<16xf32>
        %swap3A_204 = vector.shape_cast %max3A_199 : vector<16xf32> to vector<1x16xf32>
        tpu.vector_store %arg9[%swap3A_200, %swap3A_201], %swap3A_204 {strides = array<i32>} : memref<128x128xf32, #tpu.memory_space<vmem>>, vector<1x16xf32>,
      }
      %scan3A_66 = arith.constant 128 : i32
      "tpu.region"() ({
        %run_scoped3A = tpu.sem_alloc : memref<!tpu.dma_semaphore, #tpu.memory_space<semaphore_mem>>
        %dma_start3A_67 = arith.constant 0 : i32
        %dma_start3A_68 = arith.constant 0 : i32
        %dma_start3A_69 = tpu.memref_slice %arg11[%dma_start3A_67, %dma_start3A_68] : memref<10240x128xf32, #tpu.memory_space<vmem_shared>> -> memref<10240x128xf32, #tpu.memory_space<vmem_shared>>
        tpu.enqueue_indirect_dma source(%arg9 : memref<128x128xf32, #tpu.memory_space<vmem>>) target(%dma_start3A_69 : memref<10240x128xf32, #tpu.memory_space<vmem_shared>>) offsets(%arg8 : memref<128xi32, #tpu.memory_space<vmem>>) semaphore(%run_scoped3A : memref<!tpu.dma_semaphore, #tpu.memory_space<semaphore_mem>>) {add = true}
        %dma_wait3A_70 = arith.constant 0 : i32
        %dma_wait3A_71 = arith.constant 0 : i32
        %dma_wait3A_72 = tpu.memref_slice %arg11[%dma_wait3A_70, %dma_wait3A_71] : memref<10240x128xf32, #tpu.memory_space<vmem_shared>> -> memref<10240x128xf32, #tpu.memory_space<vmem_shared>>
        tpu.wait_indirect_dma semaphore(%run_scoped3A : memref<!tpu.dma_semaphore, #tpu.memory_space<semaphore_mem>>) src(%arg9 : memref<128x128xf32, #tpu.memory_space<vmem>>) dst(%dma_wait3A_72 : memref<10240x128xf32, #tpu.memory_space<vmem_shared>>)
        tpu.yield
      }) : () -> ()
    }
    %scan3A_24 = arith.constant 78 : i32
    %add3A_25 = arith.constant 9984 : i32
    %add3A_26 = arith.addi %mul3A_19, %add3A_25 : i32
    %multiple_of3A = tpu.assume_multiple %add3A_26, 8 : i32
    "tpu.region"() ({
      %run_scoped3A = tpu.sem_alloc : memref<!tpu.dma_semaphore, #tpu.memory_space<semaphore_mem>>
      %dma_start3A_47 = tpu.memref_slice %arg2[%multiple_of3A] : memref<320000xi32, #tpu.memory_space<hbm>> -> memref<16xi32, #tpu.memory_space<hbm>>
      %dma_start3A_48 = tpu.memref_slice %arg2[%multiple_of3A] : memref<320000xi32, #tpu.memory_space<hbm>> -> memref<16xi32, #tpu.memory_space<hbm>>
      tpu.enqueue_dma source(%dma_start3A_48 : memref<16xi32, #tpu.memory_space<hbm>>) target(%arg13 : memref<16xi32, #tpu.memory_space<vmem>>) target_semaphore(%run_scoped3A : memref<!tpu.dma_semaphore, #tpu.memory_space<semaphore_mem>>)
      %dma_wait3A_49 = tpu.memref_slice %arg2[%multiple_of3A] : memref<320000xi32, #tpu.memory_space<hbm>> -> memref<16xi32, #tpu.memory_space<hbm>>
      %dma_wait3A_50 = tpu.memref_slice %arg2[%multiple_of3A] : memref<320000xi32, #tpu.memory_space<hbm>> -> memref<16xi32, #tpu.memory_space<hbm>>
      tpu.wait_dma2 semaphore(%run_scoped3A : memref<!tpu.dma_semaphore, #tpu.memory_space<semaphore_mem>>) src(%dma_wait3A_50 : memref<16xi32, #tpu.memory_space<hbm>>) dst(%arg13 : memref<16xi32, #tpu.memory_space<vmem>>)
      tpu.yield
    }) : () -> ()
    "tpu.region"() ({
      %run_scoped3A = tpu.sem_alloc : memref<!tpu.dma_semaphore, #tpu.memory_space<semaphore_mem>>
      %dma_start3A_47 = tpu.memref_slice %arg3[%multiple_of3A] : memref<320000xi32, #tpu.memory_space<hbm>> -> memref<16xi32, #tpu.memory_space<hbm>>
      %dma_start3A_48 = tpu.memref_slice %arg3[%multiple_of3A] : memref<320000xi32, #tpu.memory_space<hbm>> -> memref<16xi32, #tpu.memory_space<hbm>>
      tpu.enqueue_dma source(%dma_start3A_48 : memref<16xi32, #tpu.memory_space<hbm>>) target(%arg14 : memref<16xi32, #tpu.memory_space<vmem>>) target_semaphore(%run_scoped3A : memref<!tpu.dma_semaphore, #tpu.memory_space<semaphore_mem>>)
      %dma_wait3A_49 = tpu.memref_slice %arg3[%multiple_of3A] : memref<320000xi32, #tpu.memory_space<hbm>> -> memref<16xi32, #tpu.memory_space<hbm>>
      %dma_wait3A_50 = tpu.memref_slice %arg3[%multiple_of3A] : memref<320000xi32, #tpu.memory_space<hbm>> -> memref<16xi32, #tpu.memory_space<hbm>>
      tpu.wait_dma2 semaphore(%run_scoped3A : memref<!tpu.dma_semaphore, #tpu.memory_space<semaphore_mem>>) src(%dma_wait3A_50 : memref<16xi32, #tpu.memory_space<hbm>>) dst(%arg14 : memref<16xi32, #tpu.memory_space<vmem>>)
      tpu.yield
    }) : () -> ()
    %dma_start3A = arith.constant 0 : i32
    %dma_start3A_27 = arith.constant 0 : i32
    %dma_start3A_28 = tpu.memref_slice %arg4[%dma_start3A, %dma_start3A_27] : memref<10000x128xf32, #tpu.memory_space<hbm>> -> memref<10000x128xf32, #tpu.memory_space<hbm>>
    tpu.enqueue_indirect_dma source(%dma_start3A_28 : memref<10000x128xf32, #tpu.memory_space<hbm>>) target(%arg15 : memref<16x128xf32, #tpu.memory_space<vmem>>) offsets(%arg13 : memref<16xi32, #tpu.memory_space<vmem>>) semaphore(%arg12 : memref<!tpu.dma_semaphore, #tpu.memory_space<semaphore_mem>>)
    "tpu.region"() ({
      %run_scoped3A = tpu.sem_alloc : memref<!tpu.dma_semaphore, #tpu.memory_space<semaphore_mem>>
      %dma_start3A_47 = arith.constant 0 : i32
      %dma_start3A_48 = tpu.memref_slice %arg5[%multiple_of3A, %dma_start3A_47] : memref<320000x128xf32, #tpu.memory_space<hbm>> -> memref<16x128xf32, #tpu.memory_space<hbm>>
      %dma_start3A_49 = arith.constant 0 : i32
      %dma_start3A_50 = tpu.memref_slice %arg5[%multiple_of3A, %dma_start3A_49] : memref<320000x128xf32, #tpu.memory_space<hbm>> -> memref<16x128xf32, #tpu.memory_space<hbm>>
      tpu.enqueue_dma source(%dma_start3A_50 : memref<16x128xf32, #tpu.memory_space<hbm>>) target(%arg16 : memref<16x128xf32, #tpu.memory_space<vmem>>) target_semaphore(%run_scoped3A : memref<!tpu.dma_semaphore, #tpu.memory_space<semaphore_mem>>)
      %dma_wait3A_51 = arith.constant 0 : i32
      %dma_wait3A_52 = tpu.memref_slice %arg5[%multiple_of3A, %dma_wait3A_51] : memref<320000x128xf32, #tpu.memory_space<hbm>> -> memref<16x128xf32, #tpu.memory_space<hbm>>
      %dma_wait3A_53 = arith.constant 0 : i32
      %dma_wait3A_54 = tpu.memref_slice %arg5[%multiple_of3A, %dma_wait3A_53] : memref<320000x128xf32, #tpu.memory_space<hbm>> -> memref<16x128xf32, #tpu.memory_space<hbm>>
      tpu.wait_dma2 semaphore(%run_scoped3A : memref<!tpu.dma_semaphore, #tpu.memory_space<semaphore_mem>>) src(%dma_wait3A_54 : memref<16x128xf32, #tpu.memory_space<hbm>>) dst(%arg16 : memref<16x128xf32, #tpu.memory_space<vmem>>)
      tpu.yield
    }) : () -> ()
    %dma_wait3A = arith.constant 0 : i32
    %dma_wait3A_29 = arith.constant 0 : i32
    %dma_wait3A_30 = tpu.memref_slice %arg4[%dma_wait3A, %dma_wait3A_29] : memref<10000x128xf32, #tpu.memory_space<hbm>> -> memref<10000x128xf32, #tpu.memory_space<hbm>>
    tpu.wait_indirect_dma semaphore(%arg12 : memref<!tpu.dma_semaphore, #tpu.memory_space<semaphore_mem>>) src(%dma_wait3A_30 : memref<10000x128xf32, #tpu.memory_space<hbm>>) dst(%arg15 : memref<16x128xf32, #tpu.memory_space<vmem>>)
    %scan3A_31 = arith.constant 0 : i32
    %scan3A_32 = arith.constant 16 : i32
    %scan3A_33 = arith.addi %scan3A_31, %scan3A_32 : i32
    %scan3A_34 = arith.constant 1 : i32
    scf.for %scan3A_47 = %scan3A_31 to %scan3A_33 step %scan3A_34  : i32 {
      %mul3A_48 = arith.constant 1 : i32
      %mul3A_49 = arith.muli %scan3A_47, %mul3A_48 : i32
      %add3A_50 = arith.constant 0 : i32
      %add3A_51 = arith.addi %add3A_50, %mul3A_49 : i32
      %get3A = arith.index_cast %add3A_51 : i32 to index
      %get3A_52 = arith.constant 0 : index
      %get3A_53 = tpu.vector_load %arg15[%get3A, %get3A_52] {strides = array<i32>} : memref<16x128xf32, #tpu.memory_space<vmem>>, vector<1x16xf32>,
      %get3A_54 = vector.shape_cast %get3A_53 : vector<1x16xf32> to vector<16xf32>
      %get3A_55 = arith.index_cast %add3A_51 : i32 to index
      %get3A_56 = arith.constant 0 : index
      %get3A_57 = tpu.vector_load %arg16[%get3A_55, %get3A_56] {strides = array<i32>} : memref<16x128xf32, #tpu.memory_space<vmem>>, vector<1x16xf32>,
      %get3A_58 = vector.shape_cast %get3A_57 : vector<1x16xf32> to vector<16xf32>
      %add3A_59 = arith.addf %get3A_54, %get3A_58 : vector<16xf32>
      %max3A = arith.constant 0.000000e+00 : f32
      %max3A_60 = vector.broadcast %max3A : f32 to vector<16xf32>
      %max3A_61 = arith.maximumf %add3A_59, %max3A_60 : vector<16xf32>
      %swap3A = arith.index_cast %add3A_51 : i32 to index
      %swap3A_62 = arith.constant 0 : index
      %swap3A_63 = tpu.vector_load %arg15[%swap3A, %swap3A_62] {strides = array<i32>} : memref<16x128xf32, #tpu.memory_space<vmem>>, vector<1x16xf32>,
      %swap3A_64 = vector.shape_cast %swap3A_63 : vector<1x16xf32> to vector<16xf32>
      %swap3A_65 = vector.shape_cast %max3A_61 : vector<16xf32> to vector<1x16xf32>
      tpu.vector_store %arg15[%swap3A, %swap3A_62], %swap3A_65 {strides = array<i32>} : memref<16x128xf32, #tpu.memory_space<vmem>>, vector<1x16xf32>,
      %get3A_66 = arith.index_cast %add3A_51 : i32 to index
      %get3A_67 = arith.constant 16 : index
      %get3A_68 = tpu.vector_load %arg15[%get3A_66, %get3A_67] {strides = array<i32>} : memref<16x128xf32, #tpu.memory_space<vmem>>, vector<1x16xf32>,
      %get3A_69 = vector.shape_cast %get3A_68 : vector<1x16xf32> to vector<16xf32>
      %get3A_70 = arith.index_cast %add3A_51 : i32 to index
      %get3A_71 = arith.constant 16 : index
      %get3A_72 = tpu.vector_load %arg16[%get3A_70, %get3A_71] {strides = array<i32>} : memref<16x128xf32, #tpu.memory_space<vmem>>, vector<1x16xf32>,
      %get3A_73 = vector.shape_cast %get3A_72 : vector<1x16xf32> to vector<16xf32>
      %add3A_74 = arith.addf %get3A_69, %get3A_73 : vector<16xf32>
      %max3A_75 = arith.constant 0.000000e+00 : f32
      %max3A_76 = vector.broadcast %max3A_75 : f32 to vector<16xf32>
      %max3A_77 = arith.maximumf %add3A_74, %max3A_76 : vector<16xf32>
      %swap3A_78 = arith.index_cast %add3A_51 : i32 to index
      %swap3A_79 = arith.constant 16 : index
      %swap3A_80 = tpu.vector_load %arg15[%swap3A_78, %swap3A_79] {strides = array<i32>} : memref<16x128xf32, #tpu.memory_space<vmem>>, vector<1x16xf32>,
      %swap3A_81 = vector.shape_cast %swap3A_80 : vector<1x16xf32> to vector<16xf32>
      %swap3A_82 = vector.shape_cast %max3A_77 : vector<16xf32> to vector<1x16xf32>
      tpu.vector_store %arg15[%swap3A_78, %swap3A_79], %swap3A_82 {strides = array<i32>} : memref<16x128xf32, #tpu.memory_space<vmem>>, vector<1x16xf32>,
      %get3A_83 = arith.index_cast %add3A_51 : i32 to index
      %get3A_84 = arith.constant 32 : index
      %get3A_85 = tpu.vector_load %arg15[%get3A_83, %get3A_84] {strides = array<i32>} : memref<16x128xf32, #tpu.memory_space<vmem>>, vector<1x16xf32>,
      %get3A_86 = vector.shape_cast %get3A_85 : vector<1x16xf32> to vector<16xf32>
      %get3A_87 = arith.index_cast %add3A_51 : i32 to index
      %get3A_88 = arith.constant 32 : index
      %get3A_89 = tpu.vector_load %arg16[%get3A_87, %get3A_88] {strides = array<i32>} : memref<16x128xf32, #tpu.memory_space<vmem>>, vector<1x16xf32>,
      %get3A_90 = vector.shape_cast %get3A_89 : vector<1x16xf32> to vector<16xf32>
      %add3A_91 = arith.addf %get3A_86, %get3A_90 : vector<16xf32>
      %max3A_92 = arith.constant 0.000000e+00 : f32
      %max3A_93 = vector.broadcast %max3A_92 : f32 to vector<16xf32>
      %max3A_94 = arith.maximumf %add3A_91, %max3A_93 : vector<16xf32>
      %swap3A_95 = arith.index_cast %add3A_51 : i32 to index
      %swap3A_96 = arith.constant 32 : index
      %swap3A_97 = tpu.vector_load %arg15[%swap3A_95, %swap3A_96] {strides = array<i32>} : memref<16x128xf32, #tpu.memory_space<vmem>>, vector<1x16xf32>,
      %swap3A_98 = vector.shape_cast %swap3A_97 : vector<1x16xf32> to vector<16xf32>
      %swap3A_99 = vector.shape_cast %max3A_94 : vector<16xf32> to vector<1x16xf32>
      tpu.vector_store %arg15[%swap3A_95, %swap3A_96], %swap3A_99 {strides = array<i32>} : memref<16x128xf32, #tpu.memory_space<vmem>>, vector<1x16xf32>,
      %get3A_100 = arith.index_cast %add3A_51 : i32 to index
      %get3A_101 = arith.constant 48 : index
      %get3A_102 = tpu.vector_load %arg15[%get3A_100, %get3A_101] {strides = array<i32>} : memref<16x128xf32, #tpu.memory_space<vmem>>, vector<1x16xf32>,
      %get3A_103 = vector.shape_cast %get3A_102 : vector<1x16xf32> to vector<16xf32>
      %get3A_104 = arith.index_cast %add3A_51 : i32 to index
      %get3A_105 = arith.constant 48 : index
      %get3A_106 = tpu.vector_load %arg16[%get3A_104, %get3A_105] {strides = array<i32>} : memref<16x128xf32, #tpu.memory_space<vmem>>, vector<1x16xf32>,
      %get3A_107 = vector.shape_cast %get3A_106 : vector<1x16xf32> to vector<16xf32>
      %add3A_108 = arith.addf %get3A_103, %get3A_107 : vector<16xf32>
      %max3A_109 = arith.constant 0.000000e+00 : f32
      %max3A_110 = vector.broadcast %max3A_109 : f32 to vector<16xf32>
      %max3A_111 = arith.maximumf %add3A_108, %max3A_110 : vector<16xf32>
      %swap3A_112 = arith.index_cast %add3A_51 : i32 to index
      %swap3A_113 = arith.constant 48 : index
      %swap3A_114 = tpu.vector_load %arg15[%swap3A_112, %swap3A_113] {strides = array<i32>} : memref<16x128xf32, #tpu.memory_space<vmem>>, vector<1x16xf32>,
      %swap3A_115 = vector.shape_cast %swap3A_114 : vector<1x16xf32> to vector<16xf32>
      %swap3A_116 = vector.shape_cast %max3A_111 : vector<16xf32> to vector<1x16xf32>
      tpu.vector_store %arg15[%swap3A_112, %swap3A_113], %swap3A_116 {strides = array<i32>} : memref<16x128xf32, #tpu.memory_space<vmem>>, vector<1x16xf32>,
      %get3A_117 = arith.index_cast %add3A_51 : i32 to index
      %get3A_118 = arith.constant 64 : index
      %get3A_119 = tpu.vector_load %arg15[%get3A_117, %get3A_118] {strides = array<i32>} : memref<16x128xf32, #tpu.memory_space<vmem>>, vector<1x16xf32>,
      %get3A_120 = vector.shape_cast %get3A_119 : vector<1x16xf32> to vector<16xf32>
      %get3A_121 = arith.index_cast %add3A_51 : i32 to index
      %get3A_122 = arith.constant 64 : index
      %get3A_123 = tpu.vector_load %arg16[%get3A_121, %get3A_122] {strides = array<i32>} : memref<16x128xf32, #tpu.memory_space<vmem>>, vector<1x16xf32>,
      %get3A_124 = vector.shape_cast %get3A_123 : vector<1x16xf32> to vector<16xf32>
      %add3A_125 = arith.addf %get3A_120, %get3A_124 : vector<16xf32>
      %max3A_126 = arith.constant 0.000000e+00 : f32
      %max3A_127 = vector.broadcast %max3A_126 : f32 to vector<16xf32>
      %max3A_128 = arith.maximumf %add3A_125, %max3A_127 : vector<16xf32>
      %swap3A_129 = arith.index_cast %add3A_51 : i32 to index
      %swap3A_130 = arith.constant 64 : index
      %swap3A_131 = tpu.vector_load %arg15[%swap3A_129, %swap3A_130] {strides = array<i32>} : memref<16x128xf32, #tpu.memory_space<vmem>>, vector<1x16xf32>,
      %swap3A_132 = vector.shape_cast %swap3A_131 : vector<1x16xf32> to vector<16xf32>
      %swap3A_133 = vector.shape_cast %max3A_128 : vector<16xf32> to vector<1x16xf32>
      tpu.vector_store %arg15[%swap3A_129, %swap3A_130], %swap3A_133 {strides = array<i32>} : memref<16x128xf32, #tpu.memory_space<vmem>>, vector<1x16xf32>,
      %get3A_134 = arith.index_cast %add3A_51 : i32 to index
      %get3A_135 = arith.constant 80 : index
      %get3A_136 = tpu.vector_load %arg15[%get3A_134, %get3A_135] {strides = array<i32>} : memref<16x128xf32, #tpu.memory_space<vmem>>, vector<1x16xf32>,
      %get3A_137 = vector.shape_cast %get3A_136 : vector<1x16xf32> to vector<16xf32>
      %get3A_138 = arith.index_cast %add3A_51 : i32 to index
      %get3A_139 = arith.constant 80 : index
      %get3A_140 = tpu.vector_load %arg16[%get3A_138, %get3A_139] {strides = array<i32>} : memref<16x128xf32, #tpu.memory_space<vmem>>, vector<1x16xf32>,
      %get3A_141 = vector.shape_cast %get3A_140 : vector<1x16xf32> to vector<16xf32>
      %add3A_142 = arith.addf %get3A_137, %get3A_141 : vector<16xf32>
      %max3A_143 = arith.constant 0.000000e+00 : f32
      %max3A_144 = vector.broadcast %max3A_143 : f32 to vector<16xf32>
      %max3A_145 = arith.maximumf %add3A_142, %max3A_144 : vector<16xf32>
      %swap3A_146 = arith.index_cast %add3A_51 : i32 to index
      %swap3A_147 = arith.constant 80 : index
      %swap3A_148 = tpu.vector_load %arg15[%swap3A_146, %swap3A_147] {strides = array<i32>} : memref<16x128xf32, #tpu.memory_space<vmem>>, vector<1x16xf32>,
      %swap3A_149 = vector.shape_cast %swap3A_148 : vector<1x16xf32> to vector<16xf32>
      %swap3A_150 = vector.shape_cast %max3A_145 : vector<16xf32> to vector<1x16xf32>
      tpu.vector_store %arg15[%swap3A_146, %swap3A_147], %swap3A_150 {strides = array<i32>} : memref<16x128xf32, #tpu.memory_space<vmem>>, vector<1x16xf32>,
      %get3A_151 = arith.index_cast %add3A_51 : i32 to index
      %get3A_152 = arith.constant 96 : index
      %get3A_153 = tpu.vector_load %arg15[%get3A_151, %get3A_152] {strides = array<i32>} : memref<16x128xf32, #tpu.memory_space<vmem>>, vector<1x16xf32>,
      %get3A_154 = vector.shape_cast %get3A_153 : vector<1x16xf32> to vector<16xf32>
      %get3A_155 = arith.index_cast %add3A_51 : i32 to index
      %get3A_156 = arith.constant 96 : index
      %get3A_157 = tpu.vector_load %arg16[%get3A_155, %get3A_156] {strides = array<i32>} : memref<16x128xf32, #tpu.memory_space<vmem>>, vector<1x16xf32>,
      %get3A_158 = vector.shape_cast %get3A_157 : vector<1x16xf32> to vector<16xf32>
      %add3A_159 = arith.addf %get3A_154, %get3A_158 : vector<16xf32>
      %max3A_160 = arith.constant 0.000000e+00 : f32
      %max3A_161 = vector.broadcast %max3A_160 : f32 to vector<16xf32>
      %max3A_162 = arith.maximumf %add3A_159, %max3A_161 : vector<16xf32>
      %swap3A_163 = arith.index_cast %add3A_51 : i32 to index
      %swap3A_164 = arith.constant 96 : index
      %swap3A_165 = tpu.vector_load %arg15[%swap3A_163, %swap3A_164] {strides = array<i32>} : memref<16x128xf32, #tpu.memory_space<vmem>>, vector<1x16xf32>,
      %swap3A_166 = vector.shape_cast %swap3A_165 : vector<1x16xf32> to vector<16xf32>
      %swap3A_167 = vector.shape_cast %max3A_162 : vector<16xf32> to vector<1x16xf32>
      tpu.vector_store %arg15[%swap3A_163, %swap3A_164], %swap3A_167 {strides = array<i32>} : memref<16x128xf32, #tpu.memory_space<vmem>>, vector<1x16xf32>,
      %get3A_168 = arith.index_cast %add3A_51 : i32 to index
      %get3A_169 = arith.constant 112 : index
      %get3A_170 = tpu.vector_load %arg15[%get3A_168, %get3A_169] {strides = array<i32>} : memref<16x128xf32, #tpu.memory_space<vmem>>, vector<1x16xf32>,
      %get3A_171 = vector.shape_cast %get3A_170 : vector<1x16xf32> to vector<16xf32>
      %get3A_172 = arith.index_cast %add3A_51 : i32 to index
      %get3A_173 = arith.constant 112 : index
      %get3A_174 = tpu.vector_load %arg16[%get3A_172, %get3A_173] {strides = array<i32>} : memref<16x128xf32, #tpu.memory_space<vmem>>, vector<1x16xf32>,
      %get3A_175 = vector.shape_cast %get3A_174 : vector<1x16xf32> to vector<16xf32>
      %add3A_176 = arith.addf %get3A_171, %get3A_175 : vector<16xf32>
      %max3A_177 = arith.constant 0.000000e+00 : f32
      %max3A_178 = vector.broadcast %max3A_177 : f32 to vector<16xf32>
      %max3A_179 = arith.maximumf %add3A_176, %max3A_178 : vector<16xf32>
      %swap3A_180 = arith.index_cast %add3A_51 : i32 to index
      %swap3A_181 = arith.constant 112 : index
      %swap3A_182 = tpu.vector_load %arg15[%swap3A_180, %swap3A_181] {strides = array<i32>} : memref<16x128xf32, #tpu.memory_space<vmem>>, vector<1x16xf32>,
      %swap3A_183 = vector.shape_cast %swap3A_182 : vector<1x16xf32> to vector<16xf32>
      %swap3A_184 = vector.shape_cast %max3A_179 : vector<16xf32> to vector<1x16xf32>
      tpu.vector_store %arg15[%swap3A_180, %swap3A_181], %swap3A_184 {strides = array<i32>} : memref<16x128xf32, #tpu.memory_space<vmem>>, vector<1x16xf32>,
    }
    %scan3A_35 = arith.constant 16 : i32
    "tpu.region"() ({
      %run_scoped3A = tpu.sem_alloc : memref<!tpu.dma_semaphore, #tpu.memory_space<semaphore_mem>>
      %dma_start3A_47 = arith.constant 0 : i32
      %dma_start3A_48 = arith.constant 0 : i32
      %dma_start3A_49 = tpu.memref_slice %arg11[%dma_start3A_47, %dma_start3A_48] : memref<10240x128xf32, #tpu.memory_space<vmem_shared>> -> memref<10240x128xf32, #tpu.memory_space<vmem_shared>>
      tpu.enqueue_indirect_dma source(%arg15 : memref<16x128xf32, #tpu.memory_space<vmem>>) target(%dma_start3A_49 : memref<10240x128xf32, #tpu.memory_space<vmem_shared>>) offsets(%arg14 : memref<16xi32, #tpu.memory_space<vmem>>) semaphore(%run_scoped3A : memref<!tpu.dma_semaphore, #tpu.memory_space<semaphore_mem>>) {add = true}
      %dma_wait3A_50 = arith.constant 0 : i32
      %dma_wait3A_51 = arith.constant 0 : i32
      %dma_wait3A_52 = tpu.memref_slice %arg11[%dma_wait3A_50, %dma_wait3A_51] : memref<10240x128xf32, #tpu.memory_space<vmem_shared>> -> memref<10240x128xf32, #tpu.memory_space<vmem_shared>>
      tpu.wait_indirect_dma semaphore(%run_scoped3A : memref<!tpu.dma_semaphore, #tpu.memory_space<semaphore_mem>>) src(%arg15 : memref<16x128xf32, #tpu.memory_space<vmem>>) dst(%dma_wait3A_52 : memref<10240x128xf32, #tpu.memory_space<vmem_shared>>)
      tpu.yield
    }) : () -> ()
    %barrier3A_36 = arith.constant 0 : index
    tpu.barrier barrier_id(%barrier3A_36)
    %add3A_37 = arith.constant 0 : i32
    %add3A_38 = arith.addi %mul3A_7, %add3A_37 : i32
    "tpu.region"() ({
      %run_scoped3A = tpu.sem_alloc : memref<!tpu.dma_semaphore, #tpu.memory_space<semaphore_mem>>
      %dma_start3A_47 = arith.constant 0 : i32
      %dma_start3A_48 = tpu.memref_slice %arg6[%arg0, %add3A_38, %dma_start3A_47] : memref<2x10240x128xf32, #tpu.memory_space<hbm>> -> memref<1x128x128xf32, #tpu.memory_space<hbm>>
      %dma_start3A_49 = tpu.memref_squeeze %dma_start3A_48 : memref<1x128x128xf32, #tpu.memory_space<hbm>> -> memref<128x128xf32, #tpu.memory_space<hbm>>
      %dma_start3A_50 = arith.constant 0 : i32
      %dma_start3A_51 = tpu.memref_slice %arg11[%add3A_38, %dma_start3A_50] : memref<10240x128xf32, #tpu.memory_space<vmem_shared>> -> memref<128x128xf32, #tpu.memory_space<vmem_shared>>
      tpu.enqueue_dma source(%dma_start3A_51 : memref<128x128xf32, #tpu.memory_space<vmem_shared>>) target(%dma_start3A_49 : memref<128x128xf32, #tpu.memory_space<hbm>>) target_semaphore(%run_scoped3A : memref<!tpu.dma_semaphore, #tpu.memory_space<semaphore_mem>>)
      %dma_wait3A_52 = arith.constant 0 : i32
      %dma_wait3A_53 = tpu.memref_slice %arg6[%arg0, %add3A_38, %dma_wait3A_52] : memref<2x10240x128xf32, #tpu.memory_space<hbm>> -> memref<1x128x128xf32, #tpu.memory_space<hbm>>
      %dma_wait3A_54 = tpu.memref_squeeze %dma_wait3A_53 : memref<1x128x128xf32, #tpu.memory_space<hbm>> -> memref<128x128xf32, #tpu.memory_space<hbm>>
      %dma_wait3A_55 = arith.constant 0 : i32
      %dma_wait3A_56 = tpu.memref_slice %arg11[%add3A_38, %dma_wait3A_55] : memref<10240x128xf32, #tpu.memory_space<vmem_shared>> -> memref<128x128xf32, #tpu.memory_space<vmem_shared>>
      tpu.wait_dma2 semaphore(%run_scoped3A : memref<!tpu.dma_semaphore, #tpu.memory_space<semaphore_mem>>) src(%dma_wait3A_56 : memref<128x128xf32, #tpu.memory_space<vmem_shared>>) dst(%dma_wait3A_54 : memref<128x128xf32, #tpu.memory_space<hbm>>)
      tpu.yield
    }) : () -> ()
    %add3A_39 = arith.constant 128 : i32
    %add3A_40 = arith.addi %mul3A_7, %add3A_39 : i32
    "tpu.region"() ({
      %run_scoped3A = tpu.sem_alloc : memref<!tpu.dma_semaphore, #tpu.memory_space<semaphore_mem>>
      %dma_start3A_47 = arith.constant 0 : i32
      %dma_start3A_48 = tpu.memref_slice %arg6[%arg0, %add3A_40, %dma_start3A_47] : memref<2x10240x128xf32, #tpu.memory_space<hbm>> -> memref<1x128x128xf32, #tpu.memory_space<hbm>>
      %dma_start3A_49 = tpu.memref_squeeze %dma_start3A_48 : memref<1x128x128xf32, #tpu.memory_space<hbm>> -> memref<128x128xf32, #tpu.memory_space<hbm>>
      %dma_start3A_50 = arith.constant 0 : i32
      %dma_start3A_51 = tpu.memref_slice %arg11[%add3A_40, %dma_start3A_50] : memref<10240x128xf32, #tpu.memory_space<vmem_shared>> -> memref<128x128xf32, #tpu.memory_space<vmem_shared>>
      tpu.enqueue_dma source(%dma_start3A_51 : memref<128x128xf32, #tpu.memory_space<vmem_shared>>) target(%dma_start3A_49 : memref<128x128xf32, #tpu.memory_space<hbm>>) target_semaphore(%run_scoped3A : memref<!tpu.dma_semaphore, #tpu.memory_space<semaphore_mem>>)
      %dma_wait3A_52 = arith.constant 0 : i32
      %dma_wait3A_53 = tpu.memref_slice %arg6[%arg0, %add3A_40, %dma_wait3A_52] : memref<2x10240x128xf32, #tpu.memory_space<hbm>> -> memref<1x128x128xf32, #tpu.memory_space<hbm>>
      %dma_wait3A_54 = tpu.memref_squeeze %dma_wait3A_53 : memref<1x128x128xf32, #tpu.memory_space<hbm>> -> memref<128x128xf32, #tpu.memory_space<hbm>>
      %dma_wait3A_55 = arith.constant 0 : i32
      %dma_wait3A_56 = tpu.memref_slice %arg11[%add3A_40, %dma_wait3A_55] : memref<10240x128xf32, #tpu.memory_space<vmem_shared>> -> memref<128x128xf32, #tpu.memory_space<vmem_shared>>
      tpu.wait_dma2 semaphore(%run_scoped3A : memref<!tpu.dma_semaphore, #tpu.memory_space<semaphore_mem>>) src(%dma_wait3A_56 : memref<128x128xf32, #tpu.memory_space<vmem_shared>>) dst(%dma_wait3A_54 : memref<128x128xf32, #tpu.memory_space<hbm>>)
      tpu.yield
    }) : () -> ()
    %add3A_41 = arith.constant 256 : i32
    %add3A_42 = arith.addi %mul3A_7, %add3A_41 : i32
    "tpu.region"() ({
      %run_scoped3A = tpu.sem_alloc : memref<!tpu.dma_semaphore, #tpu.memory_space<semaphore_mem>>
      %dma_start3A_47 = arith.constant 0 : i32
      %dma_start3A_48 = tpu.memref_slice %arg6[%arg0, %add3A_42, %dma_start3A_47] : memref<2x10240x128xf32, #tpu.memory_space<hbm>> -> memref<1x128x128xf32, #tpu.memory_space<hbm>>
      %dma_start3A_49 = tpu.memref_squeeze %dma_start3A_48 : memref<1x128x128xf32, #tpu.memory_space<hbm>> -> memref<128x128xf32, #tpu.memory_space<hbm>>
      %dma_start3A_50 = arith.constant 0 : i32
      %dma_start3A_51 = tpu.memref_slice %arg11[%add3A_42, %dma_start3A_50] : memref<10240x128xf32, #tpu.memory_space<vmem_shared>> -> memref<128x128xf32, #tpu.memory_space<vmem_shared>>
      tpu.enqueue_dma source(%dma_start3A_51 : memref<128x128xf32, #tpu.memory_space<vmem_shared>>) target(%dma_start3A_49 : memref<128x128xf32, #tpu.memory_space<hbm>>) target_semaphore(%run_scoped3A : memref<!tpu.dma_semaphore, #tpu.memory_space<semaphore_mem>>)
      %dma_wait3A_52 = arith.constant 0 : i32
      %dma_wait3A_53 = tpu.memref_slice %arg6[%arg0, %add3A_42, %dma_wait3A_52] : memref<2x10240x128xf32, #tpu.memory_space<hbm>> -> memref<1x128x128xf32, #tpu.memory_space<hbm>>
      %dma_wait3A_54 = tpu.memref_squeeze %dma_wait3A_53 : memref<1x128x128xf32, #tpu.memory_space<hbm>> -> memref<128x128xf32, #tpu.memory_space<hbm>>
      %dma_wait3A_55 = arith.constant 0 : i32
      %dma_wait3A_56 = tpu.memref_slice %arg11[%add3A_42, %dma_wait3A_55] : memref<10240x128xf32, #tpu.memory_space<vmem_shared>> -> memref<128x128xf32, #tpu.memory_space<vmem_shared>>
      tpu.wait_dma2 semaphore(%run_scoped3A : memref<!tpu.dma_semaphore, #tpu.memory_space<semaphore_mem>>) src(%dma_wait3A_56 : memref<128x128xf32, #tpu.memory_space<vmem_shared>>) dst(%dma_wait3A_54 : memref<128x128xf32, #tpu.memory_space<hbm>>)
      tpu.yield
    }) : () -> ()
    %add3A_43 = arith.constant 384 : i32
    %add3A_44 = arith.addi %mul3A_7, %add3A_43 : i32
    "tpu.region"() ({
      %run_scoped3A = tpu.sem_alloc : memref<!tpu.dma_semaphore, #tpu.memory_space<semaphore_mem>>
      %dma_start3A_47 = arith.constant 0 : i32
      %dma_start3A_48 = tpu.memref_slice %arg6[%arg0, %add3A_44, %dma_start3A_47] : memref<2x10240x128xf32, #tpu.memory_space<hbm>> -> memref<1x128x128xf32, #tpu.memory_space<hbm>>
      %dma_start3A_49 = tpu.memref_squeeze %dma_start3A_48 : memref<1x128x128xf32, #tpu.memory_space<hbm>> -> memref<128x128xf32, #tpu.memory_space<hbm>>
      %dma_start3A_50 = arith.constant 0 : i32
      %dma_start3A_51 = tpu.memref_slice %arg11[%add3A_44, %dma_start3A_50] : memref<10240x128xf32, #tpu.memory_space<vmem_shared>> -> memref<128x128xf32, #tpu.memory_space<vmem_shared>>
      tpu.enqueue_dma source(%dma_start3A_51 : memref<128x128xf32, #tpu.memory_space<vmem_shared>>) target(%dma_start3A_49 : memref<128x128xf32, #tpu.memory_space<hbm>>) target_semaphore(%run_scoped3A : memref<!tpu.dma_semaphore, #tpu.memory_space<semaphore_mem>>)
      %dma_wait3A_52 = arith.constant 0 : i32
      %dma_wait3A_53 = tpu.memref_slice %arg6[%arg0, %add3A_44, %dma_wait3A_52] : memref<2x10240x128xf32, #tpu.memory_space<hbm>> -> memref<1x128x128xf32, #tpu.memory_space<hbm>>
      %dma_wait3A_54 = tpu.memref_squeeze %dma_wait3A_53 : memref<1x128x128xf32, #tpu.memory_space<hbm>> -> memref<128x128xf32, #tpu.memory_space<hbm>>
      %dma_wait3A_55 = arith.constant 0 : i32
      %dma_wait3A_56 = tpu.memref_slice %arg11[%add3A_44, %dma_wait3A_55] : memref<10240x128xf32, #tpu.memory_space<vmem_shared>> -> memref<128x128xf32, #tpu.memory_space<vmem_shared>>
      tpu.wait_dma2 semaphore(%run_scoped3A : memref<!tpu.dma_semaphore, #tpu.memory_space<semaphore_mem>>) src(%dma_wait3A_56 : memref<128x128xf32, #tpu.memory_space<vmem_shared>>) dst(%dma_wait3A_54 : memref<128x128xf32, #tpu.memory_space<hbm>>)
      tpu.yield
    }) : () -> ()
    %add3A_45 = arith.constant 512 : i32
    %add3A_46 = arith.addi %mul3A_7, %add3A_45 : i32
    "tpu.region"() ({
      %run_scoped3A = tpu.sem_alloc : memref<!tpu.dma_semaphore, #tpu.memory_space<semaphore_mem>>
      %dma_start3A_47 = arith.constant 0 : i32
      %dma_start3A_48 = tpu.memref_slice %arg6[%arg0, %add3A_46, %dma_start3A_47] : memref<2x10240x128xf32, #tpu.memory_space<hbm>> -> memref<1x128x128xf32, #tpu.memory_space<hbm>>
      %dma_start3A_49 = tpu.memref_squeeze %dma_start3A_48 : memref<1x128x128xf32, #tpu.memory_space<hbm>> -> memref<128x128xf32, #tpu.memory_space<hbm>>
      %dma_start3A_50 = arith.constant 0 : i32
      %dma_start3A_51 = tpu.memref_slice %arg11[%add3A_46, %dma_start3A_50] : memref<10240x128xf32, #tpu.memory_space<vmem_shared>> -> memref<128x128xf32, #tpu.memory_space<vmem_shared>>
      tpu.enqueue_dma source(%dma_start3A_51 : memref<128x128xf32, #tpu.memory_space<vmem_shared>>) target(%dma_start3A_49 : memref<128x128xf32, #tpu.memory_space<hbm>>) target_semaphore(%run_scoped3A : memref<!tpu.dma_semaphore, #tpu.memory_space<semaphore_mem>>)
      %dma_wait3A_52 = arith.constant 0 : i32
      %dma_wait3A_53 = tpu.memref_slice %arg6[%arg0, %add3A_46, %dma_wait3A_52] : memref<2x10240x128xf32, #tpu.memory_space<hbm>> -> memref<1x128x128xf32, #tpu.memory_space<hbm>>
      %dma_wait3A_54 = tpu.memref_squeeze %dma_wait3A_53 : memref<1x128x128xf32, #tpu.memory_space<hbm>> -> memref<128x128xf32, #tpu.memory_space<hbm>>
      %dma_wait3A_55 = arith.constant 0 : i32
      %dma_wait3A_56 = tpu.memref_slice %arg11[%add3A_46, %dma_wait3A_55] : memref<10240x128xf32, #tpu.memory_space<vmem_shared>> -> memref<128x128xf32, #tpu.memory_space<vmem_shared>>
      tpu.wait_dma2 semaphore(%run_scoped3A : memref<!tpu.dma_semaphore, #tpu.memory_space<semaphore_mem>>) src(%dma_wait3A_56 : memref<128x128xf32, #tpu.memory_space<vmem_shared>>) dst(%dma_wait3A_54 : memref<128x128xf32, #tpu.memory_space<hbm>>)
      tpu.yield
    }) : () -> ()
    return
  }
}

#map = affine_map<(d0, d1) -> (0)>
#map1 = affine_map<(d0, d1) -> (0, 0)>
#map2 = affine_map<(d0, d1) -> (0, 0, 0)>
module attributes {stable_mosaic.version = 14 : i64} {
  func.func @k(%arg0: i32, %arg1: i32, %arg2: memref<320000xi32, #tpu.memory_space<hbm>>, %arg3: memref<320000xi32, #tpu.memory_space<hbm>>, %arg4: memref<10000x128xf32, #tpu.memory_space<hbm>>, %arg5: memref<320000x128xf32, #tpu.memory_space<hbm>>, %arg6: memref<2x10240x128xf32, #tpu.memory_space<hbm>>, %arg7: memref<128xi32, #tpu.memory_space<vmem>>, %arg8: memref<128xi32, #tpu.memory_space<vmem>>, %arg9: memref<128x128xf32, #tpu.memory_space<vmem>>, %arg10: memref<128x128xf32, #tpu.memory_space<vmem>>, %arg11: memref<10240x128xf32, #tpu.memory_space<vmem_shared>>, %arg12: memref<!tpu.dma_semaphore, #tpu.memory_space<semaphore_mem>>, %arg13: memref<16xi32, #tpu.memory_space<vmem>>, %arg14: memref<16xi32, #tpu.memory_space<vmem>>, %arg15: memref<16x128xf32, #tpu.memory_space<vmem>>, %arg16: memref<16x128xf32, #tpu.memory_space<vmem>>) attributes {dimension_semantics = [#tpu.dimension_semantics<core_parallel>, #tpu.dimension_semantics<subcore_parallel>], iteration_bounds = array<i64: 2, 16>, scalar_prefetch = 0 : i64, scratch_operands = 10 : i64, tpu.core_type = #tpu.core_type<sc_vector_subcore>, window_params = [{transform_indices = #map}, {transform_indices = #map}, {transform_indices = #map1}, {transform_indices = #map1}, {transform_indices = #map2}]} {
    %mul3A = arith.constant 16 : i32
    %mul3A_0 = arith.muli %arg0, %mul3A : i32
    %add3A = arith.addi %mul3A_0, %arg1 : i32
    %broadcast_in_dim3A = arith.constant 0.000000e+00 : f32
    %broadcast_in_dim3A_1 = vector.broadcast %broadcast_in_dim3A : f32 to vector<16xf32>
    %scan3A = arith.constant 0 : i32
    %scan3A_2 = arith.constant 128 : i32
    %scan3A_3 = arith.addi %scan3A, %scan3A_2 : i32
    %scan3A_4 = arith.constant 1 : i32
    scf.for %scan3A_47 = %scan3A to %scan3A_3 step %scan3A_4  : i32 {
      %mul3A_48 = arith.constant 1 : i32
      %mul3A_49 = arith.muli %scan3A_47, %mul3A_48 : i32
      %add3A_50 = arith.constant 0 : i32
      %add3A_51 = arith.addi %add3A_50, %mul3A_49 : i32
      %swap3A = arith.index_cast %add3A_51 : i32 to index
      %swap3A_52 = arith.constant 0 : index
      %swap3A_53 = tpu.vector_load %arg9[%swap3A, %swap3A_52] {strides = array<i32>} : memref<128x128xf32, #tpu.memory_space<vmem>>, vector<1x16xf32>,
      %swap3A_54 = vector.shape_cast %swap3A_53 : vector<1x16xf32> to vector<16xf32>
      %swap3A_55 = vector.shape_cast %broadcast_in_dim3A_1 : vector<16xf32> to vector<1x16xf32>
      tpu.vector_store %arg9[%swap3A, %swap3A_52], %swap3A_55 {strides = array<i32>} : memref<128x128xf32, #tpu.memory_space<vmem>>, vector<1x16xf32>,
      %swap3A_56 = arith.index_cast %add3A_51 : i32 to index
      %swap3A_57 = arith.constant 16 : index
      %swap3A_58 = tpu.vector_load %arg9[%swap3A_56, %swap3A_57] {strides = array<i32>} : memref<128x128xf32, #tpu.memory_space<vmem>>, vector<1x16xf32>,
      %swap3A_59 = vector.shape_cast %swap3A_58 : vector<1x16xf32> to vector<16xf32>
      %swap3A_60 = vector.shape_cast %broadcast_in_dim3A_1 : vector<16xf32> to vector<1x16xf32>
      tpu.vector_store %arg9[%swap3A_56, %swap3A_57], %swap3A_60 {strides = array<i32>} : memref<128x128xf32, #tpu.memory_space<vmem>>, vector<1x16xf32>,
      %swap3A_61 = arith.index_cast %add3A_51 : i32 to index
      %swap3A_62 = arith.constant 32 : index
      %swap3A_63 = tpu.vector_load %arg9[%swap3A_61, %swap3A_62] {strides = array<i32>} : memref<128x128xf32, #tpu.memory_space<vmem>>, vector<1x16xf32>,
      %swap3A_64 = vector.shape_cast %swap3A_63 : vector<1x16xf32> to vector<16xf32>
      %swap3A_65 = vector.shape_cast %broadcast_in_dim3A_1 : vector<16xf32> to vector<1x16xf32>
      tpu.vector_store %arg9[%swap3A_61, %swap3A_62], %swap3A_65 {strides = array<i32>} : memref<128x128xf32, #tpu.memory_space<vmem>>, vector<1x16xf32>,
      %swap3A_66 = arith.index_cast %add3A_51 : i32 to index
      %swap3A_67 = arith.constant 48 : index
      %swap3A_68 = tpu.vector_load %arg9[%swap3A_66, %swap3A_67] {strides = array<i32>} : memref<128x128xf32, #tpu.memory_space<vmem>>, vector<1x16xf32>,
      %swap3A_69 = vector.shape_cast %swap3A_68 : vector<1x16xf32> to vector<16xf32>
      %swap3A_70 = vector.shape_cast %broadcast_in_dim3A_1 : vector<16xf32> to vector<1x16xf32>
      tpu.vector_store %arg9[%swap3A_66, %swap3A_67], %swap3A_70 {strides = array<i32>} : memref<128x128xf32, #tpu.memory_space<vmem>>, vector<1x16xf32>,
      %swap3A_71 = arith.index_cast %add3A_51 : i32 to index
      %swap3A_72 = arith.constant 64 : index
      %swap3A_73 = tpu.vector_load %arg9[%swap3A_71, %swap3A_72] {strides = array<i32>} : memref<128x128xf32, #tpu.memory_space<vmem>>, vector<1x16xf32>,
      %swap3A_74 = vector.shape_cast %swap3A_73 : vector<1x16xf32> to vector<16xf32>
      %swap3A_75 = vector.shape_cast %broadcast_in_dim3A_1 : vector<16xf32> to vector<1x16xf32>
      tpu.vector_store %arg9[%swap3A_71, %swap3A_72], %swap3A_75 {strides = array<i32>} : memref<128x128xf32, #tpu.memory_space<vmem>>, vector<1x16xf32>,
      %swap3A_76 = arith.index_cast %add3A_51 : i32 to index
      %swap3A_77 = arith.constant 80 : index
      %swap3A_78 = tpu.vector_load %arg9[%swap3A_76, %swap3A_77] {strides = array<i32>} : memref<128x128xf32, #tpu.memory_space<vmem>>, vector<1x16xf32>,
      %swap3A_79 = vector.shape_cast %swap3A_78 : vector<1x16xf32> to vector<16xf32>
      %swap3A_80 = vector.shape_cast %broadcast_in_dim3A_1 : vector<16xf32> to vector<1x16xf32>
      tpu.vector_store %arg9[%swap3A_76, %swap3A_77], %swap3A_80 {strides = array<i32>} : memref<128x128xf32, #tpu.memory_space<vmem>>, vector<1x16xf32>,
      %swap3A_81 = arith.index_cast %add3A_51 : i32 to index
      %swap3A_82 = arith.constant 96 : index
      %swap3A_83 = tpu.vector_load %arg9[%swap3A_81, %swap3A_82] {strides = array<i32>} : memref<128x128xf32, #tpu.memory_space<vmem>>, vector<1x16xf32>,
      %swap3A_84 = vector.shape_cast %swap3A_83 : vector<1x16xf32> to vector<16xf32>
      %swap3A_85 = vector.shape_cast %broadcast_in_dim3A_1 : vector<16xf32> to vector<1x16xf32>
      tpu.vector_store %arg9[%swap3A_81, %swap3A_82], %swap3A_85 {strides = array<i32>} : memref<128x128xf32, #tpu.memory_space<vmem>>, vector<1x16xf32>,
      %swap3A_86 = arith.index_cast %add3A_51 : i32 to index
      %swap3A_87 = arith.constant 112 : index
      %swap3A_88 = tpu.vector_load %arg9[%swap3A_86, %swap3A_87] {strides = array<i32>} : memref<128x128xf32, #tpu.memory_space<vmem>>, vector<1x16xf32>,
      %swap3A_89 = vector.shape_cast %swap3A_88 : vector<1x16xf32> to vector<16xf32>
      %swap3A_90 = vector.shape_cast %broadcast_in_dim3A_1 : vector<16xf32> to vector<1x16xf32>
      tpu.vector_store %arg9[%swap3A_86, %swap3A_87], %swap3A_90 {strides = array<i32>} : memref<128x128xf32, #tpu.memory_space<vmem>>, vector<1x16xf32>,
    }
    %scan3A_5 = arith.constant 128 : i32
    %mul3A_6 = arith.constant 640 : i32
    %mul3A_7 = arith.muli %arg1, %mul3A_6 : i32
    %add3A_8 = arith.constant 0 : i32
    %add3A_9 = arith.addi %mul3A_7, %add3A_8 : i32
    "tpu.region"() ({
      %run_scoped3A = tpu.sem_alloc : memref<!tpu.dma_semaphore, #tpu.memory_space<semaphore_mem>>
      %dma_start3A_47 = arith.constant 0 : i32
      %dma_start3A_48 = tpu.memref_slice %arg11[%add3A_9, %dma_start3A_47] : memref<10240x128xf32, #tpu.memory_space<vmem_shared>> -> memref<128x128xf32, #tpu.memory_space<vmem_shared>>
      %dma_start3A_49 = arith.constant 0 : i32
      %dma_start3A_50 = tpu.memref_slice %arg11[%add3A_9, %dma_start3A_49] : memref<10240x128xf32, #tpu.memory_space<vmem_shared>> -> memref<128x128xf32, #tpu.memory_space<vmem_shared>>
      tpu.enqueue_dma source(%arg9 : memref<128x128xf32, #tpu.memory_space<vmem>>) target(%dma_start3A_50 : memref<128x128xf32, #tpu.memory_space<vmem_shared>>) target_semaphore(%run_scoped3A : memref<!tpu.dma_semaphore, #tpu.memory_space<semaphore_mem>>)
      %dma_wait3A_51 = arith.constant 0 : i32
      %dma_wait3A_52 = tpu.memref_slice %arg11[%add3A_9, %dma_wait3A_51] : memref<10240x128xf32, #tpu.memory_space<vmem_shared>> -> memref<128x128xf32, #tpu.memory_space<vmem_shared>>
      %dma_wait3A_53 = arith.constant 0 : i32
      %dma_wait3A_54 = tpu.memref_slice %arg11[%add3A_9, %dma_wait3A_53] : memref<10240x128xf32, #tpu.memory_space<vmem_shared>> -> memref<128x128xf32, #tpu.memory_space<vmem_shared>>
      tpu.wait_dma2 semaphore(%run_scoped3A : memref<!tpu.dma_semaphore, #tpu.memory_space<semaphore_mem>>) src(%arg9 : memref<128x128xf32, #tpu.memory_space<vmem>>) dst(%dma_wait3A_54 : memref<128x128xf32, #tpu.memory_space<vmem_shared>>)
      tpu.yield
    }) : () -> ()
    %add3A_10 = arith.constant 128 : i32
    %add3A_11 = arith.addi %mul3A_7, %add3A_10 : i32
    "tpu.region"() ({
      %run_scoped3A = tpu.sem_alloc : memref<!tpu.dma_semaphore, #tpu.memory_space<semaphore_mem>>
      %dma_start3A_47 = arith.constant 0 : i32
      %dma_start3A_48 = tpu.memref_slice %arg11[%add3A_11, %dma_start3A_47] : memref<10240x128xf32, #tpu.memory_space<vmem_shared>> -> memref<128x128xf32, #tpu.memory_space<vmem_shared>>
      %dma_start3A_49 = arith.constant 0 : i32
      %dma_start3A_50 = tpu.memref_slice %arg11[%add3A_11, %dma_start3A_49] : memref<10240x128xf32, #tpu.memory_space<vmem_shared>> -> memref<128x128xf32, #tpu.memory_space<vmem_shared>>
      tpu.enqueue_dma source(%arg9 : memref<128x128xf32, #tpu.memory_space<vmem>>) target(%dma_start3A_50 : memref<128x128xf32, #tpu.memory_space<vmem_shared>>) target_semaphore(%run_scoped3A : memref<!tpu.dma_semaphore, #tpu.memory_space<semaphore_mem>>)
      %dma_wait3A_51 = arith.constant 0 : i32
      %dma_wait3A_52 = tpu.memref_slice %arg11[%add3A_11, %dma_wait3A_51] : memref<10240x128xf32, #tpu.memory_space<vmem_shared>> -> memref<128x128xf32, #tpu.memory_space<vmem_shared>>
      %dma_wait3A_53 = arith.constant 0 : i32
      %dma_wait3A_54 = tpu.memref_slice %arg11[%add3A_11, %dma_wait3A_53] : memref<10240x128xf32, #tpu.memory_space<vmem_shared>> -> memref<128x128xf32, #tpu.memory_space<vmem_shared>>
      tpu.wait_dma2 semaphore(%run_scoped3A : memref<!tpu.dma_semaphore, #tpu.memory_space<semaphore_mem>>) src(%arg9 : memref<128x128xf32, #tpu.memory_space<vmem>>) dst(%dma_wait3A_54 : memref<128x128xf32, #tpu.memory_space<vmem_shared>>)
      tpu.yield
    }) : () -> ()
    %add3A_12 = arith.constant 256 : i32
    %add3A_13 = arith.addi %mul3A_7, %add3A_12 : i32
    "tpu.region"() ({
      %run_scoped3A = tpu.sem_alloc : memref<!tpu.dma_semaphore, #tpu.memory_space<semaphore_mem>>
      %dma_start3A_47 = arith.constant 0 : i32
      %dma_start3A_48 = tpu.memref_slice %arg11[%add3A_13, %dma_start3A_47] : memref<10240x128xf32, #tpu.memory_space<vmem_shared>> -> memref<128x128xf32, #tpu.memory_space<vmem_shared>>
      %dma_start3A_49 = arith.constant 0 : i32
      %dma_start3A_50 = tpu.memref_slice %arg11[%add3A_13, %dma_start3A_49] : memref<10240x128xf32, #tpu.memory_space<vmem_shared>> -> memref<128x128xf32, #tpu.memory_space<vmem_shared>>
      tpu.enqueue_dma source(%arg9 : memref<128x128xf32, #tpu.memory_space<vmem>>) target(%dma_start3A_50 : memref<128x128xf32, #tpu.memory_space<vmem_shared>>) target_semaphore(%run_scoped3A : memref<!tpu.dma_semaphore, #tpu.memory_space<semaphore_mem>>)
      %dma_wait3A_51 = arith.constant 0 : i32
      %dma_wait3A_52 = tpu.memref_slice %arg11[%add3A_13, %dma_wait3A_51] : memref<10240x128xf32, #tpu.memory_space<vmem_shared>> -> memref<128x128xf32, #tpu.memory_space<vmem_shared>>
      %dma_wait3A_53 = arith.constant 0 : i32
      %dma_wait3A_54 = tpu.memref_slice %arg11[%add3A_13, %dma_wait3A_53] : memref<10240x128xf32, #tpu.memory_space<vmem_shared>> -> memref<128x128xf32, #tpu.memory_space<vmem_shared>>
      tpu.wait_dma2 semaphore(%run_scoped3A : memref<!tpu.dma_semaphore, #tpu.memory_space<semaphore_mem>>) src(%arg9 : memref<128x128xf32, #tpu.memory_space<vmem>>) dst(%dma_wait3A_54 : memref<128x128xf32, #tpu.memory_space<vmem_shared>>)
      tpu.yield
    }) : () -> ()
    %add3A_14 = arith.constant 384 : i32
    %add3A_15 = arith.addi %mul3A_7, %add3A_14 : i32
    "tpu.region"() ({
      %run_scoped3A = tpu.sem_alloc : memref<!tpu.dma_semaphore, #tpu.memory_space<semaphore_mem>>
      %dma_start3A_47 = arith.constant 0 : i32
      %dma_start3A_48 = tpu.memref_slice %arg11[%add3A_15, %dma_start3A_47] : memref<10240x128xf32, #tpu.memory_space<vmem_shared>> -> memref<128x128xf32, #tpu.memory_space<vmem_shared>>
      %dma_start3A_49 = arith.constant 0 : i32
      %dma_start3A_50 = tpu.memref_slice %arg11[%add3A_15, %dma_start3A_49] : memref<10240x128xf32, #tpu.memory_space<vmem_shared>> -> memref<128x128xf32, #tpu.memory_space<vmem_shared>>
      tpu.enqueue_dma source(%arg9 : memref<128x128xf32, #tpu.memory_space<vmem>>) target(%dma_start3A_50 : memref<128x128xf32, #tpu.memory_space<vmem_shared>>) target_semaphore(%run_scoped3A : memref<!tpu.dma_semaphore, #tpu.memory_space<semaphore_mem>>)
      %dma_wait3A_51 = arith.constant 0 : i32
      %dma_wait3A_52 = tpu.memref_slice %arg11[%add3A_15, %dma_wait3A_51] : memref<10240x128xf32, #tpu.memory_space<vmem_shared>> -> memref<128x128xf32, #tpu.memory_space<vmem_shared>>
      %dma_wait3A_53 = arith.constant 0 : i32
      %dma_wait3A_54 = tpu.memref_slice %arg11[%add3A_15, %dma_wait3A_53] : memref<10240x128xf32, #tpu.memory_space<vmem_shared>> -> memref<128x128xf32, #tpu.memory_space<vmem_shared>>
      tpu.wait_dma2 semaphore(%run_scoped3A : memref<!tpu.dma_semaphore, #tpu.memory_space<semaphore_mem>>) src(%arg9 : memref<128x128xf32, #tpu.memory_space<vmem>>) dst(%dma_wait3A_54 : memref<128x128xf32, #tpu.memory_space<vmem_shared>>)
      tpu.yield
    }) : () -> ()
    %add3A_16 = arith.constant 512 : i32
    %add3A_17 = arith.addi %mul3A_7, %add3A_16 : i32
    "tpu.region"() ({
      %run_scoped3A = tpu.sem_alloc : memref<!tpu.dma_semaphore, #tpu.memory_space<semaphore_mem>>
      %dma_start3A_47 = arith.constant 0 : i32
      %dma_start3A_48 = tpu.memref_slice %arg11[%add3A_17, %dma_start3A_47] : memref<10240x128xf32, #tpu.memory_space<vmem_shared>> -> memref<128x128xf32, #tpu.memory_space<vmem_shared>>
      %dma_start3A_49 = arith.constant 0 : i32
      %dma_start3A_50 = tpu.memref_slice %arg11[%add3A_17, %dma_start3A_49] : memref<10240x128xf32, #tpu.memory_space<vmem_shared>> -> memref<128x128xf32, #tpu.memory_space<vmem_shared>>
      tpu.enqueue_dma source(%arg9 : memref<128x128xf32, #tpu.memory_space<vmem>>) target(%dma_start3A_50 : memref<128x128xf32, #tpu.memory_space<vmem_shared>>) target_semaphore(%run_scoped3A : memref<!tpu.dma_semaphore, #tpu.memory_space<semaphore_mem>>)
      %dma_wait3A_51 = arith.constant 0 : i32
      %dma_wait3A_52 = tpu.memref_slice %arg11[%add3A_17, %dma_wait3A_51] : memref<10240x128xf32, #tpu.memory_space<vmem_shared>> -> memref<128x128xf32, #tpu.memory_space<vmem_shared>>
      %dma_wait3A_53 = arith.constant 0 : i32
      %dma_wait3A_54 = tpu.memref_slice %arg11[%add3A_17, %dma_wait3A_53] : memref<10240x128xf32, #tpu.memory_space<vmem_shared>> -> memref<128x128xf32, #tpu.memory_space<vmem_shared>>
      tpu.wait_dma2 semaphore(%run_scoped3A : memref<!tpu.dma_semaphore, #tpu.memory_space<semaphore_mem>>) src(%arg9 : memref<128x128xf32, #tpu.memory_space<vmem>>) dst(%dma_wait3A_54 : memref<128x128xf32, #tpu.memory_space<vmem_shared>>)
      tpu.yield
    }) : () -> ()
    %barrier3A = arith.constant 0 : index
    tpu.barrier barrier_id(%barrier3A)
    %mul3A_18 = arith.constant 10000 : i32
    %mul3A_19 = arith.muli %add3A, %mul3A_18 : i32
    %scan3A_20 = arith.constant 0 : i32
    %scan3A_21 = arith.constant 78 : i32
    %scan3A_22 = arith.addi %scan3A_20, %scan3A_21 : i32
    %scan3A_23 = arith.constant 1 : i32
    scf.for %scan3A_47 = %scan3A_20 to %scan3A_22 step %scan3A_23  : i32 {
      %mul3A_48 = arith.constant 1 : i32
      %mul3A_49 = arith.muli %scan3A_47, %mul3A_48 : i32
      %add3A_50 = arith.constant 0 : i32
      %add3A_51 = arith.addi %add3A_50, %mul3A_49 : i32
      %mul3A_52 = arith.constant 128 : i32
      %mul3A_53 = arith.muli %add3A_51, %mul3A_52 : i32
      %add3A_54 = arith.addi %mul3A_19, %mul3A_53 : i32
      %multiple_of3A_55 = tpu.assume_multiple %add3A_54, 8 : i32
      "tpu.region"() ({
        %run_scoped3A = tpu.sem_alloc : memref<!tpu.dma_semaphore, #tpu.memory_space<semaphore_mem>>
        %dma_start3A_67 = tpu.memref_slice %arg2[%multiple_of3A_55] : memref<320000xi32, #tpu.memory_space<hbm>> -> memref<128xi32, #tpu.memory_space<hbm>>
        %dma_start3A_68 = tpu.memref_slice %arg2[%multiple_of3A_55] : memref<320000xi32, #tpu.memory_space<hbm>> -> memref<128xi32, #tpu.memory_space<hbm>>
        tpu.enqueue_dma source(%dma_start3A_68 : memref<128xi32, #tpu.memory_space<hbm>>) target(%arg7 : memref<128xi32, #tpu.memory_space<vmem>>) target_semaphore(%run_scoped3A : memref<!tpu.dma_semaphore, #tpu.memory_space<semaphore_mem>>)
        %dma_wait3A_69 = tpu.memref_slice %arg2[%multiple_of3A_55] : memref<320000xi32, #tpu.memory_space<hbm>> -> memref<128xi32, #tpu.memory_space<hbm>>
        %dma_wait3A_70 = tpu.memref_slice %arg2[%multiple_of3A_55] : memref<320000xi32, #tpu.memory_space<hbm>> -> memref<128xi32, #tpu.memory_space<hbm>>
        tpu.wait_dma2 semaphore(%run_scoped3A : memref<!tpu.dma_semaphore, #tpu.memory_space<semaphore_mem>>) src(%dma_wait3A_70 : memref<128xi32, #tpu.memory_space<hbm>>) dst(%arg7 : memref<128xi32, #tpu.memory_space<vmem>>)
        tpu.yield
      }) : () -> ()
      "tpu.region"() ({
        %run_scoped3A = tpu.sem_alloc : memref<!tpu.dma_semaphore, #tpu.memory_space<semaphore_mem>>
        %dma_start3A_67 = tpu.memref_slice %arg3[%multiple_of3A_55] : memref<320000xi32, #tpu.memory_space<hbm>> -> memref<128xi32, #tpu.memory_space<hbm>>
        %dma_start3A_68 = tpu.memref_slice %arg3[%multiple_of3A_55] : memref<320000xi32, #tpu.memory_space<hbm>> -> memref<128xi32, #tpu.memory_space<hbm>>
        tpu.enqueue_dma source(%dma_start3A_68 : memref<128xi32, #tpu.memory_space<hbm>>) target(%arg8 : memref<128xi32, #tpu.memory_space<vmem>>) target_semaphore(%run_scoped3A : memref<!tpu.dma_semaphore, #tpu.memory_space<semaphore_mem>>)
        %dma_wait3A_69 = tpu.memref_slice %arg3[%multiple_of3A_55] : memref<320000xi32, #tpu.memory_space<hbm>> -> memref<128xi32, #tpu.memory_space<hbm>>
        %dma_wait3A_70 = tpu.memref_slice %arg3[%multiple_of3A_55] : memref<320000xi32, #tpu.memory_space<hbm>> -> memref<128xi32, #tpu.memory_space<hbm>>
        tpu.wait_dma2 semaphore(%run_scoped3A : memref<!tpu.dma_semaphore, #tpu.memory_space<semaphore_mem>>) src(%dma_wait3A_70 : memref<128xi32, #tpu.memory_space<hbm>>) dst(%arg8 : memref<128xi32, #tpu.memory_space<vmem>>)
        tpu.yield
      }) : () -> ()
      %dma_start3A_56 = arith.constant 0 : i32
      %dma_start3A_57 = arith.constant 0 : i32
      %dma_start3A_58 = tpu.memref_slice %arg4[%dma_start3A_56, %dma_start3A_57] : memref<10000x128xf32, #tpu.memory_space<hbm>> -> memref<10000x128xf32, #tpu.memory_space<hbm>>
      tpu.enqueue_indirect_dma source(%dma_start3A_58 : memref<10000x128xf32, #tpu.memory_space<hbm>>) target(%arg9 : memref<128x128xf32, #tpu.memory_space<vmem>>) offsets(%arg7 : memref<128xi32, #tpu.memory_space<vmem>>) semaphore(%arg12 : memref<!tpu.dma_semaphore, #tpu.memory_space<semaphore_mem>>)
      "tpu.region"() ({
        %run_scoped3A = tpu.sem_alloc : memref<!tpu.dma_semaphore, #tpu.memory_space<semaphore_mem>>
        %dma_start3A_67 = arith.constant 0 : i32
        %dma_start3A_68 = tpu.memref_slice %arg5[%multiple_of3A_55, %dma_start3A_67] : memref<320000x128xf32, #tpu.memory_space<hbm>> -> memref<128x128xf32, #tpu.memory_space<hbm>>
        %dma_start3A_69 = arith.constant 0 : i32
        %dma_start3A_70 = tpu.memref_slice %arg5[%multiple_of3A_55, %dma_start3A_69] : memref<320000x128xf32, #tpu.memory_space<hbm>> -> memref<128x128xf32, #tpu.memory_space<hbm>>
        tpu.enqueue_dma source(%dma_start3A_70 : memref<128x128xf32, #tpu.memory_space<hbm>>) target(%arg10 : memref<128x128xf32, #tpu.memory_space<vmem>>) target_semaphore(%run_scoped3A : memref<!tpu.dma_semaphore, #tpu.memory_space<semaphore_mem>>)
        %dma_wait3A_71 = arith.constant 0 : i32
        %dma_wait3A_72 = tpu.memref_slice %arg5[%multiple_of3A_55, %dma_wait3A_71] : memref<320000x128xf32, #tpu.memory_space<hbm>> -> memref<128x128xf32, #tpu.memory_space<hbm>>
        %dma_wait3A_73 = arith.constant 0 : i32
        %dma_wait3A_74 = tpu.memref_slice %arg5[%multiple_of3A_55, %dma_wait3A_73] : memref<320000x128xf32, #tpu.memory_space<hbm>> -> memref<128x128xf32, #tpu.memory_space<hbm>>
        tpu.wait_dma2 semaphore(%run_scoped3A : memref<!tpu.dma_semaphore, #tpu.memory_space<semaphore_mem>>) src(%dma_wait3A_74 : memref<128x128xf32, #tpu.memory_space<hbm>>) dst(%arg10 : memref<128x128xf32, #tpu.memory_space<vmem>>)
        tpu.yield
      }) : () -> ()
      %dma_wait3A_59 = arith.constant 0 : i32
      %dma_wait3A_60 = arith.constant 0 : i32
      %dma_wait3A_61 = tpu.memref_slice %arg4[%dma_wait3A_59, %dma_wait3A_60] : memref<10000x128xf32, #tpu.memory_space<hbm>> -> memref<10000x128xf32, #tpu.memory_space<hbm>>
      tpu.wait_indirect_dma semaphore(%arg12 : memref<!tpu.dma_semaphore, #tpu.memory_space<semaphore_mem>>) src(%dma_wait3A_61 : memref<10000x128xf32, #tpu.memory_space<hbm>>) dst(%arg9 : memref<128x128xf32, #tpu.memory_space<vmem>>)
      %scan3A_62 = arith.constant 0 : i32
      %scan3A_63 = arith.constant 128 : i32
      %scan3A_64 = arith.addi %scan3A_62, %scan3A_63 : i32
      %scan3A_65 = arith.constant 1 : i32
      scf.for %scan3A_67 = %scan3A_62 to %scan3A_64 step %scan3A_65  : i32 {
        %mul3A_68 = arith.constant 1 : i32
        %mul3A_69 = arith.muli %scan3A_67, %mul3A_68 : i32
        %add3A_70 = arith.constant 0 : i32
        %add3A_71 = arith.addi %add3A_70, %mul3A_69 : i32
        %get3A = arith.index_cast %add3A_71 : i32 to index
        %get3A_72 = arith.constant 0 : index
        %get3A_73 = tpu.vector_load %arg9[%get3A, %get3A_72] {strides = array<i32>} : memref<128x128xf32, #tpu.memory_space<vmem>>, vector<1x16xf32>,
        %get3A_74 = vector.shape_cast %get3A_73 : vector<1x16xf32> to vector<16xf32>
        %get3A_75 = arith.index_cast %add3A_71 : i32 to index
        %get3A_76 = arith.constant 0 : index
        %get3A_77 = tpu.vector_load %arg10[%get3A_75, %get3A_76] {strides = array<i32>} : memref<128x128xf32, #tpu.memory_space<vmem>>, vector<1x16xf32>,
        %get3A_78 = vector.shape_cast %get3A_77 : vector<1x16xf32> to vector<16xf32>
        %add3A_79 = arith.addf %get3A_74, %get3A_78 : vector<16xf32>
        %max3A = arith.constant 0.000000e+00 : f32
        %max3A_80 = vector.broadcast %max3A : f32 to vector<16xf32>
        %max3A_81 = arith.maximumf %add3A_79, %max3A_80 : vector<16xf32>
        %swap3A = arith.index_cast %add3A_71 : i32 to index
        %swap3A_82 = arith.constant 0 : index
        %swap3A_83 = tpu.vector_load %arg9[%swap3A, %swap3A_82] {strides = array<i32>} : memref<128x128xf32, #tpu.memory_space<vmem>>, vector<1x16xf32>,
        %swap3A_84 = vector.shape_cast %swap3A_83 : vector<1x16xf32> to vector<16xf32>
        %swap3A_85 = vector.shape_cast %max3A_81 : vector<16xf32> to vector<1x16xf32>
        tpu.vector_store %arg9[%swap3A, %swap3A_82], %swap3A_85 {strides = array<i32>} : memref<128x128xf32, #tpu.memory_space<vmem>>, vector<1x16xf32>,
        %get3A_86 = arith.index_cast %add3A_71 : i32 to index
        %get3A_87 = arith.constant 16 : index
        %get3A_88 = tpu.vector_load %arg9[%get3A_86, %get3A_87] {strides = array<i32>} : memref<128x128xf32, #tpu.memory_space<vmem>>, vector<1x16xf32>,
        %get3A_89 = vector.shape_cast %get3A_88 : vector<1x16xf32> to vector<16xf32>
        %get3A_90 = arith.index_cast %add3A_71 : i32 to index
        %get3A_91 = arith.constant 16 : index
        %get3A_92 = tpu.vector_load %arg10[%get3A_90, %get3A_91] {strides = array<i32>} : memref<128x128xf32, #tpu.memory_space<vmem>>, vector<1x16xf32>,
        %get3A_93 = vector.shape_cast %get3A_92 : vector<1x16xf32> to vector<16xf32>
        %add3A_94 = arith.addf %get3A_89, %get3A_93 : vector<16xf32>
        %max3A_95 = arith.constant 0.000000e+00 : f32
        %max3A_96 = vector.broadcast %max3A_95 : f32 to vector<16xf32>
        %max3A_97 = arith.maximumf %add3A_94, %max3A_96 : vector<16xf32>
        %swap3A_98 = arith.index_cast %add3A_71 : i32 to index
        %swap3A_99 = arith.constant 16 : index
        %swap3A_100 = tpu.vector_load %arg9[%swap3A_98, %swap3A_99] {strides = array<i32>} : memref<128x128xf32, #tpu.memory_space<vmem>>, vector<1x16xf32>,
        %swap3A_101 = vector.shape_cast %swap3A_100 : vector<1x16xf32> to vector<16xf32>
        %swap3A_102 = vector.shape_cast %max3A_97 : vector<16xf32> to vector<1x16xf32>
        tpu.vector_store %arg9[%swap3A_98, %swap3A_99], %swap3A_102 {strides = array<i32>} : memref<128x128xf32, #tpu.memory_space<vmem>>, vector<1x16xf32>,
        %get3A_103 = arith.index_cast %add3A_71 : i32 to index
        %get3A_104 = arith.constant 32 : index
        %get3A_105 = tpu.vector_load %arg9[%get3A_103, %get3A_104] {strides = array<i32>} : memref<128x128xf32, #tpu.memory_space<vmem>>, vector<1x16xf32>,
        %get3A_106 = vector.shape_cast %get3A_105 : vector<1x16xf32> to vector<16xf32>
        %get3A_107 = arith.index_cast %add3A_71 : i32 to index
        %get3A_108 = arith.constant 32 : index
        %get3A_109 = tpu.vector_load %arg10[%get3A_107, %get3A_108] {strides = array<i32>} : memref<128x128xf32, #tpu.memory_space<vmem>>, vector<1x16xf32>,
        %get3A_110 = vector.shape_cast %get3A_109 : vector<1x16xf32> to vector<16xf32>
        %add3A_111 = arith.addf %get3A_106, %get3A_110 : vector<16xf32>
        %max3A_112 = arith.constant 0.000000e+00 : f32
        %max3A_113 = vector.broadcast %max3A_112 : f32 to vector<16xf32>
        %max3A_114 = arith.maximumf %add3A_111, %max3A_113 : vector<16xf32>
        %swap3A_115 = arith.index_cast %add3A_71 : i32 to index
        %swap3A_116 = arith.constant 32 : index
        %swap3A_117 = tpu.vector_load %arg9[%swap3A_115, %swap3A_116] {strides = array<i32>} : memref<128x128xf32, #tpu.memory_space<vmem>>, vector<1x16xf32>,
        %swap3A_118 = vector.shape_cast %swap3A_117 : vector<1x16xf32> to vector<16xf32>
        %swap3A_119 = vector.shape_cast %max3A_114 : vector<16xf32> to vector<1x16xf32>
        tpu.vector_store %arg9[%swap3A_115, %swap3A_116], %swap3A_119 {strides = array<i32>} : memref<128x128xf32, #tpu.memory_space<vmem>>, vector<1x16xf32>,
        %get3A_120 = arith.index_cast %add3A_71 : i32 to index
        %get3A_121 = arith.constant 48 : index
        %get3A_122 = tpu.vector_load %arg9[%get3A_120, %get3A_121] {strides = array<i32>} : memref<128x128xf32, #tpu.memory_space<vmem>>, vector<1x16xf32>,
        %get3A_123 = vector.shape_cast %get3A_122 : vector<1x16xf32> to vector<16xf32>
        %get3A_124 = arith.index_cast %add3A_71 : i32 to index
        %get3A_125 = arith.constant 48 : index
        %get3A_126 = tpu.vector_load %arg10[%get3A_124, %get3A_125] {strides = array<i32>} : memref<128x128xf32, #tpu.memory_space<vmem>>, vector<1x16xf32>,
        %get3A_127 = vector.shape_cast %get3A_126 : vector<1x16xf32> to vector<16xf32>
        %add3A_128 = arith.addf %get3A_123, %get3A_127 : vector<16xf32>
        %max3A_129 = arith.constant 0.000000e+00 : f32
        %max3A_130 = vector.broadcast %max3A_129 : f32 to vector<16xf32>
        %max3A_131 = arith.maximumf %add3A_128, %max3A_130 : vector<16xf32>
        %swap3A_132 = arith.index_cast %add3A_71 : i32 to index
        %swap3A_133 = arith.constant 48 : index
        %swap3A_134 = tpu.vector_load %arg9[%swap3A_132, %swap3A_133] {strides = array<i32>} : memref<128x128xf32, #tpu.memory_space<vmem>>, vector<1x16xf32>,
        %swap3A_135 = vector.shape_cast %swap3A_134 : vector<1x16xf32> to vector<16xf32>
        %swap3A_136 = vector.shape_cast %max3A_131 : vector<16xf32> to vector<1x16xf32>
        tpu.vector_store %arg9[%swap3A_132, %swap3A_133], %swap3A_136 {strides = array<i32>} : memref<128x128xf32, #tpu.memory_space<vmem>>, vector<1x16xf32>,
        %get3A_137 = arith.index_cast %add3A_71 : i32 to index
        %get3A_138 = arith.constant 64 : index
        %get3A_139 = tpu.vector_load %arg9[%get3A_137, %get3A_138] {strides = array<i32>} : memref<128x128xf32, #tpu.memory_space<vmem>>, vector<1x16xf32>,
        %get3A_140 = vector.shape_cast %get3A_139 : vector<1x16xf32> to vector<16xf32>
        %get3A_141 = arith.index_cast %add3A_71 : i32 to index
        %get3A_142 = arith.constant 64 : index
        %get3A_143 = tpu.vector_load %arg10[%get3A_141, %get3A_142] {strides = array<i32>} : memref<128x128xf32, #tpu.memory_space<vmem>>, vector<1x16xf32>,
        %get3A_144 = vector.shape_cast %get3A_143 : vector<1x16xf32> to vector<16xf32>
        %add3A_145 = arith.addf %get3A_140, %get3A_144 : vector<16xf32>
        %max3A_146 = arith.constant 0.000000e+00 : f32
        %max3A_147 = vector.broadcast %max3A_146 : f32 to vector<16xf32>
        %max3A_148 = arith.maximumf %add3A_145, %max3A_147 : vector<16xf32>
        %swap3A_149 = arith.index_cast %add3A_71 : i32 to index
        %swap3A_150 = arith.constant 64 : index
        %swap3A_151 = tpu.vector_load %arg9[%swap3A_149, %swap3A_150] {strides = array<i32>} : memref<128x128xf32, #tpu.memory_space<vmem>>, vector<1x16xf32>,
        %swap3A_152 = vector.shape_cast %swap3A_151 : vector<1x16xf32> to vector<16xf32>
        %swap3A_153 = vector.shape_cast %max3A_148 : vector<16xf32> to vector<1x16xf32>
        tpu.vector_store %arg9[%swap3A_149, %swap3A_150], %swap3A_153 {strides = array<i32>} : memref<128x128xf32, #tpu.memory_space<vmem>>, vector<1x16xf32>,
        %get3A_154 = arith.index_cast %add3A_71 : i32 to index
        %get3A_155 = arith.constant 80 : index
        %get3A_156 = tpu.vector_load %arg9[%get3A_154, %get3A_155] {strides = array<i32>} : memref<128x128xf32, #tpu.memory_space<vmem>>, vector<1x16xf32>,
        %get3A_157 = vector.shape_cast %get3A_156 : vector<1x16xf32> to vector<16xf32>
        %get3A_158 = arith.index_cast %add3A_71 : i32 to index
        %get3A_159 = arith.constant 80 : index
        %get3A_160 = tpu.vector_load %arg10[%get3A_158, %get3A_159] {strides = array<i32>} : memref<128x128xf32, #tpu.memory_space<vmem>>, vector<1x16xf32>,
        %get3A_161 = vector.shape_cast %get3A_160 : vector<1x16xf32> to vector<16xf32>
        %add3A_162 = arith.addf %get3A_157, %get3A_161 : vector<16xf32>
        %max3A_163 = arith.constant 0.000000e+00 : f32
        %max3A_164 = vector.broadcast %max3A_163 : f32 to vector<16xf32>
        %max3A_165 = arith.maximumf %add3A_162, %max3A_164 : vector<16xf32>
        %swap3A_166 = arith.index_cast %add3A_71 : i32 to index
        %swap3A_167 = arith.constant 80 : index
        %swap3A_168 = tpu.vector_load %arg9[%swap3A_166, %swap3A_167] {strides = array<i32>} : memref<128x128xf32, #tpu.memory_space<vmem>>, vector<1x16xf32>,
        %swap3A_169 = vector.shape_cast %swap3A_168 : vector<1x16xf32> to vector<16xf32>
        %swap3A_170 = vector.shape_cast %max3A_165 : vector<16xf32> to vector<1x16xf32>
        tpu.vector_store %arg9[%swap3A_166, %swap3A_167], %swap3A_170 {strides = array<i32>} : memref<128x128xf32, #tpu.memory_space<vmem>>, vector<1x16xf32>,
        %get3A_171 = arith.index_cast %add3A_71 : i32 to index
        %get3A_172 = arith.constant 96 : index
        %get3A_173 = tpu.vector_load %arg9[%get3A_171, %get3A_172] {strides = array<i32>} : memref<128x128xf32, #tpu.memory_space<vmem>>, vector<1x16xf32>,
        %get3A_174 = vector.shape_cast %get3A_173 : vector<1x16xf32> to vector<16xf32>
        %get3A_175 = arith.index_cast %add3A_71 : i32 to index
        %get3A_176 = arith.constant 96 : index
        %get3A_177 = tpu.vector_load %arg10[%get3A_175, %get3A_176] {strides = array<i32>} : memref<128x128xf32, #tpu.memory_space<vmem>>, vector<1x16xf32>,
        %get3A_178 = vector.shape_cast %get3A_177 : vector<1x16xf32> to vector<16xf32>
        %add3A_179 = arith.addf %get3A_174, %get3A_178 : vector<16xf32>
        %max3A_180 = arith.constant 0.000000e+00 : f32
        %max3A_181 = vector.broadcast %max3A_180 : f32 to vector<16xf32>
        %max3A_182 = arith.maximumf %add3A_179, %max3A_181 : vector<16xf32>
        %swap3A_183 = arith.index_cast %add3A_71 : i32 to index
        %swap3A_184 = arith.constant 96 : index
        %swap3A_185 = tpu.vector_load %arg9[%swap3A_183, %swap3A_184] {strides = array<i32>} : memref<128x128xf32, #tpu.memory_space<vmem>>, vector<1x16xf32>,
        %swap3A_186 = vector.shape_cast %swap3A_185 : vector<1x16xf32> to vector<16xf32>
        %swap3A_187 = vector.shape_cast %max3A_182 : vector<16xf32> to vector<1x16xf32>
        tpu.vector_store %arg9[%swap3A_183, %swap3A_184], %swap3A_187 {strides = array<i32>} : memref<128x128xf32, #tpu.memory_space<vmem>>, vector<1x16xf32>,
        %get3A_188 = arith.index_cast %add3A_71 : i32 to index
        %get3A_189 = arith.constant 112 : index
        %get3A_190 = tpu.vector_load %arg9[%get3A_188, %get3A_189] {strides = array<i32>} : memref<128x128xf32, #tpu.memory_space<vmem>>, vector<1x16xf32>,
        %get3A_191 = vector.shape_cast %get3A_190 : vector<1x16xf32> to vector<16xf32>
        %get3A_192 = arith.index_cast %add3A_71 : i32 to index
        %get3A_193 = arith.constant 112 : index
        %get3A_194 = tpu.vector_load %arg10[%get3A_192, %get3A_193] {strides = array<i32>} : memref<128x128xf32, #tpu.memory_space<vmem>>, vector<1x16xf32>,
        %get3A_195 = vector.shape_cast %get3A_194 : vector<1x16xf32> to vector<16xf32>
        %add3A_196 = arith.addf %get3A_191, %get3A_195 : vector<16xf32>
        %max3A_197 = arith.constant 0.000000e+00 : f32
        %max3A_198 = vector.broadcast %max3A_197 : f32 to vector<16xf32>
        %max3A_199 = arith.maximumf %add3A_196, %max3A_198 : vector<16xf32>
        %swap3A_200 = arith.index_cast %add3A_71 : i32 to index
        %swap3A_201 = arith.constant 112 : index
        %swap3A_202 = tpu.vector_load %arg9[%swap3A_200, %swap3A_201] {strides = array<i32>} : memref<128x128xf32, #tpu.memory_space<vmem>>, vector<1x16xf32>,
        %swap3A_203 = vector.shape_cast %swap3A_202 : vector<1x16xf32> to vector<16xf32>
        %swap3A_204 = vector.shape_cast %max3A_199 : vector<16xf32> to vector<1x16xf32>
        tpu.vector_store %arg9[%swap3A_200, %swap3A_201], %swap3A_204 {strides = array<i32>} : memref<128x128xf32, #tpu.memory_space<vmem>>, vector<1x16xf32>,
      }
      %scan3A_66 = arith.constant 128 : i32
      "tpu.region"() ({
        %run_scoped3A = tpu.sem_alloc : memref<!tpu.dma_semaphore, #tpu.memory_space<semaphore_mem>>
        %dma_start3A_67 = arith.constant 0 : i32
        %dma_start3A_68 = arith.constant 0 : i32
        %dma_start3A_69 = tpu.memref_slice %arg11[%dma_start3A_67, %dma_start3A_68] : memref<10240x128xf32, #tpu.memory_space<vmem_shared>> -> memref<10240x128xf32, #tpu.memory_space<vmem_shared>>
        tpu.enqueue_indirect_dma source(%arg9 : memref<128x128xf32, #tpu.memory_space<vmem>>) target(%dma_start3A_69 : memref<10240x128xf32, #tpu.memory_space<vmem_shared>>) offsets(%arg8 : memref<128xi32, #tpu.memory_space<vmem>>) semaphore(%run_scoped3A : memref<!tpu.dma_semaphore, #tpu.memory_space<semaphore_mem>>) {add = true}
        %dma_wait3A_70 = arith.constant 0 : i32
        %dma_wait3A_71 = arith.constant 0 : i32
        %dma_wait3A_72 = tpu.memref_slice %arg11[%dma_wait3A_70, %dma_wait3A_71] : memref<10240x128xf32, #tpu.memory_space<vmem_shared>> -> memref<10240x128xf32, #tpu.memory_space<vmem_shared>>
        tpu.wait_indirect_dma semaphore(%run_scoped3A : memref<!tpu.dma_semaphore, #tpu.memory_space<semaphore_mem>>) src(%arg9 : memref<128x128xf32, #tpu.memory_space<vmem>>) dst(%dma_wait3A_72 : memref<10240x128xf32, #tpu.memory_space<vmem_shared>>)
        tpu.yield
      }) : () -> ()
    }
    %scan3A_24 = arith.constant 78 : i32
    %add3A_25 = arith.constant 9984 : i32
    %add3A_26 = arith.addi %mul3A_19, %add3A_25 : i32
    %multiple_of3A = tpu.assume_multiple %add3A_26, 8 : i32
    "tpu.region"() ({
      %run_scoped3A = tpu.sem_alloc : memref<!tpu.dma_semaphore, #tpu.memory_space<semaphore_mem>>
      %dma_start3A_47 = tpu.memref_slice %arg2[%multiple_of3A] : memref<320000xi32, #tpu.memory_space<hbm>> -> memref<16xi32, #tpu.memory_space<hbm>>
      %dma_start3A_48 = tpu.memref_slice %arg2[%multiple_of3A] : memref<320000xi32, #tpu.memory_space<hbm>> -> memref<16xi32, #tpu.memory_space<hbm>>
      tpu.enqueue_dma source(%dma_start3A_48 : memref<16xi32, #tpu.memory_space<hbm>>) target(%arg13 : memref<16xi32, #tpu.memory_space<vmem>>) target_semaphore(%run_scoped3A : memref<!tpu.dma_semaphore, #tpu.memory_space<semaphore_mem>>)
      %dma_wait3A_49 = tpu.memref_slice %arg2[%multiple_of3A] : memref<320000xi32, #tpu.memory_space<hbm>> -> memref<16xi32, #tpu.memory_space<hbm>>
      %dma_wait3A_50 = tpu.memref_slice %arg2[%multiple_of3A] : memref<320000xi32, #tpu.memory_space<hbm>> -> memref<16xi32, #tpu.memory_space<hbm>>
      tpu.wait_dma2 semaphore(%run_scoped3A : memref<!tpu.dma_semaphore, #tpu.memory_space<semaphore_mem>>) src(%dma_wait3A_50 : memref<16xi32, #tpu.memory_space<hbm>>) dst(%arg13 : memref<16xi32, #tpu.memory_space<vmem>>)
      tpu.yield
    }) : () -> ()
    "tpu.region"() ({
      %run_scoped3A = tpu.sem_alloc : memref<!tpu.dma_semaphore, #tpu.memory_space<semaphore_mem>>
      %dma_start3A_47 = tpu.memref_slice %arg3[%multiple_of3A] : memref<320000xi32, #tpu.memory_space<hbm>> -> memref<16xi32, #tpu.memory_space<hbm>>
      %dma_start3A_48 = tpu.memref_slice %arg3[%multiple_of3A] : memref<320000xi32, #tpu.memory_space<hbm>> -> memref<16xi32, #tpu.memory_space<hbm>>
      tpu.enqueue_dma source(%dma_start3A_48 : memref<16xi32, #tpu.memory_space<hbm>>) target(%arg14 : memref<16xi32, #tpu.memory_space<vmem>>) target_semaphore(%run_scoped3A : memref<!tpu.dma_semaphore, #tpu.memory_space<semaphore_mem>>)
      %dma_wait3A_49 = tpu.memref_slice %arg3[%multiple_of3A] : memref<320000xi32, #tpu.memory_space<hbm>> -> memref<16xi32, #tpu.memory_space<hbm>>
      %dma_wait3A_50 = tpu.memref_slice %arg3[%multiple_of3A] : memref<320000xi32, #tpu.memory_space<hbm>> -> memref<16xi32, #tpu.memory_space<hbm>>
      tpu.wait_dma2 semaphore(%run_scoped3A : memref<!tpu.dma_semaphore, #tpu.memory_space<semaphore_mem>>) src(%dma_wait3A_50 : memref<16xi32, #tpu.memory_space<hbm>>) dst(%arg14 : memref<16xi32, #tpu.memory_space<vmem>>)
      tpu.yield
    }) : () -> ()
    %dma_start3A = arith.constant 0 : i32
    %dma_start3A_27 = arith.constant 0 : i32
    %dma_start3A_28 = tpu.memref_slice %arg4[%dma_start3A, %dma_start3A_27] : memref<10000x128xf32, #tpu.memory_space<hbm>> -> memref<10000x128xf32, #tpu.memory_space<hbm>>
    tpu.enqueue_indirect_dma source(%dma_start3A_28 : memref<10000x128xf32, #tpu.memory_space<hbm>>) target(%arg15 : memref<16x128xf32, #tpu.memory_space<vmem>>) offsets(%arg13 : memref<16xi32, #tpu.memory_space<vmem>>) semaphore(%arg12 : memref<!tpu.dma_semaphore, #tpu.memory_space<semaphore_mem>>)
    "tpu.region"() ({
      %run_scoped3A = tpu.sem_alloc : memref<!tpu.dma_semaphore, #tpu.memory_space<semaphore_mem>>
      %dma_start3A_47 = arith.constant 0 : i32
      %dma_start3A_48 = tpu.memref_slice %arg5[%multiple_of3A, %dma_start3A_47] : memref<320000x128xf32, #tpu.memory_space<hbm>> -> memref<16x128xf32, #tpu.memory_space<hbm>>
      %dma_start3A_49 = arith.constant 0 : i32
      %dma_start3A_50 = tpu.memref_slice %arg5[%multiple_of3A, %dma_start3A_49] : memref<320000x128xf32, #tpu.memory_space<hbm>> -> memref<16x128xf32, #tpu.memory_space<hbm>>
      tpu.enqueue_dma source(%dma_start3A_50 : memref<16x128xf32, #tpu.memory_space<hbm>>) target(%arg16 : memref<16x128xf32, #tpu.memory_space<vmem>>) target_semaphore(%run_scoped3A : memref<!tpu.dma_semaphore, #tpu.memory_space<semaphore_mem>>)
      %dma_wait3A_51 = arith.constant 0 : i32
      %dma_wait3A_52 = tpu.memref_slice %arg5[%multiple_of3A, %dma_wait3A_51] : memref<320000x128xf32, #tpu.memory_space<hbm>> -> memref<16x128xf32, #tpu.memory_space<hbm>>
      %dma_wait3A_53 = arith.constant 0 : i32
      %dma_wait3A_54 = tpu.memref_slice %arg5[%multiple_of3A, %dma_wait3A_53] : memref<320000x128xf32, #tpu.memory_space<hbm>> -> memref<16x128xf32, #tpu.memory_space<hbm>>
      tpu.wait_dma2 semaphore(%run_scoped3A : memref<!tpu.dma_semaphore, #tpu.memory_space<semaphore_mem>>) src(%dma_wait3A_54 : memref<16x128xf32, #tpu.memory_space<hbm>>) dst(%arg16 : memref<16x128xf32, #tpu.memory_space<vmem>>)
      tpu.yield
    }) : () -> ()
    %dma_wait3A = arith.constant 0 : i32
    %dma_wait3A_29 = arith.constant 0 : i32
    %dma_wait3A_30 = tpu.memref_slice %arg4[%dma_wait3A, %dma_wait3A_29] : memref<10000x128xf32, #tpu.memory_space<hbm>> -> memref<10000x128xf32, #tpu.memory_space<hbm>>
    tpu.wait_indirect_dma semaphore(%arg12 : memref<!tpu.dma_semaphore, #tpu.memory_space<semaphore_mem>>) src(%dma_wait3A_30 : memref<10000x128xf32, #tpu.memory_space<hbm>>) dst(%arg15 : memref<16x128xf32, #tpu.memory_space<vmem>>)
    %scan3A_31 = arith.constant 0 : i32
    %scan3A_32 = arith.constant 16 : i32
    %scan3A_33 = arith.addi %scan3A_31, %scan3A_32 : i32
    %scan3A_34 = arith.constant 1 : i32
    scf.for %scan3A_47 = %scan3A_31 to %scan3A_33 step %scan3A_34  : i32 {
      %mul3A_48 = arith.constant 1 : i32
      %mul3A_49 = arith.muli %scan3A_47, %mul3A_48 : i32
      %add3A_50 = arith.constant 0 : i32
      %add3A_51 = arith.addi %add3A_50, %mul3A_49 : i32
      %get3A = arith.index_cast %add3A_51 : i32 to index
      %get3A_52 = arith.constant 0 : index
      %get3A_53 = tpu.vector_load %arg15[%get3A, %get3A_52] {strides = array<i32>} : memref<16x128xf32, #tpu.memory_space<vmem>>, vector<1x16xf32>,
      %get3A_54 = vector.shape_cast %get3A_53 : vector<1x16xf32> to vector<16xf32>
      %get3A_55 = arith.index_cast %add3A_51 : i32 to index
      %get3A_56 = arith.constant 0 : index
      %get3A_57 = tpu.vector_load %arg16[%get3A_55, %get3A_56] {strides = array<i32>} : memref<16x128xf32, #tpu.memory_space<vmem>>, vector<1x16xf32>,
      %get3A_58 = vector.shape_cast %get3A_57 : vector<1x16xf32> to vector<16xf32>
      %add3A_59 = arith.addf %get3A_54, %get3A_58 : vector<16xf32>
      %max3A = arith.constant 0.000000e+00 : f32
      %max3A_60 = vector.broadcast %max3A : f32 to vector<16xf32>
      %max3A_61 = arith.maximumf %add3A_59, %max3A_60 : vector<16xf32>
      %swap3A = arith.index_cast %add3A_51 : i32 to index
      %swap3A_62 = arith.constant 0 : index
      %swap3A_63 = tpu.vector_load %arg15[%swap3A, %swap3A_62] {strides = array<i32>} : memref<16x128xf32, #tpu.memory_space<vmem>>, vector<1x16xf32>,
      %swap3A_64 = vector.shape_cast %swap3A_63 : vector<1x16xf32> to vector<16xf32>
      %swap3A_65 = vector.shape_cast %max3A_61 : vector<16xf32> to vector<1x16xf32>
      tpu.vector_store %arg15[%swap3A, %swap3A_62], %swap3A_65 {strides = array<i32>} : memref<16x128xf32, #tpu.memory_space<vmem>>, vector<1x16xf32>,
      %get3A_66 = arith.index_cast %add3A_51 : i32 to index
      %get3A_67 = arith.constant 16 : index
      %get3A_68 = tpu.vector_load %arg15[%get3A_66, %get3A_67] {strides = array<i32>} : memref<16x128xf32, #tpu.memory_space<vmem>>, vector<1x16xf32>,
      %get3A_69 = vector.shape_cast %get3A_68 : vector<1x16xf32> to vector<16xf32>
      %get3A_70 = arith.index_cast %add3A_51 : i32 to index
      %get3A_71 = arith.constant 16 : index
      %get3A_72 = tpu.vector_load %arg16[%get3A_70, %get3A_71] {strides = array<i32>} : memref<16x128xf32, #tpu.memory_space<vmem>>, vector<1x16xf32>,
      %get3A_73 = vector.shape_cast %get3A_72 : vector<1x16xf32> to vector<16xf32>
      %add3A_74 = arith.addf %get3A_69, %get3A_73 : vector<16xf32>
      %max3A_75 = arith.constant 0.000000e+00 : f32
      %max3A_76 = vector.broadcast %max3A_75 : f32 to vector<16xf32>
      %max3A_77 = arith.maximumf %add3A_74, %max3A_76 : vector<16xf32>
      %swap3A_78 = arith.index_cast %add3A_51 : i32 to index
      %swap3A_79 = arith.constant 16 : index
      %swap3A_80 = tpu.vector_load %arg15[%swap3A_78, %swap3A_79] {strides = array<i32>} : memref<16x128xf32, #tpu.memory_space<vmem>>, vector<1x16xf32>,
      %swap3A_81 = vector.shape_cast %swap3A_80 : vector<1x16xf32> to vector<16xf32>
      %swap3A_82 = vector.shape_cast %max3A_77 : vector<16xf32> to vector<1x16xf32>
      tpu.vector_store %arg15[%swap3A_78, %swap3A_79], %swap3A_82 {strides = array<i32>} : memref<16x128xf32, #tpu.memory_space<vmem>>, vector<1x16xf32>,
      %get3A_83 = arith.index_cast %add3A_51 : i32 to index
      %get3A_84 = arith.constant 32 : index
      %get3A_85 = tpu.vector_load %arg15[%get3A_83, %get3A_84] {strides = array<i32>} : memref<16x128xf32, #tpu.memory_space<vmem>>, vector<1x16xf32>,
      %get3A_86 = vector.shape_cast %get3A_85 : vector<1x16xf32> to vector<16xf32>
      %get3A_87 = arith.index_cast %add3A_51 : i32 to index
      %get3A_88 = arith.constant 32 : index
      %get3A_89 = tpu.vector_load %arg16[%get3A_87, %get3A_88] {strides = array<i32>} : memref<16x128xf32, #tpu.memory_space<vmem>>, vector<1x16xf32>,
      %get3A_90 = vector.shape_cast %get3A_89 : vector<1x16xf32> to vector<16xf32>
      %add3A_91 = arith.addf %get3A_86, %get3A_90 : vector<16xf32>
      %max3A_92 = arith.constant 0.000000e+00 : f32
      %max3A_93 = vector.broadcast %max3A_92 : f32 to vector<16xf32>
      %max3A_94 = arith.maximumf %add3A_91, %max3A_93 : vector<16xf32>
      %swap3A_95 = arith.index_cast %add3A_51 : i32 to index
      %swap3A_96 = arith.constant 32 : index
      %swap3A_97 = tpu.vector_load %arg15[%swap3A_95, %swap3A_96] {strides = array<i32>} : memref<16x128xf32, #tpu.memory_space<vmem>>, vector<1x16xf32>,
      %swap3A_98 = vector.shape_cast %swap3A_97 : vector<1x16xf32> to vector<16xf32>
      %swap3A_99 = vector.shape_cast %max3A_94 : vector<16xf32> to vector<1x16xf32>
      tpu.vector_store %arg15[%swap3A_95, %swap3A_96], %swap3A_99 {strides = array<i32>} : memref<16x128xf32, #tpu.memory_space<vmem>>, vector<1x16xf32>,
      %get3A_100 = arith.index_cast %add3A_51 : i32 to index
      %get3A_101 = arith.constant 48 : index
      %get3A_102 = tpu.vector_load %arg15[%get3A_100, %get3A_101] {strides = array<i32>} : memref<16x128xf32, #tpu.memory_space<vmem>>, vector<1x16xf32>,
      %get3A_103 = vector.shape_cast %get3A_102 : vector<1x16xf32> to vector<16xf32>
      %get3A_104 = arith.index_cast %add3A_51 : i32 to index
      %get3A_105 = arith.constant 48 : index
      %get3A_106 = tpu.vector_load %arg16[%get3A_104, %get3A_105] {strides = array<i32>} : memref<16x128xf32, #tpu.memory_space<vmem>>, vector<1x16xf32>,
      %get3A_107 = vector.shape_cast %get3A_106 : vector<1x16xf32> to vector<16xf32>
      %add3A_108 = arith.addf %get3A_103, %get3A_107 : vector<16xf32>
      %max3A_109 = arith.constant 0.000000e+00 : f32
      %max3A_110 = vector.broadcast %max3A_109 : f32 to vector<16xf32>
      %max3A_111 = arith.maximumf %add3A_108, %max3A_110 : vector<16xf32>
      %swap3A_112 = arith.index_cast %add3A_51 : i32 to index
      %swap3A_113 = arith.constant 48 : index
      %swap3A_114 = tpu.vector_load %arg15[%swap3A_112, %swap3A_113] {strides = array<i32>} : memref<16x128xf32, #tpu.memory_space<vmem>>, vector<1x16xf32>,
      %swap3A_115 = vector.shape_cast %swap3A_114 : vector<1x16xf32> to vector<16xf32>
      %swap3A_116 = vector.shape_cast %max3A_111 : vector<16xf32> to vector<1x16xf32>
      tpu.vector_store %arg15[%swap3A_112, %swap3A_113], %swap3A_116 {strides = array<i32>} : memref<16x128xf32, #tpu.memory_space<vmem>>, vector<1x16xf32>,
      %get3A_117 = arith.index_cast %add3A_51 : i32 to index
      %get3A_118 = arith.constant 64 : index
      %get3A_119 = tpu.vector_load %arg15[%get3A_117, %get3A_118] {strides = array<i32>} : memref<16x128xf32, #tpu.memory_space<vmem>>, vector<1x16xf32>,
      %get3A_120 = vector.shape_cast %get3A_119 : vector<1x16xf32> to vector<16xf32>
      %get3A_121 = arith.index_cast %add3A_51 : i32 to index
      %get3A_122 = arith.constant 64 : index
      %get3A_123 = tpu.vector_load %arg16[%get3A_121, %get3A_122] {strides = array<i32>} : memref<16x128xf32, #tpu.memory_space<vmem>>, vector<1x16xf32>,
      %get3A_124 = vector.shape_cast %get3A_123 : vector<1x16xf32> to vector<16xf32>
      %add3A_125 = arith.addf %get3A_120, %get3A_124 : vector<16xf32>
      %max3A_126 = arith.constant 0.000000e+00 : f32
      %max3A_127 = vector.broadcast %max3A_126 : f32 to vector<16xf32>
      %max3A_128 = arith.maximumf %add3A_125, %max3A_127 : vector<16xf32>
      %swap3A_129 = arith.index_cast %add3A_51 : i32 to index
      %swap3A_130 = arith.constant 64 : index
      %swap3A_131 = tpu.vector_load %arg15[%swap3A_129, %swap3A_130] {strides = array<i32>} : memref<16x128xf32, #tpu.memory_space<vmem>>, vector<1x16xf32>,
      %swap3A_132 = vector.shape_cast %swap3A_131 : vector<1x16xf32> to vector<16xf32>
      %swap3A_133 = vector.shape_cast %max3A_128 : vector<16xf32> to vector<1x16xf32>
      tpu.vector_store %arg15[%swap3A_129, %swap3A_130], %swap3A_133 {strides = array<i32>} : memref<16x128xf32, #tpu.memory_space<vmem>>, vector<1x16xf32>,
      %get3A_134 = arith.index_cast %add3A_51 : i32 to index
      %get3A_135 = arith.constant 80 : index
      %get3A_136 = tpu.vector_load %arg15[%get3A_134, %get3A_135] {strides = array<i32>} : memref<16x128xf32, #tpu.memory_space<vmem>>, vector<1x16xf32>,
      %get3A_137 = vector.shape_cast %get3A_136 : vector<1x16xf32> to vector<16xf32>
      %get3A_138 = arith.index_cast %add3A_51 : i32 to index
      %get3A_139 = arith.constant 80 : index
      %get3A_140 = tpu.vector_load %arg16[%get3A_138, %get3A_139] {strides = array<i32>} : memref<16x128xf32, #tpu.memory_space<vmem>>, vector<1x16xf32>,
      %get3A_141 = vector.shape_cast %get3A_140 : vector<1x16xf32> to vector<16xf32>
      %add3A_142 = arith.addf %get3A_137, %get3A_141 : vector<16xf32>
      %max3A_143 = arith.constant 0.000000e+00 : f32
      %max3A_144 = vector.broadcast %max3A_143 : f32 to vector<16xf32>
      %max3A_145 = arith.maximumf %add3A_142, %max3A_144 : vector<16xf32>
      %swap3A_146 = arith.index_cast %add3A_51 : i32 to index
      %swap3A_147 = arith.constant 80 : index
      %swap3A_148 = tpu.vector_load %arg15[%swap3A_146, %swap3A_147] {strides = array<i32>} : memref<16x128xf32, #tpu.memory_space<vmem>>, vector<1x16xf32>,
      %swap3A_149 = vector.shape_cast %swap3A_148 : vector<1x16xf32> to vector<16xf32>
      %swap3A_150 = vector.shape_cast %max3A_145 : vector<16xf32> to vector<1x16xf32>
      tpu.vector_store %arg15[%swap3A_146, %swap3A_147], %swap3A_150 {strides = array<i32>} : memref<16x128xf32, #tpu.memory_space<vmem>>, vector<1x16xf32>,
      %get3A_151 = arith.index_cast %add3A_51 : i32 to index
      %get3A_152 = arith.constant 96 : index
      %get3A_153 = tpu.vector_load %arg15[%get3A_151, %get3A_152] {strides = array<i32>} : memref<16x128xf32, #tpu.memory_space<vmem>>, vector<1x16xf32>,
      %get3A_154 = vector.shape_cast %get3A_153 : vector<1x16xf32> to vector<16xf32>
      %get3A_155 = arith.index_cast %add3A_51 : i32 to index
      %get3A_156 = arith.constant 96 : index
      %get3A_157 = tpu.vector_load %arg16[%get3A_155, %get3A_156] {strides = array<i32>} : memref<16x128xf32, #tpu.memory_space<vmem>>, vector<1x16xf32>,
      %get3A_158 = vector.shape_cast %get3A_157 : vector<1x16xf32> to vector<16xf32>
      %add3A_159 = arith.addf %get3A_154, %get3A_158 : vector<16xf32>
      %max3A_160 = arith.constant 0.000000e+00 : f32
      %max3A_161 = vector.broadcast %max3A_160 : f32 to vector<16xf32>
      %max3A_162 = arith.maximumf %add3A_159, %max3A_161 : vector<16xf32>
      %swap3A_163 = arith.index_cast %add3A_51 : i32 to index
      %swap3A_164 = arith.constant 96 : index
      %swap3A_165 = tpu.vector_load %arg15[%swap3A_163, %swap3A_164] {strides = array<i32>} : memref<16x128xf32, #tpu.memory_space<vmem>>, vector<1x16xf32>,
      %swap3A_166 = vector.shape_cast %swap3A_165 : vector<1x16xf32> to vector<16xf32>
      %swap3A_167 = vector.shape_cast %max3A_162 : vector<16xf32> to vector<1x16xf32>
      tpu.vector_store %arg15[%swap3A_163, %swap3A_164], %swap3A_167 {strides = array<i32>} : memref<16x128xf32, #tpu.memory_space<vmem>>, vector<1x16xf32>,
      %get3A_168 = arith.index_cast %add3A_51 : i32 to index
      %get3A_169 = arith.constant 112 : index
      %get3A_170 = tpu.vector_load %arg15[%get3A_168, %get3A_169] {strides = array<i32>} : memref<16x128xf32, #tpu.memory_space<vmem>>, vector<1x16xf32>,
      %get3A_171 = vector.shape_cast %get3A_170 : vector<1x16xf32> to vector<16xf32>
      %get3A_172 = arith.index_cast %add3A_51 : i32 to index
      %get3A_173 = arith.constant 112 : index
      %get3A_174 = tpu.vector_load %arg16[%get3A_172, %get3A_173] {strides = array<i32>} : memref<16x128xf32, #tpu.memory_space<vmem>>, vector<1x16xf32>,
      %get3A_175 = vector.shape_cast %get3A_174 : vector<1x16xf32> to vector<16xf32>
      %add3A_176 = arith.addf %get3A_171, %get3A_175 : vector<16xf32>
      %max3A_177 = arith.constant 0.000000e+00 : f32
      %max3A_178 = vector.broadcast %max3A_177 : f32 to vector<16xf32>
      %max3A_179 = arith.maximumf %add3A_176, %max3A_178 : vector<16xf32>
      %swap3A_180 = arith.index_cast %add3A_51 : i32 to index
      %swap3A_181 = arith.constant 112 : index
      %swap3A_182 = tpu.vector_load %arg15[%swap3A_180, %swap3A_181] {strides = array<i32>} : memref<16x128xf32, #tpu.memory_space<vmem>>, vector<1x16xf32>,
      %swap3A_183 = vector.shape_cast %swap3A_182 : vector<1x16xf32> to vector<16xf32>
      %swap3A_184 = vector.shape_cast %max3A_179 : vector<16xf32> to vector<1x16xf32>
      tpu.vector_store %arg15[%swap3A_180, %swap3A_181], %swap3A_184 {strides = array<i32>} : memref<16x128xf32, #tpu.memory_space<vmem>>, vector<1x16xf32>,
    }
    %scan3A_35 = arith.constant 16 : i32
    "tpu.region"() ({
      %run_scoped3A = tpu.sem_alloc : memref<!tpu.dma_semaphore, #tpu.memory_space<semaphore_mem>>
      %dma_start3A_47 = arith.constant 0 : i32
      %dma_start3A_48 = arith.constant 0 : i32
      %dma_start3A_49 = tpu.memref_slice %arg11[%dma_start3A_47, %dma_start3A_48] : memref<10240x128xf32, #tpu.memory_space<vmem_shared>> -> memref<10240x128xf32, #tpu.memory_space<vmem_shared>>
      tpu.enqueue_indirect_dma source(%arg15 : memref<16x128xf32, #tpu.memory_space<vmem>>) target(%dma_start3A_49 : memref<10240x128xf32, #tpu.memory_space<vmem_shared>>) offsets(%arg14 : memref<16xi32, #tpu.memory_space<vmem>>) semaphore(%run_scoped3A : memref<!tpu.dma_semaphore, #tpu.memory_space<semaphore_mem>>) {add = true}
      %dma_wait3A_50 = arith.constant 0 : i32
      %dma_wait3A_51 = arith.constant 0 : i32
      %dma_wait3A_52 = tpu.memref_slice %arg11[%dma_wait3A_50, %dma_wait3A_51] : memref<10240x128xf32, #tpu.memory_space<vmem_shared>> -> memref<10240x128xf32, #tpu.memory_space<vmem_shared>>
      tpu.wait_indirect_dma semaphore(%run_scoped3A : memref<!tpu.dma_semaphore, #tpu.memory_space<semaphore_mem>>) src(%arg15 : memref<16x128xf32, #tpu.memory_space<vmem>>) dst(%dma_wait3A_52 : memref<10240x128xf32, #tpu.memory_space<vmem_shared>>)
      tpu.yield
    }) : () -> ()
    %barrier3A_36 = arith.constant 0 : index
    tpu.barrier barrier_id(%barrier3A_36)
    %add3A_37 = arith.constant 0 : i32
    %add3A_38 = arith.addi %mul3A_7, %add3A_37 : i32
    "tpu.region"() ({
      %run_scoped3A = tpu.sem_alloc : memref<!tpu.dma_semaphore, #tpu.memory_space<semaphore_mem>>
      %dma_start3A_47 = arith.constant 0 : i32
      %dma_start3A_48 = tpu.memref_slice %arg6[%arg0, %add3A_38, %dma_start3A_47] : memref<2x10240x128xf32, #tpu.memory_space<hbm>> -> memref<1x128x128xf32, #tpu.memory_space<hbm>>
      %dma_start3A_49 = tpu.memref_squeeze %dma_start3A_48 : memref<1x128x128xf32, #tpu.memory_space<hbm>> -> memref<128x128xf32, #tpu.memory_space<hbm>>
      %dma_start3A_50 = arith.constant 0 : i32
      %dma_start3A_51 = tpu.memref_slice %arg11[%add3A_38, %dma_start3A_50] : memref<10240x128xf32, #tpu.memory_space<vmem_shared>> -> memref<128x128xf32, #tpu.memory_space<vmem_shared>>
      tpu.enqueue_dma source(%dma_start3A_51 : memref<128x128xf32, #tpu.memory_space<vmem_shared>>) target(%dma_start3A_49 : memref<128x128xf32, #tpu.memory_space<hbm>>) target_semaphore(%run_scoped3A : memref<!tpu.dma_semaphore, #tpu.memory_space<semaphore_mem>>)
      %dma_wait3A_52 = arith.constant 0 : i32
      %dma_wait3A_53 = tpu.memref_slice %arg6[%arg0, %add3A_38, %dma_wait3A_52] : memref<2x10240x128xf32, #tpu.memory_space<hbm>> -> memref<1x128x128xf32, #tpu.memory_space<hbm>>
      %dma_wait3A_54 = tpu.memref_squeeze %dma_wait3A_53 : memref<1x128x128xf32, #tpu.memory_space<hbm>> -> memref<128x128xf32, #tpu.memory_space<hbm>>
      %dma_wait3A_55 = arith.constant 0 : i32
      %dma_wait3A_56 = tpu.memref_slice %arg11[%add3A_38, %dma_wait3A_55] : memref<10240x128xf32, #tpu.memory_space<vmem_shared>> -> memref<128x128xf32, #tpu.memory_space<vmem_shared>>
      tpu.wait_dma2 semaphore(%run_scoped3A : memref<!tpu.dma_semaphore, #tpu.memory_space<semaphore_mem>>) src(%dma_wait3A_56 : memref<128x128xf32, #tpu.memory_space<vmem_shared>>) dst(%dma_wait3A_54 : memref<128x128xf32, #tpu.memory_space<hbm>>)
      tpu.yield
    }) : () -> ()
    %add3A_39 = arith.constant 128 : i32
    %add3A_40 = arith.addi %mul3A_7, %add3A_39 : i32
    "tpu.region"() ({
      %run_scoped3A = tpu.sem_alloc : memref<!tpu.dma_semaphore, #tpu.memory_space<semaphore_mem>>
      %dma_start3A_47 = arith.constant 0 : i32
      %dma_start3A_48 = tpu.memref_slice %arg6[%arg0, %add3A_40, %dma_start3A_47] : memref<2x10240x128xf32, #tpu.memory_space<hbm>> -> memref<1x128x128xf32, #tpu.memory_space<hbm>>
      %dma_start3A_49 = tpu.memref_squeeze %dma_start3A_48 : memref<1x128x128xf32, #tpu.memory_space<hbm>> -> memref<128x128xf32, #tpu.memory_space<hbm>>
      %dma_start3A_50 = arith.constant 0 : i32
      %dma_start3A_51 = tpu.memref_slice %arg11[%add3A_40, %dma_start3A_50] : memref<10240x128xf32, #tpu.memory_space<vmem_shared>> -> memref<128x128xf32, #tpu.memory_space<vmem_shared>>
      tpu.enqueue_dma source(%dma_start3A_51 : memref<128x128xf32, #tpu.memory_space<vmem_shared>>) target(%dma_start3A_49 : memref<128x128xf32, #tpu.memory_space<hbm>>) target_semaphore(%run_scoped3A : memref<!tpu.dma_semaphore, #tpu.memory_space<semaphore_mem>>)
      %dma_wait3A_52 = arith.constant 0 : i32
      %dma_wait3A_53 = tpu.memref_slice %arg6[%arg0, %add3A_40, %dma_wait3A_52] : memref<2x10240x128xf32, #tpu.memory_space<hbm>> -> memref<1x128x128xf32, #tpu.memory_space<hbm>>
      %dma_wait3A_54 = tpu.memref_squeeze %dma_wait3A_53 : memref<1x128x128xf32, #tpu.memory_space<hbm>> -> memref<128x128xf32, #tpu.memory_space<hbm>>
      %dma_wait3A_55 = arith.constant 0 : i32
      %dma_wait3A_56 = tpu.memref_slice %arg11[%add3A_40, %dma_wait3A_55] : memref<10240x128xf32, #tpu.memory_space<vmem_shared>> -> memref<128x128xf32, #tpu.memory_space<vmem_shared>>
      tpu.wait_dma2 semaphore(%run_scoped3A : memref<!tpu.dma_semaphore, #tpu.memory_space<semaphore_mem>>) src(%dma_wait3A_56 : memref<128x128xf32, #tpu.memory_space<vmem_shared>>) dst(%dma_wait3A_54 : memref<128x128xf32, #tpu.memory_space<hbm>>)
      tpu.yield
    }) : () -> ()
    %add3A_41 = arith.constant 256 : i32
    %add3A_42 = arith.addi %mul3A_7, %add3A_41 : i32
    "tpu.region"() ({
      %run_scoped3A = tpu.sem_alloc : memref<!tpu.dma_semaphore, #tpu.memory_space<semaphore_mem>>
      %dma_start3A_47 = arith.constant 0 : i32
      %dma_start3A_48 = tpu.memref_slice %arg6[%arg0, %add3A_42, %dma_start3A_47] : memref<2x10240x128xf32, #tpu.memory_space<hbm>> -> memref<1x128x128xf32, #tpu.memory_space<hbm>>
      %dma_start3A_49 = tpu.memref_squeeze %dma_start3A_48 : memref<1x128x128xf32, #tpu.memory_space<hbm>> -> memref<128x128xf32, #tpu.memory_space<hbm>>
      %dma_start3A_50 = arith.constant 0 : i32
      %dma_start3A_51 = tpu.memref_slice %arg11[%add3A_42, %dma_start3A_50] : memref<10240x128xf32, #tpu.memory_space<vmem_shared>> -> memref<128x128xf32, #tpu.memory_space<vmem_shared>>
      tpu.enqueue_dma source(%dma_start3A_51 : memref<128x128xf32, #tpu.memory_space<vmem_shared>>) target(%dma_start3A_49 : memref<128x128xf32, #tpu.memory_space<hbm>>) target_semaphore(%run_scoped3A : memref<!tpu.dma_semaphore, #tpu.memory_space<semaphore_mem>>)
      %dma_wait3A_52 = arith.constant 0 : i32
      %dma_wait3A_53 = tpu.memref_slice %arg6[%arg0, %add3A_42, %dma_wait3A_52] : memref<2x10240x128xf32, #tpu.memory_space<hbm>> -> memref<1x128x128xf32, #tpu.memory_space<hbm>>
      %dma_wait3A_54 = tpu.memref_squeeze %dma_wait3A_53 : memref<1x128x128xf32, #tpu.memory_space<hbm>> -> memref<128x128xf32, #tpu.memory_space<hbm>>
      %dma_wait3A_55 = arith.constant 0 : i32
      %dma_wait3A_56 = tpu.memref_slice %arg11[%add3A_42, %dma_wait3A_55] : memref<10240x128xf32, #tpu.memory_space<vmem_shared>> -> memref<128x128xf32, #tpu.memory_space<vmem_shared>>
      tpu.wait_dma2 semaphore(%run_scoped3A : memref<!tpu.dma_semaphore, #tpu.memory_space<semaphore_mem>>) src(%dma_wait3A_56 : memref<128x128xf32, #tpu.memory_space<vmem_shared>>) dst(%dma_wait3A_54 : memref<128x128xf32, #tpu.memory_space<hbm>>)
      tpu.yield
    }) : () -> ()
    %add3A_43 = arith.constant 384 : i32
    %add3A_44 = arith.addi %mul3A_7, %add3A_43 : i32
    "tpu.region"() ({
      %run_scoped3A = tpu.sem_alloc : memref<!tpu.dma_semaphore, #tpu.memory_space<semaphore_mem>>
      %dma_start3A_47 = arith.constant 0 : i32
      %dma_start3A_48 = tpu.memref_slice %arg6[%arg0, %add3A_44, %dma_start3A_47] : memref<2x10240x128xf32, #tpu.memory_space<hbm>> -> memref<1x128x128xf32, #tpu.memory_space<hbm>>
      %dma_start3A_49 = tpu.memref_squeeze %dma_start3A_48 : memref<1x128x128xf32, #tpu.memory_space<hbm>> -> memref<128x128xf32, #tpu.memory_space<hbm>>
      %dma_start3A_50 = arith.constant 0 : i32
      %dma_start3A_51 = tpu.memref_slice %arg11[%add3A_44, %dma_start3A_50] : memref<10240x128xf32, #tpu.memory_space<vmem_shared>> -> memref<128x128xf32, #tpu.memory_space<vmem_shared>>
      tpu.enqueue_dma source(%dma_start3A_51 : memref<128x128xf32, #tpu.memory_space<vmem_shared>>) target(%dma_start3A_49 : memref<128x128xf32, #tpu.memory_space<hbm>>) target_semaphore(%run_scoped3A : memref<!tpu.dma_semaphore, #tpu.memory_space<semaphore_mem>>)
      %dma_wait3A_52 = arith.constant 0 : i32
      %dma_wait3A_53 = tpu.memref_slice %arg6[%arg0, %add3A_44, %dma_wait3A_52] : memref<2x10240x128xf32, #tpu.memory_space<hbm>> -> memref<1x128x128xf32, #tpu.memory_space<hbm>>
      %dma_wait3A_54 = tpu.memref_squeeze %dma_wait3A_53 : memref<1x128x128xf32, #tpu.memory_space<hbm>> -> memref<128x128xf32, #tpu.memory_space<hbm>>
      %dma_wait3A_55 = arith.constant 0 : i32
      %dma_wait3A_56 = tpu.memref_slice %arg11[%add3A_44, %dma_wait3A_55] : memref<10240x128xf32, #tpu.memory_space<vmem_shared>> -> memref<128x128xf32, #tpu.memory_space<vmem_shared>>
      tpu.wait_dma2 semaphore(%run_scoped3A : memref<!tpu.dma_semaphore, #tpu.memory_space<semaphore_mem>>) src(%dma_wait3A_56 : memref<128x128xf32, #tpu.memory_space<vmem_shared>>) dst(%dma_wait3A_54 : memref<128x128xf32, #tpu.memory_space<hbm>>)
      tpu.yield
    }) : () -> ()
    %add3A_45 = arith.constant 512 : i32
    %add3A_46 = arith.addi %mul3A_7, %add3A_45 : i32
    "tpu.region"() ({
      %run_scoped3A = tpu.sem_alloc : memref<!tpu.dma_semaphore, #tpu.memory_space<semaphore_mem>>
      %dma_start3A_47 = arith.constant 0 : i32
      %dma_start3A_48 = tpu.memref_slice %arg6[%arg0, %add3A_46, %dma_start3A_47] : memref<2x10240x128xf32, #tpu.memory_space<hbm>> -> memref<1x128x128xf32, #tpu.memory_space<hbm>>
      %dma_start3A_49 = tpu.memref_squeeze %dma_start3A_48 : memref<1x128x128xf32, #tpu.memory_space<hbm>> -> memref<128x128xf32, #tpu.memory_space<hbm>>
      %dma_start3A_50 = arith.constant 0 : i32
      %dma_start3A_51 = tpu.memref_slice %arg11[%add3A_46, %dma_start3A_50] : memref<10240x128xf32, #tpu.memory_space<vmem_shared>> -> memref<128x128xf32, #tpu.memory_space<vmem_shared>>
      tpu.enqueue_dma source(%dma_start3A_51 : memref<128x128xf32, #tpu.memory_space<vmem_shared>>) target(%dma_start3A_49 : memref<128x128xf32, #tpu.memory_space<hbm>>) target_semaphore(%run_scoped3A : memref<!tpu.dma_semaphore, #tpu.memory_space<semaphore_mem>>)
      %dma_wait3A_52 = arith.constant 0 : i32
      %dma_wait3A_53 = tpu.memref_slice %arg6[%arg0, %add3A_46, %dma_wait3A_52] : memref<2x10240x128xf32, #tpu.memory_space<hbm>> -> memref<1x128x128xf32, #tpu.memory_space<hbm>>
      %dma_wait3A_54 = tpu.memref_squeeze %dma_wait3A_53 : memref<1x128x128xf32, #tpu.memory_space<hbm>> -> memref<128x128xf32, #tpu.memory_space<hbm>>
      %dma_wait3A_55 = arith.constant 0 : i32
      %dma_wait3A_56 = tpu.memref_slice %arg11[%add3A_46, %dma_wait3A_55] : memref<10240x128xf32, #tpu.memory_space<vmem_shared>> -> memref<128x128xf32, #tpu.memory_space<vmem_shared>>
      tpu.wait_dma2 semaphore(%run_scoped3A : memref<!tpu.dma_semaphore, #tpu.memory_space<semaphore_mem>>) src(%dma_wait3A_56 : memref<128x128xf32, #tpu.memory_space<vmem_shared>>) dst(%dma_wait3A_54 : memref<128x128xf32, #tpu.memory_space<hbm>>)
      tpu.yield
    }) : () -> ()
    return
  }
}

#map = affine_map<(d0, d1) -> (0)>
#map1 = affine_map<(d0, d1) -> (0, 0)>
#map2 = affine_map<(d0, d1) -> (0, 0, 0)>
module attributes {stable_mosaic.version = 14 : i64} {
  func.func @k(%arg0: i32, %arg1: i32, %arg2: memref<320000xi32, #tpu.memory_space<hbm>>, %arg3: memref<320000xi32, #tpu.memory_space<hbm>>, %arg4: memref<10000x128xf32, #tpu.memory_space<hbm>>, %arg5: memref<320000x128xf32, #tpu.memory_space<hbm>>, %arg6: memref<2x10240x128xf32, #tpu.memory_space<hbm>>, %arg7: memref<128xi32, #tpu.memory_space<vmem>>, %arg8: memref<128xi32, #tpu.memory_space<vmem>>, %arg9: memref<128x128xf32, #tpu.memory_space<vmem>>, %arg10: memref<128x128xf32, #tpu.memory_space<vmem>>, %arg11: memref<10240x128xf32, #tpu.memory_space<vmem_shared>>, %arg12: memref<!tpu.dma_semaphore, #tpu.memory_space<semaphore_mem>>, %arg13: memref<16xi32, #tpu.memory_space<vmem>>, %arg14: memref<16xi32, #tpu.memory_space<vmem>>, %arg15: memref<16x128xf32, #tpu.memory_space<vmem>>, %arg16: memref<16x128xf32, #tpu.memory_space<vmem>>) attributes {dimension_semantics = [#tpu.dimension_semantics<core_parallel>, #tpu.dimension_semantics<subcore_parallel>], iteration_bounds = array<i64: 2, 16>, scalar_prefetch = 0 : i64, scratch_operands = 10 : i64, tpu.core_type = #tpu.core_type<sc_vector_subcore>, window_params = [{transform_indices = #map}, {transform_indices = #map}, {transform_indices = #map1}, {transform_indices = #map1}, {transform_indices = #map2}]} {
    %mul3A = arith.constant 16 : i32
    %mul3A_0 = arith.muli %arg0, %mul3A : i32
    %add3A = arith.addi %mul3A_0, %arg1 : i32
    %broadcast_in_dim3A = arith.constant 0.000000e+00 : f32
    %broadcast_in_dim3A_1 = vector.broadcast %broadcast_in_dim3A : f32 to vector<16xf32>
    %scan3A = arith.constant 0 : i32
    %scan3A_2 = arith.constant 128 : i32
    %scan3A_3 = arith.addi %scan3A, %scan3A_2 : i32
    %scan3A_4 = arith.constant 1 : i32
    scf.for %scan3A_47 = %scan3A to %scan3A_3 step %scan3A_4  : i32 {
      %mul3A_48 = arith.constant 1 : i32
      %mul3A_49 = arith.muli %scan3A_47, %mul3A_48 : i32
      %add3A_50 = arith.constant 0 : i32
      %add3A_51 = arith.addi %add3A_50, %mul3A_49 : i32
      %swap3A = arith.index_cast %add3A_51 : i32 to index
      %swap3A_52 = arith.constant 0 : index
      %swap3A_53 = tpu.vector_load %arg9[%swap3A, %swap3A_52] {strides = array<i32>} : memref<128x128xf32, #tpu.memory_space<vmem>>, vector<1x16xf32>,
      %swap3A_54 = vector.shape_cast %swap3A_53 : vector<1x16xf32> to vector<16xf32>
      %swap3A_55 = vector.shape_cast %broadcast_in_dim3A_1 : vector<16xf32> to vector<1x16xf32>
      tpu.vector_store %arg9[%swap3A, %swap3A_52], %swap3A_55 {strides = array<i32>} : memref<128x128xf32, #tpu.memory_space<vmem>>, vector<1x16xf32>,
      %swap3A_56 = arith.index_cast %add3A_51 : i32 to index
      %swap3A_57 = arith.constant 16 : index
      %swap3A_58 = tpu.vector_load %arg9[%swap3A_56, %swap3A_57] {strides = array<i32>} : memref<128x128xf32, #tpu.memory_space<vmem>>, vector<1x16xf32>,
      %swap3A_59 = vector.shape_cast %swap3A_58 : vector<1x16xf32> to vector<16xf32>
      %swap3A_60 = vector.shape_cast %broadcast_in_dim3A_1 : vector<16xf32> to vector<1x16xf32>
      tpu.vector_store %arg9[%swap3A_56, %swap3A_57], %swap3A_60 {strides = array<i32>} : memref<128x128xf32, #tpu.memory_space<vmem>>, vector<1x16xf32>,
      %swap3A_61 = arith.index_cast %add3A_51 : i32 to index
      %swap3A_62 = arith.constant 32 : index
      %swap3A_63 = tpu.vector_load %arg9[%swap3A_61, %swap3A_62] {strides = array<i32>} : memref<128x128xf32, #tpu.memory_space<vmem>>, vector<1x16xf32>,
      %swap3A_64 = vector.shape_cast %swap3A_63 : vector<1x16xf32> to vector<16xf32>
      %swap3A_65 = vector.shape_cast %broadcast_in_dim3A_1 : vector<16xf32> to vector<1x16xf32>
      tpu.vector_store %arg9[%swap3A_61, %swap3A_62], %swap3A_65 {strides = array<i32>} : memref<128x128xf32, #tpu.memory_space<vmem>>, vector<1x16xf32>,
      %swap3A_66 = arith.index_cast %add3A_51 : i32 to index
      %swap3A_67 = arith.constant 48 : index
      %swap3A_68 = tpu.vector_load %arg9[%swap3A_66, %swap3A_67] {strides = array<i32>} : memref<128x128xf32, #tpu.memory_space<vmem>>, vector<1x16xf32>,
      %swap3A_69 = vector.shape_cast %swap3A_68 : vector<1x16xf32> to vector<16xf32>
      %swap3A_70 = vector.shape_cast %broadcast_in_dim3A_1 : vector<16xf32> to vector<1x16xf32>
      tpu.vector_store %arg9[%swap3A_66, %swap3A_67], %swap3A_70 {strides = array<i32>} : memref<128x128xf32, #tpu.memory_space<vmem>>, vector<1x16xf32>,
      %swap3A_71 = arith.index_cast %add3A_51 : i32 to index
      %swap3A_72 = arith.constant 64 : index
      %swap3A_73 = tpu.vector_load %arg9[%swap3A_71, %swap3A_72] {strides = array<i32>} : memref<128x128xf32, #tpu.memory_space<vmem>>, vector<1x16xf32>,
      %swap3A_74 = vector.shape_cast %swap3A_73 : vector<1x16xf32> to vector<16xf32>
      %swap3A_75 = vector.shape_cast %broadcast_in_dim3A_1 : vector<16xf32> to vector<1x16xf32>
      tpu.vector_store %arg9[%swap3A_71, %swap3A_72], %swap3A_75 {strides = array<i32>} : memref<128x128xf32, #tpu.memory_space<vmem>>, vector<1x16xf32>,
      %swap3A_76 = arith.index_cast %add3A_51 : i32 to index
      %swap3A_77 = arith.constant 80 : index
      %swap3A_78 = tpu.vector_load %arg9[%swap3A_76, %swap3A_77] {strides = array<i32>} : memref<128x128xf32, #tpu.memory_space<vmem>>, vector<1x16xf32>,
      %swap3A_79 = vector.shape_cast %swap3A_78 : vector<1x16xf32> to vector<16xf32>
      %swap3A_80 = vector.shape_cast %broadcast_in_dim3A_1 : vector<16xf32> to vector<1x16xf32>
      tpu.vector_store %arg9[%swap3A_76, %swap3A_77], %swap3A_80 {strides = array<i32>} : memref<128x128xf32, #tpu.memory_space<vmem>>, vector<1x16xf32>,
      %swap3A_81 = arith.index_cast %add3A_51 : i32 to index
      %swap3A_82 = arith.constant 96 : index
      %swap3A_83 = tpu.vector_load %arg9[%swap3A_81, %swap3A_82] {strides = array<i32>} : memref<128x128xf32, #tpu.memory_space<vmem>>, vector<1x16xf32>,
      %swap3A_84 = vector.shape_cast %swap3A_83 : vector<1x16xf32> to vector<16xf32>
      %swap3A_85 = vector.shape_cast %broadcast_in_dim3A_1 : vector<16xf32> to vector<1x16xf32>
      tpu.vector_store %arg9[%swap3A_81, %swap3A_82], %swap3A_85 {strides = array<i32>} : memref<128x128xf32, #tpu.memory_space<vmem>>, vector<1x16xf32>,
      %swap3A_86 = arith.index_cast %add3A_51 : i32 to index
      %swap3A_87 = arith.constant 112 : index
      %swap3A_88 = tpu.vector_load %arg9[%swap3A_86, %swap3A_87] {strides = array<i32>} : memref<128x128xf32, #tpu.memory_space<vmem>>, vector<1x16xf32>,
      %swap3A_89 = vector.shape_cast %swap3A_88 : vector<1x16xf32> to vector<16xf32>
      %swap3A_90 = vector.shape_cast %broadcast_in_dim3A_1 : vector<16xf32> to vector<1x16xf32>
      tpu.vector_store %arg9[%swap3A_86, %swap3A_87], %swap3A_90 {strides = array<i32>} : memref<128x128xf32, #tpu.memory_space<vmem>>, vector<1x16xf32>,
    }
    %scan3A_5 = arith.constant 128 : i32
    %mul3A_6 = arith.constant 640 : i32
    %mul3A_7 = arith.muli %arg1, %mul3A_6 : i32
    %add3A_8 = arith.constant 0 : i32
    %add3A_9 = arith.addi %mul3A_7, %add3A_8 : i32
    "tpu.region"() ({
      %run_scoped3A = tpu.sem_alloc : memref<!tpu.dma_semaphore, #tpu.memory_space<semaphore_mem>>
      %dma_start3A_47 = arith.constant 0 : i32
      %dma_start3A_48 = tpu.memref_slice %arg11[%add3A_9, %dma_start3A_47] : memref<10240x128xf32, #tpu.memory_space<vmem_shared>> -> memref<128x128xf32, #tpu.memory_space<vmem_shared>>
      %dma_start3A_49 = arith.constant 0 : i32
      %dma_start3A_50 = tpu.memref_slice %arg11[%add3A_9, %dma_start3A_49] : memref<10240x128xf32, #tpu.memory_space<vmem_shared>> -> memref<128x128xf32, #tpu.memory_space<vmem_shared>>
      tpu.enqueue_dma source(%arg9 : memref<128x128xf32, #tpu.memory_space<vmem>>) target(%dma_start3A_50 : memref<128x128xf32, #tpu.memory_space<vmem_shared>>) target_semaphore(%run_scoped3A : memref<!tpu.dma_semaphore, #tpu.memory_space<semaphore_mem>>)
      %dma_wait3A_51 = arith.constant 0 : i32
      %dma_wait3A_52 = tpu.memref_slice %arg11[%add3A_9, %dma_wait3A_51] : memref<10240x128xf32, #tpu.memory_space<vmem_shared>> -> memref<128x128xf32, #tpu.memory_space<vmem_shared>>
      %dma_wait3A_53 = arith.constant 0 : i32
      %dma_wait3A_54 = tpu.memref_slice %arg11[%add3A_9, %dma_wait3A_53] : memref<10240x128xf32, #tpu.memory_space<vmem_shared>> -> memref<128x128xf32, #tpu.memory_space<vmem_shared>>
      tpu.wait_dma2 semaphore(%run_scoped3A : memref<!tpu.dma_semaphore, #tpu.memory_space<semaphore_mem>>) src(%arg9 : memref<128x128xf32, #tpu.memory_space<vmem>>) dst(%dma_wait3A_54 : memref<128x128xf32, #tpu.memory_space<vmem_shared>>)
      tpu.yield
    }) : () -> ()
    %add3A_10 = arith.constant 128 : i32
    %add3A_11 = arith.addi %mul3A_7, %add3A_10 : i32
    "tpu.region"() ({
      %run_scoped3A = tpu.sem_alloc : memref<!tpu.dma_semaphore, #tpu.memory_space<semaphore_mem>>
      %dma_start3A_47 = arith.constant 0 : i32
      %dma_start3A_48 = tpu.memref_slice %arg11[%add3A_11, %dma_start3A_47] : memref<10240x128xf32, #tpu.memory_space<vmem_shared>> -> memref<128x128xf32, #tpu.memory_space<vmem_shared>>
      %dma_start3A_49 = arith.constant 0 : i32
      %dma_start3A_50 = tpu.memref_slice %arg11[%add3A_11, %dma_start3A_49] : memref<10240x128xf32, #tpu.memory_space<vmem_shared>> -> memref<128x128xf32, #tpu.memory_space<vmem_shared>>
      tpu.enqueue_dma source(%arg9 : memref<128x128xf32, #tpu.memory_space<vmem>>) target(%dma_start3A_50 : memref<128x128xf32, #tpu.memory_space<vmem_shared>>) target_semaphore(%run_scoped3A : memref<!tpu.dma_semaphore, #tpu.memory_space<semaphore_mem>>)
      %dma_wait3A_51 = arith.constant 0 : i32
      %dma_wait3A_52 = tpu.memref_slice %arg11[%add3A_11, %dma_wait3A_51] : memref<10240x128xf32, #tpu.memory_space<vmem_shared>> -> memref<128x128xf32, #tpu.memory_space<vmem_shared>>
      %dma_wait3A_53 = arith.constant 0 : i32
      %dma_wait3A_54 = tpu.memref_slice %arg11[%add3A_11, %dma_wait3A_53] : memref<10240x128xf32, #tpu.memory_space<vmem_shared>> -> memref<128x128xf32, #tpu.memory_space<vmem_shared>>
      tpu.wait_dma2 semaphore(%run_scoped3A : memref<!tpu.dma_semaphore, #tpu.memory_space<semaphore_mem>>) src(%arg9 : memref<128x128xf32, #tpu.memory_space<vmem>>) dst(%dma_wait3A_54 : memref<128x128xf32, #tpu.memory_space<vmem_shared>>)
      tpu.yield
    }) : () -> ()
    %add3A_12 = arith.constant 256 : i32
    %add3A_13 = arith.addi %mul3A_7, %add3A_12 : i32
    "tpu.region"() ({
      %run_scoped3A = tpu.sem_alloc : memref<!tpu.dma_semaphore, #tpu.memory_space<semaphore_mem>>
      %dma_start3A_47 = arith.constant 0 : i32
      %dma_start3A_48 = tpu.memref_slice %arg11[%add3A_13, %dma_start3A_47] : memref<10240x128xf32, #tpu.memory_space<vmem_shared>> -> memref<128x128xf32, #tpu.memory_space<vmem_shared>>
      %dma_start3A_49 = arith.constant 0 : i32
      %dma_start3A_50 = tpu.memref_slice %arg11[%add3A_13, %dma_start3A_49] : memref<10240x128xf32, #tpu.memory_space<vmem_shared>> -> memref<128x128xf32, #tpu.memory_space<vmem_shared>>
      tpu.enqueue_dma source(%arg9 : memref<128x128xf32, #tpu.memory_space<vmem>>) target(%dma_start3A_50 : memref<128x128xf32, #tpu.memory_space<vmem_shared>>) target_semaphore(%run_scoped3A : memref<!tpu.dma_semaphore, #tpu.memory_space<semaphore_mem>>)
      %dma_wait3A_51 = arith.constant 0 : i32
      %dma_wait3A_52 = tpu.memref_slice %arg11[%add3A_13, %dma_wait3A_51] : memref<10240x128xf32, #tpu.memory_space<vmem_shared>> -> memref<128x128xf32, #tpu.memory_space<vmem_shared>>
      %dma_wait3A_53 = arith.constant 0 : i32
      %dma_wait3A_54 = tpu.memref_slice %arg11[%add3A_13, %dma_wait3A_53] : memref<10240x128xf32, #tpu.memory_space<vmem_shared>> -> memref<128x128xf32, #tpu.memory_space<vmem_shared>>
      tpu.wait_dma2 semaphore(%run_scoped3A : memref<!tpu.dma_semaphore, #tpu.memory_space<semaphore_mem>>) src(%arg9 : memref<128x128xf32, #tpu.memory_space<vmem>>) dst(%dma_wait3A_54 : memref<128x128xf32, #tpu.memory_space<vmem_shared>>)
      tpu.yield
    }) : () -> ()
    %add3A_14 = arith.constant 384 : i32
    %add3A_15 = arith.addi %mul3A_7, %add3A_14 : i32
    "tpu.region"() ({
      %run_scoped3A = tpu.sem_alloc : memref<!tpu.dma_semaphore, #tpu.memory_space<semaphore_mem>>
      %dma_start3A_47 = arith.constant 0 : i32
      %dma_start3A_48 = tpu.memref_slice %arg11[%add3A_15, %dma_start3A_47] : memref<10240x128xf32, #tpu.memory_space<vmem_shared>> -> memref<128x128xf32, #tpu.memory_space<vmem_shared>>
      %dma_start3A_49 = arith.constant 0 : i32
      %dma_start3A_50 = tpu.memref_slice %arg11[%add3A_15, %dma_start3A_49] : memref<10240x128xf32, #tpu.memory_space<vmem_shared>> -> memref<128x128xf32, #tpu.memory_space<vmem_shared>>
      tpu.enqueue_dma source(%arg9 : memref<128x128xf32, #tpu.memory_space<vmem>>) target(%dma_start3A_50 : memref<128x128xf32, #tpu.memory_space<vmem_shared>>) target_semaphore(%run_scoped3A : memref<!tpu.dma_semaphore, #tpu.memory_space<semaphore_mem>>)
      %dma_wait3A_51 = arith.constant 0 : i32
      %dma_wait3A_52 = tpu.memref_slice %arg11[%add3A_15, %dma_wait3A_51] : memref<10240x128xf32, #tpu.memory_space<vmem_shared>> -> memref<128x128xf32, #tpu.memory_space<vmem_shared>>
      %dma_wait3A_53 = arith.constant 0 : i32
      %dma_wait3A_54 = tpu.memref_slice %arg11[%add3A_15, %dma_wait3A_53] : memref<10240x128xf32, #tpu.memory_space<vmem_shared>> -> memref<128x128xf32, #tpu.memory_space<vmem_shared>>
      tpu.wait_dma2 semaphore(%run_scoped3A : memref<!tpu.dma_semaphore, #tpu.memory_space<semaphore_mem>>) src(%arg9 : memref<128x128xf32, #tpu.memory_space<vmem>>) dst(%dma_wait3A_54 : memref<128x128xf32, #tpu.memory_space<vmem_shared>>)
      tpu.yield
    }) : () -> ()
    %add3A_16 = arith.constant 512 : i32
    %add3A_17 = arith.addi %mul3A_7, %add3A_16 : i32
    "tpu.region"() ({
      %run_scoped3A = tpu.sem_alloc : memref<!tpu.dma_semaphore, #tpu.memory_space<semaphore_mem>>
      %dma_start3A_47 = arith.constant 0 : i32
      %dma_start3A_48 = tpu.memref_slice %arg11[%add3A_17, %dma_start3A_47] : memref<10240x128xf32, #tpu.memory_space<vmem_shared>> -> memref<128x128xf32, #tpu.memory_space<vmem_shared>>
      %dma_start3A_49 = arith.constant 0 : i32
      %dma_start3A_50 = tpu.memref_slice %arg11[%add3A_17, %dma_start3A_49] : memref<10240x128xf32, #tpu.memory_space<vmem_shared>> -> memref<128x128xf32, #tpu.memory_space<vmem_shared>>
      tpu.enqueue_dma source(%arg9 : memref<128x128xf32, #tpu.memory_space<vmem>>) target(%dma_start3A_50 : memref<128x128xf32, #tpu.memory_space<vmem_shared>>) target_semaphore(%run_scoped3A : memref<!tpu.dma_semaphore, #tpu.memory_space<semaphore_mem>>)
      %dma_wait3A_51 = arith.constant 0 : i32
      %dma_wait3A_52 = tpu.memref_slice %arg11[%add3A_17, %dma_wait3A_51] : memref<10240x128xf32, #tpu.memory_space<vmem_shared>> -> memref<128x128xf32, #tpu.memory_space<vmem_shared>>
      %dma_wait3A_53 = arith.constant 0 : i32
      %dma_wait3A_54 = tpu.memref_slice %arg11[%add3A_17, %dma_wait3A_53] : memref<10240x128xf32, #tpu.memory_space<vmem_shared>> -> memref<128x128xf32, #tpu.memory_space<vmem_shared>>
      tpu.wait_dma2 semaphore(%run_scoped3A : memref<!tpu.dma_semaphore, #tpu.memory_space<semaphore_mem>>) src(%arg9 : memref<128x128xf32, #tpu.memory_space<vmem>>) dst(%dma_wait3A_54 : memref<128x128xf32, #tpu.memory_space<vmem_shared>>)
      tpu.yield
    }) : () -> ()
    %barrier3A = arith.constant 0 : index
    tpu.barrier barrier_id(%barrier3A)
    %mul3A_18 = arith.constant 10000 : i32
    %mul3A_19 = arith.muli %add3A, %mul3A_18 : i32
    %scan3A_20 = arith.constant 0 : i32
    %scan3A_21 = arith.constant 78 : i32
    %scan3A_22 = arith.addi %scan3A_20, %scan3A_21 : i32
    %scan3A_23 = arith.constant 1 : i32
    scf.for %scan3A_47 = %scan3A_20 to %scan3A_22 step %scan3A_23  : i32 {
      %mul3A_48 = arith.constant 1 : i32
      %mul3A_49 = arith.muli %scan3A_47, %mul3A_48 : i32
      %add3A_50 = arith.constant 0 : i32
      %add3A_51 = arith.addi %add3A_50, %mul3A_49 : i32
      %mul3A_52 = arith.constant 128 : i32
      %mul3A_53 = arith.muli %add3A_51, %mul3A_52 : i32
      %add3A_54 = arith.addi %mul3A_19, %mul3A_53 : i32
      %multiple_of3A_55 = tpu.assume_multiple %add3A_54, 8 : i32
      "tpu.region"() ({
        %run_scoped3A = tpu.sem_alloc : memref<!tpu.dma_semaphore, #tpu.memory_space<semaphore_mem>>
        %dma_start3A_67 = tpu.memref_slice %arg2[%multiple_of3A_55] : memref<320000xi32, #tpu.memory_space<hbm>> -> memref<128xi32, #tpu.memory_space<hbm>>
        %dma_start3A_68 = tpu.memref_slice %arg2[%multiple_of3A_55] : memref<320000xi32, #tpu.memory_space<hbm>> -> memref<128xi32, #tpu.memory_space<hbm>>
        tpu.enqueue_dma source(%dma_start3A_68 : memref<128xi32, #tpu.memory_space<hbm>>) target(%arg7 : memref<128xi32, #tpu.memory_space<vmem>>) target_semaphore(%run_scoped3A : memref<!tpu.dma_semaphore, #tpu.memory_space<semaphore_mem>>)
        %dma_wait3A_69 = tpu.memref_slice %arg2[%multiple_of3A_55] : memref<320000xi32, #tpu.memory_space<hbm>> -> memref<128xi32, #tpu.memory_space<hbm>>
        %dma_wait3A_70 = tpu.memref_slice %arg2[%multiple_of3A_55] : memref<320000xi32, #tpu.memory_space<hbm>> -> memref<128xi32, #tpu.memory_space<hbm>>
        tpu.wait_dma2 semaphore(%run_scoped3A : memref<!tpu.dma_semaphore, #tpu.memory_space<semaphore_mem>>) src(%dma_wait3A_70 : memref<128xi32, #tpu.memory_space<hbm>>) dst(%arg7 : memref<128xi32, #tpu.memory_space<vmem>>)
        tpu.yield
      }) : () -> ()
      "tpu.region"() ({
        %run_scoped3A = tpu.sem_alloc : memref<!tpu.dma_semaphore, #tpu.memory_space<semaphore_mem>>
        %dma_start3A_67 = tpu.memref_slice %arg3[%multiple_of3A_55] : memref<320000xi32, #tpu.memory_space<hbm>> -> memref<128xi32, #tpu.memory_space<hbm>>
        %dma_start3A_68 = tpu.memref_slice %arg3[%multiple_of3A_55] : memref<320000xi32, #tpu.memory_space<hbm>> -> memref<128xi32, #tpu.memory_space<hbm>>
        tpu.enqueue_dma source(%dma_start3A_68 : memref<128xi32, #tpu.memory_space<hbm>>) target(%arg8 : memref<128xi32, #tpu.memory_space<vmem>>) target_semaphore(%run_scoped3A : memref<!tpu.dma_semaphore, #tpu.memory_space<semaphore_mem>>)
        %dma_wait3A_69 = tpu.memref_slice %arg3[%multiple_of3A_55] : memref<320000xi32, #tpu.memory_space<hbm>> -> memref<128xi32, #tpu.memory_space<hbm>>
        %dma_wait3A_70 = tpu.memref_slice %arg3[%multiple_of3A_55] : memref<320000xi32, #tpu.memory_space<hbm>> -> memref<128xi32, #tpu.memory_space<hbm>>
        tpu.wait_dma2 semaphore(%run_scoped3A : memref<!tpu.dma_semaphore, #tpu.memory_space<semaphore_mem>>) src(%dma_wait3A_70 : memref<128xi32, #tpu.memory_space<hbm>>) dst(%arg8 : memref<128xi32, #tpu.memory_space<vmem>>)
        tpu.yield
      }) : () -> ()
      %dma_start3A_56 = arith.constant 0 : i32
      %dma_start3A_57 = arith.constant 0 : i32
      %dma_start3A_58 = tpu.memref_slice %arg4[%dma_start3A_56, %dma_start3A_57] : memref<10000x128xf32, #tpu.memory_space<hbm>> -> memref<10000x128xf32, #tpu.memory_space<hbm>>
      tpu.enqueue_indirect_dma source(%dma_start3A_58 : memref<10000x128xf32, #tpu.memory_space<hbm>>) target(%arg9 : memref<128x128xf32, #tpu.memory_space<vmem>>) offsets(%arg7 : memref<128xi32, #tpu.memory_space<vmem>>) semaphore(%arg12 : memref<!tpu.dma_semaphore, #tpu.memory_space<semaphore_mem>>)
      "tpu.region"() ({
        %run_scoped3A = tpu.sem_alloc : memref<!tpu.dma_semaphore, #tpu.memory_space<semaphore_mem>>
        %dma_start3A_67 = arith.constant 0 : i32
        %dma_start3A_68 = tpu.memref_slice %arg5[%multiple_of3A_55, %dma_start3A_67] : memref<320000x128xf32, #tpu.memory_space<hbm>> -> memref<128x128xf32, #tpu.memory_space<hbm>>
        %dma_start3A_69 = arith.constant 0 : i32
        %dma_start3A_70 = tpu.memref_slice %arg5[%multiple_of3A_55, %dma_start3A_69] : memref<320000x128xf32, #tpu.memory_space<hbm>> -> memref<128x128xf32, #tpu.memory_space<hbm>>
        tpu.enqueue_dma source(%dma_start3A_70 : memref<128x128xf32, #tpu.memory_space<hbm>>) target(%arg10 : memref<128x128xf32, #tpu.memory_space<vmem>>) target_semaphore(%run_scoped3A : memref<!tpu.dma_semaphore, #tpu.memory_space<semaphore_mem>>)
        %dma_wait3A_71 = arith.constant 0 : i32
        %dma_wait3A_72 = tpu.memref_slice %arg5[%multiple_of3A_55, %dma_wait3A_71] : memref<320000x128xf32, #tpu.memory_space<hbm>> -> memref<128x128xf32, #tpu.memory_space<hbm>>
        %dma_wait3A_73 = arith.constant 0 : i32
        %dma_wait3A_74 = tpu.memref_slice %arg5[%multiple_of3A_55, %dma_wait3A_73] : memref<320000x128xf32, #tpu.memory_space<hbm>> -> memref<128x128xf32, #tpu.memory_space<hbm>>
        tpu.wait_dma2 semaphore(%run_scoped3A : memref<!tpu.dma_semaphore, #tpu.memory_space<semaphore_mem>>) src(%dma_wait3A_74 : memref<128x128xf32, #tpu.memory_space<hbm>>) dst(%arg10 : memref<128x128xf32, #tpu.memory_space<vmem>>)
        tpu.yield
      }) : () -> ()
      %dma_wait3A_59 = arith.constant 0 : i32
      %dma_wait3A_60 = arith.constant 0 : i32
      %dma_wait3A_61 = tpu.memref_slice %arg4[%dma_wait3A_59, %dma_wait3A_60] : memref<10000x128xf32, #tpu.memory_space<hbm>> -> memref<10000x128xf32, #tpu.memory_space<hbm>>
      tpu.wait_indirect_dma semaphore(%arg12 : memref<!tpu.dma_semaphore, #tpu.memory_space<semaphore_mem>>) src(%dma_wait3A_61 : memref<10000x128xf32, #tpu.memory_space<hbm>>) dst(%arg9 : memref<128x128xf32, #tpu.memory_space<vmem>>)
      %scan3A_62 = arith.constant 0 : i32
      %scan3A_63 = arith.constant 128 : i32
      %scan3A_64 = arith.addi %scan3A_62, %scan3A_63 : i32
      %scan3A_65 = arith.constant 1 : i32
      scf.for %scan3A_67 = %scan3A_62 to %scan3A_64 step %scan3A_65  : i32 {
        %mul3A_68 = arith.constant 1 : i32
        %mul3A_69 = arith.muli %scan3A_67, %mul3A_68 : i32
        %add3A_70 = arith.constant 0 : i32
        %add3A_71 = arith.addi %add3A_70, %mul3A_69 : i32
        %get3A = arith.index_cast %add3A_71 : i32 to index
        %get3A_72 = arith.constant 0 : index
        %get3A_73 = tpu.vector_load %arg9[%get3A, %get3A_72] {strides = array<i32>} : memref<128x128xf32, #tpu.memory_space<vmem>>, vector<1x16xf32>,
        %get3A_74 = vector.shape_cast %get3A_73 : vector<1x16xf32> to vector<16xf32>
        %get3A_75 = arith.index_cast %add3A_71 : i32 to index
        %get3A_76 = arith.constant 0 : index
        %get3A_77 = tpu.vector_load %arg10[%get3A_75, %get3A_76] {strides = array<i32>} : memref<128x128xf32, #tpu.memory_space<vmem>>, vector<1x16xf32>,
        %get3A_78 = vector.shape_cast %get3A_77 : vector<1x16xf32> to vector<16xf32>
        %add3A_79 = arith.addf %get3A_74, %get3A_78 : vector<16xf32>
        %max3A = arith.constant 0.000000e+00 : f32
        %max3A_80 = vector.broadcast %max3A : f32 to vector<16xf32>
        %max3A_81 = arith.maximumf %add3A_79, %max3A_80 : vector<16xf32>
        %swap3A = arith.index_cast %add3A_71 : i32 to index
        %swap3A_82 = arith.constant 0 : index
        %swap3A_83 = tpu.vector_load %arg9[%swap3A, %swap3A_82] {strides = array<i32>} : memref<128x128xf32, #tpu.memory_space<vmem>>, vector<1x16xf32>,
        %swap3A_84 = vector.shape_cast %swap3A_83 : vector<1x16xf32> to vector<16xf32>
        %swap3A_85 = vector.shape_cast %max3A_81 : vector<16xf32> to vector<1x16xf32>
        tpu.vector_store %arg9[%swap3A, %swap3A_82], %swap3A_85 {strides = array<i32>} : memref<128x128xf32, #tpu.memory_space<vmem>>, vector<1x16xf32>,
        %get3A_86 = arith.index_cast %add3A_71 : i32 to index
        %get3A_87 = arith.constant 16 : index
        %get3A_88 = tpu.vector_load %arg9[%get3A_86, %get3A_87] {strides = array<i32>} : memref<128x128xf32, #tpu.memory_space<vmem>>, vector<1x16xf32>,
        %get3A_89 = vector.shape_cast %get3A_88 : vector<1x16xf32> to vector<16xf32>
        %get3A_90 = arith.index_cast %add3A_71 : i32 to index
        %get3A_91 = arith.constant 16 : index
        %get3A_92 = tpu.vector_load %arg10[%get3A_90, %get3A_91] {strides = array<i32>} : memref<128x128xf32, #tpu.memory_space<vmem>>, vector<1x16xf32>,
        %get3A_93 = vector.shape_cast %get3A_92 : vector<1x16xf32> to vector<16xf32>
        %add3A_94 = arith.addf %get3A_89, %get3A_93 : vector<16xf32>
        %max3A_95 = arith.constant 0.000000e+00 : f32
        %max3A_96 = vector.broadcast %max3A_95 : f32 to vector<16xf32>
        %max3A_97 = arith.maximumf %add3A_94, %max3A_96 : vector<16xf32>
        %swap3A_98 = arith.index_cast %add3A_71 : i32 to index
        %swap3A_99 = arith.constant 16 : index
        %swap3A_100 = tpu.vector_load %arg9[%swap3A_98, %swap3A_99] {strides = array<i32>} : memref<128x128xf32, #tpu.memory_space<vmem>>, vector<1x16xf32>,
        %swap3A_101 = vector.shape_cast %swap3A_100 : vector<1x16xf32> to vector<16xf32>
        %swap3A_102 = vector.shape_cast %max3A_97 : vector<16xf32> to vector<1x16xf32>
        tpu.vector_store %arg9[%swap3A_98, %swap3A_99], %swap3A_102 {strides = array<i32>} : memref<128x128xf32, #tpu.memory_space<vmem>>, vector<1x16xf32>,
        %get3A_103 = arith.index_cast %add3A_71 : i32 to index
        %get3A_104 = arith.constant 32 : index
        %get3A_105 = tpu.vector_load %arg9[%get3A_103, %get3A_104] {strides = array<i32>} : memref<128x128xf32, #tpu.memory_space<vmem>>, vector<1x16xf32>,
        %get3A_106 = vector.shape_cast %get3A_105 : vector<1x16xf32> to vector<16xf32>
        %get3A_107 = arith.index_cast %add3A_71 : i32 to index
        %get3A_108 = arith.constant 32 : index
        %get3A_109 = tpu.vector_load %arg10[%get3A_107, %get3A_108] {strides = array<i32>} : memref<128x128xf32, #tpu.memory_space<vmem>>, vector<1x16xf32>,
        %get3A_110 = vector.shape_cast %get3A_109 : vector<1x16xf32> to vector<16xf32>
        %add3A_111 = arith.addf %get3A_106, %get3A_110 : vector<16xf32>
        %max3A_112 = arith.constant 0.000000e+00 : f32
        %max3A_113 = vector.broadcast %max3A_112 : f32 to vector<16xf32>
        %max3A_114 = arith.maximumf %add3A_111, %max3A_113 : vector<16xf32>
        %swap3A_115 = arith.index_cast %add3A_71 : i32 to index
        %swap3A_116 = arith.constant 32 : index
        %swap3A_117 = tpu.vector_load %arg9[%swap3A_115, %swap3A_116] {strides = array<i32>} : memref<128x128xf32, #tpu.memory_space<vmem>>, vector<1x16xf32>,
        %swap3A_118 = vector.shape_cast %swap3A_117 : vector<1x16xf32> to vector<16xf32>
        %swap3A_119 = vector.shape_cast %max3A_114 : vector<16xf32> to vector<1x16xf32>
        tpu.vector_store %arg9[%swap3A_115, %swap3A_116], %swap3A_119 {strides = array<i32>} : memref<128x128xf32, #tpu.memory_space<vmem>>, vector<1x16xf32>,
        %get3A_120 = arith.index_cast %add3A_71 : i32 to index
        %get3A_121 = arith.constant 48 : index
        %get3A_122 = tpu.vector_load %arg9[%get3A_120, %get3A_121] {strides = array<i32>} : memref<128x128xf32, #tpu.memory_space<vmem>>, vector<1x16xf32>,
        %get3A_123 = vector.shape_cast %get3A_122 : vector<1x16xf32> to vector<16xf32>
        %get3A_124 = arith.index_cast %add3A_71 : i32 to index
        %get3A_125 = arith.constant 48 : index
        %get3A_126 = tpu.vector_load %arg10[%get3A_124, %get3A_125] {strides = array<i32>} : memref<128x128xf32, #tpu.memory_space<vmem>>, vector<1x16xf32>,
        %get3A_127 = vector.shape_cast %get3A_126 : vector<1x16xf32> to vector<16xf32>
        %add3A_128 = arith.addf %get3A_123, %get3A_127 : vector<16xf32>
        %max3A_129 = arith.constant 0.000000e+00 : f32
        %max3A_130 = vector.broadcast %max3A_129 : f32 to vector<16xf32>
        %max3A_131 = arith.maximumf %add3A_128, %max3A_130 : vector<16xf32>
        %swap3A_132 = arith.index_cast %add3A_71 : i32 to index
        %swap3A_133 = arith.constant 48 : index
        %swap3A_134 = tpu.vector_load %arg9[%swap3A_132, %swap3A_133] {strides = array<i32>} : memref<128x128xf32, #tpu.memory_space<vmem>>, vector<1x16xf32>,
        %swap3A_135 = vector.shape_cast %swap3A_134 : vector<1x16xf32> to vector<16xf32>
        %swap3A_136 = vector.shape_cast %max3A_131 : vector<16xf32> to vector<1x16xf32>
        tpu.vector_store %arg9[%swap3A_132, %swap3A_133], %swap3A_136 {strides = array<i32>} : memref<128x128xf32, #tpu.memory_space<vmem>>, vector<1x16xf32>,
        %get3A_137 = arith.index_cast %add3A_71 : i32 to index
        %get3A_138 = arith.constant 64 : index
        %get3A_139 = tpu.vector_load %arg9[%get3A_137, %get3A_138] {strides = array<i32>} : memref<128x128xf32, #tpu.memory_space<vmem>>, vector<1x16xf32>,
        %get3A_140 = vector.shape_cast %get3A_139 : vector<1x16xf32> to vector<16xf32>
        %get3A_141 = arith.index_cast %add3A_71 : i32 to index
        %get3A_142 = arith.constant 64 : index
        %get3A_143 = tpu.vector_load %arg10[%get3A_141, %get3A_142] {strides = array<i32>} : memref<128x128xf32, #tpu.memory_space<vmem>>, vector<1x16xf32>,
        %get3A_144 = vector.shape_cast %get3A_143 : vector<1x16xf32> to vector<16xf32>
        %add3A_145 = arith.addf %get3A_140, %get3A_144 : vector<16xf32>
        %max3A_146 = arith.constant 0.000000e+00 : f32
        %max3A_147 = vector.broadcast %max3A_146 : f32 to vector<16xf32>
        %max3A_148 = arith.maximumf %add3A_145, %max3A_147 : vector<16xf32>
        %swap3A_149 = arith.index_cast %add3A_71 : i32 to index
        %swap3A_150 = arith.constant 64 : index
        %swap3A_151 = tpu.vector_load %arg9[%swap3A_149, %swap3A_150] {strides = array<i32>} : memref<128x128xf32, #tpu.memory_space<vmem>>, vector<1x16xf32>,
        %swap3A_152 = vector.shape_cast %swap3A_151 : vector<1x16xf32> to vector<16xf32>
        %swap3A_153 = vector.shape_cast %max3A_148 : vector<16xf32> to vector<1x16xf32>
        tpu.vector_store %arg9[%swap3A_149, %swap3A_150], %swap3A_153 {strides = array<i32>} : memref<128x128xf32, #tpu.memory_space<vmem>>, vector<1x16xf32>,
        %get3A_154 = arith.index_cast %add3A_71 : i32 to index
        %get3A_155 = arith.constant 80 : index
        %get3A_156 = tpu.vector_load %arg9[%get3A_154, %get3A_155] {strides = array<i32>} : memref<128x128xf32, #tpu.memory_space<vmem>>, vector<1x16xf32>,
        %get3A_157 = vector.shape_cast %get3A_156 : vector<1x16xf32> to vector<16xf32>
        %get3A_158 = arith.index_cast %add3A_71 : i32 to index
        %get3A_159 = arith.constant 80 : index
        %get3A_160 = tpu.vector_load %arg10[%get3A_158, %get3A_159] {strides = array<i32>} : memref<128x128xf32, #tpu.memory_space<vmem>>, vector<1x16xf32>,
        %get3A_161 = vector.shape_cast %get3A_160 : vector<1x16xf32> to vector<16xf32>
        %add3A_162 = arith.addf %get3A_157, %get3A_161 : vector<16xf32>
        %max3A_163 = arith.constant 0.000000e+00 : f32
        %max3A_164 = vector.broadcast %max3A_163 : f32 to vector<16xf32>
        %max3A_165 = arith.maximumf %add3A_162, %max3A_164 : vector<16xf32>
        %swap3A_166 = arith.index_cast %add3A_71 : i32 to index
        %swap3A_167 = arith.constant 80 : index
        %swap3A_168 = tpu.vector_load %arg9[%swap3A_166, %swap3A_167] {strides = array<i32>} : memref<128x128xf32, #tpu.memory_space<vmem>>, vector<1x16xf32>,
        %swap3A_169 = vector.shape_cast %swap3A_168 : vector<1x16xf32> to vector<16xf32>
        %swap3A_170 = vector.shape_cast %max3A_165 : vector<16xf32> to vector<1x16xf32>
        tpu.vector_store %arg9[%swap3A_166, %swap3A_167], %swap3A_170 {strides = array<i32>} : memref<128x128xf32, #tpu.memory_space<vmem>>, vector<1x16xf32>,
        %get3A_171 = arith.index_cast %add3A_71 : i32 to index
        %get3A_172 = arith.constant 96 : index
        %get3A_173 = tpu.vector_load %arg9[%get3A_171, %get3A_172] {strides = array<i32>} : memref<128x128xf32, #tpu.memory_space<vmem>>, vector<1x16xf32>,
        %get3A_174 = vector.shape_cast %get3A_173 : vector<1x16xf32> to vector<16xf32>
        %get3A_175 = arith.index_cast %add3A_71 : i32 to index
        %get3A_176 = arith.constant 96 : index
        %get3A_177 = tpu.vector_load %arg10[%get3A_175, %get3A_176] {strides = array<i32>} : memref<128x128xf32, #tpu.memory_space<vmem>>, vector<1x16xf32>,
        %get3A_178 = vector.shape_cast %get3A_177 : vector<1x16xf32> to vector<16xf32>
        %add3A_179 = arith.addf %get3A_174, %get3A_178 : vector<16xf32>
        %max3A_180 = arith.constant 0.000000e+00 : f32
        %max3A_181 = vector.broadcast %max3A_180 : f32 to vector<16xf32>
        %max3A_182 = arith.maximumf %add3A_179, %max3A_181 : vector<16xf32>
        %swap3A_183 = arith.index_cast %add3A_71 : i32 to index
        %swap3A_184 = arith.constant 96 : index
        %swap3A_185 = tpu.vector_load %arg9[%swap3A_183, %swap3A_184] {strides = array<i32>} : memref<128x128xf32, #tpu.memory_space<vmem>>, vector<1x16xf32>,
        %swap3A_186 = vector.shape_cast %swap3A_185 : vector<1x16xf32> to vector<16xf32>
        %swap3A_187 = vector.shape_cast %max3A_182 : vector<16xf32> to vector<1x16xf32>
        tpu.vector_store %arg9[%swap3A_183, %swap3A_184], %swap3A_187 {strides = array<i32>} : memref<128x128xf32, #tpu.memory_space<vmem>>, vector<1x16xf32>,
        %get3A_188 = arith.index_cast %add3A_71 : i32 to index
        %get3A_189 = arith.constant 112 : index
        %get3A_190 = tpu.vector_load %arg9[%get3A_188, %get3A_189] {strides = array<i32>} : memref<128x128xf32, #tpu.memory_space<vmem>>, vector<1x16xf32>,
        %get3A_191 = vector.shape_cast %get3A_190 : vector<1x16xf32> to vector<16xf32>
        %get3A_192 = arith.index_cast %add3A_71 : i32 to index
        %get3A_193 = arith.constant 112 : index
        %get3A_194 = tpu.vector_load %arg10[%get3A_192, %get3A_193] {strides = array<i32>} : memref<128x128xf32, #tpu.memory_space<vmem>>, vector<1x16xf32>,
        %get3A_195 = vector.shape_cast %get3A_194 : vector<1x16xf32> to vector<16xf32>
        %add3A_196 = arith.addf %get3A_191, %get3A_195 : vector<16xf32>
        %max3A_197 = arith.constant 0.000000e+00 : f32
        %max3A_198 = vector.broadcast %max3A_197 : f32 to vector<16xf32>
        %max3A_199 = arith.maximumf %add3A_196, %max3A_198 : vector<16xf32>
        %swap3A_200 = arith.index_cast %add3A_71 : i32 to index
        %swap3A_201 = arith.constant 112 : index
        %swap3A_202 = tpu.vector_load %arg9[%swap3A_200, %swap3A_201] {strides = array<i32>} : memref<128x128xf32, #tpu.memory_space<vmem>>, vector<1x16xf32>,
        %swap3A_203 = vector.shape_cast %swap3A_202 : vector<1x16xf32> to vector<16xf32>
        %swap3A_204 = vector.shape_cast %max3A_199 : vector<16xf32> to vector<1x16xf32>
        tpu.vector_store %arg9[%swap3A_200, %swap3A_201], %swap3A_204 {strides = array<i32>} : memref<128x128xf32, #tpu.memory_space<vmem>>, vector<1x16xf32>,
      }
      %scan3A_66 = arith.constant 128 : i32
      "tpu.region"() ({
        %run_scoped3A = tpu.sem_alloc : memref<!tpu.dma_semaphore, #tpu.memory_space<semaphore_mem>>
        %dma_start3A_67 = arith.constant 0 : i32
        %dma_start3A_68 = arith.constant 0 : i32
        %dma_start3A_69 = tpu.memref_slice %arg11[%dma_start3A_67, %dma_start3A_68] : memref<10240x128xf32, #tpu.memory_space<vmem_shared>> -> memref<10240x128xf32, #tpu.memory_space<vmem_shared>>
        tpu.enqueue_indirect_dma source(%arg9 : memref<128x128xf32, #tpu.memory_space<vmem>>) target(%dma_start3A_69 : memref<10240x128xf32, #tpu.memory_space<vmem_shared>>) offsets(%arg8 : memref<128xi32, #tpu.memory_space<vmem>>) semaphore(%run_scoped3A : memref<!tpu.dma_semaphore, #tpu.memory_space<semaphore_mem>>) {add = true}
        %dma_wait3A_70 = arith.constant 0 : i32
        %dma_wait3A_71 = arith.constant 0 : i32
        %dma_wait3A_72 = tpu.memref_slice %arg11[%dma_wait3A_70, %dma_wait3A_71] : memref<10240x128xf32, #tpu.memory_space<vmem_shared>> -> memref<10240x128xf32, #tpu.memory_space<vmem_shared>>
        tpu.wait_indirect_dma semaphore(%run_scoped3A : memref<!tpu.dma_semaphore, #tpu.memory_space<semaphore_mem>>) src(%arg9 : memref<128x128xf32, #tpu.memory_space<vmem>>) dst(%dma_wait3A_72 : memref<10240x128xf32, #tpu.memory_space<vmem_shared>>)
        tpu.yield
      }) : () -> ()
    }
    %scan3A_24 = arith.constant 78 : i32
    %add3A_25 = arith.constant 9984 : i32
    %add3A_26 = arith.addi %mul3A_19, %add3A_25 : i32
    %multiple_of3A = tpu.assume_multiple %add3A_26, 8 : i32
    "tpu.region"() ({
      %run_scoped3A = tpu.sem_alloc : memref<!tpu.dma_semaphore, #tpu.memory_space<semaphore_mem>>
      %dma_start3A_47 = tpu.memref_slice %arg2[%multiple_of3A] : memref<320000xi32, #tpu.memory_space<hbm>> -> memref<16xi32, #tpu.memory_space<hbm>>
      %dma_start3A_48 = tpu.memref_slice %arg2[%multiple_of3A] : memref<320000xi32, #tpu.memory_space<hbm>> -> memref<16xi32, #tpu.memory_space<hbm>>
      tpu.enqueue_dma source(%dma_start3A_48 : memref<16xi32, #tpu.memory_space<hbm>>) target(%arg13 : memref<16xi32, #tpu.memory_space<vmem>>) target_semaphore(%run_scoped3A : memref<!tpu.dma_semaphore, #tpu.memory_space<semaphore_mem>>)
      %dma_wait3A_49 = tpu.memref_slice %arg2[%multiple_of3A] : memref<320000xi32, #tpu.memory_space<hbm>> -> memref<16xi32, #tpu.memory_space<hbm>>
      %dma_wait3A_50 = tpu.memref_slice %arg2[%multiple_of3A] : memref<320000xi32, #tpu.memory_space<hbm>> -> memref<16xi32, #tpu.memory_space<hbm>>
      tpu.wait_dma2 semaphore(%run_scoped3A : memref<!tpu.dma_semaphore, #tpu.memory_space<semaphore_mem>>) src(%dma_wait3A_50 : memref<16xi32, #tpu.memory_space<hbm>>) dst(%arg13 : memref<16xi32, #tpu.memory_space<vmem>>)
      tpu.yield
    }) : () -> ()
    "tpu.region"() ({
      %run_scoped3A = tpu.sem_alloc : memref<!tpu.dma_semaphore, #tpu.memory_space<semaphore_mem>>
      %dma_start3A_47 = tpu.memref_slice %arg3[%multiple_of3A] : memref<320000xi32, #tpu.memory_space<hbm>> -> memref<16xi32, #tpu.memory_space<hbm>>
      %dma_start3A_48 = tpu.memref_slice %arg3[%multiple_of3A] : memref<320000xi32, #tpu.memory_space<hbm>> -> memref<16xi32, #tpu.memory_space<hbm>>
      tpu.enqueue_dma source(%dma_start3A_48 : memref<16xi32, #tpu.memory_space<hbm>>) target(%arg14 : memref<16xi32, #tpu.memory_space<vmem>>) target_semaphore(%run_scoped3A : memref<!tpu.dma_semaphore, #tpu.memory_space<semaphore_mem>>)
      %dma_wait3A_49 = tpu.memref_slice %arg3[%multiple_of3A] : memref<320000xi32, #tpu.memory_space<hbm>> -> memref<16xi32, #tpu.memory_space<hbm>>
      %dma_wait3A_50 = tpu.memref_slice %arg3[%multiple_of3A] : memref<320000xi32, #tpu.memory_space<hbm>> -> memref<16xi32, #tpu.memory_space<hbm>>
      tpu.wait_dma2 semaphore(%run_scoped3A : memref<!tpu.dma_semaphore, #tpu.memory_space<semaphore_mem>>) src(%dma_wait3A_50 : memref<16xi32, #tpu.memory_space<hbm>>) dst(%arg14 : memref<16xi32, #tpu.memory_space<vmem>>)
      tpu.yield
    }) : () -> ()
    %dma_start3A = arith.constant 0 : i32
    %dma_start3A_27 = arith.constant 0 : i32
    %dma_start3A_28 = tpu.memref_slice %arg4[%dma_start3A, %dma_start3A_27] : memref<10000x128xf32, #tpu.memory_space<hbm>> -> memref<10000x128xf32, #tpu.memory_space<hbm>>
    tpu.enqueue_indirect_dma source(%dma_start3A_28 : memref<10000x128xf32, #tpu.memory_space<hbm>>) target(%arg15 : memref<16x128xf32, #tpu.memory_space<vmem>>) offsets(%arg13 : memref<16xi32, #tpu.memory_space<vmem>>) semaphore(%arg12 : memref<!tpu.dma_semaphore, #tpu.memory_space<semaphore_mem>>)
    "tpu.region"() ({
      %run_scoped3A = tpu.sem_alloc : memref<!tpu.dma_semaphore, #tpu.memory_space<semaphore_mem>>
      %dma_start3A_47 = arith.constant 0 : i32
      %dma_start3A_48 = tpu.memref_slice %arg5[%multiple_of3A, %dma_start3A_47] : memref<320000x128xf32, #tpu.memory_space<hbm>> -> memref<16x128xf32, #tpu.memory_space<hbm>>
      %dma_start3A_49 = arith.constant 0 : i32
      %dma_start3A_50 = tpu.memref_slice %arg5[%multiple_of3A, %dma_start3A_49] : memref<320000x128xf32, #tpu.memory_space<hbm>> -> memref<16x128xf32, #tpu.memory_space<hbm>>
      tpu.enqueue_dma source(%dma_start3A_50 : memref<16x128xf32, #tpu.memory_space<hbm>>) target(%arg16 : memref<16x128xf32, #tpu.memory_space<vmem>>) target_semaphore(%run_scoped3A : memref<!tpu.dma_semaphore, #tpu.memory_space<semaphore_mem>>)
      %dma_wait3A_51 = arith.constant 0 : i32
      %dma_wait3A_52 = tpu.memref_slice %arg5[%multiple_of3A, %dma_wait3A_51] : memref<320000x128xf32, #tpu.memory_space<hbm>> -> memref<16x128xf32, #tpu.memory_space<hbm>>
      %dma_wait3A_53 = arith.constant 0 : i32
      %dma_wait3A_54 = tpu.memref_slice %arg5[%multiple_of3A, %dma_wait3A_53] : memref<320000x128xf32, #tpu.memory_space<hbm>> -> memref<16x128xf32, #tpu.memory_space<hbm>>
      tpu.wait_dma2 semaphore(%run_scoped3A : memref<!tpu.dma_semaphore, #tpu.memory_space<semaphore_mem>>) src(%dma_wait3A_54 : memref<16x128xf32, #tpu.memory_space<hbm>>) dst(%arg16 : memref<16x128xf32, #tpu.memory_space<vmem>>)
      tpu.yield
    }) : () -> ()
    %dma_wait3A = arith.constant 0 : i32
    %dma_wait3A_29 = arith.constant 0 : i32
    %dma_wait3A_30 = tpu.memref_slice %arg4[%dma_wait3A, %dma_wait3A_29] : memref<10000x128xf32, #tpu.memory_space<hbm>> -> memref<10000x128xf32, #tpu.memory_space<hbm>>
    tpu.wait_indirect_dma semaphore(%arg12 : memref<!tpu.dma_semaphore, #tpu.memory_space<semaphore_mem>>) src(%dma_wait3A_30 : memref<10000x128xf32, #tpu.memory_space<hbm>>) dst(%arg15 : memref<16x128xf32, #tpu.memory_space<vmem>>)
    %scan3A_31 = arith.constant 0 : i32
    %scan3A_32 = arith.constant 16 : i32
    %scan3A_33 = arith.addi %scan3A_31, %scan3A_32 : i32
    %scan3A_34 = arith.constant 1 : i32
    scf.for %scan3A_47 = %scan3A_31 to %scan3A_33 step %scan3A_34  : i32 {
      %mul3A_48 = arith.constant 1 : i32
      %mul3A_49 = arith.muli %scan3A_47, %mul3A_48 : i32
      %add3A_50 = arith.constant 0 : i32
      %add3A_51 = arith.addi %add3A_50, %mul3A_49 : i32
      %get3A = arith.index_cast %add3A_51 : i32 to index
      %get3A_52 = arith.constant 0 : index
      %get3A_53 = tpu.vector_load %arg15[%get3A, %get3A_52] {strides = array<i32>} : memref<16x128xf32, #tpu.memory_space<vmem>>, vector<1x16xf32>,
      %get3A_54 = vector.shape_cast %get3A_53 : vector<1x16xf32> to vector<16xf32>
      %get3A_55 = arith.index_cast %add3A_51 : i32 to index
      %get3A_56 = arith.constant 0 : index
      %get3A_57 = tpu.vector_load %arg16[%get3A_55, %get3A_56] {strides = array<i32>} : memref<16x128xf32, #tpu.memory_space<vmem>>, vector<1x16xf32>,
      %get3A_58 = vector.shape_cast %get3A_57 : vector<1x16xf32> to vector<16xf32>
      %add3A_59 = arith.addf %get3A_54, %get3A_58 : vector<16xf32>
      %max3A = arith.constant 0.000000e+00 : f32
      %max3A_60 = vector.broadcast %max3A : f32 to vector<16xf32>
      %max3A_61 = arith.maximumf %add3A_59, %max3A_60 : vector<16xf32>
      %swap3A = arith.index_cast %add3A_51 : i32 to index
      %swap3A_62 = arith.constant 0 : index
      %swap3A_63 = tpu.vector_load %arg15[%swap3A, %swap3A_62] {strides = array<i32>} : memref<16x128xf32, #tpu.memory_space<vmem>>, vector<1x16xf32>,
      %swap3A_64 = vector.shape_cast %swap3A_63 : vector<1x16xf32> to vector<16xf32>
      %swap3A_65 = vector.shape_cast %max3A_61 : vector<16xf32> to vector<1x16xf32>
      tpu.vector_store %arg15[%swap3A, %swap3A_62], %swap3A_65 {strides = array<i32>} : memref<16x128xf32, #tpu.memory_space<vmem>>, vector<1x16xf32>,
      %get3A_66 = arith.index_cast %add3A_51 : i32 to index
      %get3A_67 = arith.constant 16 : index
      %get3A_68 = tpu.vector_load %arg15[%get3A_66, %get3A_67] {strides = array<i32>} : memref<16x128xf32, #tpu.memory_space<vmem>>, vector<1x16xf32>,
      %get3A_69 = vector.shape_cast %get3A_68 : vector<1x16xf32> to vector<16xf32>
      %get3A_70 = arith.index_cast %add3A_51 : i32 to index
      %get3A_71 = arith.constant 16 : index
      %get3A_72 = tpu.vector_load %arg16[%get3A_70, %get3A_71] {strides = array<i32>} : memref<16x128xf32, #tpu.memory_space<vmem>>, vector<1x16xf32>,
      %get3A_73 = vector.shape_cast %get3A_72 : vector<1x16xf32> to vector<16xf32>
      %add3A_74 = arith.addf %get3A_69, %get3A_73 : vector<16xf32>
      %max3A_75 = arith.constant 0.000000e+00 : f32
      %max3A_76 = vector.broadcast %max3A_75 : f32 to vector<16xf32>
      %max3A_77 = arith.maximumf %add3A_74, %max3A_76 : vector<16xf32>
      %swap3A_78 = arith.index_cast %add3A_51 : i32 to index
      %swap3A_79 = arith.constant 16 : index
      %swap3A_80 = tpu.vector_load %arg15[%swap3A_78, %swap3A_79] {strides = array<i32>} : memref<16x128xf32, #tpu.memory_space<vmem>>, vector<1x16xf32>,
      %swap3A_81 = vector.shape_cast %swap3A_80 : vector<1x16xf32> to vector<16xf32>
      %swap3A_82 = vector.shape_cast %max3A_77 : vector<16xf32> to vector<1x16xf32>
      tpu.vector_store %arg15[%swap3A_78, %swap3A_79], %swap3A_82 {strides = array<i32>} : memref<16x128xf32, #tpu.memory_space<vmem>>, vector<1x16xf32>,
      %get3A_83 = arith.index_cast %add3A_51 : i32 to index
      %get3A_84 = arith.constant 32 : index
      %get3A_85 = tpu.vector_load %arg15[%get3A_83, %get3A_84] {strides = array<i32>} : memref<16x128xf32, #tpu.memory_space<vmem>>, vector<1x16xf32>,
      %get3A_86 = vector.shape_cast %get3A_85 : vector<1x16xf32> to vector<16xf32>
      %get3A_87 = arith.index_cast %add3A_51 : i32 to index
      %get3A_88 = arith.constant 32 : index
      %get3A_89 = tpu.vector_load %arg16[%get3A_87, %get3A_88] {strides = array<i32>} : memref<16x128xf32, #tpu.memory_space<vmem>>, vector<1x16xf32>,
      %get3A_90 = vector.shape_cast %get3A_89 : vector<1x16xf32> to vector<16xf32>
      %add3A_91 = arith.addf %get3A_86, %get3A_90 : vector<16xf32>
      %max3A_92 = arith.constant 0.000000e+00 : f32
      %max3A_93 = vector.broadcast %max3A_92 : f32 to vector<16xf32>
      %max3A_94 = arith.maximumf %add3A_91, %max3A_93 : vector<16xf32>
      %swap3A_95 = arith.index_cast %add3A_51 : i32 to index
      %swap3A_96 = arith.constant 32 : index
      %swap3A_97 = tpu.vector_load %arg15[%swap3A_95, %swap3A_96] {strides = array<i32>} : memref<16x128xf32, #tpu.memory_space<vmem>>, vector<1x16xf32>,
      %swap3A_98 = vector.shape_cast %swap3A_97 : vector<1x16xf32> to vector<16xf32>
      %swap3A_99 = vector.shape_cast %max3A_94 : vector<16xf32> to vector<1x16xf32>
      tpu.vector_store %arg15[%swap3A_95, %swap3A_96], %swap3A_99 {strides = array<i32>} : memref<16x128xf32, #tpu.memory_space<vmem>>, vector<1x16xf32>,
      %get3A_100 = arith.index_cast %add3A_51 : i32 to index
      %get3A_101 = arith.constant 48 : index
      %get3A_102 = tpu.vector_load %arg15[%get3A_100, %get3A_101] {strides = array<i32>} : memref<16x128xf32, #tpu.memory_space<vmem>>, vector<1x16xf32>,
      %get3A_103 = vector.shape_cast %get3A_102 : vector<1x16xf32> to vector<16xf32>
      %get3A_104 = arith.index_cast %add3A_51 : i32 to index
      %get3A_105 = arith.constant 48 : index
      %get3A_106 = tpu.vector_load %arg16[%get3A_104, %get3A_105] {strides = array<i32>} : memref<16x128xf32, #tpu.memory_space<vmem>>, vector<1x16xf32>,
      %get3A_107 = vector.shape_cast %get3A_106 : vector<1x16xf32> to vector<16xf32>
      %add3A_108 = arith.addf %get3A_103, %get3A_107 : vector<16xf32>
      %max3A_109 = arith.constant 0.000000e+00 : f32
      %max3A_110 = vector.broadcast %max3A_109 : f32 to vector<16xf32>
      %max3A_111 = arith.maximumf %add3A_108, %max3A_110 : vector<16xf32>
      %swap3A_112 = arith.index_cast %add3A_51 : i32 to index
      %swap3A_113 = arith.constant 48 : index
      %swap3A_114 = tpu.vector_load %arg15[%swap3A_112, %swap3A_113] {strides = array<i32>} : memref<16x128xf32, #tpu.memory_space<vmem>>, vector<1x16xf32>,
      %swap3A_115 = vector.shape_cast %swap3A_114 : vector<1x16xf32> to vector<16xf32>
      %swap3A_116 = vector.shape_cast %max3A_111 : vector<16xf32> to vector<1x16xf32>
      tpu.vector_store %arg15[%swap3A_112, %swap3A_113], %swap3A_116 {strides = array<i32>} : memref<16x128xf32, #tpu.memory_space<vmem>>, vector<1x16xf32>,
      %get3A_117 = arith.index_cast %add3A_51 : i32 to index
      %get3A_118 = arith.constant 64 : index
      %get3A_119 = tpu.vector_load %arg15[%get3A_117, %get3A_118] {strides = array<i32>} : memref<16x128xf32, #tpu.memory_space<vmem>>, vector<1x16xf32>,
      %get3A_120 = vector.shape_cast %get3A_119 : vector<1x16xf32> to vector<16xf32>
      %get3A_121 = arith.index_cast %add3A_51 : i32 to index
      %get3A_122 = arith.constant 64 : index
      %get3A_123 = tpu.vector_load %arg16[%get3A_121, %get3A_122] {strides = array<i32>} : memref<16x128xf32, #tpu.memory_space<vmem>>, vector<1x16xf32>,
      %get3A_124 = vector.shape_cast %get3A_123 : vector<1x16xf32> to vector<16xf32>
      %add3A_125 = arith.addf %get3A_120, %get3A_124 : vector<16xf32>
      %max3A_126 = arith.constant 0.000000e+00 : f32
      %max3A_127 = vector.broadcast %max3A_126 : f32 to vector<16xf32>
      %max3A_128 = arith.maximumf %add3A_125, %max3A_127 : vector<16xf32>
      %swap3A_129 = arith.index_cast %add3A_51 : i32 to index
      %swap3A_130 = arith.constant 64 : index
      %swap3A_131 = tpu.vector_load %arg15[%swap3A_129, %swap3A_130] {strides = array<i32>} : memref<16x128xf32, #tpu.memory_space<vmem>>, vector<1x16xf32>,
      %swap3A_132 = vector.shape_cast %swap3A_131 : vector<1x16xf32> to vector<16xf32>
      %swap3A_133 = vector.shape_cast %max3A_128 : vector<16xf32> to vector<1x16xf32>
      tpu.vector_store %arg15[%swap3A_129, %swap3A_130], %swap3A_133 {strides = array<i32>} : memref<16x128xf32, #tpu.memory_space<vmem>>, vector<1x16xf32>,
      %get3A_134 = arith.index_cast %add3A_51 : i32 to index
      %get3A_135 = arith.constant 80 : index
      %get3A_136 = tpu.vector_load %arg15[%get3A_134, %get3A_135] {strides = array<i32>} : memref<16x128xf32, #tpu.memory_space<vmem>>, vector<1x16xf32>,
      %get3A_137 = vector.shape_cast %get3A_136 : vector<1x16xf32> to vector<16xf32>
      %get3A_138 = arith.index_cast %add3A_51 : i32 to index
      %get3A_139 = arith.constant 80 : index
      %get3A_140 = tpu.vector_load %arg16[%get3A_138, %get3A_139] {strides = array<i32>} : memref<16x128xf32, #tpu.memory_space<vmem>>, vector<1x16xf32>,
      %get3A_141 = vector.shape_cast %get3A_140 : vector<1x16xf32> to vector<16xf32>
      %add3A_142 = arith.addf %get3A_137, %get3A_141 : vector<16xf32>
      %max3A_143 = arith.constant 0.000000e+00 : f32
      %max3A_144 = vector.broadcast %max3A_143 : f32 to vector<16xf32>
      %max3A_145 = arith.maximumf %add3A_142, %max3A_144 : vector<16xf32>
      %swap3A_146 = arith.index_cast %add3A_51 : i32 to index
      %swap3A_147 = arith.constant 80 : index
      %swap3A_148 = tpu.vector_load %arg15[%swap3A_146, %swap3A_147] {strides = array<i32>} : memref<16x128xf32, #tpu.memory_space<vmem>>, vector<1x16xf32>,
      %swap3A_149 = vector.shape_cast %swap3A_148 : vector<1x16xf32> to vector<16xf32>
      %swap3A_150 = vector.shape_cast %max3A_145 : vector<16xf32> to vector<1x16xf32>
      tpu.vector_store %arg15[%swap3A_146, %swap3A_147], %swap3A_150 {strides = array<i32>} : memref<16x128xf32, #tpu.memory_space<vmem>>, vector<1x16xf32>,
      %get3A_151 = arith.index_cast %add3A_51 : i32 to index
      %get3A_152 = arith.constant 96 : index
      %get3A_153 = tpu.vector_load %arg15[%get3A_151, %get3A_152] {strides = array<i32>} : memref<16x128xf32, #tpu.memory_space<vmem>>, vector<1x16xf32>,
      %get3A_154 = vector.shape_cast %get3A_153 : vector<1x16xf32> to vector<16xf32>
      %get3A_155 = arith.index_cast %add3A_51 : i32 to index
      %get3A_156 = arith.constant 96 : index
      %get3A_157 = tpu.vector_load %arg16[%get3A_155, %get3A_156] {strides = array<i32>} : memref<16x128xf32, #tpu.memory_space<vmem>>, vector<1x16xf32>,
      %get3A_158 = vector.shape_cast %get3A_157 : vector<1x16xf32> to vector<16xf32>
      %add3A_159 = arith.addf %get3A_154, %get3A_158 : vector<16xf32>
      %max3A_160 = arith.constant 0.000000e+00 : f32
      %max3A_161 = vector.broadcast %max3A_160 : f32 to vector<16xf32>
      %max3A_162 = arith.maximumf %add3A_159, %max3A_161 : vector<16xf32>
      %swap3A_163 = arith.index_cast %add3A_51 : i32 to index
      %swap3A_164 = arith.constant 96 : index
      %swap3A_165 = tpu.vector_load %arg15[%swap3A_163, %swap3A_164] {strides = array<i32>} : memref<16x128xf32, #tpu.memory_space<vmem>>, vector<1x16xf32>,
      %swap3A_166 = vector.shape_cast %swap3A_165 : vector<1x16xf32> to vector<16xf32>
      %swap3A_167 = vector.shape_cast %max3A_162 : vector<16xf32> to vector<1x16xf32>
      tpu.vector_store %arg15[%swap3A_163, %swap3A_164], %swap3A_167 {strides = array<i32>} : memref<16x128xf32, #tpu.memory_space<vmem>>, vector<1x16xf32>,
      %get3A_168 = arith.index_cast %add3A_51 : i32 to index
      %get3A_169 = arith.constant 112 : index
      %get3A_170 = tpu.vector_load %arg15[%get3A_168, %get3A_169] {strides = array<i32>} : memref<16x128xf32, #tpu.memory_space<vmem>>, vector<1x16xf32>,
      %get3A_171 = vector.shape_cast %get3A_170 : vector<1x16xf32> to vector<16xf32>
      %get3A_172 = arith.index_cast %add3A_51 : i32 to index
      %get3A_173 = arith.constant 112 : index
      %get3A_174 = tpu.vector_load %arg16[%get3A_172, %get3A_173] {strides = array<i32>} : memref<16x128xf32, #tpu.memory_space<vmem>>, vector<1x16xf32>,
      %get3A_175 = vector.shape_cast %get3A_174 : vector<1x16xf32> to vector<16xf32>
      %add3A_176 = arith.addf %get3A_171, %get3A_175 : vector<16xf32>
      %max3A_177 = arith.constant 0.000000e+00 : f32
      %max3A_178 = vector.broadcast %max3A_177 : f32 to vector<16xf32>
      %max3A_179 = arith.maximumf %add3A_176, %max3A_178 : vector<16xf32>
      %swap3A_180 = arith.index_cast %add3A_51 : i32 to index
      %swap3A_181 = arith.constant 112 : index
      %swap3A_182 = tpu.vector_load %arg15[%swap3A_180, %swap3A_181] {strides = array<i32>} : memref<16x128xf32, #tpu.memory_space<vmem>>, vector<1x16xf32>,
      %swap3A_183 = vector.shape_cast %swap3A_182 : vector<1x16xf32> to vector<16xf32>
      %swap3A_184 = vector.shape_cast %max3A_179 : vector<16xf32> to vector<1x16xf32>
      tpu.vector_store %arg15[%swap3A_180, %swap3A_181], %swap3A_184 {strides = array<i32>} : memref<16x128xf32, #tpu.memory_space<vmem>>, vector<1x16xf32>,
    }
    %scan3A_35 = arith.constant 16 : i32
    "tpu.region"() ({
      %run_scoped3A = tpu.sem_alloc : memref<!tpu.dma_semaphore, #tpu.memory_space<semaphore_mem>>
      %dma_start3A_47 = arith.constant 0 : i32
      %dma_start3A_48 = arith.constant 0 : i32
      %dma_start3A_49 = tpu.memref_slice %arg11[%dma_start3A_47, %dma_start3A_48] : memref<10240x128xf32, #tpu.memory_space<vmem_shared>> -> memref<10240x128xf32, #tpu.memory_space<vmem_shared>>
      tpu.enqueue_indirect_dma source(%arg15 : memref<16x128xf32, #tpu.memory_space<vmem>>) target(%dma_start3A_49 : memref<10240x128xf32, #tpu.memory_space<vmem_shared>>) offsets(%arg14 : memref<16xi32, #tpu.memory_space<vmem>>) semaphore(%run_scoped3A : memref<!tpu.dma_semaphore, #tpu.memory_space<semaphore_mem>>) {add = true}
      %dma_wait3A_50 = arith.constant 0 : i32
      %dma_wait3A_51 = arith.constant 0 : i32
      %dma_wait3A_52 = tpu.memref_slice %arg11[%dma_wait3A_50, %dma_wait3A_51] : memref<10240x128xf32, #tpu.memory_space<vmem_shared>> -> memref<10240x128xf32, #tpu.memory_space<vmem_shared>>
      tpu.wait_indirect_dma semaphore(%run_scoped3A : memref<!tpu.dma_semaphore, #tpu.memory_space<semaphore_mem>>) src(%arg15 : memref<16x128xf32, #tpu.memory_space<vmem>>) dst(%dma_wait3A_52 : memref<10240x128xf32, #tpu.memory_space<vmem_shared>>)
      tpu.yield
    }) : () -> ()
    %barrier3A_36 = arith.constant 0 : index
    tpu.barrier barrier_id(%barrier3A_36)
    %add3A_37 = arith.constant 0 : i32
    %add3A_38 = arith.addi %mul3A_7, %add3A_37 : i32
    "tpu.region"() ({
      %run_scoped3A = tpu.sem_alloc : memref<!tpu.dma_semaphore, #tpu.memory_space<semaphore_mem>>
      %dma_start3A_47 = arith.constant 0 : i32
      %dma_start3A_48 = tpu.memref_slice %arg6[%arg0, %add3A_38, %dma_start3A_47] : memref<2x10240x128xf32, #tpu.memory_space<hbm>> -> memref<1x128x128xf32, #tpu.memory_space<hbm>>
      %dma_start3A_49 = tpu.memref_squeeze %dma_start3A_48 : memref<1x128x128xf32, #tpu.memory_space<hbm>> -> memref<128x128xf32, #tpu.memory_space<hbm>>
      %dma_start3A_50 = arith.constant 0 : i32
      %dma_start3A_51 = tpu.memref_slice %arg11[%add3A_38, %dma_start3A_50] : memref<10240x128xf32, #tpu.memory_space<vmem_shared>> -> memref<128x128xf32, #tpu.memory_space<vmem_shared>>
      tpu.enqueue_dma source(%dma_start3A_51 : memref<128x128xf32, #tpu.memory_space<vmem_shared>>) target(%dma_start3A_49 : memref<128x128xf32, #tpu.memory_space<hbm>>) target_semaphore(%run_scoped3A : memref<!tpu.dma_semaphore, #tpu.memory_space<semaphore_mem>>)
      %dma_wait3A_52 = arith.constant 0 : i32
      %dma_wait3A_53 = tpu.memref_slice %arg6[%arg0, %add3A_38, %dma_wait3A_52] : memref<2x10240x128xf32, #tpu.memory_space<hbm>> -> memref<1x128x128xf32, #tpu.memory_space<hbm>>
      %dma_wait3A_54 = tpu.memref_squeeze %dma_wait3A_53 : memref<1x128x128xf32, #tpu.memory_space<hbm>> -> memref<128x128xf32, #tpu.memory_space<hbm>>
      %dma_wait3A_55 = arith.constant 0 : i32
      %dma_wait3A_56 = tpu.memref_slice %arg11[%add3A_38, %dma_wait3A_55] : memref<10240x128xf32, #tpu.memory_space<vmem_shared>> -> memref<128x128xf32, #tpu.memory_space<vmem_shared>>
      tpu.wait_dma2 semaphore(%run_scoped3A : memref<!tpu.dma_semaphore, #tpu.memory_space<semaphore_mem>>) src(%dma_wait3A_56 : memref<128x128xf32, #tpu.memory_space<vmem_shared>>) dst(%dma_wait3A_54 : memref<128x128xf32, #tpu.memory_space<hbm>>)
      tpu.yield
    }) : () -> ()
    %add3A_39 = arith.constant 128 : i32
    %add3A_40 = arith.addi %mul3A_7, %add3A_39 : i32
    "tpu.region"() ({
      %run_scoped3A = tpu.sem_alloc : memref<!tpu.dma_semaphore, #tpu.memory_space<semaphore_mem>>
      %dma_start3A_47 = arith.constant 0 : i32
      %dma_start3A_48 = tpu.memref_slice %arg6[%arg0, %add3A_40, %dma_start3A_47] : memref<2x10240x128xf32, #tpu.memory_space<hbm>> -> memref<1x128x128xf32, #tpu.memory_space<hbm>>
      %dma_start3A_49 = tpu.memref_squeeze %dma_start3A_48 : memref<1x128x128xf32, #tpu.memory_space<hbm>> -> memref<128x128xf32, #tpu.memory_space<hbm>>
      %dma_start3A_50 = arith.constant 0 : i32
      %dma_start3A_51 = tpu.memref_slice %arg11[%add3A_40, %dma_start3A_50] : memref<10240x128xf32, #tpu.memory_space<vmem_shared>> -> memref<128x128xf32, #tpu.memory_space<vmem_shared>>
      tpu.enqueue_dma source(%dma_start3A_51 : memref<128x128xf32, #tpu.memory_space<vmem_shared>>) target(%dma_start3A_49 : memref<128x128xf32, #tpu.memory_space<hbm>>) target_semaphore(%run_scoped3A : memref<!tpu.dma_semaphore, #tpu.memory_space<semaphore_mem>>)
      %dma_wait3A_52 = arith.constant 0 : i32
      %dma_wait3A_53 = tpu.memref_slice %arg6[%arg0, %add3A_40, %dma_wait3A_52] : memref<2x10240x128xf32, #tpu.memory_space<hbm>> -> memref<1x128x128xf32, #tpu.memory_space<hbm>>
      %dma_wait3A_54 = tpu.memref_squeeze %dma_wait3A_53 : memref<1x128x128xf32, #tpu.memory_space<hbm>> -> memref<128x128xf32, #tpu.memory_space<hbm>>
      %dma_wait3A_55 = arith.constant 0 : i32
      %dma_wait3A_56 = tpu.memref_slice %arg11[%add3A_40, %dma_wait3A_55] : memref<10240x128xf32, #tpu.memory_space<vmem_shared>> -> memref<128x128xf32, #tpu.memory_space<vmem_shared>>
      tpu.wait_dma2 semaphore(%run_scoped3A : memref<!tpu.dma_semaphore, #tpu.memory_space<semaphore_mem>>) src(%dma_wait3A_56 : memref<128x128xf32, #tpu.memory_space<vmem_shared>>) dst(%dma_wait3A_54 : memref<128x128xf32, #tpu.memory_space<hbm>>)
      tpu.yield
    }) : () -> ()
    %add3A_41 = arith.constant 256 : i32
    %add3A_42 = arith.addi %mul3A_7, %add3A_41 : i32
    "tpu.region"() ({
      %run_scoped3A = tpu.sem_alloc : memref<!tpu.dma_semaphore, #tpu.memory_space<semaphore_mem>>
      %dma_start3A_47 = arith.constant 0 : i32
      %dma_start3A_48 = tpu.memref_slice %arg6[%arg0, %add3A_42, %dma_start3A_47] : memref<2x10240x128xf32, #tpu.memory_space<hbm>> -> memref<1x128x128xf32, #tpu.memory_space<hbm>>
      %dma_start3A_49 = tpu.memref_squeeze %dma_start3A_48 : memref<1x128x128xf32, #tpu.memory_space<hbm>> -> memref<128x128xf32, #tpu.memory_space<hbm>>
      %dma_start3A_50 = arith.constant 0 : i32
      %dma_start3A_51 = tpu.memref_slice %arg11[%add3A_42, %dma_start3A_50] : memref<10240x128xf32, #tpu.memory_space<vmem_shared>> -> memref<128x128xf32, #tpu.memory_space<vmem_shared>>
      tpu.enqueue_dma source(%dma_start3A_51 : memref<128x128xf32, #tpu.memory_space<vmem_shared>>) target(%dma_start3A_49 : memref<128x128xf32, #tpu.memory_space<hbm>>) target_semaphore(%run_scoped3A : memref<!tpu.dma_semaphore, #tpu.memory_space<semaphore_mem>>)
      %dma_wait3A_52 = arith.constant 0 : i32
      %dma_wait3A_53 = tpu.memref_slice %arg6[%arg0, %add3A_42, %dma_wait3A_52] : memref<2x10240x128xf32, #tpu.memory_space<hbm>> -> memref<1x128x128xf32, #tpu.memory_space<hbm>>
      %dma_wait3A_54 = tpu.memref_squeeze %dma_wait3A_53 : memref<1x128x128xf32, #tpu.memory_space<hbm>> -> memref<128x128xf32, #tpu.memory_space<hbm>>
      %dma_wait3A_55 = arith.constant 0 : i32
      %dma_wait3A_56 = tpu.memref_slice %arg11[%add3A_42, %dma_wait3A_55] : memref<10240x128xf32, #tpu.memory_space<vmem_shared>> -> memref<128x128xf32, #tpu.memory_space<vmem_shared>>
      tpu.wait_dma2 semaphore(%run_scoped3A : memref<!tpu.dma_semaphore, #tpu.memory_space<semaphore_mem>>) src(%dma_wait3A_56 : memref<128x128xf32, #tpu.memory_space<vmem_shared>>) dst(%dma_wait3A_54 : memref<128x128xf32, #tpu.memory_space<hbm>>)
      tpu.yield
    }) : () -> ()
    %add3A_43 = arith.constant 384 : i32
    %add3A_44 = arith.addi %mul3A_7, %add3A_43 : i32
    "tpu.region"() ({
      %run_scoped3A = tpu.sem_alloc : memref<!tpu.dma_semaphore, #tpu.memory_space<semaphore_mem>>
      %dma_start3A_47 = arith.constant 0 : i32
      %dma_start3A_48 = tpu.memref_slice %arg6[%arg0, %add3A_44, %dma_start3A_47] : memref<2x10240x128xf32, #tpu.memory_space<hbm>> -> memref<1x128x128xf32, #tpu.memory_space<hbm>>
      %dma_start3A_49 = tpu.memref_squeeze %dma_start3A_48 : memref<1x128x128xf32, #tpu.memory_space<hbm>> -> memref<128x128xf32, #tpu.memory_space<hbm>>
      %dma_start3A_50 = arith.constant 0 : i32
      %dma_start3A_51 = tpu.memref_slice %arg11[%add3A_44, %dma_start3A_50] : memref<10240x128xf32, #tpu.memory_space<vmem_shared>> -> memref<128x128xf32, #tpu.memory_space<vmem_shared>>
      tpu.enqueue_dma source(%dma_start3A_51 : memref<128x128xf32, #tpu.memory_space<vmem_shared>>) target(%dma_start3A_49 : memref<128x128xf32, #tpu.memory_space<hbm>>) target_semaphore(%run_scoped3A : memref<!tpu.dma_semaphore, #tpu.memory_space<semaphore_mem>>)
      %dma_wait3A_52 = arith.constant 0 : i32
      %dma_wait3A_53 = tpu.memref_slice %arg6[%arg0, %add3A_44, %dma_wait3A_52] : memref<2x10240x128xf32, #tpu.memory_space<hbm>> -> memref<1x128x128xf32, #tpu.memory_space<hbm>>
      %dma_wait3A_54 = tpu.memref_squeeze %dma_wait3A_53 : memref<1x128x128xf32, #tpu.memory_space<hbm>> -> memref<128x128xf32, #tpu.memory_space<hbm>>
      %dma_wait3A_55 = arith.constant 0 : i32
      %dma_wait3A_56 = tpu.memref_slice %arg11[%add3A_44, %dma_wait3A_55] : memref<10240x128xf32, #tpu.memory_space<vmem_shared>> -> memref<128x128xf32, #tpu.memory_space<vmem_shared>>
      tpu.wait_dma2 semaphore(%run_scoped3A : memref<!tpu.dma_semaphore, #tpu.memory_space<semaphore_mem>>) src(%dma_wait3A_56 : memref<128x128xf32, #tpu.memory_space<vmem_shared>>) dst(%dma_wait3A_54 : memref<128x128xf32, #tpu.memory_space<hbm>>)
      tpu.yield
    }) : () -> ()
    %add3A_45 = arith.constant 512 : i32
    %add3A_46 = arith.addi %mul3A_7, %add3A_45 : i32
    "tpu.region"() ({
      %run_scoped3A = tpu.sem_alloc : memref<!tpu.dma_semaphore, #tpu.memory_space<semaphore_mem>>
      %dma_start3A_47 = arith.constant 0 : i32
      %dma_start3A_48 = tpu.memref_slice %arg6[%arg0, %add3A_46, %dma_start3A_47] : memref<2x10240x128xf32, #tpu.memory_space<hbm>> -> memref<1x128x128xf32, #tpu.memory_space<hbm>>
      %dma_start3A_49 = tpu.memref_squeeze %dma_start3A_48 : memref<1x128x128xf32, #tpu.memory_space<hbm>> -> memref<128x128xf32, #tpu.memory_space<hbm>>
      %dma_start3A_50 = arith.constant 0 : i32
      %dma_start3A_51 = tpu.memref_slice %arg11[%add3A_46, %dma_start3A_50] : memref<10240x128xf32, #tpu.memory_space<vmem_shared>> -> memref<128x128xf32, #tpu.memory_space<vmem_shared>>
      tpu.enqueue_dma source(%dma_start3A_51 : memref<128x128xf32, #tpu.memory_space<vmem_shared>>) target(%dma_start3A_49 : memref<128x128xf32, #tpu.memory_space<hbm>>) target_semaphore(%run_scoped3A : memref<!tpu.dma_semaphore, #tpu.memory_space<semaphore_mem>>)
      %dma_wait3A_52 = arith.constant 0 : i32
      %dma_wait3A_53 = tpu.memref_slice %arg6[%arg0, %add3A_46, %dma_wait3A_52] : memref<2x10240x128xf32, #tpu.memory_space<hbm>> -> memref<1x128x128xf32, #tpu.memory_space<hbm>>
      %dma_wait3A_54 = tpu.memref_squeeze %dma_wait3A_53 : memref<1x128x128xf32, #tpu.memory_space<hbm>> -> memref<128x128xf32, #tpu.memory_space<hbm>>
      %dma_wait3A_55 = arith.constant 0 : i32
      %dma_wait3A_56 = tpu.memref_slice %arg11[%add3A_46, %dma_wait3A_55] : memref<10240x128xf32, #tpu.memory_space<vmem_shared>> -> memref<128x128xf32, #tpu.memory_space<vmem_shared>>
      tpu.wait_dma2 semaphore(%run_scoped3A : memref<!tpu.dma_semaphore, #tpu.memory_space<semaphore_mem>>) src(%dma_wait3A_56 : memref<128x128xf32, #tpu.memory_space<vmem_shared>>) dst(%dma_wait3A_54 : memref<128x128xf32, #tpu.memory_space<hbm>>)
      tpu.yield
    }) : () -> ()
    return
  }
}

#map = affine_map<(d0, d1) -> (0)>
#map1 = affine_map<(d0, d1) -> (0, 0)>
#map2 = affine_map<(d0, d1) -> (0, 0, 0)>
module attributes {stable_mosaic.version = 14 : i64} {
  func.func @k(%arg0: i32, %arg1: i32, %arg2: memref<320000xi32, #tpu.memory_space<hbm>>, %arg3: memref<320000xi32, #tpu.memory_space<hbm>>, %arg4: memref<10000x128xf32, #tpu.memory_space<hbm>>, %arg5: memref<320000x128xf32, #tpu.memory_space<hbm>>, %arg6: memref<2x10240x128xf32, #tpu.memory_space<hbm>>, %arg7: memref<128xi32, #tpu.memory_space<vmem>>, %arg8: memref<128xi32, #tpu.memory_space<vmem>>, %arg9: memref<128x128xf32, #tpu.memory_space<vmem>>, %arg10: memref<128x128xf32, #tpu.memory_space<vmem>>, %arg11: memref<10240x128xf32, #tpu.memory_space<vmem_shared>>, %arg12: memref<!tpu.dma_semaphore, #tpu.memory_space<semaphore_mem>>, %arg13: memref<16xi32, #tpu.memory_space<vmem>>, %arg14: memref<16xi32, #tpu.memory_space<vmem>>, %arg15: memref<16x128xf32, #tpu.memory_space<vmem>>, %arg16: memref<16x128xf32, #tpu.memory_space<vmem>>) attributes {dimension_semantics = [#tpu.dimension_semantics<core_parallel>, #tpu.dimension_semantics<subcore_parallel>], iteration_bounds = array<i64: 2, 16>, scalar_prefetch = 0 : i64, scratch_operands = 10 : i64, tpu.core_type = #tpu.core_type<sc_vector_subcore>, window_params = [{transform_indices = #map}, {transform_indices = #map}, {transform_indices = #map1}, {transform_indices = #map1}, {transform_indices = #map2}]} {
    %mul3A = arith.constant 16 : i32
    %mul3A_0 = arith.muli %arg0, %mul3A : i32
    %add3A = arith.addi %mul3A_0, %arg1 : i32
    %broadcast_in_dim3A = arith.constant 0.000000e+00 : f32
    %broadcast_in_dim3A_1 = vector.broadcast %broadcast_in_dim3A : f32 to vector<16xf32>
    %scan3A = arith.constant 0 : i32
    %scan3A_2 = arith.constant 128 : i32
    %scan3A_3 = arith.addi %scan3A, %scan3A_2 : i32
    %scan3A_4 = arith.constant 1 : i32
    scf.for %scan3A_47 = %scan3A to %scan3A_3 step %scan3A_4  : i32 {
      %mul3A_48 = arith.constant 1 : i32
      %mul3A_49 = arith.muli %scan3A_47, %mul3A_48 : i32
      %add3A_50 = arith.constant 0 : i32
      %add3A_51 = arith.addi %add3A_50, %mul3A_49 : i32
      %swap3A = arith.index_cast %add3A_51 : i32 to index
      %swap3A_52 = arith.constant 0 : index
      %swap3A_53 = tpu.vector_load %arg9[%swap3A, %swap3A_52] {strides = array<i32>} : memref<128x128xf32, #tpu.memory_space<vmem>>, vector<1x16xf32>,
      %swap3A_54 = vector.shape_cast %swap3A_53 : vector<1x16xf32> to vector<16xf32>
      %swap3A_55 = vector.shape_cast %broadcast_in_dim3A_1 : vector<16xf32> to vector<1x16xf32>
      tpu.vector_store %arg9[%swap3A, %swap3A_52], %swap3A_55 {strides = array<i32>} : memref<128x128xf32, #tpu.memory_space<vmem>>, vector<1x16xf32>,
      %swap3A_56 = arith.index_cast %add3A_51 : i32 to index
      %swap3A_57 = arith.constant 16 : index
      %swap3A_58 = tpu.vector_load %arg9[%swap3A_56, %swap3A_57] {strides = array<i32>} : memref<128x128xf32, #tpu.memory_space<vmem>>, vector<1x16xf32>,
      %swap3A_59 = vector.shape_cast %swap3A_58 : vector<1x16xf32> to vector<16xf32>
      %swap3A_60 = vector.shape_cast %broadcast_in_dim3A_1 : vector<16xf32> to vector<1x16xf32>
      tpu.vector_store %arg9[%swap3A_56, %swap3A_57], %swap3A_60 {strides = array<i32>} : memref<128x128xf32, #tpu.memory_space<vmem>>, vector<1x16xf32>,
      %swap3A_61 = arith.index_cast %add3A_51 : i32 to index
      %swap3A_62 = arith.constant 32 : index
      %swap3A_63 = tpu.vector_load %arg9[%swap3A_61, %swap3A_62] {strides = array<i32>} : memref<128x128xf32, #tpu.memory_space<vmem>>, vector<1x16xf32>,
      %swap3A_64 = vector.shape_cast %swap3A_63 : vector<1x16xf32> to vector<16xf32>
      %swap3A_65 = vector.shape_cast %broadcast_in_dim3A_1 : vector<16xf32> to vector<1x16xf32>
      tpu.vector_store %arg9[%swap3A_61, %swap3A_62], %swap3A_65 {strides = array<i32>} : memref<128x128xf32, #tpu.memory_space<vmem>>, vector<1x16xf32>,
      %swap3A_66 = arith.index_cast %add3A_51 : i32 to index
      %swap3A_67 = arith.constant 48 : index
      %swap3A_68 = tpu.vector_load %arg9[%swap3A_66, %swap3A_67] {strides = array<i32>} : memref<128x128xf32, #tpu.memory_space<vmem>>, vector<1x16xf32>,
      %swap3A_69 = vector.shape_cast %swap3A_68 : vector<1x16xf32> to vector<16xf32>
      %swap3A_70 = vector.shape_cast %broadcast_in_dim3A_1 : vector<16xf32> to vector<1x16xf32>
      tpu.vector_store %arg9[%swap3A_66, %swap3A_67], %swap3A_70 {strides = array<i32>} : memref<128x128xf32, #tpu.memory_space<vmem>>, vector<1x16xf32>,
      %swap3A_71 = arith.index_cast %add3A_51 : i32 to index
      %swap3A_72 = arith.constant 64 : index
      %swap3A_73 = tpu.vector_load %arg9[%swap3A_71, %swap3A_72] {strides = array<i32>} : memref<128x128xf32, #tpu.memory_space<vmem>>, vector<1x16xf32>,
      %swap3A_74 = vector.shape_cast %swap3A_73 : vector<1x16xf32> to vector<16xf32>
      %swap3A_75 = vector.shape_cast %broadcast_in_dim3A_1 : vector<16xf32> to vector<1x16xf32>
      tpu.vector_store %arg9[%swap3A_71, %swap3A_72], %swap3A_75 {strides = array<i32>} : memref<128x128xf32, #tpu.memory_space<vmem>>, vector<1x16xf32>,
      %swap3A_76 = arith.index_cast %add3A_51 : i32 to index
      %swap3A_77 = arith.constant 80 : index
      %swap3A_78 = tpu.vector_load %arg9[%swap3A_76, %swap3A_77] {strides = array<i32>} : memref<128x128xf32, #tpu.memory_space<vmem>>, vector<1x16xf32>,
      %swap3A_79 = vector.shape_cast %swap3A_78 : vector<1x16xf32> to vector<16xf32>
      %swap3A_80 = vector.shape_cast %broadcast_in_dim3A_1 : vector<16xf32> to vector<1x16xf32>
      tpu.vector_store %arg9[%swap3A_76, %swap3A_77], %swap3A_80 {strides = array<i32>} : memref<128x128xf32, #tpu.memory_space<vmem>>, vector<1x16xf32>,
      %swap3A_81 = arith.index_cast %add3A_51 : i32 to index
      %swap3A_82 = arith.constant 96 : index
      %swap3A_83 = tpu.vector_load %arg9[%swap3A_81, %swap3A_82] {strides = array<i32>} : memref<128x128xf32, #tpu.memory_space<vmem>>, vector<1x16xf32>,
      %swap3A_84 = vector.shape_cast %swap3A_83 : vector<1x16xf32> to vector<16xf32>
      %swap3A_85 = vector.shape_cast %broadcast_in_dim3A_1 : vector<16xf32> to vector<1x16xf32>
      tpu.vector_store %arg9[%swap3A_81, %swap3A_82], %swap3A_85 {strides = array<i32>} : memref<128x128xf32, #tpu.memory_space<vmem>>, vector<1x16xf32>,
      %swap3A_86 = arith.index_cast %add3A_51 : i32 to index
      %swap3A_87 = arith.constant 112 : index
      %swap3A_88 = tpu.vector_load %arg9[%swap3A_86, %swap3A_87] {strides = array<i32>} : memref<128x128xf32, #tpu.memory_space<vmem>>, vector<1x16xf32>,
      %swap3A_89 = vector.shape_cast %swap3A_88 : vector<1x16xf32> to vector<16xf32>
      %swap3A_90 = vector.shape_cast %broadcast_in_dim3A_1 : vector<16xf32> to vector<1x16xf32>
      tpu.vector_store %arg9[%swap3A_86, %swap3A_87], %swap3A_90 {strides = array<i32>} : memref<128x128xf32, #tpu.memory_space<vmem>>, vector<1x16xf32>,
    }
    %scan3A_5 = arith.constant 128 : i32
    %mul3A_6 = arith.constant 640 : i32
    %mul3A_7 = arith.muli %arg1, %mul3A_6 : i32
    %add3A_8 = arith.constant 0 : i32
    %add3A_9 = arith.addi %mul3A_7, %add3A_8 : i32
    "tpu.region"() ({
      %run_scoped3A = tpu.sem_alloc : memref<!tpu.dma_semaphore, #tpu.memory_space<semaphore_mem>>
      %dma_start3A_47 = arith.constant 0 : i32
      %dma_start3A_48 = tpu.memref_slice %arg11[%add3A_9, %dma_start3A_47] : memref<10240x128xf32, #tpu.memory_space<vmem_shared>> -> memref<128x128xf32, #tpu.memory_space<vmem_shared>>
      %dma_start3A_49 = arith.constant 0 : i32
      %dma_start3A_50 = tpu.memref_slice %arg11[%add3A_9, %dma_start3A_49] : memref<10240x128xf32, #tpu.memory_space<vmem_shared>> -> memref<128x128xf32, #tpu.memory_space<vmem_shared>>
      tpu.enqueue_dma source(%arg9 : memref<128x128xf32, #tpu.memory_space<vmem>>) target(%dma_start3A_50 : memref<128x128xf32, #tpu.memory_space<vmem_shared>>) target_semaphore(%run_scoped3A : memref<!tpu.dma_semaphore, #tpu.memory_space<semaphore_mem>>)
      %dma_wait3A_51 = arith.constant 0 : i32
      %dma_wait3A_52 = tpu.memref_slice %arg11[%add3A_9, %dma_wait3A_51] : memref<10240x128xf32, #tpu.memory_space<vmem_shared>> -> memref<128x128xf32, #tpu.memory_space<vmem_shared>>
      %dma_wait3A_53 = arith.constant 0 : i32
      %dma_wait3A_54 = tpu.memref_slice %arg11[%add3A_9, %dma_wait3A_53] : memref<10240x128xf32, #tpu.memory_space<vmem_shared>> -> memref<128x128xf32, #tpu.memory_space<vmem_shared>>
      tpu.wait_dma2 semaphore(%run_scoped3A : memref<!tpu.dma_semaphore, #tpu.memory_space<semaphore_mem>>) src(%arg9 : memref<128x128xf32, #tpu.memory_space<vmem>>) dst(%dma_wait3A_54 : memref<128x128xf32, #tpu.memory_space<vmem_shared>>)
      tpu.yield
    }) : () -> ()
    %add3A_10 = arith.constant 128 : i32
    %add3A_11 = arith.addi %mul3A_7, %add3A_10 : i32
    "tpu.region"() ({
      %run_scoped3A = tpu.sem_alloc : memref<!tpu.dma_semaphore, #tpu.memory_space<semaphore_mem>>
      %dma_start3A_47 = arith.constant 0 : i32
      %dma_start3A_48 = tpu.memref_slice %arg11[%add3A_11, %dma_start3A_47] : memref<10240x128xf32, #tpu.memory_space<vmem_shared>> -> memref<128x128xf32, #tpu.memory_space<vmem_shared>>
      %dma_start3A_49 = arith.constant 0 : i32
      %dma_start3A_50 = tpu.memref_slice %arg11[%add3A_11, %dma_start3A_49] : memref<10240x128xf32, #tpu.memory_space<vmem_shared>> -> memref<128x128xf32, #tpu.memory_space<vmem_shared>>
      tpu.enqueue_dma source(%arg9 : memref<128x128xf32, #tpu.memory_space<vmem>>) target(%dma_start3A_50 : memref<128x128xf32, #tpu.memory_space<vmem_shared>>) target_semaphore(%run_scoped3A : memref<!tpu.dma_semaphore, #tpu.memory_space<semaphore_mem>>)
      %dma_wait3A_51 = arith.constant 0 : i32
      %dma_wait3A_52 = tpu.memref_slice %arg11[%add3A_11, %dma_wait3A_51] : memref<10240x128xf32, #tpu.memory_space<vmem_shared>> -> memref<128x128xf32, #tpu.memory_space<vmem_shared>>
      %dma_wait3A_53 = arith.constant 0 : i32
      %dma_wait3A_54 = tpu.memref_slice %arg11[%add3A_11, %dma_wait3A_53] : memref<10240x128xf32, #tpu.memory_space<vmem_shared>> -> memref<128x128xf32, #tpu.memory_space<vmem_shared>>
      tpu.wait_dma2 semaphore(%run_scoped3A : memref<!tpu.dma_semaphore, #tpu.memory_space<semaphore_mem>>) src(%arg9 : memref<128x128xf32, #tpu.memory_space<vmem>>) dst(%dma_wait3A_54 : memref<128x128xf32, #tpu.memory_space<vmem_shared>>)
      tpu.yield
    }) : () -> ()
    %add3A_12 = arith.constant 256 : i32
    %add3A_13 = arith.addi %mul3A_7, %add3A_12 : i32
    "tpu.region"() ({
      %run_scoped3A = tpu.sem_alloc : memref<!tpu.dma_semaphore, #tpu.memory_space<semaphore_mem>>
      %dma_start3A_47 = arith.constant 0 : i32
      %dma_start3A_48 = tpu.memref_slice %arg11[%add3A_13, %dma_start3A_47] : memref<10240x128xf32, #tpu.memory_space<vmem_shared>> -> memref<128x128xf32, #tpu.memory_space<vmem_shared>>
      %dma_start3A_49 = arith.constant 0 : i32
      %dma_start3A_50 = tpu.memref_slice %arg11[%add3A_13, %dma_start3A_49] : memref<10240x128xf32, #tpu.memory_space<vmem_shared>> -> memref<128x128xf32, #tpu.memory_space<vmem_shared>>
      tpu.enqueue_dma source(%arg9 : memref<128x128xf32, #tpu.memory_space<vmem>>) target(%dma_start3A_50 : memref<128x128xf32, #tpu.memory_space<vmem_shared>>) target_semaphore(%run_scoped3A : memref<!tpu.dma_semaphore, #tpu.memory_space<semaphore_mem>>)
      %dma_wait3A_51 = arith.constant 0 : i32
      %dma_wait3A_52 = tpu.memref_slice %arg11[%add3A_13, %dma_wait3A_51] : memref<10240x128xf32, #tpu.memory_space<vmem_shared>> -> memref<128x128xf32, #tpu.memory_space<vmem_shared>>
      %dma_wait3A_53 = arith.constant 0 : i32
      %dma_wait3A_54 = tpu.memref_slice %arg11[%add3A_13, %dma_wait3A_53] : memref<10240x128xf32, #tpu.memory_space<vmem_shared>> -> memref<128x128xf32, #tpu.memory_space<vmem_shared>>
      tpu.wait_dma2 semaphore(%run_scoped3A : memref<!tpu.dma_semaphore, #tpu.memory_space<semaphore_mem>>) src(%arg9 : memref<128x128xf32, #tpu.memory_space<vmem>>) dst(%dma_wait3A_54 : memref<128x128xf32, #tpu.memory_space<vmem_shared>>)
      tpu.yield
    }) : () -> ()
    %add3A_14 = arith.constant 384 : i32
    %add3A_15 = arith.addi %mul3A_7, %add3A_14 : i32
    "tpu.region"() ({
      %run_scoped3A = tpu.sem_alloc : memref<!tpu.dma_semaphore, #tpu.memory_space<semaphore_mem>>
      %dma_start3A_47 = arith.constant 0 : i32
      %dma_start3A_48 = tpu.memref_slice %arg11[%add3A_15, %dma_start3A_47] : memref<10240x128xf32, #tpu.memory_space<vmem_shared>> -> memref<128x128xf32, #tpu.memory_space<vmem_shared>>
      %dma_start3A_49 = arith.constant 0 : i32
      %dma_start3A_50 = tpu.memref_slice %arg11[%add3A_15, %dma_start3A_49] : memref<10240x128xf32, #tpu.memory_space<vmem_shared>> -> memref<128x128xf32, #tpu.memory_space<vmem_shared>>
      tpu.enqueue_dma source(%arg9 : memref<128x128xf32, #tpu.memory_space<vmem>>) target(%dma_start3A_50 : memref<128x128xf32, #tpu.memory_space<vmem_shared>>) target_semaphore(%run_scoped3A : memref<!tpu.dma_semaphore, #tpu.memory_space<semaphore_mem>>)
      %dma_wait3A_51 = arith.constant 0 : i32
      %dma_wait3A_52 = tpu.memref_slice %arg11[%add3A_15, %dma_wait3A_51] : memref<10240x128xf32, #tpu.memory_space<vmem_shared>> -> memref<128x128xf32, #tpu.memory_space<vmem_shared>>
      %dma_wait3A_53 = arith.constant 0 : i32
      %dma_wait3A_54 = tpu.memref_slice %arg11[%add3A_15, %dma_wait3A_53] : memref<10240x128xf32, #tpu.memory_space<vmem_shared>> -> memref<128x128xf32, #tpu.memory_space<vmem_shared>>
      tpu.wait_dma2 semaphore(%run_scoped3A : memref<!tpu.dma_semaphore, #tpu.memory_space<semaphore_mem>>) src(%arg9 : memref<128x128xf32, #tpu.memory_space<vmem>>) dst(%dma_wait3A_54 : memref<128x128xf32, #tpu.memory_space<vmem_shared>>)
      tpu.yield
    }) : () -> ()
    %add3A_16 = arith.constant 512 : i32
    %add3A_17 = arith.addi %mul3A_7, %add3A_16 : i32
    "tpu.region"() ({
      %run_scoped3A = tpu.sem_alloc : memref<!tpu.dma_semaphore, #tpu.memory_space<semaphore_mem>>
      %dma_start3A_47 = arith.constant 0 : i32
      %dma_start3A_48 = tpu.memref_slice %arg11[%add3A_17, %dma_start3A_47] : memref<10240x128xf32, #tpu.memory_space<vmem_shared>> -> memref<128x128xf32, #tpu.memory_space<vmem_shared>>
      %dma_start3A_49 = arith.constant 0 : i32
      %dma_start3A_50 = tpu.memref_slice %arg11[%add3A_17, %dma_start3A_49] : memref<10240x128xf32, #tpu.memory_space<vmem_shared>> -> memref<128x128xf32, #tpu.memory_space<vmem_shared>>
      tpu.enqueue_dma source(%arg9 : memref<128x128xf32, #tpu.memory_space<vmem>>) target(%dma_start3A_50 : memref<128x128xf32, #tpu.memory_space<vmem_shared>>) target_semaphore(%run_scoped3A : memref<!tpu.dma_semaphore, #tpu.memory_space<semaphore_mem>>)
      %dma_wait3A_51 = arith.constant 0 : i32
      %dma_wait3A_52 = tpu.memref_slice %arg11[%add3A_17, %dma_wait3A_51] : memref<10240x128xf32, #tpu.memory_space<vmem_shared>> -> memref<128x128xf32, #tpu.memory_space<vmem_shared>>
      %dma_wait3A_53 = arith.constant 0 : i32
      %dma_wait3A_54 = tpu.memref_slice %arg11[%add3A_17, %dma_wait3A_53] : memref<10240x128xf32, #tpu.memory_space<vmem_shared>> -> memref<128x128xf32, #tpu.memory_space<vmem_shared>>
      tpu.wait_dma2 semaphore(%run_scoped3A : memref<!tpu.dma_semaphore, #tpu.memory_space<semaphore_mem>>) src(%arg9 : memref<128x128xf32, #tpu.memory_space<vmem>>) dst(%dma_wait3A_54 : memref<128x128xf32, #tpu.memory_space<vmem_shared>>)
      tpu.yield
    }) : () -> ()
    %barrier3A = arith.constant 0 : index
    tpu.barrier barrier_id(%barrier3A)
    %mul3A_18 = arith.constant 10000 : i32
    %mul3A_19 = arith.muli %add3A, %mul3A_18 : i32
    %scan3A_20 = arith.constant 0 : i32
    %scan3A_21 = arith.constant 78 : i32
    %scan3A_22 = arith.addi %scan3A_20, %scan3A_21 : i32
    %scan3A_23 = arith.constant 1 : i32
    scf.for %scan3A_47 = %scan3A_20 to %scan3A_22 step %scan3A_23  : i32 {
      %mul3A_48 = arith.constant 1 : i32
      %mul3A_49 = arith.muli %scan3A_47, %mul3A_48 : i32
      %add3A_50 = arith.constant 0 : i32
      %add3A_51 = arith.addi %add3A_50, %mul3A_49 : i32
      %mul3A_52 = arith.constant 128 : i32
      %mul3A_53 = arith.muli %add3A_51, %mul3A_52 : i32
      %add3A_54 = arith.addi %mul3A_19, %mul3A_53 : i32
      %multiple_of3A_55 = tpu.assume_multiple %add3A_54, 8 : i32
      "tpu.region"() ({
        %run_scoped3A = tpu.sem_alloc : memref<!tpu.dma_semaphore, #tpu.memory_space<semaphore_mem>>
        %dma_start3A_67 = tpu.memref_slice %arg2[%multiple_of3A_55] : memref<320000xi32, #tpu.memory_space<hbm>> -> memref<128xi32, #tpu.memory_space<hbm>>
        %dma_start3A_68 = tpu.memref_slice %arg2[%multiple_of3A_55] : memref<320000xi32, #tpu.memory_space<hbm>> -> memref<128xi32, #tpu.memory_space<hbm>>
        tpu.enqueue_dma source(%dma_start3A_68 : memref<128xi32, #tpu.memory_space<hbm>>) target(%arg7 : memref<128xi32, #tpu.memory_space<vmem>>) target_semaphore(%run_scoped3A : memref<!tpu.dma_semaphore, #tpu.memory_space<semaphore_mem>>)
        %dma_wait3A_69 = tpu.memref_slice %arg2[%multiple_of3A_55] : memref<320000xi32, #tpu.memory_space<hbm>> -> memref<128xi32, #tpu.memory_space<hbm>>
        %dma_wait3A_70 = tpu.memref_slice %arg2[%multiple_of3A_55] : memref<320000xi32, #tpu.memory_space<hbm>> -> memref<128xi32, #tpu.memory_space<hbm>>
        tpu.wait_dma2 semaphore(%run_scoped3A : memref<!tpu.dma_semaphore, #tpu.memory_space<semaphore_mem>>) src(%dma_wait3A_70 : memref<128xi32, #tpu.memory_space<hbm>>) dst(%arg7 : memref<128xi32, #tpu.memory_space<vmem>>)
        tpu.yield
      }) : () -> ()
      "tpu.region"() ({
        %run_scoped3A = tpu.sem_alloc : memref<!tpu.dma_semaphore, #tpu.memory_space<semaphore_mem>>
        %dma_start3A_67 = tpu.memref_slice %arg3[%multiple_of3A_55] : memref<320000xi32, #tpu.memory_space<hbm>> -> memref<128xi32, #tpu.memory_space<hbm>>
        %dma_start3A_68 = tpu.memref_slice %arg3[%multiple_of3A_55] : memref<320000xi32, #tpu.memory_space<hbm>> -> memref<128xi32, #tpu.memory_space<hbm>>
        tpu.enqueue_dma source(%dma_start3A_68 : memref<128xi32, #tpu.memory_space<hbm>>) target(%arg8 : memref<128xi32, #tpu.memory_space<vmem>>) target_semaphore(%run_scoped3A : memref<!tpu.dma_semaphore, #tpu.memory_space<semaphore_mem>>)
        %dma_wait3A_69 = tpu.memref_slice %arg3[%multiple_of3A_55] : memref<320000xi32, #tpu.memory_space<hbm>> -> memref<128xi32, #tpu.memory_space<hbm>>
        %dma_wait3A_70 = tpu.memref_slice %arg3[%multiple_of3A_55] : memref<320000xi32, #tpu.memory_space<hbm>> -> memref<128xi32, #tpu.memory_space<hbm>>
        tpu.wait_dma2 semaphore(%run_scoped3A : memref<!tpu.dma_semaphore, #tpu.memory_space<semaphore_mem>>) src(%dma_wait3A_70 : memref<128xi32, #tpu.memory_space<hbm>>) dst(%arg8 : memref<128xi32, #tpu.memory_space<vmem>>)
        tpu.yield
      }) : () -> ()
      %dma_start3A_56 = arith.constant 0 : i32
      %dma_start3A_57 = arith.constant 0 : i32
      %dma_start3A_58 = tpu.memref_slice %arg4[%dma_start3A_56, %dma_start3A_57] : memref<10000x128xf32, #tpu.memory_space<hbm>> -> memref<10000x128xf32, #tpu.memory_space<hbm>>
      tpu.enqueue_indirect_dma source(%dma_start3A_58 : memref<10000x128xf32, #tpu.memory_space<hbm>>) target(%arg9 : memref<128x128xf32, #tpu.memory_space<vmem>>) offsets(%arg7 : memref<128xi32, #tpu.memory_space<vmem>>) semaphore(%arg12 : memref<!tpu.dma_semaphore, #tpu.memory_space<semaphore_mem>>)
      "tpu.region"() ({
        %run_scoped3A = tpu.sem_alloc : memref<!tpu.dma_semaphore, #tpu.memory_space<semaphore_mem>>
        %dma_start3A_67 = arith.constant 0 : i32
        %dma_start3A_68 = tpu.memref_slice %arg5[%multiple_of3A_55, %dma_start3A_67] : memref<320000x128xf32, #tpu.memory_space<hbm>> -> memref<128x128xf32, #tpu.memory_space<hbm>>
        %dma_start3A_69 = arith.constant 0 : i32
        %dma_start3A_70 = tpu.memref_slice %arg5[%multiple_of3A_55, %dma_start3A_69] : memref<320000x128xf32, #tpu.memory_space<hbm>> -> memref<128x128xf32, #tpu.memory_space<hbm>>
        tpu.enqueue_dma source(%dma_start3A_70 : memref<128x128xf32, #tpu.memory_space<hbm>>) target(%arg10 : memref<128x128xf32, #tpu.memory_space<vmem>>) target_semaphore(%run_scoped3A : memref<!tpu.dma_semaphore, #tpu.memory_space<semaphore_mem>>)
        %dma_wait3A_71 = arith.constant 0 : i32
        %dma_wait3A_72 = tpu.memref_slice %arg5[%multiple_of3A_55, %dma_wait3A_71] : memref<320000x128xf32, #tpu.memory_space<hbm>> -> memref<128x128xf32, #tpu.memory_space<hbm>>
        %dma_wait3A_73 = arith.constant 0 : i32
        %dma_wait3A_74 = tpu.memref_slice %arg5[%multiple_of3A_55, %dma_wait3A_73] : memref<320000x128xf32, #tpu.memory_space<hbm>> -> memref<128x128xf32, #tpu.memory_space<hbm>>
        tpu.wait_dma2 semaphore(%run_scoped3A : memref<!tpu.dma_semaphore, #tpu.memory_space<semaphore_mem>>) src(%dma_wait3A_74 : memref<128x128xf32, #tpu.memory_space<hbm>>) dst(%arg10 : memref<128x128xf32, #tpu.memory_space<vmem>>)
        tpu.yield
      }) : () -> ()
      %dma_wait3A_59 = arith.constant 0 : i32
      %dma_wait3A_60 = arith.constant 0 : i32
      %dma_wait3A_61 = tpu.memref_slice %arg4[%dma_wait3A_59, %dma_wait3A_60] : memref<10000x128xf32, #tpu.memory_space<hbm>> -> memref<10000x128xf32, #tpu.memory_space<hbm>>
      tpu.wait_indirect_dma semaphore(%arg12 : memref<!tpu.dma_semaphore, #tpu.memory_space<semaphore_mem>>) src(%dma_wait3A_61 : memref<10000x128xf32, #tpu.memory_space<hbm>>) dst(%arg9 : memref<128x128xf32, #tpu.memory_space<vmem>>)
      %scan3A_62 = arith.constant 0 : i32
      %scan3A_63 = arith.constant 128 : i32
      %scan3A_64 = arith.addi %scan3A_62, %scan3A_63 : i32
      %scan3A_65 = arith.constant 1 : i32
      scf.for %scan3A_67 = %scan3A_62 to %scan3A_64 step %scan3A_65  : i32 {
        %mul3A_68 = arith.constant 1 : i32
        %mul3A_69 = arith.muli %scan3A_67, %mul3A_68 : i32
        %add3A_70 = arith.constant 0 : i32
        %add3A_71 = arith.addi %add3A_70, %mul3A_69 : i32
        %get3A = arith.index_cast %add3A_71 : i32 to index
        %get3A_72 = arith.constant 0 : index
        %get3A_73 = tpu.vector_load %arg9[%get3A, %get3A_72] {strides = array<i32>} : memref<128x128xf32, #tpu.memory_space<vmem>>, vector<1x16xf32>,
        %get3A_74 = vector.shape_cast %get3A_73 : vector<1x16xf32> to vector<16xf32>
        %get3A_75 = arith.index_cast %add3A_71 : i32 to index
        %get3A_76 = arith.constant 0 : index
        %get3A_77 = tpu.vector_load %arg10[%get3A_75, %get3A_76] {strides = array<i32>} : memref<128x128xf32, #tpu.memory_space<vmem>>, vector<1x16xf32>,
        %get3A_78 = vector.shape_cast %get3A_77 : vector<1x16xf32> to vector<16xf32>
        %add3A_79 = arith.addf %get3A_74, %get3A_78 : vector<16xf32>
        %max3A = arith.constant 0.000000e+00 : f32
        %max3A_80 = vector.broadcast %max3A : f32 to vector<16xf32>
        %max3A_81 = arith.maximumf %add3A_79, %max3A_80 : vector<16xf32>
        %swap3A = arith.index_cast %add3A_71 : i32 to index
        %swap3A_82 = arith.constant 0 : index
        %swap3A_83 = tpu.vector_load %arg9[%swap3A, %swap3A_82] {strides = array<i32>} : memref<128x128xf32, #tpu.memory_space<vmem>>, vector<1x16xf32>,
        %swap3A_84 = vector.shape_cast %swap3A_83 : vector<1x16xf32> to vector<16xf32>
        %swap3A_85 = vector.shape_cast %max3A_81 : vector<16xf32> to vector<1x16xf32>
        tpu.vector_store %arg9[%swap3A, %swap3A_82], %swap3A_85 {strides = array<i32>} : memref<128x128xf32, #tpu.memory_space<vmem>>, vector<1x16xf32>,
        %get3A_86 = arith.index_cast %add3A_71 : i32 to index
        %get3A_87 = arith.constant 16 : index
        %get3A_88 = tpu.vector_load %arg9[%get3A_86, %get3A_87] {strides = array<i32>} : memref<128x128xf32, #tpu.memory_space<vmem>>, vector<1x16xf32>,
        %get3A_89 = vector.shape_cast %get3A_88 : vector<1x16xf32> to vector<16xf32>
        %get3A_90 = arith.index_cast %add3A_71 : i32 to index
        %get3A_91 = arith.constant 16 : index
        %get3A_92 = tpu.vector_load %arg10[%get3A_90, %get3A_91] {strides = array<i32>} : memref<128x128xf32, #tpu.memory_space<vmem>>, vector<1x16xf32>,
        %get3A_93 = vector.shape_cast %get3A_92 : vector<1x16xf32> to vector<16xf32>
        %add3A_94 = arith.addf %get3A_89, %get3A_93 : vector<16xf32>
        %max3A_95 = arith.constant 0.000000e+00 : f32
        %max3A_96 = vector.broadcast %max3A_95 : f32 to vector<16xf32>
        %max3A_97 = arith.maximumf %add3A_94, %max3A_96 : vector<16xf32>
        %swap3A_98 = arith.index_cast %add3A_71 : i32 to index
        %swap3A_99 = arith.constant 16 : index
        %swap3A_100 = tpu.vector_load %arg9[%swap3A_98, %swap3A_99] {strides = array<i32>} : memref<128x128xf32, #tpu.memory_space<vmem>>, vector<1x16xf32>,
        %swap3A_101 = vector.shape_cast %swap3A_100 : vector<1x16xf32> to vector<16xf32>
        %swap3A_102 = vector.shape_cast %max3A_97 : vector<16xf32> to vector<1x16xf32>
        tpu.vector_store %arg9[%swap3A_98, %swap3A_99], %swap3A_102 {strides = array<i32>} : memref<128x128xf32, #tpu.memory_space<vmem>>, vector<1x16xf32>,
        %get3A_103 = arith.index_cast %add3A_71 : i32 to index
        %get3A_104 = arith.constant 32 : index
        %get3A_105 = tpu.vector_load %arg9[%get3A_103, %get3A_104] {strides = array<i32>} : memref<128x128xf32, #tpu.memory_space<vmem>>, vector<1x16xf32>,
        %get3A_106 = vector.shape_cast %get3A_105 : vector<1x16xf32> to vector<16xf32>
        %get3A_107 = arith.index_cast %add3A_71 : i32 to index
        %get3A_108 = arith.constant 32 : index
        %get3A_109 = tpu.vector_load %arg10[%get3A_107, %get3A_108] {strides = array<i32>} : memref<128x128xf32, #tpu.memory_space<vmem>>, vector<1x16xf32>,
        %get3A_110 = vector.shape_cast %get3A_109 : vector<1x16xf32> to vector<16xf32>
        %add3A_111 = arith.addf %get3A_106, %get3A_110 : vector<16xf32>
        %max3A_112 = arith.constant 0.000000e+00 : f32
        %max3A_113 = vector.broadcast %max3A_112 : f32 to vector<16xf32>
        %max3A_114 = arith.maximumf %add3A_111, %max3A_113 : vector<16xf32>
        %swap3A_115 = arith.index_cast %add3A_71 : i32 to index
        %swap3A_116 = arith.constant 32 : index
        %swap3A_117 = tpu.vector_load %arg9[%swap3A_115, %swap3A_116] {strides = array<i32>} : memref<128x128xf32, #tpu.memory_space<vmem>>, vector<1x16xf32>,
        %swap3A_118 = vector.shape_cast %swap3A_117 : vector<1x16xf32> to vector<16xf32>
        %swap3A_119 = vector.shape_cast %max3A_114 : vector<16xf32> to vector<1x16xf32>
        tpu.vector_store %arg9[%swap3A_115, %swap3A_116], %swap3A_119 {strides = array<i32>} : memref<128x128xf32, #tpu.memory_space<vmem>>, vector<1x16xf32>,
        %get3A_120 = arith.index_cast %add3A_71 : i32 to index
        %get3A_121 = arith.constant 48 : index
        %get3A_122 = tpu.vector_load %arg9[%get3A_120, %get3A_121] {strides = array<i32>} : memref<128x128xf32, #tpu.memory_space<vmem>>, vector<1x16xf32>,
        %get3A_123 = vector.shape_cast %get3A_122 : vector<1x16xf32> to vector<16xf32>
        %get3A_124 = arith.index_cast %add3A_71 : i32 to index
        %get3A_125 = arith.constant 48 : index
        %get3A_126 = tpu.vector_load %arg10[%get3A_124, %get3A_125] {strides = array<i32>} : memref<128x128xf32, #tpu.memory_space<vmem>>, vector<1x16xf32>,
        %get3A_127 = vector.shape_cast %get3A_126 : vector<1x16xf32> to vector<16xf32>
        %add3A_128 = arith.addf %get3A_123, %get3A_127 : vector<16xf32>
        %max3A_129 = arith.constant 0.000000e+00 : f32
        %max3A_130 = vector.broadcast %max3A_129 : f32 to vector<16xf32>
        %max3A_131 = arith.maximumf %add3A_128, %max3A_130 : vector<16xf32>
        %swap3A_132 = arith.index_cast %add3A_71 : i32 to index
        %swap3A_133 = arith.constant 48 : index
        %swap3A_134 = tpu.vector_load %arg9[%swap3A_132, %swap3A_133] {strides = array<i32>} : memref<128x128xf32, #tpu.memory_space<vmem>>, vector<1x16xf32>,
        %swap3A_135 = vector.shape_cast %swap3A_134 : vector<1x16xf32> to vector<16xf32>
        %swap3A_136 = vector.shape_cast %max3A_131 : vector<16xf32> to vector<1x16xf32>
        tpu.vector_store %arg9[%swap3A_132, %swap3A_133], %swap3A_136 {strides = array<i32>} : memref<128x128xf32, #tpu.memory_space<vmem>>, vector<1x16xf32>,
        %get3A_137 = arith.index_cast %add3A_71 : i32 to index
        %get3A_138 = arith.constant 64 : index
        %get3A_139 = tpu.vector_load %arg9[%get3A_137, %get3A_138] {strides = array<i32>} : memref<128x128xf32, #tpu.memory_space<vmem>>, vector<1x16xf32>,
        %get3A_140 = vector.shape_cast %get3A_139 : vector<1x16xf32> to vector<16xf32>
        %get3A_141 = arith.index_cast %add3A_71 : i32 to index
        %get3A_142 = arith.constant 64 : index
        %get3A_143 = tpu.vector_load %arg10[%get3A_141, %get3A_142] {strides = array<i32>} : memref<128x128xf32, #tpu.memory_space<vmem>>, vector<1x16xf32>,
        %get3A_144 = vector.shape_cast %get3A_143 : vector<1x16xf32> to vector<16xf32>
        %add3A_145 = arith.addf %get3A_140, %get3A_144 : vector<16xf32>
        %max3A_146 = arith.constant 0.000000e+00 : f32
        %max3A_147 = vector.broadcast %max3A_146 : f32 to vector<16xf32>
        %max3A_148 = arith.maximumf %add3A_145, %max3A_147 : vector<16xf32>
        %swap3A_149 = arith.index_cast %add3A_71 : i32 to index
        %swap3A_150 = arith.constant 64 : index
        %swap3A_151 = tpu.vector_load %arg9[%swap3A_149, %swap3A_150] {strides = array<i32>} : memref<128x128xf32, #tpu.memory_space<vmem>>, vector<1x16xf32>,
        %swap3A_152 = vector.shape_cast %swap3A_151 : vector<1x16xf32> to vector<16xf32>
        %swap3A_153 = vector.shape_cast %max3A_148 : vector<16xf32> to vector<1x16xf32>
        tpu.vector_store %arg9[%swap3A_149, %swap3A_150], %swap3A_153 {strides = array<i32>} : memref<128x128xf32, #tpu.memory_space<vmem>>, vector<1x16xf32>,
        %get3A_154 = arith.index_cast %add3A_71 : i32 to index
        %get3A_155 = arith.constant 80 : index
        %get3A_156 = tpu.vector_load %arg9[%get3A_154, %get3A_155] {strides = array<i32>} : memref<128x128xf32, #tpu.memory_space<vmem>>, vector<1x16xf32>,
        %get3A_157 = vector.shape_cast %get3A_156 : vector<1x16xf32> to vector<16xf32>
        %get3A_158 = arith.index_cast %add3A_71 : i32 to index
        %get3A_159 = arith.constant 80 : index
        %get3A_160 = tpu.vector_load %arg10[%get3A_158, %get3A_159] {strides = array<i32>} : memref<128x128xf32, #tpu.memory_space<vmem>>, vector<1x16xf32>,
        %get3A_161 = vector.shape_cast %get3A_160 : vector<1x16xf32> to vector<16xf32>
        %add3A_162 = arith.addf %get3A_157, %get3A_161 : vector<16xf32>
        %max3A_163 = arith.constant 0.000000e+00 : f32
        %max3A_164 = vector.broadcast %max3A_163 : f32 to vector<16xf32>
        %max3A_165 = arith.maximumf %add3A_162, %max3A_164 : vector<16xf32>
        %swap3A_166 = arith.index_cast %add3A_71 : i32 to index
        %swap3A_167 = arith.constant 80 : index
        %swap3A_168 = tpu.vector_load %arg9[%swap3A_166, %swap3A_167] {strides = array<i32>} : memref<128x128xf32, #tpu.memory_space<vmem>>, vector<1x16xf32>,
        %swap3A_169 = vector.shape_cast %swap3A_168 : vector<1x16xf32> to vector<16xf32>
        %swap3A_170 = vector.shape_cast %max3A_165 : vector<16xf32> to vector<1x16xf32>
        tpu.vector_store %arg9[%swap3A_166, %swap3A_167], %swap3A_170 {strides = array<i32>} : memref<128x128xf32, #tpu.memory_space<vmem>>, vector<1x16xf32>,
        %get3A_171 = arith.index_cast %add3A_71 : i32 to index
        %get3A_172 = arith.constant 96 : index
        %get3A_173 = tpu.vector_load %arg9[%get3A_171, %get3A_172] {strides = array<i32>} : memref<128x128xf32, #tpu.memory_space<vmem>>, vector<1x16xf32>,
        %get3A_174 = vector.shape_cast %get3A_173 : vector<1x16xf32> to vector<16xf32>
        %get3A_175 = arith.index_cast %add3A_71 : i32 to index
        %get3A_176 = arith.constant 96 : index
        %get3A_177 = tpu.vector_load %arg10[%get3A_175, %get3A_176] {strides = array<i32>} : memref<128x128xf32, #tpu.memory_space<vmem>>, vector<1x16xf32>,
        %get3A_178 = vector.shape_cast %get3A_177 : vector<1x16xf32> to vector<16xf32>
        %add3A_179 = arith.addf %get3A_174, %get3A_178 : vector<16xf32>
        %max3A_180 = arith.constant 0.000000e+00 : f32
        %max3A_181 = vector.broadcast %max3A_180 : f32 to vector<16xf32>
        %max3A_182 = arith.maximumf %add3A_179, %max3A_181 : vector<16xf32>
        %swap3A_183 = arith.index_cast %add3A_71 : i32 to index
        %swap3A_184 = arith.constant 96 : index
        %swap3A_185 = tpu.vector_load %arg9[%swap3A_183, %swap3A_184] {strides = array<i32>} : memref<128x128xf32, #tpu.memory_space<vmem>>, vector<1x16xf32>,
        %swap3A_186 = vector.shape_cast %swap3A_185 : vector<1x16xf32> to vector<16xf32>
        %swap3A_187 = vector.shape_cast %max3A_182 : vector<16xf32> to vector<1x16xf32>
        tpu.vector_store %arg9[%swap3A_183, %swap3A_184], %swap3A_187 {strides = array<i32>} : memref<128x128xf32, #tpu.memory_space<vmem>>, vector<1x16xf32>,
        %get3A_188 = arith.index_cast %add3A_71 : i32 to index
        %get3A_189 = arith.constant 112 : index
        %get3A_190 = tpu.vector_load %arg9[%get3A_188, %get3A_189] {strides = array<i32>} : memref<128x128xf32, #tpu.memory_space<vmem>>, vector<1x16xf32>,
        %get3A_191 = vector.shape_cast %get3A_190 : vector<1x16xf32> to vector<16xf32>
        %get3A_192 = arith.index_cast %add3A_71 : i32 to index
        %get3A_193 = arith.constant 112 : index
        %get3A_194 = tpu.vector_load %arg10[%get3A_192, %get3A_193] {strides = array<i32>} : memref<128x128xf32, #tpu.memory_space<vmem>>, vector<1x16xf32>,
        %get3A_195 = vector.shape_cast %get3A_194 : vector<1x16xf32> to vector<16xf32>
        %add3A_196 = arith.addf %get3A_191, %get3A_195 : vector<16xf32>
        %max3A_197 = arith.constant 0.000000e+00 : f32
        %max3A_198 = vector.broadcast %max3A_197 : f32 to vector<16xf32>
        %max3A_199 = arith.maximumf %add3A_196, %max3A_198 : vector<16xf32>
        %swap3A_200 = arith.index_cast %add3A_71 : i32 to index
        %swap3A_201 = arith.constant 112 : index
        %swap3A_202 = tpu.vector_load %arg9[%swap3A_200, %swap3A_201] {strides = array<i32>} : memref<128x128xf32, #tpu.memory_space<vmem>>, vector<1x16xf32>,
        %swap3A_203 = vector.shape_cast %swap3A_202 : vector<1x16xf32> to vector<16xf32>
        %swap3A_204 = vector.shape_cast %max3A_199 : vector<16xf32> to vector<1x16xf32>
        tpu.vector_store %arg9[%swap3A_200, %swap3A_201], %swap3A_204 {strides = array<i32>} : memref<128x128xf32, #tpu.memory_space<vmem>>, vector<1x16xf32>,
      }
      %scan3A_66 = arith.constant 128 : i32
      "tpu.region"() ({
        %run_scoped3A = tpu.sem_alloc : memref<!tpu.dma_semaphore, #tpu.memory_space<semaphore_mem>>
        %dma_start3A_67 = arith.constant 0 : i32
        %dma_start3A_68 = arith.constant 0 : i32
        %dma_start3A_69 = tpu.memref_slice %arg11[%dma_start3A_67, %dma_start3A_68] : memref<10240x128xf32, #tpu.memory_space<vmem_shared>> -> memref<10240x128xf32, #tpu.memory_space<vmem_shared>>
        tpu.enqueue_indirect_dma source(%arg9 : memref<128x128xf32, #tpu.memory_space<vmem>>) target(%dma_start3A_69 : memref<10240x128xf32, #tpu.memory_space<vmem_shared>>) offsets(%arg8 : memref<128xi32, #tpu.memory_space<vmem>>) semaphore(%run_scoped3A : memref<!tpu.dma_semaphore, #tpu.memory_space<semaphore_mem>>) {add = true}
        %dma_wait3A_70 = arith.constant 0 : i32
        %dma_wait3A_71 = arith.constant 0 : i32
        %dma_wait3A_72 = tpu.memref_slice %arg11[%dma_wait3A_70, %dma_wait3A_71] : memref<10240x128xf32, #tpu.memory_space<vmem_shared>> -> memref<10240x128xf32, #tpu.memory_space<vmem_shared>>
        tpu.wait_indirect_dma semaphore(%run_scoped3A : memref<!tpu.dma_semaphore, #tpu.memory_space<semaphore_mem>>) src(%arg9 : memref<128x128xf32, #tpu.memory_space<vmem>>) dst(%dma_wait3A_72 : memref<10240x128xf32, #tpu.memory_space<vmem_shared>>)
        tpu.yield
      }) : () -> ()
    }
    %scan3A_24 = arith.constant 78 : i32
    %add3A_25 = arith.constant 9984 : i32
    %add3A_26 = arith.addi %mul3A_19, %add3A_25 : i32
    %multiple_of3A = tpu.assume_multiple %add3A_26, 8 : i32
    "tpu.region"() ({
      %run_scoped3A = tpu.sem_alloc : memref<!tpu.dma_semaphore, #tpu.memory_space<semaphore_mem>>
      %dma_start3A_47 = tpu.memref_slice %arg2[%multiple_of3A] : memref<320000xi32, #tpu.memory_space<hbm>> -> memref<16xi32, #tpu.memory_space<hbm>>
      %dma_start3A_48 = tpu.memref_slice %arg2[%multiple_of3A] : memref<320000xi32, #tpu.memory_space<hbm>> -> memref<16xi32, #tpu.memory_space<hbm>>
      tpu.enqueue_dma source(%dma_start3A_48 : memref<16xi32, #tpu.memory_space<hbm>>) target(%arg13 : memref<16xi32, #tpu.memory_space<vmem>>) target_semaphore(%run_scoped3A : memref<!tpu.dma_semaphore, #tpu.memory_space<semaphore_mem>>)
      %dma_wait3A_49 = tpu.memref_slice %arg2[%multiple_of3A] : memref<320000xi32, #tpu.memory_space<hbm>> -> memref<16xi32, #tpu.memory_space<hbm>>
      %dma_wait3A_50 = tpu.memref_slice %arg2[%multiple_of3A] : memref<320000xi32, #tpu.memory_space<hbm>> -> memref<16xi32, #tpu.memory_space<hbm>>
      tpu.wait_dma2 semaphore(%run_scoped3A : memref<!tpu.dma_semaphore, #tpu.memory_space<semaphore_mem>>) src(%dma_wait3A_50 : memref<16xi32, #tpu.memory_space<hbm>>) dst(%arg13 : memref<16xi32, #tpu.memory_space<vmem>>)
      tpu.yield
    }) : () -> ()
    "tpu.region"() ({
      %run_scoped3A = tpu.sem_alloc : memref<!tpu.dma_semaphore, #tpu.memory_space<semaphore_mem>>
      %dma_start3A_47 = tpu.memref_slice %arg3[%multiple_of3A] : memref<320000xi32, #tpu.memory_space<hbm>> -> memref<16xi32, #tpu.memory_space<hbm>>
      %dma_start3A_48 = tpu.memref_slice %arg3[%multiple_of3A] : memref<320000xi32, #tpu.memory_space<hbm>> -> memref<16xi32, #tpu.memory_space<hbm>>
      tpu.enqueue_dma source(%dma_start3A_48 : memref<16xi32, #tpu.memory_space<hbm>>) target(%arg14 : memref<16xi32, #tpu.memory_space<vmem>>) target_semaphore(%run_scoped3A : memref<!tpu.dma_semaphore, #tpu.memory_space<semaphore_mem>>)
      %dma_wait3A_49 = tpu.memref_slice %arg3[%multiple_of3A] : memref<320000xi32, #tpu.memory_space<hbm>> -> memref<16xi32, #tpu.memory_space<hbm>>
      %dma_wait3A_50 = tpu.memref_slice %arg3[%multiple_of3A] : memref<320000xi32, #tpu.memory_space<hbm>> -> memref<16xi32, #tpu.memory_space<hbm>>
      tpu.wait_dma2 semaphore(%run_scoped3A : memref<!tpu.dma_semaphore, #tpu.memory_space<semaphore_mem>>) src(%dma_wait3A_50 : memref<16xi32, #tpu.memory_space<hbm>>) dst(%arg14 : memref<16xi32, #tpu.memory_space<vmem>>)
      tpu.yield
    }) : () -> ()
    %dma_start3A = arith.constant 0 : i32
    %dma_start3A_27 = arith.constant 0 : i32
    %dma_start3A_28 = tpu.memref_slice %arg4[%dma_start3A, %dma_start3A_27] : memref<10000x128xf32, #tpu.memory_space<hbm>> -> memref<10000x128xf32, #tpu.memory_space<hbm>>
    tpu.enqueue_indirect_dma source(%dma_start3A_28 : memref<10000x128xf32, #tpu.memory_space<hbm>>) target(%arg15 : memref<16x128xf32, #tpu.memory_space<vmem>>) offsets(%arg13 : memref<16xi32, #tpu.memory_space<vmem>>) semaphore(%arg12 : memref<!tpu.dma_semaphore, #tpu.memory_space<semaphore_mem>>)
    "tpu.region"() ({
      %run_scoped3A = tpu.sem_alloc : memref<!tpu.dma_semaphore, #tpu.memory_space<semaphore_mem>>
      %dma_start3A_47 = arith.constant 0 : i32
      %dma_start3A_48 = tpu.memref_slice %arg5[%multiple_of3A, %dma_start3A_47] : memref<320000x128xf32, #tpu.memory_space<hbm>> -> memref<16x128xf32, #tpu.memory_space<hbm>>
      %dma_start3A_49 = arith.constant 0 : i32
      %dma_start3A_50 = tpu.memref_slice %arg5[%multiple_of3A, %dma_start3A_49] : memref<320000x128xf32, #tpu.memory_space<hbm>> -> memref<16x128xf32, #tpu.memory_space<hbm>>
      tpu.enqueue_dma source(%dma_start3A_50 : memref<16x128xf32, #tpu.memory_space<hbm>>) target(%arg16 : memref<16x128xf32, #tpu.memory_space<vmem>>) target_semaphore(%run_scoped3A : memref<!tpu.dma_semaphore, #tpu.memory_space<semaphore_mem>>)
      %dma_wait3A_51 = arith.constant 0 : i32
      %dma_wait3A_52 = tpu.memref_slice %arg5[%multiple_of3A, %dma_wait3A_51] : memref<320000x128xf32, #tpu.memory_space<hbm>> -> memref<16x128xf32, #tpu.memory_space<hbm>>
      %dma_wait3A_53 = arith.constant 0 : i32
      %dma_wait3A_54 = tpu.memref_slice %arg5[%multiple_of3A, %dma_wait3A_53] : memref<320000x128xf32, #tpu.memory_space<hbm>> -> memref<16x128xf32, #tpu.memory_space<hbm>>
      tpu.wait_dma2 semaphore(%run_scoped3A : memref<!tpu.dma_semaphore, #tpu.memory_space<semaphore_mem>>) src(%dma_wait3A_54 : memref<16x128xf32, #tpu.memory_space<hbm>>) dst(%arg16 : memref<16x128xf32, #tpu.memory_space<vmem>>)
      tpu.yield
    }) : () -> ()
    %dma_wait3A = arith.constant 0 : i32
    %dma_wait3A_29 = arith.constant 0 : i32
    %dma_wait3A_30 = tpu.memref_slice %arg4[%dma_wait3A, %dma_wait3A_29] : memref<10000x128xf32, #tpu.memory_space<hbm>> -> memref<10000x128xf32, #tpu.memory_space<hbm>>
    tpu.wait_indirect_dma semaphore(%arg12 : memref<!tpu.dma_semaphore, #tpu.memory_space<semaphore_mem>>) src(%dma_wait3A_30 : memref<10000x128xf32, #tpu.memory_space<hbm>>) dst(%arg15 : memref<16x128xf32, #tpu.memory_space<vmem>>)
    %scan3A_31 = arith.constant 0 : i32
    %scan3A_32 = arith.constant 16 : i32
    %scan3A_33 = arith.addi %scan3A_31, %scan3A_32 : i32
    %scan3A_34 = arith.constant 1 : i32
    scf.for %scan3A_47 = %scan3A_31 to %scan3A_33 step %scan3A_34  : i32 {
      %mul3A_48 = arith.constant 1 : i32
      %mul3A_49 = arith.muli %scan3A_47, %mul3A_48 : i32
      %add3A_50 = arith.constant 0 : i32
      %add3A_51 = arith.addi %add3A_50, %mul3A_49 : i32
      %get3A = arith.index_cast %add3A_51 : i32 to index
      %get3A_52 = arith.constant 0 : index
      %get3A_53 = tpu.vector_load %arg15[%get3A, %get3A_52] {strides = array<i32>} : memref<16x128xf32, #tpu.memory_space<vmem>>, vector<1x16xf32>,
      %get3A_54 = vector.shape_cast %get3A_53 : vector<1x16xf32> to vector<16xf32>
      %get3A_55 = arith.index_cast %add3A_51 : i32 to index
      %get3A_56 = arith.constant 0 : index
      %get3A_57 = tpu.vector_load %arg16[%get3A_55, %get3A_56] {strides = array<i32>} : memref<16x128xf32, #tpu.memory_space<vmem>>, vector<1x16xf32>,
      %get3A_58 = vector.shape_cast %get3A_57 : vector<1x16xf32> to vector<16xf32>
      %add3A_59 = arith.addf %get3A_54, %get3A_58 : vector<16xf32>
      %max3A = arith.constant 0.000000e+00 : f32
      %max3A_60 = vector.broadcast %max3A : f32 to vector<16xf32>
      %max3A_61 = arith.maximumf %add3A_59, %max3A_60 : vector<16xf32>
      %swap3A = arith.index_cast %add3A_51 : i32 to index
      %swap3A_62 = arith.constant 0 : index
      %swap3A_63 = tpu.vector_load %arg15[%swap3A, %swap3A_62] {strides = array<i32>} : memref<16x128xf32, #tpu.memory_space<vmem>>, vector<1x16xf32>,
      %swap3A_64 = vector.shape_cast %swap3A_63 : vector<1x16xf32> to vector<16xf32>
      %swap3A_65 = vector.shape_cast %max3A_61 : vector<16xf32> to vector<1x16xf32>
      tpu.vector_store %arg15[%swap3A, %swap3A_62], %swap3A_65 {strides = array<i32>} : memref<16x128xf32, #tpu.memory_space<vmem>>, vector<1x16xf32>,
      %get3A_66 = arith.index_cast %add3A_51 : i32 to index
      %get3A_67 = arith.constant 16 : index
      %get3A_68 = tpu.vector_load %arg15[%get3A_66, %get3A_67] {strides = array<i32>} : memref<16x128xf32, #tpu.memory_space<vmem>>, vector<1x16xf32>,
      %get3A_69 = vector.shape_cast %get3A_68 : vector<1x16xf32> to vector<16xf32>
      %get3A_70 = arith.index_cast %add3A_51 : i32 to index
      %get3A_71 = arith.constant 16 : index
      %get3A_72 = tpu.vector_load %arg16[%get3A_70, %get3A_71] {strides = array<i32>} : memref<16x128xf32, #tpu.memory_space<vmem>>, vector<1x16xf32>,
      %get3A_73 = vector.shape_cast %get3A_72 : vector<1x16xf32> to vector<16xf32>
      %add3A_74 = arith.addf %get3A_69, %get3A_73 : vector<16xf32>
      %max3A_75 = arith.constant 0.000000e+00 : f32
      %max3A_76 = vector.broadcast %max3A_75 : f32 to vector<16xf32>
      %max3A_77 = arith.maximumf %add3A_74, %max3A_76 : vector<16xf32>
      %swap3A_78 = arith.index_cast %add3A_51 : i32 to index
      %swap3A_79 = arith.constant 16 : index
      %swap3A_80 = tpu.vector_load %arg15[%swap3A_78, %swap3A_79] {strides = array<i32>} : memref<16x128xf32, #tpu.memory_space<vmem>>, vector<1x16xf32>,
      %swap3A_81 = vector.shape_cast %swap3A_80 : vector<1x16xf32> to vector<16xf32>
      %swap3A_82 = vector.shape_cast %max3A_77 : vector<16xf32> to vector<1x16xf32>
      tpu.vector_store %arg15[%swap3A_78, %swap3A_79], %swap3A_82 {strides = array<i32>} : memref<16x128xf32, #tpu.memory_space<vmem>>, vector<1x16xf32>,
      %get3A_83 = arith.index_cast %add3A_51 : i32 to index
      %get3A_84 = arith.constant 32 : index
      %get3A_85 = tpu.vector_load %arg15[%get3A_83, %get3A_84] {strides = array<i32>} : memref<16x128xf32, #tpu.memory_space<vmem>>, vector<1x16xf32>,
      %get3A_86 = vector.shape_cast %get3A_85 : vector<1x16xf32> to vector<16xf32>
      %get3A_87 = arith.index_cast %add3A_51 : i32 to index
      %get3A_88 = arith.constant 32 : index
      %get3A_89 = tpu.vector_load %arg16[%get3A_87, %get3A_88] {strides = array<i32>} : memref<16x128xf32, #tpu.memory_space<vmem>>, vector<1x16xf32>,
      %get3A_90 = vector.shape_cast %get3A_89 : vector<1x16xf32> to vector<16xf32>
      %add3A_91 = arith.addf %get3A_86, %get3A_90 : vector<16xf32>
      %max3A_92 = arith.constant 0.000000e+00 : f32
      %max3A_93 = vector.broadcast %max3A_92 : f32 to vector<16xf32>
      %max3A_94 = arith.maximumf %add3A_91, %max3A_93 : vector<16xf32>
      %swap3A_95 = arith.index_cast %add3A_51 : i32 to index
      %swap3A_96 = arith.constant 32 : index
      %swap3A_97 = tpu.vector_load %arg15[%swap3A_95, %swap3A_96] {strides = array<i32>} : memref<16x128xf32, #tpu.memory_space<vmem>>, vector<1x16xf32>,
      %swap3A_98 = vector.shape_cast %swap3A_97 : vector<1x16xf32> to vector<16xf32>
      %swap3A_99 = vector.shape_cast %max3A_94 : vector<16xf32> to vector<1x16xf32>
      tpu.vector_store %arg15[%swap3A_95, %swap3A_96], %swap3A_99 {strides = array<i32>} : memref<16x128xf32, #tpu.memory_space<vmem>>, vector<1x16xf32>,
      %get3A_100 = arith.index_cast %add3A_51 : i32 to index
      %get3A_101 = arith.constant 48 : index
      %get3A_102 = tpu.vector_load %arg15[%get3A_100, %get3A_101] {strides = array<i32>} : memref<16x128xf32, #tpu.memory_space<vmem>>, vector<1x16xf32>,
      %get3A_103 = vector.shape_cast %get3A_102 : vector<1x16xf32> to vector<16xf32>
      %get3A_104 = arith.index_cast %add3A_51 : i32 to index
      %get3A_105 = arith.constant 48 : index
      %get3A_106 = tpu.vector_load %arg16[%get3A_104, %get3A_105] {strides = array<i32>} : memref<16x128xf32, #tpu.memory_space<vmem>>, vector<1x16xf32>,
      %get3A_107 = vector.shape_cast %get3A_106 : vector<1x16xf32> to vector<16xf32>
      %add3A_108 = arith.addf %get3A_103, %get3A_107 : vector<16xf32>
      %max3A_109 = arith.constant 0.000000e+00 : f32
      %max3A_110 = vector.broadcast %max3A_109 : f32 to vector<16xf32>
      %max3A_111 = arith.maximumf %add3A_108, %max3A_110 : vector<16xf32>
      %swap3A_112 = arith.index_cast %add3A_51 : i32 to index
      %swap3A_113 = arith.constant 48 : index
      %swap3A_114 = tpu.vector_load %arg15[%swap3A_112, %swap3A_113] {strides = array<i32>} : memref<16x128xf32, #tpu.memory_space<vmem>>, vector<1x16xf32>,
      %swap3A_115 = vector.shape_cast %swap3A_114 : vector<1x16xf32> to vector<16xf32>
      %swap3A_116 = vector.shape_cast %max3A_111 : vector<16xf32> to vector<1x16xf32>
      tpu.vector_store %arg15[%swap3A_112, %swap3A_113], %swap3A_116 {strides = array<i32>} : memref<16x128xf32, #tpu.memory_space<vmem>>, vector<1x16xf32>,
      %get3A_117 = arith.index_cast %add3A_51 : i32 to index
      %get3A_118 = arith.constant 64 : index
      %get3A_119 = tpu.vector_load %arg15[%get3A_117, %get3A_118] {strides = array<i32>} : memref<16x128xf32, #tpu.memory_space<vmem>>, vector<1x16xf32>,
      %get3A_120 = vector.shape_cast %get3A_119 : vector<1x16xf32> to vector<16xf32>
      %get3A_121 = arith.index_cast %add3A_51 : i32 to index
      %get3A_122 = arith.constant 64 : index
      %get3A_123 = tpu.vector_load %arg16[%get3A_121, %get3A_122] {strides = array<i32>} : memref<16x128xf32, #tpu.memory_space<vmem>>, vector<1x16xf32>,
      %get3A_124 = vector.shape_cast %get3A_123 : vector<1x16xf32> to vector<16xf32>
      %add3A_125 = arith.addf %get3A_120, %get3A_124 : vector<16xf32>
      %max3A_126 = arith.constant 0.000000e+00 : f32
      %max3A_127 = vector.broadcast %max3A_126 : f32 to vector<16xf32>
      %max3A_128 = arith.maximumf %add3A_125, %max3A_127 : vector<16xf32>
      %swap3A_129 = arith.index_cast %add3A_51 : i32 to index
      %swap3A_130 = arith.constant 64 : index
      %swap3A_131 = tpu.vector_load %arg15[%swap3A_129, %swap3A_130] {strides = array<i32>} : memref<16x128xf32, #tpu.memory_space<vmem>>, vector<1x16xf32>,
      %swap3A_132 = vector.shape_cast %swap3A_131 : vector<1x16xf32> to vector<16xf32>
      %swap3A_133 = vector.shape_cast %max3A_128 : vector<16xf32> to vector<1x16xf32>
      tpu.vector_store %arg15[%swap3A_129, %swap3A_130], %swap3A_133 {strides = array<i32>} : memref<16x128xf32, #tpu.memory_space<vmem>>, vector<1x16xf32>,
      %get3A_134 = arith.index_cast %add3A_51 : i32 to index
      %get3A_135 = arith.constant 80 : index
      %get3A_136 = tpu.vector_load %arg15[%get3A_134, %get3A_135] {strides = array<i32>} : memref<16x128xf32, #tpu.memory_space<vmem>>, vector<1x16xf32>,
      %get3A_137 = vector.shape_cast %get3A_136 : vector<1x16xf32> to vector<16xf32>
      %get3A_138 = arith.index_cast %add3A_51 : i32 to index
      %get3A_139 = arith.constant 80 : index
      %get3A_140 = tpu.vector_load %arg16[%get3A_138, %get3A_139] {strides = array<i32>} : memref<16x128xf32, #tpu.memory_space<vmem>>, vector<1x16xf32>,
      %get3A_141 = vector.shape_cast %get3A_140 : vector<1x16xf32> to vector<16xf32>
      %add3A_142 = arith.addf %get3A_137, %get3A_141 : vector<16xf32>
      %max3A_143 = arith.constant 0.000000e+00 : f32
      %max3A_144 = vector.broadcast %max3A_143 : f32 to vector<16xf32>
      %max3A_145 = arith.maximumf %add3A_142, %max3A_144 : vector<16xf32>
      %swap3A_146 = arith.index_cast %add3A_51 : i32 to index
      %swap3A_147 = arith.constant 80 : index
      %swap3A_148 = tpu.vector_load %arg15[%swap3A_146, %swap3A_147] {strides = array<i32>} : memref<16x128xf32, #tpu.memory_space<vmem>>, vector<1x16xf32>,
      %swap3A_149 = vector.shape_cast %swap3A_148 : vector<1x16xf32> to vector<16xf32>
      %swap3A_150 = vector.shape_cast %max3A_145 : vector<16xf32> to vector<1x16xf32>
      tpu.vector_store %arg15[%swap3A_146, %swap3A_147], %swap3A_150 {strides = array<i32>} : memref<16x128xf32, #tpu.memory_space<vmem>>, vector<1x16xf32>,
      %get3A_151 = arith.index_cast %add3A_51 : i32 to index
      %get3A_152 = arith.constant 96 : index
      %get3A_153 = tpu.vector_load %arg15[%get3A_151, %get3A_152] {strides = array<i32>} : memref<16x128xf32, #tpu.memory_space<vmem>>, vector<1x16xf32>,
      %get3A_154 = vector.shape_cast %get3A_153 : vector<1x16xf32> to vector<16xf32>
      %get3A_155 = arith.index_cast %add3A_51 : i32 to index
      %get3A_156 = arith.constant 96 : index
      %get3A_157 = tpu.vector_load %arg16[%get3A_155, %get3A_156] {strides = array<i32>} : memref<16x128xf32, #tpu.memory_space<vmem>>, vector<1x16xf32>,
      %get3A_158 = vector.shape_cast %get3A_157 : vector<1x16xf32> to vector<16xf32>
      %add3A_159 = arith.addf %get3A_154, %get3A_158 : vector<16xf32>
      %max3A_160 = arith.constant 0.000000e+00 : f32
      %max3A_161 = vector.broadcast %max3A_160 : f32 to vector<16xf32>
      %max3A_162 = arith.maximumf %add3A_159, %max3A_161 : vector<16xf32>
      %swap3A_163 = arith.index_cast %add3A_51 : i32 to index
      %swap3A_164 = arith.constant 96 : index
      %swap3A_165 = tpu.vector_load %arg15[%swap3A_163, %swap3A_164] {strides = array<i32>} : memref<16x128xf32, #tpu.memory_space<vmem>>, vector<1x16xf32>,
      %swap3A_166 = vector.shape_cast %swap3A_165 : vector<1x16xf32> to vector<16xf32>
      %swap3A_167 = vector.shape_cast %max3A_162 : vector<16xf32> to vector<1x16xf32>
      tpu.vector_store %arg15[%swap3A_163, %swap3A_164], %swap3A_167 {strides = array<i32>} : memref<16x128xf32, #tpu.memory_space<vmem>>, vector<1x16xf32>,
      %get3A_168 = arith.index_cast %add3A_51 : i32 to index
      %get3A_169 = arith.constant 112 : index
      %get3A_170 = tpu.vector_load %arg15[%get3A_168, %get3A_169] {strides = array<i32>} : memref<16x128xf32, #tpu.memory_space<vmem>>, vector<1x16xf32>,
      %get3A_171 = vector.shape_cast %get3A_170 : vector<1x16xf32> to vector<16xf32>
      %get3A_172 = arith.index_cast %add3A_51 : i32 to index
      %get3A_173 = arith.constant 112 : index
      %get3A_174 = tpu.vector_load %arg16[%get3A_172, %get3A_173] {strides = array<i32>} : memref<16x128xf32, #tpu.memory_space<vmem>>, vector<1x16xf32>,
      %get3A_175 = vector.shape_cast %get3A_174 : vector<1x16xf32> to vector<16xf32>
      %add3A_176 = arith.addf %get3A_171, %get3A_175 : vector<16xf32>
      %max3A_177 = arith.constant 0.000000e+00 : f32
      %max3A_178 = vector.broadcast %max3A_177 : f32 to vector<16xf32>
      %max3A_179 = arith.maximumf %add3A_176, %max3A_178 : vector<16xf32>
      %swap3A_180 = arith.index_cast %add3A_51 : i32 to index
      %swap3A_181 = arith.constant 112 : index
      %swap3A_182 = tpu.vector_load %arg15[%swap3A_180, %swap3A_181] {strides = array<i32>} : memref<16x128xf32, #tpu.memory_space<vmem>>, vector<1x16xf32>,
      %swap3A_183 = vector.shape_cast %swap3A_182 : vector<1x16xf32> to vector<16xf32>
      %swap3A_184 = vector.shape_cast %max3A_179 : vector<16xf32> to vector<1x16xf32>
      tpu.vector_store %arg15[%swap3A_180, %swap3A_181], %swap3A_184 {strides = array<i32>} : memref<16x128xf32, #tpu.memory_space<vmem>>, vector<1x16xf32>,
    }
    %scan3A_35 = arith.constant 16 : i32
    "tpu.region"() ({
      %run_scoped3A = tpu.sem_alloc : memref<!tpu.dma_semaphore, #tpu.memory_space<semaphore_mem>>
      %dma_start3A_47 = arith.constant 0 : i32
      %dma_start3A_48 = arith.constant 0 : i32
      %dma_start3A_49 = tpu.memref_slice %arg11[%dma_start3A_47, %dma_start3A_48] : memref<10240x128xf32, #tpu.memory_space<vmem_shared>> -> memref<10240x128xf32, #tpu.memory_space<vmem_shared>>
      tpu.enqueue_indirect_dma source(%arg15 : memref<16x128xf32, #tpu.memory_space<vmem>>) target(%dma_start3A_49 : memref<10240x128xf32, #tpu.memory_space<vmem_shared>>) offsets(%arg14 : memref<16xi32, #tpu.memory_space<vmem>>) semaphore(%run_scoped3A : memref<!tpu.dma_semaphore, #tpu.memory_space<semaphore_mem>>) {add = true}
      %dma_wait3A_50 = arith.constant 0 : i32
      %dma_wait3A_51 = arith.constant 0 : i32
      %dma_wait3A_52 = tpu.memref_slice %arg11[%dma_wait3A_50, %dma_wait3A_51] : memref<10240x128xf32, #tpu.memory_space<vmem_shared>> -> memref<10240x128xf32, #tpu.memory_space<vmem_shared>>
      tpu.wait_indirect_dma semaphore(%run_scoped3A : memref<!tpu.dma_semaphore, #tpu.memory_space<semaphore_mem>>) src(%arg15 : memref<16x128xf32, #tpu.memory_space<vmem>>) dst(%dma_wait3A_52 : memref<10240x128xf32, #tpu.memory_space<vmem_shared>>)
      tpu.yield
    }) : () -> ()
    %barrier3A_36 = arith.constant 0 : index
    tpu.barrier barrier_id(%barrier3A_36)
    %add3A_37 = arith.constant 0 : i32
    %add3A_38 = arith.addi %mul3A_7, %add3A_37 : i32
    "tpu.region"() ({
      %run_scoped3A = tpu.sem_alloc : memref<!tpu.dma_semaphore, #tpu.memory_space<semaphore_mem>>
      %dma_start3A_47 = arith.constant 0 : i32
      %dma_start3A_48 = tpu.memref_slice %arg6[%arg0, %add3A_38, %dma_start3A_47] : memref<2x10240x128xf32, #tpu.memory_space<hbm>> -> memref<1x128x128xf32, #tpu.memory_space<hbm>>
      %dma_start3A_49 = tpu.memref_squeeze %dma_start3A_48 : memref<1x128x128xf32, #tpu.memory_space<hbm>> -> memref<128x128xf32, #tpu.memory_space<hbm>>
      %dma_start3A_50 = arith.constant 0 : i32
      %dma_start3A_51 = tpu.memref_slice %arg11[%add3A_38, %dma_start3A_50] : memref<10240x128xf32, #tpu.memory_space<vmem_shared>> -> memref<128x128xf32, #tpu.memory_space<vmem_shared>>
      tpu.enqueue_dma source(%dma_start3A_51 : memref<128x128xf32, #tpu.memory_space<vmem_shared>>) target(%dma_start3A_49 : memref<128x128xf32, #tpu.memory_space<hbm>>) target_semaphore(%run_scoped3A : memref<!tpu.dma_semaphore, #tpu.memory_space<semaphore_mem>>)
      %dma_wait3A_52 = arith.constant 0 : i32
      %dma_wait3A_53 = tpu.memref_slice %arg6[%arg0, %add3A_38, %dma_wait3A_52] : memref<2x10240x128xf32, #tpu.memory_space<hbm>> -> memref<1x128x128xf32, #tpu.memory_space<hbm>>
      %dma_wait3A_54 = tpu.memref_squeeze %dma_wait3A_53 : memref<1x128x128xf32, #tpu.memory_space<hbm>> -> memref<128x128xf32, #tpu.memory_space<hbm>>
      %dma_wait3A_55 = arith.constant 0 : i32
      %dma_wait3A_56 = tpu.memref_slice %arg11[%add3A_38, %dma_wait3A_55] : memref<10240x128xf32, #tpu.memory_space<vmem_shared>> -> memref<128x128xf32, #tpu.memory_space<vmem_shared>>
      tpu.wait_dma2 semaphore(%run_scoped3A : memref<!tpu.dma_semaphore, #tpu.memory_space<semaphore_mem>>) src(%dma_wait3A_56 : memref<128x128xf32, #tpu.memory_space<vmem_shared>>) dst(%dma_wait3A_54 : memref<128x128xf32, #tpu.memory_space<hbm>>)
      tpu.yield
    }) : () -> ()
    %add3A_39 = arith.constant 128 : i32
    %add3A_40 = arith.addi %mul3A_7, %add3A_39 : i32
    "tpu.region"() ({
      %run_scoped3A = tpu.sem_alloc : memref<!tpu.dma_semaphore, #tpu.memory_space<semaphore_mem>>
      %dma_start3A_47 = arith.constant 0 : i32
      %dma_start3A_48 = tpu.memref_slice %arg6[%arg0, %add3A_40, %dma_start3A_47] : memref<2x10240x128xf32, #tpu.memory_space<hbm>> -> memref<1x128x128xf32, #tpu.memory_space<hbm>>
      %dma_start3A_49 = tpu.memref_squeeze %dma_start3A_48 : memref<1x128x128xf32, #tpu.memory_space<hbm>> -> memref<128x128xf32, #tpu.memory_space<hbm>>
      %dma_start3A_50 = arith.constant 0 : i32
      %dma_start3A_51 = tpu.memref_slice %arg11[%add3A_40, %dma_start3A_50] : memref<10240x128xf32, #tpu.memory_space<vmem_shared>> -> memref<128x128xf32, #tpu.memory_space<vmem_shared>>
      tpu.enqueue_dma source(%dma_start3A_51 : memref<128x128xf32, #tpu.memory_space<vmem_shared>>) target(%dma_start3A_49 : memref<128x128xf32, #tpu.memory_space<hbm>>) target_semaphore(%run_scoped3A : memref<!tpu.dma_semaphore, #tpu.memory_space<semaphore_mem>>)
      %dma_wait3A_52 = arith.constant 0 : i32
      %dma_wait3A_53 = tpu.memref_slice %arg6[%arg0, %add3A_40, %dma_wait3A_52] : memref<2x10240x128xf32, #tpu.memory_space<hbm>> -> memref<1x128x128xf32, #tpu.memory_space<hbm>>
      %dma_wait3A_54 = tpu.memref_squeeze %dma_wait3A_53 : memref<1x128x128xf32, #tpu.memory_space<hbm>> -> memref<128x128xf32, #tpu.memory_space<hbm>>
      %dma_wait3A_55 = arith.constant 0 : i32
      %dma_wait3A_56 = tpu.memref_slice %arg11[%add3A_40, %dma_wait3A_55] : memref<10240x128xf32, #tpu.memory_space<vmem_shared>> -> memref<128x128xf32, #tpu.memory_space<vmem_shared>>
      tpu.wait_dma2 semaphore(%run_scoped3A : memref<!tpu.dma_semaphore, #tpu.memory_space<semaphore_mem>>) src(%dma_wait3A_56 : memref<128x128xf32, #tpu.memory_space<vmem_shared>>) dst(%dma_wait3A_54 : memref<128x128xf32, #tpu.memory_space<hbm>>)
      tpu.yield
    }) : () -> ()
    %add3A_41 = arith.constant 256 : i32
    %add3A_42 = arith.addi %mul3A_7, %add3A_41 : i32
    "tpu.region"() ({
      %run_scoped3A = tpu.sem_alloc : memref<!tpu.dma_semaphore, #tpu.memory_space<semaphore_mem>>
      %dma_start3A_47 = arith.constant 0 : i32
      %dma_start3A_48 = tpu.memref_slice %arg6[%arg0, %add3A_42, %dma_start3A_47] : memref<2x10240x128xf32, #tpu.memory_space<hbm>> -> memref<1x128x128xf32, #tpu.memory_space<hbm>>
      %dma_start3A_49 = tpu.memref_squeeze %dma_start3A_48 : memref<1x128x128xf32, #tpu.memory_space<hbm>> -> memref<128x128xf32, #tpu.memory_space<hbm>>
      %dma_start3A_50 = arith.constant 0 : i32
      %dma_start3A_51 = tpu.memref_slice %arg11[%add3A_42, %dma_start3A_50] : memref<10240x128xf32, #tpu.memory_space<vmem_shared>> -> memref<128x128xf32, #tpu.memory_space<vmem_shared>>
      tpu.enqueue_dma source(%dma_start3A_51 : memref<128x128xf32, #tpu.memory_space<vmem_shared>>) target(%dma_start3A_49 : memref<128x128xf32, #tpu.memory_space<hbm>>) target_semaphore(%run_scoped3A : memref<!tpu.dma_semaphore, #tpu.memory_space<semaphore_mem>>)
      %dma_wait3A_52 = arith.constant 0 : i32
      %dma_wait3A_53 = tpu.memref_slice %arg6[%arg0, %add3A_42, %dma_wait3A_52] : memref<2x10240x128xf32, #tpu.memory_space<hbm>> -> memref<1x128x128xf32, #tpu.memory_space<hbm>>
      %dma_wait3A_54 = tpu.memref_squeeze %dma_wait3A_53 : memref<1x128x128xf32, #tpu.memory_space<hbm>> -> memref<128x128xf32, #tpu.memory_space<hbm>>
      %dma_wait3A_55 = arith.constant 0 : i32
      %dma_wait3A_56 = tpu.memref_slice %arg11[%add3A_42, %dma_wait3A_55] : memref<10240x128xf32, #tpu.memory_space<vmem_shared>> -> memref<128x128xf32, #tpu.memory_space<vmem_shared>>
      tpu.wait_dma2 semaphore(%run_scoped3A : memref<!tpu.dma_semaphore, #tpu.memory_space<semaphore_mem>>) src(%dma_wait3A_56 : memref<128x128xf32, #tpu.memory_space<vmem_shared>>) dst(%dma_wait3A_54 : memref<128x128xf32, #tpu.memory_space<hbm>>)
      tpu.yield
    }) : () -> ()
    %add3A_43 = arith.constant 384 : i32
    %add3A_44 = arith.addi %mul3A_7, %add3A_43 : i32
    "tpu.region"() ({
      %run_scoped3A = tpu.sem_alloc : memref<!tpu.dma_semaphore, #tpu.memory_space<semaphore_mem>>
      %dma_start3A_47 = arith.constant 0 : i32
      %dma_start3A_48 = tpu.memref_slice %arg6[%arg0, %add3A_44, %dma_start3A_47] : memref<2x10240x128xf32, #tpu.memory_space<hbm>> -> memref<1x128x128xf32, #tpu.memory_space<hbm>>
      %dma_start3A_49 = tpu.memref_squeeze %dma_start3A_48 : memref<1x128x128xf32, #tpu.memory_space<hbm>> -> memref<128x128xf32, #tpu.memory_space<hbm>>
      %dma_start3A_50 = arith.constant 0 : i32
      %dma_start3A_51 = tpu.memref_slice %arg11[%add3A_44, %dma_start3A_50] : memref<10240x128xf32, #tpu.memory_space<vmem_shared>> -> memref<128x128xf32, #tpu.memory_space<vmem_shared>>
      tpu.enqueue_dma source(%dma_start3A_51 : memref<128x128xf32, #tpu.memory_space<vmem_shared>>) target(%dma_start3A_49 : memref<128x128xf32, #tpu.memory_space<hbm>>) target_semaphore(%run_scoped3A : memref<!tpu.dma_semaphore, #tpu.memory_space<semaphore_mem>>)
      %dma_wait3A_52 = arith.constant 0 : i32
      %dma_wait3A_53 = tpu.memref_slice %arg6[%arg0, %add3A_44, %dma_wait3A_52] : memref<2x10240x128xf32, #tpu.memory_space<hbm>> -> memref<1x128x128xf32, #tpu.memory_space<hbm>>
      %dma_wait3A_54 = tpu.memref_squeeze %dma_wait3A_53 : memref<1x128x128xf32, #tpu.memory_space<hbm>> -> memref<128x128xf32, #tpu.memory_space<hbm>>
      %dma_wait3A_55 = arith.constant 0 : i32
      %dma_wait3A_56 = tpu.memref_slice %arg11[%add3A_44, %dma_wait3A_55] : memref<10240x128xf32, #tpu.memory_space<vmem_shared>> -> memref<128x128xf32, #tpu.memory_space<vmem_shared>>
      tpu.wait_dma2 semaphore(%run_scoped3A : memref<!tpu.dma_semaphore, #tpu.memory_space<semaphore_mem>>) src(%dma_wait3A_56 : memref<128x128xf32, #tpu.memory_space<vmem_shared>>) dst(%dma_wait3A_54 : memref<128x128xf32, #tpu.memory_space<hbm>>)
      tpu.yield
    }) : () -> ()
    %add3A_45 = arith.constant 512 : i32
    %add3A_46 = arith.addi %mul3A_7, %add3A_45 : i32
    "tpu.region"() ({
      %run_scoped3A = tpu.sem_alloc : memref<!tpu.dma_semaphore, #tpu.memory_space<semaphore_mem>>
      %dma_start3A_47 = arith.constant 0 : i32
      %dma_start3A_48 = tpu.memref_slice %arg6[%arg0, %add3A_46, %dma_start3A_47] : memref<2x10240x128xf32, #tpu.memory_space<hbm>> -> memref<1x128x128xf32, #tpu.memory_space<hbm>>
      %dma_start3A_49 = tpu.memref_squeeze %dma_start3A_48 : memref<1x128x128xf32, #tpu.memory_space<hbm>> -> memref<128x128xf32, #tpu.memory_space<hbm>>
      %dma_start3A_50 = arith.constant 0 : i32
      %dma_start3A_51 = tpu.memref_slice %arg11[%add3A_46, %dma_start3A_50] : memref<10240x128xf32, #tpu.memory_space<vmem_shared>> -> memref<128x128xf32, #tpu.memory_space<vmem_shared>>
      tpu.enqueue_dma source(%dma_start3A_51 : memref<128x128xf32, #tpu.memory_space<vmem_shared>>) target(%dma_start3A_49 : memref<128x128xf32, #tpu.memory_space<hbm>>) target_semaphore(%run_scoped3A : memref<!tpu.dma_semaphore, #tpu.memory_space<semaphore_mem>>)
      %dma_wait3A_52 = arith.constant 0 : i32
      %dma_wait3A_53 = tpu.memref_slice %arg6[%arg0, %add3A_46, %dma_wait3A_52] : memref<2x10240x128xf32, #tpu.memory_space<hbm>> -> memref<1x128x128xf32, #tpu.memory_space<hbm>>
      %dma_wait3A_54 = tpu.memref_squeeze %dma_wait3A_53 : memref<1x128x128xf32, #tpu.memory_space<hbm>> -> memref<128x128xf32, #tpu.memory_space<hbm>>
      %dma_wait3A_55 = arith.constant 0 : i32
      %dma_wait3A_56 = tpu.memref_slice %arg11[%add3A_46, %dma_wait3A_55] : memref<10240x128xf32, #tpu.memory_space<vmem_shared>> -> memref<128x128xf32, #tpu.memory_space<vmem_shared>>
      tpu.wait_dma2 semaphore(%run_scoped3A : memref<!tpu.dma_semaphore, #tpu.memory_space<semaphore_mem>>) src(%dma_wait3A_56 : memref<128x128xf32, #tpu.memory_space<vmem_shared>>) dst(%dma_wait3A_54 : memref<128x128xf32, #tpu.memory_space<hbm>>)
      tpu.yield
    }) : () -> ()
    return
  }
}

module attributes {stable_mosaic.version = 14 : i64} {
  func.func @body(%arg0: i32, %arg1: memref<1x1xf32, #tpu.memory_space<smem>>, %arg2: memref<1000x128xf32, #tpu.memory_space<vmem>>, %arg3: memref<1000x128xf32, #tpu.memory_space<vmem>>, %arg4: memref<1000x128xf32, #tpu.memory_space<vmem>>, %arg5: memref<128x128xf32, #tpu.memory_space<vmem>>, %arg6: memref<1x128xf32, #tpu.memory_space<vmem>>, %arg7: memref<1000x128xf32, #tpu.memory_space<vmem>>) attributes {dimension_semantics = [#tpu.dimension_semantics<arbitrary>], iteration_bounds = array<i64: 10>, scalar_prefetch = 0 : i64, scratch_operands = 0 : i64, tpu.core_type = #tpu.core_type<tc>, window_params = [{transform_indices = @transform_0, window_bounds = array<i64: 1, 1>}, {transform_indices = @transform_1, window_bounds = array<i64: 1000, 128>}, {transform_indices = @transform_2, window_bounds = array<i64: 1000, 128>}, {transform_indices = @transform_3, window_bounds = array<i64: 1000, 128>}, {pipeline_mode = #tpu.pipeline_mode<synchronous>, transform_indices = @transform_4, window_bounds = array<i64: 128, 128>}, {pipeline_mode = #tpu.pipeline_mode<synchronous>, transform_indices = @transform_5, window_bounds = array<i64: 1, 128>}, {transform_indices = @transform_6, window_bounds = array<i64: 1000, 128>}]} {
    %get3A = arith.constant 0 : index
    %get3A_0 = arith.constant 0 : index
    %get3A_1 = memref.load %arg1[%get3A, %get3A_0] : memref<1x1xf32, #tpu.memory_space<smem>>
    %add3A = arith.constant 1.000000e+00 : f32
    %add3A_2 = arith.addf %add3A, %get3A_1 : f32
    %get3A_3 = arith.constant 0 : index
    %get3A_4 = arith.constant 0 : index
    %get3A_5 = vector.load %arg2[%get3A_3, %get3A_4] : memref<1000x128xf32, #tpu.memory_space<vmem>>, vector<1000x128xf32>
    %mul3A = vector.broadcast %add3A_2 : f32 to vector<1000x128xf32>
    %mul3A_6 = arith.mulf %mul3A, %get3A_5 : vector<1000x128xf32>
    %get3A_7 = arith.constant 0 : index
    %get3A_8 = arith.constant 0 : index
    %get3A_9 = vector.load %arg3[%get3A_7, %get3A_8] : memref<1000x128xf32, #tpu.memory_space<vmem>>, vector<1000x128xf32>
    %add3A_10 = arith.addf %mul3A_6, %get3A_9 : vector<1000x128xf32>
    %get3A_11 = arith.constant 0 : index
    %get3A_12 = arith.constant 0 : index
    %get3A_13 = vector.load %arg4[%get3A_11, %get3A_12] : memref<1000x128xf32, #tpu.memory_space<vmem>>, vector<1000x128xf32>
    %add3A_14 = arith.addf %add3A_10, %get3A_13 : vector<1000x128xf32>
    %get3A_15 = arith.constant 0 : index
    %get3A_16 = arith.constant 0 : index
    %get3A_17 = vector.load %arg5[%get3A_15, %get3A_16] : memref<128x128xf32, #tpu.memory_space<vmem>>, vector<128x128xf32>
    %convert_element_type3A = arith.truncf %add3A_14 : vector<1000x128xf32> to vector<1000x128xbf16>
    %convert_element_type3A_18 = arith.truncf %get3A_17 : vector<128x128xf32> to vector<128x128xbf16>
    %dot_general3A = arith.constant dense<0.000000e+00> : vector<1000x128xf32>
    %dot_general3A_19 = tpu.matmul %convert_element_type3A, %convert_element_type3A_18, %dot_general3A {dimension_numbers = #tpu.dot_dimension_numbers<[1], [0], [0], [1], [0, 0, 1, 1], [], []>, transpose_lhs_hint = false} : vector<1000x128xbf16>, vector<128x128xbf16>, vector<1000x128xf32> -> vector<1000x128xf32>
    %get3A_20 = arith.constant 0 : index
    %get3A_21 = arith.constant 0 : index
    %get3A_22 = vector.load %arg6[%get3A_20, %get3A_21] : memref<1x128xf32, #tpu.memory_space<vmem>>, vector<1x128xf32>
    %add3A_23 = vector.broadcast %get3A_22 : vector<1x128xf32> to vector<1000x128xf32>
    %add3A_24 = arith.addf %dot_general3A_19, %add3A_23 : vector<1000x128xf32>
    %swap3A = arith.constant 0 : index
    %swap3A_25 = arith.constant 0 : index
    %swap3A_26 = vector.load %arg7[%swap3A, %swap3A_25] : memref<1000x128xf32, #tpu.memory_space<vmem>>, vector<1000x128xf32>
    tpu.vector_store %arg7[%swap3A, %swap3A_25], %add3A_24 {strides = array<i32>} : memref<1000x128xf32, #tpu.memory_space<vmem>>, vector<1000x128xf32>,
    return
  }
  func.func @transform_0(%arg0: i32) -> (i32, i32) {
    %c0_i32 = arith.constant 0 : i32
    %c0_i32_0 = arith.constant 0 : i32
    %c0_i32_1 = arith.constant 0 : i32
    return %c0_i32, %c0_i32_0 : i32, i32
  }
  func.func @transform_1(%arg0: i32) -> (i32, i32) {
    %c0_i32 = arith.constant 0 : i32
    %c0_i32_0 = arith.constant 0 : i32
    return %arg0, %c0_i32 : i32, i32
  }
  func.func @transform_2(%arg0: i32) -> (i32, i32) {
    %c0_i32 = arith.constant 0 : i32
    %c0_i32_0 = arith.constant 0 : i32
    return %arg0, %c0_i32 : i32, i32
  }
  func.func @transform_3(%arg0: i32) -> (i32, i32) {
    %c0_i32 = arith.constant 0 : i32
    %c0_i32_0 = arith.constant 0 : i32
    return %arg0, %c0_i32 : i32, i32
  }
  func.func @transform_4(%arg0: i32) -> (i32, i32) {
    %c0_i32 = arith.constant 0 : i32
    %c0_i32_0 = arith.constant 0 : i32
    %c0_i32_1 = arith.constant 0 : i32
    return %c0_i32, %c0_i32_0 : i32, i32
  }
  func.func @transform_5(%arg0: i32) -> (i32, i32) {
    %c0_i32 = arith.constant 0 : i32
    %c0_i32_0 = arith.constant 0 : i32
    %c0_i32_1 = arith.constant 0 : i32
    return %c0_i32, %c0_i32_0 : i32, i32
  }
  func.func @transform_6(%arg0: i32) -> (i32, i32) {
    %c0_i32 = arith.constant 0 : i32
    %c0_i32_0 = arith.constant 0 : i32
    return %arg0, %c0_i32 : i32, i32
  }
}

module attributes {stable_mosaic.version = 14 : i64} {
  func.func @body(%arg0: i32, %arg1: memref<1000x128xf32, #tpu.memory_space<vmem>>, %arg2: memref<1000x128xf32, #tpu.memory_space<vmem>>, %arg3: memref<1000x128xf32, #tpu.memory_space<vmem>>, %arg4: memref<1000x128xf32, #tpu.memory_space<vmem>>, %arg5: memref<128x512xf32, #tpu.memory_space<vmem>>, %arg6: memref<128x512xf32, #tpu.memory_space<vmem>>, %arg7: memref<1x512xf32, #tpu.memory_space<vmem>>, %arg8: memref<128x512xf32, #tpu.memory_space<vmem>>, %arg9: memref<128x512xf32, #tpu.memory_space<vmem>>, %arg10: memref<1x512xf32, #tpu.memory_space<vmem>>, %arg11: memref<1000x128xf32, #tpu.memory_space<vmem>>) attributes {dimension_semantics = [#tpu.dimension_semantics<arbitrary>], iteration_bounds = array<i64: 10>, scalar_prefetch = 0 : i64, scratch_operands = 0 : i64, tpu.core_type = #tpu.core_type<tc>, window_params = [{transform_indices = @transform_0, window_bounds = array<i64: 1000, 128>}, {transform_indices = @transform_1, window_bounds = array<i64: 1000, 128>}, {transform_indices = @transform_2, window_bounds = array<i64: 1000, 128>}, {transform_indices = @transform_3, window_bounds = array<i64: 1000, 128>}, {pipeline_mode = #tpu.pipeline_mode<synchronous>, transform_indices = @transform_4, window_bounds = array<i64: 128, 512>}, {pipeline_mode = #tpu.pipeline_mode<synchronous>, transform_indices = @transform_5, window_bounds = array<i64: 128, 512>}, {pipeline_mode = #tpu.pipeline_mode<synchronous>, transform_indices = @transform_6, window_bounds = array<i64: 1, 512>}, {pipeline_mode = #tpu.pipeline_mode<synchronous>, transform_indices = @transform_7, window_bounds = array<i64: 128, 512>}, {pipeline_mode = #tpu.pipeline_mode<synchronous>, transform_indices = @transform_8, window_bounds = array<i64: 128, 512>}, {pipeline_mode = #tpu.pipeline_mode<synchronous>, transform_indices = @transform_9, window_bounds = array<i64: 1, 512>}, {transform_indices = @transform_10, window_bounds = array<i64: 1000, 128>}]} {
    %broadcast_in_dim3A = arith.constant 0.000000e+00 : f32
    %broadcast_in_dim3A_0 = vector.broadcast %broadcast_in_dim3A : f32 to vector<1000x128xf32>
    %get3A = arith.constant 0 : index
    %get3A_1 = arith.constant 0 : index
    %get3A_2 = vector.load %arg1[%get3A, %get3A_1] : memref<1000x128xf32, #tpu.memory_space<vmem>>, vector<1000x128xf32>
    %get3A_3 = arith.constant 0 : index
    %get3A_4 = arith.constant 0 : index
    %get3A_5 = vector.load %arg5[%get3A_3, %get3A_4] : memref<128x512xf32, #tpu.memory_space<vmem>>, vector<128x512xf32>
    %convert_element_type3A = arith.truncf %get3A_2 : vector<1000x128xf32> to vector<1000x128xbf16>
    %convert_element_type3A_6 = arith.truncf %get3A_5 : vector<128x512xf32> to vector<128x512xbf16>
    %dot_general3A = arith.constant dense<0.000000e+00> : vector<1000x512xf32>
    %dot_general3A_7 = tpu.matmul %convert_element_type3A, %convert_element_type3A_6, %dot_general3A {dimension_numbers = #tpu.dot_dimension_numbers<[1], [0], [0], [1], [0, 0, 1, 1], [], []>, transpose_lhs_hint = false} : vector<1000x128xbf16>, vector<128x512xbf16>, vector<1000x512xf32> -> vector<1000x512xf32>
    %get3A_8 = arith.constant 0 : index
    %get3A_9 = arith.constant 0 : index
    %get3A_10 = vector.load %arg6[%get3A_8, %get3A_9] : memref<128x512xf32, #tpu.memory_space<vmem>>, vector<128x512xf32>
    %convert_element_type3A_11 = arith.truncf %broadcast_in_dim3A_0 : vector<1000x128xf32> to vector<1000x128xbf16>
    %convert_element_type3A_12 = arith.truncf %get3A_10 : vector<128x512xf32> to vector<128x512xbf16>
    %dot_general3A_13 = arith.constant dense<0.000000e+00> : vector<1000x512xf32>
    %dot_general3A_14 = tpu.matmul %convert_element_type3A_11, %convert_element_type3A_12, %dot_general3A_13 {dimension_numbers = #tpu.dot_dimension_numbers<[1], [0], [0], [1], [0, 0, 1, 1], [], []>, transpose_lhs_hint = false} : vector<1000x128xbf16>, vector<128x512xbf16>, vector<1000x512xf32> -> vector<1000x512xf32>
    %add3A = arith.addf %dot_general3A_7, %dot_general3A_14 : vector<1000x512xf32>
    %get3A_15 = arith.constant 0 : index
    %get3A_16 = arith.constant 0 : index
    %get3A_17 = vector.load %arg7[%get3A_15, %get3A_16] : memref<1x512xf32, #tpu.memory_space<vmem>>, vector<1x512xf32>
    %add3A_18 = vector.broadcast %get3A_17 : vector<1x512xf32> to vector<1000x512xf32>
    %add3A_19 = arith.addf %add3A, %add3A_18 : vector<1000x512xf32>
    %slice3A = vector.extract_strided_slice %add3A_19 {offsets = [0, 0], sizes = [1000, 128], strides = [1, 1]} : vector<1000x512xf32> to vector<1000x128xf32>
    %logistic3A = arith.negf %slice3A : vector<1000x128xf32>
    %logistic3A_20 = math.exp %logistic3A : vector<1000x128xf32>
    %logistic3A_21 = arith.constant 1.000000e+00 : f32
    %logistic3A_22 = vector.broadcast %logistic3A_21 : f32 to vector<1000x128xf32>
    %logistic3A_23 = arith.addf %logistic3A_22, %logistic3A_20 : vector<1000x128xf32>
    %logistic3A_24 = arith.divf %logistic3A_22, %logistic3A_23 : vector<1000x128xf32>
    %slice3A_25 = vector.extract_strided_slice %add3A_19 {offsets = [0, 128], sizes = [1000, 128], strides = [1, 1]} : vector<1000x512xf32> to vector<1000x128xf32>
    %logistic3A_26 = arith.negf %slice3A_25 : vector<1000x128xf32>
    %logistic3A_27 = math.exp %logistic3A_26 : vector<1000x128xf32>
    %logistic3A_28 = arith.constant 1.000000e+00 : f32
    %logistic3A_29 = vector.broadcast %logistic3A_28 : f32 to vector<1000x128xf32>
    %logistic3A_30 = arith.addf %logistic3A_29, %logistic3A_27 : vector<1000x128xf32>
    %logistic3A_31 = arith.divf %logistic3A_29, %logistic3A_30 : vector<1000x128xf32>
    %slice3A_32 = vector.extract_strided_slice %add3A_19 {offsets = [0, 256], sizes = [1000, 128], strides = [1, 1]} : vector<1000x512xf32> to vector<1000x128xf32>
    %tanh3A = math.tanh %slice3A_32 : vector<1000x128xf32>
    %slice3A_33 = vector.extract_strided_slice %add3A_19 {offsets = [0, 384], sizes = [1000, 128], strides = [1, 1]} : vector<1000x512xf32> to vector<1000x128xf32>
    %logistic3A_34 = arith.negf %slice3A_33 : vector<1000x128xf32>
    %logistic3A_35 = math.exp %logistic3A_34 : vector<1000x128xf32>
    %logistic3A_36 = arith.constant 1.000000e+00 : f32
    %logistic3A_37 = vector.broadcast %logistic3A_36 : f32 to vector<1000x128xf32>
    %logistic3A_38 = arith.addf %logistic3A_37, %logistic3A_35 : vector<1000x128xf32>
    %logistic3A_39 = arith.divf %logistic3A_37, %logistic3A_38 : vector<1000x128xf32>
    %mul3A = arith.mulf %logistic3A_31, %broadcast_in_dim3A_0 : vector<1000x128xf32>
    %mul3A_40 = arith.mulf %logistic3A_24, %tanh3A : vector<1000x128xf32>
    %add3A_41 = arith.addf %mul3A, %mul3A_40 : vector<1000x128xf32>
    %tanh3A_42 = math.tanh %add3A_41 : vector<1000x128xf32>
    %mul3A_43 = arith.mulf %logistic3A_39, %tanh3A_42 : vector<1000x128xf32>
    %get3A_44 = arith.constant 0 : index
    %get3A_45 = arith.constant 0 : index
    %get3A_46 = vector.load %arg8[%get3A_44, %get3A_45] : memref<128x512xf32, #tpu.memory_space<vmem>>, vector<128x512xf32>
    %convert_element_type3A_47 = arith.truncf %mul3A_43 : vector<1000x128xf32> to vector<1000x128xbf16>
    %convert_element_type3A_48 = arith.truncf %get3A_46 : vector<128x512xf32> to vector<128x512xbf16>
    %dot_general3A_49 = arith.constant dense<0.000000e+00> : vector<1000x512xf32>
    %dot_general3A_50 = tpu.matmul %convert_element_type3A_47, %convert_element_type3A_48, %dot_general3A_49 {dimension_numbers = #tpu.dot_dimension_numbers<[1], [0], [0], [1], [0, 0, 1, 1], [], []>, transpose_lhs_hint = false} : vector<1000x128xbf16>, vector<128x512xbf16>, vector<1000x512xf32> -> vector<1000x512xf32>
    %get3A_51 = arith.constant 0 : index
    %get3A_52 = arith.constant 0 : index
    %get3A_53 = vector.load %arg9[%get3A_51, %get3A_52] : memref<128x512xf32, #tpu.memory_space<vmem>>, vector<128x512xf32>
    %convert_element_type3A_54 = arith.truncf %broadcast_in_dim3A_0 : vector<1000x128xf32> to vector<1000x128xbf16>
    %convert_element_type3A_55 = arith.truncf %get3A_53 : vector<128x512xf32> to vector<128x512xbf16>
    %dot_general3A_56 = arith.constant dense<0.000000e+00> : vector<1000x512xf32>
    %dot_general3A_57 = tpu.matmul %convert_element_type3A_54, %convert_element_type3A_55, %dot_general3A_56 {dimension_numbers = #tpu.dot_dimension_numbers<[1], [0], [0], [1], [0, 0, 1, 1], [], []>, transpose_lhs_hint = false} : vector<1000x128xbf16>, vector<128x512xbf16>, vector<1000x512xf32> -> vector<1000x512xf32>
    %add3A_58 = arith.addf %dot_general3A_50, %dot_general3A_57 : vector<1000x512xf32>
    %get3A_59 = arith.constant 0 : index
    %get3A_60 = arith.constant 0 : index
    %get3A_61 = vector.load %arg10[%get3A_59, %get3A_60] : memref<1x512xf32, #tpu.memory_space<vmem>>, vector<1x512xf32>
    %add3A_62 = vector.broadcast %get3A_61 : vector<1x512xf32> to vector<1000x512xf32>
    %add3A_63 = arith.addf %add3A_58, %add3A_62 : vector<1000x512xf32>
    %slice3A_64 = vector.extract_strided_slice %add3A_63 {offsets = [0, 0], sizes = [1000, 128], strides = [1, 1]} : vector<1000x512xf32> to vector<1000x128xf32>
    %logistic3A_65 = arith.negf %slice3A_64 : vector<1000x128xf32>
    %logistic3A_66 = math.exp %logistic3A_65 : vector<1000x128xf32>
    %logistic3A_67 = arith.constant 1.000000e+00 : f32
    %logistic3A_68 = vector.broadcast %logistic3A_67 : f32 to vector<1000x128xf32>
    %logistic3A_69 = arith.addf %logistic3A_68, %logistic3A_66 : vector<1000x128xf32>
    %logistic3A_70 = arith.divf %logistic3A_68, %logistic3A_69 : vector<1000x128xf32>
    %slice3A_71 = vector.extract_strided_slice %add3A_63 {offsets = [0, 128], sizes = [1000, 128], strides = [1, 1]} : vector<1000x512xf32> to vector<1000x128xf32>
    %logistic3A_72 = arith.negf %slice3A_71 : vector<1000x128xf32>
    %logistic3A_73 = math.exp %logistic3A_72 : vector<1000x128xf32>
    %logistic3A_74 = arith.constant 1.000000e+00 : f32
    %logistic3A_75 = vector.broadcast %logistic3A_74 : f32 to vector<1000x128xf32>
    %logistic3A_76 = arith.addf %logistic3A_75, %logistic3A_73 : vector<1000x128xf32>
    %logistic3A_77 = arith.divf %logistic3A_75, %logistic3A_76 : vector<1000x128xf32>
    %slice3A_78 = vector.extract_strided_slice %add3A_63 {offsets = [0, 256], sizes = [1000, 128], strides = [1, 1]} : vector<1000x512xf32> to vector<1000x128xf32>
    %tanh3A_79 = math.tanh %slice3A_78 : vector<1000x128xf32>
    %slice3A_80 = vector.extract_strided_slice %add3A_63 {offsets = [0, 384], sizes = [1000, 128], strides = [1, 1]} : vector<1000x512xf32> to vector<1000x128xf32>
    %logistic3A_81 = arith.negf %slice3A_80 : vector<1000x128xf32>
    %logistic3A_82 = math.exp %logistic3A_81 : vector<1000x128xf32>
    %logistic3A_83 = arith.constant 1.000000e+00 : f32
    %logistic3A_84 = vector.broadcast %logistic3A_83 : f32 to vector<1000x128xf32>
    %logistic3A_85 = arith.addf %logistic3A_84, %logistic3A_82 : vector<1000x128xf32>
    %logistic3A_86 = arith.divf %logistic3A_84, %logistic3A_85 : vector<1000x128xf32>
    %mul3A_87 = arith.mulf %logistic3A_77, %broadcast_in_dim3A_0 : vector<1000x128xf32>
    %mul3A_88 = arith.mulf %logistic3A_70, %tanh3A_79 : vector<1000x128xf32>
    %add3A_89 = arith.addf %mul3A_87, %mul3A_88 : vector<1000x128xf32>
    %tanh3A_90 = math.tanh %add3A_89 : vector<1000x128xf32>
    %mul3A_91 = arith.mulf %logistic3A_86, %tanh3A_90 : vector<1000x128xf32>
    %add3A_92 = arith.addf %broadcast_in_dim3A_0, %mul3A_91 : vector<1000x128xf32>
    %get3A_93 = arith.constant 0 : index
    %get3A_94 = arith.constant 0 : index
    %get3A_95 = vector.load %arg2[%get3A_93, %get3A_94] : memref<1000x128xf32, #tpu.memory_space<vmem>>, vector<1000x128xf32>
    %get3A_96 = arith.constant 0 : index
    %get3A_97 = arith.constant 0 : index
    %get3A_98 = vector.load %arg5[%get3A_96, %get3A_97] : memref<128x512xf32, #tpu.memory_space<vmem>>, vector<128x512xf32>
    %convert_element_type3A_99 = arith.truncf %get3A_95 : vector<1000x128xf32> to vector<1000x128xbf16>
    %convert_element_type3A_100 = arith.truncf %get3A_98 : vector<128x512xf32> to vector<128x512xbf16>
    %dot_general3A_101 = arith.constant dense<0.000000e+00> : vector<1000x512xf32>
    %dot_general3A_102 = tpu.matmul %convert_element_type3A_99, %convert_element_type3A_100, %dot_general3A_101 {dimension_numbers = #tpu.dot_dimension_numbers<[1], [0], [0], [1], [0, 0, 1, 1], [], []>, transpose_lhs_hint = false} : vector<1000x128xbf16>, vector<128x512xbf16>, vector<1000x512xf32> -> vector<1000x512xf32>
    %get3A_103 = arith.constant 0 : index
    %get3A_104 = arith.constant 0 : index
    %get3A_105 = vector.load %arg6[%get3A_103, %get3A_104] : memref<128x512xf32, #tpu.memory_space<vmem>>, vector<128x512xf32>
    %convert_element_type3A_106 = arith.truncf %mul3A_43 : vector<1000x128xf32> to vector<1000x128xbf16>
    %convert_element_type3A_107 = arith.truncf %get3A_105 : vector<128x512xf32> to vector<128x512xbf16>
    %dot_general3A_108 = arith.constant dense<0.000000e+00> : vector<1000x512xf32>
    %dot_general3A_109 = tpu.matmul %convert_element_type3A_106, %convert_element_type3A_107, %dot_general3A_108 {dimension_numbers = #tpu.dot_dimension_numbers<[1], [0], [0], [1], [0, 0, 1, 1], [], []>, transpose_lhs_hint = false} : vector<1000x128xbf16>, vector<128x512xbf16>, vector<1000x512xf32> -> vector<1000x512xf32>
    %add3A_110 = arith.addf %dot_general3A_102, %dot_general3A_109 : vector<1000x512xf32>
    %get3A_111 = arith.constant 0 : index
    %get3A_112 = arith.constant 0 : index
    %get3A_113 = vector.load %arg7[%get3A_111, %get3A_112] : memref<1x512xf32, #tpu.memory_space<vmem>>, vector<1x512xf32>
    %add3A_114 = vector.broadcast %get3A_113 : vector<1x512xf32> to vector<1000x512xf32>
    %add3A_115 = arith.addf %add3A_110, %add3A_114 : vector<1000x512xf32>
    %slice3A_116 = vector.extract_strided_slice %add3A_115 {offsets = [0, 0], sizes = [1000, 128], strides = [1, 1]} : vector<1000x512xf32> to vector<1000x128xf32>
    %logistic3A_117 = arith.negf %slice3A_116 : vector<1000x128xf32>
    %logistic3A_118 = math.exp %logistic3A_117 : vector<1000x128xf32>
    %logistic3A_119 = arith.constant 1.000000e+00 : f32
    %logistic3A_120 = vector.broadcast %logistic3A_119 : f32 to vector<1000x128xf32>
    %logistic3A_121 = arith.addf %logistic3A_120, %logistic3A_118 : vector<1000x128xf32>
    %logistic3A_122 = arith.divf %logistic3A_120, %logistic3A_121 : vector<1000x128xf32>
    %slice3A_123 = vector.extract_strided_slice %add3A_115 {offsets = [0, 128], sizes = [1000, 128], strides = [1, 1]} : vector<1000x512xf32> to vector<1000x128xf32>
    %logistic3A_124 = arith.negf %slice3A_123 : vector<1000x128xf32>
    %logistic3A_125 = math.exp %logistic3A_124 : vector<1000x128xf32>
    %logistic3A_126 = arith.constant 1.000000e+00 : f32
    %logistic3A_127 = vector.broadcast %logistic3A_126 : f32 to vector<1000x128xf32>
    %logistic3A_128 = arith.addf %logistic3A_127, %logistic3A_125 : vector<1000x128xf32>
    %logistic3A_129 = arith.divf %logistic3A_127, %logistic3A_128 : vector<1000x128xf32>
    %slice3A_130 = vector.extract_strided_slice %add3A_115 {offsets = [0, 256], sizes = [1000, 128], strides = [1, 1]} : vector<1000x512xf32> to vector<1000x128xf32>
    %tanh3A_131 = math.tanh %slice3A_130 : vector<1000x128xf32>
    %slice3A_132 = vector.extract_strided_slice %add3A_115 {offsets = [0, 384], sizes = [1000, 128], strides = [1, 1]} : vector<1000x512xf32> to vector<1000x128xf32>
    %logistic3A_133 = arith.negf %slice3A_132 : vector<1000x128xf32>
    %logistic3A_134 = math.exp %logistic3A_133 : vector<1000x128xf32>
    %logistic3A_135 = arith.constant 1.000000e+00 : f32
    %logistic3A_136 = vector.broadcast %logistic3A_135 : f32 to vector<1000x128xf32>
    %logistic3A_137 = arith.addf %logistic3A_136, %logistic3A_134 : vector<1000x128xf32>
    %logistic3A_138 = arith.divf %logistic3A_136, %logistic3A_137 : vector<1000x128xf32>
    %mul3A_139 = arith.mulf %logistic3A_129, %add3A_41 : vector<1000x128xf32>
    %mul3A_140 = arith.mulf %logistic3A_122, %tanh3A_131 : vector<1000x128xf32>
    %add3A_141 = arith.addf %mul3A_139, %mul3A_140 : vector<1000x128xf32>
    %tanh3A_142 = math.tanh %add3A_141 : vector<1000x128xf32>
    %mul3A_143 = arith.mulf %logistic3A_138, %tanh3A_142 : vector<1000x128xf32>
    %get3A_144 = arith.constant 0 : index
    %get3A_145 = arith.constant 0 : index
    %get3A_146 = vector.load %arg8[%get3A_144, %get3A_145] : memref<128x512xf32, #tpu.memory_space<vmem>>, vector<128x512xf32>
    %convert_element_type3A_147 = arith.truncf %mul3A_143 : vector<1000x128xf32> to vector<1000x128xbf16>
    %convert_element_type3A_148 = arith.truncf %get3A_146 : vector<128x512xf32> to vector<128x512xbf16>
    %dot_general3A_149 = arith.constant dense<0.000000e+00> : vector<1000x512xf32>
    %dot_general3A_150 = tpu.matmul %convert_element_type3A_147, %convert_element_type3A_148, %dot_general3A_149 {dimension_numbers = #tpu.dot_dimension_numbers<[1], [0], [0], [1], [0, 0, 1, 1], [], []>, transpose_lhs_hint = false} : vector<1000x128xbf16>, vector<128x512xbf16>, vector<1000x512xf32> -> vector<1000x512xf32>
    %get3A_151 = arith.constant 0 : index
    %get3A_152 = arith.constant 0 : index
    %get3A_153 = vector.load %arg9[%get3A_151, %get3A_152] : memref<128x512xf32, #tpu.memory_space<vmem>>, vector<128x512xf32>
    %convert_element_type3A_154 = arith.truncf %mul3A_91 : vector<1000x128xf32> to vector<1000x128xbf16>
    %convert_element_type3A_155 = arith.truncf %get3A_153 : vector<128x512xf32> to vector<128x512xbf16>
    %dot_general3A_156 = arith.constant dense<0.000000e+00> : vector<1000x512xf32>
    %dot_general3A_157 = tpu.matmul %convert_element_type3A_154, %convert_element_type3A_155, %dot_general3A_156 {dimension_numbers = #tpu.dot_dimension_numbers<[1], [0], [0], [1], [0, 0, 1, 1], [], []>, transpose_lhs_hint = false} : vector<1000x128xbf16>, vector<128x512xbf16>, vector<1000x512xf32> -> vector<1000x512xf32>
    %add3A_158 = arith.addf %dot_general3A_150, %dot_general3A_157 : vector<1000x512xf32>
    %get3A_159 = arith.constant 0 : index
    %get3A_160 = arith.constant 0 : index
    %get3A_161 = vector.load %arg10[%get3A_159, %get3A_160] : memref<1x512xf32, #tpu.memory_space<vmem>>, vector<1x512xf32>
    %add3A_162 = vector.broadcast %get3A_161 : vector<1x512xf32> to vector<1000x512xf32>
    %add3A_163 = arith.addf %add3A_158, %add3A_162 : vector<1000x512xf32>
    %slice3A_164 = vector.extract_strided_slice %add3A_163 {offsets = [0, 0], sizes = [1000, 128], strides = [1, 1]} : vector<1000x512xf32> to vector<1000x128xf32>
    %logistic3A_165 = arith.negf %slice3A_164 : vector<1000x128xf32>
    %logistic3A_166 = math.exp %logistic3A_165 : vector<1000x128xf32>
    %logistic3A_167 = arith.constant 1.000000e+00 : f32
    %logistic3A_168 = vector.broadcast %logistic3A_167 : f32 to vector<1000x128xf32>
    %logistic3A_169 = arith.addf %logistic3A_168, %logistic3A_166 : vector<1000x128xf32>
    %logistic3A_170 = arith.divf %logistic3A_168, %logistic3A_169 : vector<1000x128xf32>
    %slice3A_171 = vector.extract_strided_slice %add3A_163 {offsets = [0, 128], sizes = [1000, 128], strides = [1, 1]} : vector<1000x512xf32> to vector<1000x128xf32>
    %logistic3A_172 = arith.negf %slice3A_171 : vector<1000x128xf32>
    %logistic3A_173 = math.exp %logistic3A_172 : vector<1000x128xf32>
    %logistic3A_174 = arith.constant 1.000000e+00 : f32
    %logistic3A_175 = vector.broadcast %logistic3A_174 : f32 to vector<1000x128xf32>
    %logistic3A_176 = arith.addf %logistic3A_175, %logistic3A_173 : vector<1000x128xf32>
    %logistic3A_177 = arith.divf %logistic3A_175, %logistic3A_176 : vector<1000x128xf32>
    %slice3A_178 = vector.extract_strided_slice %add3A_163 {offsets = [0, 256], sizes = [1000, 128], strides = [1, 1]} : vector<1000x512xf32> to vector<1000x128xf32>
    %tanh3A_179 = math.tanh %slice3A_178 : vector<1000x128xf32>
    %slice3A_180 = vector.extract_strided_slice %add3A_163 {offsets = [0, 384], sizes = [1000, 128], strides = [1, 1]} : vector<1000x512xf32> to vector<1000x128xf32>
    %logistic3A_181 = arith.negf %slice3A_180 : vector<1000x128xf32>
    %logistic3A_182 = math.exp %logistic3A_181 : vector<1000x128xf32>
    %logistic3A_183 = arith.constant 1.000000e+00 : f32
    %logistic3A_184 = vector.broadcast %logistic3A_183 : f32 to vector<1000x128xf32>
    %logistic3A_185 = arith.addf %logistic3A_184, %logistic3A_182 : vector<1000x128xf32>
    %logistic3A_186 = arith.divf %logistic3A_184, %logistic3A_185 : vector<1000x128xf32>
    %mul3A_187 = arith.mulf %logistic3A_177, %add3A_89 : vector<1000x128xf32>
    %mul3A_188 = arith.mulf %logistic3A_170, %tanh3A_179 : vector<1000x128xf32>
    %add3A_189 = arith.addf %mul3A_187, %mul3A_188 : vector<1000x128xf32>
    %tanh3A_190 = math.tanh %add3A_189 : vector<1000x128xf32>
    %mul3A_191 = arith.mulf %logistic3A_186, %tanh3A_190 : vector<1000x128xf32>
    %add3A_192 = arith.addf %add3A_92, %mul3A_191 : vector<1000x128xf32>
    %get3A_193 = arith.constant 0 : index
    %get3A_194 = arith.constant 0 : index
    %get3A_195 = vector.load %arg3[%get3A_193, %get3A_194] : memref<1000x128xf32, #tpu.memory_space<vmem>>, vector<1000x128xf32>
    %get3A_196 = arith.constant 0 : index
    %get3A_197 = arith.constant 0 : index
    %get3A_198 = vector.load %arg5[%get3A_196, %get3A_197] : memref<128x512xf32, #tpu.memory_space<vmem>>, vector<128x512xf32>
    %convert_element_type3A_199 = arith.truncf %get3A_195 : vector<1000x128xf32> to vector<1000x128xbf16>
    %convert_element_type3A_200 = arith.truncf %get3A_198 : vector<128x512xf32> to vector<128x512xbf16>
    %dot_general3A_201 = arith.constant dense<0.000000e+00> : vector<1000x512xf32>
    %dot_general3A_202 = tpu.matmul %convert_element_type3A_199, %convert_element_type3A_200, %dot_general3A_201 {dimension_numbers = #tpu.dot_dimension_numbers<[1], [0], [0], [1], [0, 0, 1, 1], [], []>, transpose_lhs_hint = false} : vector<1000x128xbf16>, vector<128x512xbf16>, vector<1000x512xf32> -> vector<1000x512xf32>
    %get3A_203 = arith.constant 0 : index
    %get3A_204 = arith.constant 0 : index
    %get3A_205 = vector.load %arg6[%get3A_203, %get3A_204] : memref<128x512xf32, #tpu.memory_space<vmem>>, vector<128x512xf32>
    %convert_element_type3A_206 = arith.truncf %mul3A_143 : vector<1000x128xf32> to vector<1000x128xbf16>
    %convert_element_type3A_207 = arith.truncf %get3A_205 : vector<128x512xf32> to vector<128x512xbf16>
    %dot_general3A_208 = arith.constant dense<0.000000e+00> : vector<1000x512xf32>
    %dot_general3A_209 = tpu.matmul %convert_element_type3A_206, %convert_element_type3A_207, %dot_general3A_208 {dimension_numbers = #tpu.dot_dimension_numbers<[1], [0], [0], [1], [0, 0, 1, 1], [], []>, transpose_lhs_hint = false} : vector<1000x128xbf16>, vector<128x512xbf16>, vector<1000x512xf32> -> vector<1000x512xf32>
    %add3A_210 = arith.addf %dot_general3A_202, %dot_general3A_209 : vector<1000x512xf32>
    %get3A_211 = arith.constant 0 : index
    %get3A_212 = arith.constant 0 : index
    %get3A_213 = vector.load %arg7[%get3A_211, %get3A_212] : memref<1x512xf32, #tpu.memory_space<vmem>>, vector<1x512xf32>
    %add3A_214 = vector.broadcast %get3A_213 : vector<1x512xf32> to vector<1000x512xf32>
    %add3A_215 = arith.addf %add3A_210, %add3A_214 : vector<1000x512xf32>
    %slice3A_216 = vector.extract_strided_slice %add3A_215 {offsets = [0, 0], sizes = [1000, 128], strides = [1, 1]} : vector<1000x512xf32> to vector<1000x128xf32>
    %logistic3A_217 = arith.negf %slice3A_216 : vector<1000x128xf32>
    %logistic3A_218 = math.exp %logistic3A_217 : vector<1000x128xf32>
    %logistic3A_219 = arith.constant 1.000000e+00 : f32
    %logistic3A_220 = vector.broadcast %logistic3A_219 : f32 to vector<1000x128xf32>
    %logistic3A_221 = arith.addf %logistic3A_220, %logistic3A_218 : vector<1000x128xf32>
    %logistic3A_222 = arith.divf %logistic3A_220, %logistic3A_221 : vector<1000x128xf32>
    %slice3A_223 = vector.extract_strided_slice %add3A_215 {offsets = [0, 128], sizes = [1000, 128], strides = [1, 1]} : vector<1000x512xf32> to vector<1000x128xf32>
    %logistic3A_224 = arith.negf %slice3A_223 : vector<1000x128xf32>
    %logistic3A_225 = math.exp %logistic3A_224 : vector<1000x128xf32>
    %logistic3A_226 = arith.constant 1.000000e+00 : f32
    %logistic3A_227 = vector.broadcast %logistic3A_226 : f32 to vector<1000x128xf32>
    %logistic3A_228 = arith.addf %logistic3A_227, %logistic3A_225 : vector<1000x128xf32>
    %logistic3A_229 = arith.divf %logistic3A_227, %logistic3A_228 : vector<1000x128xf32>
    %slice3A_230 = vector.extract_strided_slice %add3A_215 {offsets = [0, 256], sizes = [1000, 128], strides = [1, 1]} : vector<1000x512xf32> to vector<1000x128xf32>
    %tanh3A_231 = math.tanh %slice3A_230 : vector<1000x128xf32>
    %slice3A_232 = vector.extract_strided_slice %add3A_215 {offsets = [0, 384], sizes = [1000, 128], strides = [1, 1]} : vector<1000x512xf32> to vector<1000x128xf32>
    %logistic3A_233 = arith.negf %slice3A_232 : vector<1000x128xf32>
    %logistic3A_234 = math.exp %logistic3A_233 : vector<1000x128xf32>
    %logistic3A_235 = arith.constant 1.000000e+00 : f32
    %logistic3A_236 = vector.broadcast %logistic3A_235 : f32 to vector<1000x128xf32>
    %logistic3A_237 = arith.addf %logistic3A_236, %logistic3A_234 : vector<1000x128xf32>
    %logistic3A_238 = arith.divf %logistic3A_236, %logistic3A_237 : vector<1000x128xf32>
    %mul3A_239 = arith.mulf %logistic3A_229, %add3A_141 : vector<1000x128xf32>
    %mul3A_240 = arith.mulf %logistic3A_222, %tanh3A_231 : vector<1000x128xf32>
    %add3A_241 = arith.addf %mul3A_239, %mul3A_240 : vector<1000x128xf32>
    %tanh3A_242 = math.tanh %add3A_241 : vector<1000x128xf32>
    %mul3A_243 = arith.mulf %logistic3A_238, %tanh3A_242 : vector<1000x128xf32>
    %get3A_244 = arith.constant 0 : index
    %get3A_245 = arith.constant 0 : index
    %get3A_246 = vector.load %arg8[%get3A_244, %get3A_245] : memref<128x512xf32, #tpu.memory_space<vmem>>, vector<128x512xf32>
    %convert_element_type3A_247 = arith.truncf %mul3A_243 : vector<1000x128xf32> to vector<1000x128xbf16>
    %convert_element_type3A_248 = arith.truncf %get3A_246 : vector<128x512xf32> to vector<128x512xbf16>
    %dot_general3A_249 = arith.constant dense<0.000000e+00> : vector<1000x512xf32>
    %dot_general3A_250 = tpu.matmul %convert_element_type3A_247, %convert_element_type3A_248, %dot_general3A_249 {dimension_numbers = #tpu.dot_dimension_numbers<[1], [0], [0], [1], [0, 0, 1, 1], [], []>, transpose_lhs_hint = false} : vector<1000x128xbf16>, vector<128x512xbf16>, vector<1000x512xf32> -> vector<1000x512xf32>
    %get3A_251 = arith.constant 0 : index
    %get3A_252 = arith.constant 0 : index
    %get3A_253 = vector.load %arg9[%get3A_251, %get3A_252] : memref<128x512xf32, #tpu.memory_space<vmem>>, vector<128x512xf32>
    %convert_element_type3A_254 = arith.truncf %mul3A_191 : vector<1000x128xf32> to vector<1000x128xbf16>
    %convert_element_type3A_255 = arith.truncf %get3A_253 : vector<128x512xf32> to vector<128x512xbf16>
    %dot_general3A_256 = arith.constant dense<0.000000e+00> : vector<1000x512xf32>
    %dot_general3A_257 = tpu.matmul %convert_element_type3A_254, %convert_element_type3A_255, %dot_general3A_256 {dimension_numbers = #tpu.dot_dimension_numbers<[1], [0], [0], [1], [0, 0, 1, 1], [], []>, transpose_lhs_hint = false} : vector<1000x128xbf16>, vector<128x512xbf16>, vector<1000x512xf32> -> vector<1000x512xf32>
    %add3A_258 = arith.addf %dot_general3A_250, %dot_general3A_257 : vector<1000x512xf32>
    %get3A_259 = arith.constant 0 : index
    %get3A_260 = arith.constant 0 : index
    %get3A_261 = vector.load %arg10[%get3A_259, %get3A_260] : memref<1x512xf32, #tpu.memory_space<vmem>>, vector<1x512xf32>
    %add3A_262 = vector.broadcast %get3A_261 : vector<1x512xf32> to vector<1000x512xf32>
    %add3A_263 = arith.addf %add3A_258, %add3A_262 : vector<1000x512xf32>
    %slice3A_264 = vector.extract_strided_slice %add3A_263 {offsets = [0, 0], sizes = [1000, 128], strides = [1, 1]} : vector<1000x512xf32> to vector<1000x128xf32>
    %logistic3A_265 = arith.negf %slice3A_264 : vector<1000x128xf32>
    %logistic3A_266 = math.exp %logistic3A_265 : vector<1000x128xf32>
    %logistic3A_267 = arith.constant 1.000000e+00 : f32
    %logistic3A_268 = vector.broadcast %logistic3A_267 : f32 to vector<1000x128xf32>
    %logistic3A_269 = arith.addf %logistic3A_268, %logistic3A_266 : vector<1000x128xf32>
    %logistic3A_270 = arith.divf %logistic3A_268, %logistic3A_269 : vector<1000x128xf32>
    %slice3A_271 = vector.extract_strided_slice %add3A_263 {offsets = [0, 128], sizes = [1000, 128], strides = [1, 1]} : vector<1000x512xf32> to vector<1000x128xf32>
    %logistic3A_272 = arith.negf %slice3A_271 : vector<1000x128xf32>
    %logistic3A_273 = math.exp %logistic3A_272 : vector<1000x128xf32>
    %logistic3A_274 = arith.constant 1.000000e+00 : f32
    %logistic3A_275 = vector.broadcast %logistic3A_274 : f32 to vector<1000x128xf32>
    %logistic3A_276 = arith.addf %logistic3A_275, %logistic3A_273 : vector<1000x128xf32>
    %logistic3A_277 = arith.divf %logistic3A_275, %logistic3A_276 : vector<1000x128xf32>
    %slice3A_278 = vector.extract_strided_slice %add3A_263 {offsets = [0, 256], sizes = [1000, 128], strides = [1, 1]} : vector<1000x512xf32> to vector<1000x128xf32>
    %tanh3A_279 = math.tanh %slice3A_278 : vector<1000x128xf32>
    %slice3A_280 = vector.extract_strided_slice %add3A_263 {offsets = [0, 384], sizes = [1000, 128], strides = [1, 1]} : vector<1000x512xf32> to vector<1000x128xf32>
    %logistic3A_281 = arith.negf %slice3A_280 : vector<1000x128xf32>
    %logistic3A_282 = math.exp %logistic3A_281 : vector<1000x128xf32>
    %logistic3A_283 = arith.constant 1.000000e+00 : f32
    %logistic3A_284 = vector.broadcast %logistic3A_283 : f32 to vector<1000x128xf32>
    %logistic3A_285 = arith.addf %logistic3A_284, %logistic3A_282 : vector<1000x128xf32>
    %logistic3A_286 = arith.divf %logistic3A_284, %logistic3A_285 : vector<1000x128xf32>
    %mul3A_287 = arith.mulf %logistic3A_277, %add3A_189 : vector<1000x128xf32>
    %mul3A_288 = arith.mulf %logistic3A_270, %tanh3A_279 : vector<1000x128xf32>
    %add3A_289 = arith.addf %mul3A_287, %mul3A_288 : vector<1000x128xf32>
    %tanh3A_290 = math.tanh %add3A_289 : vector<1000x128xf32>
    %mul3A_291 = arith.mulf %logistic3A_286, %tanh3A_290 : vector<1000x128xf32>
    %add3A_292 = arith.addf %add3A_192, %mul3A_291 : vector<1000x128xf32>
    %get3A_293 = arith.constant 0 : index
    %get3A_294 = arith.constant 0 : index
    %get3A_295 = vector.load %arg4[%get3A_293, %get3A_294] : memref<1000x128xf32, #tpu.memory_space<vmem>>, vector<1000x128xf32>
    %get3A_296 = arith.constant 0 : index
    %get3A_297 = arith.constant 0 : index
    %get3A_298 = vector.load %arg5[%get3A_296, %get3A_297] : memref<128x512xf32, #tpu.memory_space<vmem>>, vector<128x512xf32>
    %convert_element_type3A_299 = arith.truncf %get3A_295 : vector<1000x128xf32> to vector<1000x128xbf16>
    %convert_element_type3A_300 = arith.truncf %get3A_298 : vector<128x512xf32> to vector<128x512xbf16>
    %dot_general3A_301 = arith.constant dense<0.000000e+00> : vector<1000x512xf32>
    %dot_general3A_302 = tpu.matmul %convert_element_type3A_299, %convert_element_type3A_300, %dot_general3A_301 {dimension_numbers = #tpu.dot_dimension_numbers<[1], [0], [0], [1], [0, 0, 1, 1], [], []>, transpose_lhs_hint = false} : vector<1000x128xbf16>, vector<128x512xbf16>, vector<1000x512xf32> -> vector<1000x512xf32>
    %get3A_303 = arith.constant 0 : index
    %get3A_304 = arith.constant 0 : index
    %get3A_305 = vector.load %arg6[%get3A_303, %get3A_304] : memref<128x512xf32, #tpu.memory_space<vmem>>, vector<128x512xf32>
    %convert_element_type3A_306 = arith.truncf %mul3A_243 : vector<1000x128xf32> to vector<1000x128xbf16>
    %convert_element_type3A_307 = arith.truncf %get3A_305 : vector<128x512xf32> to vector<128x512xbf16>
    %dot_general3A_308 = arith.constant dense<0.000000e+00> : vector<1000x512xf32>
    %dot_general3A_309 = tpu.matmul %convert_element_type3A_306, %convert_element_type3A_307, %dot_general3A_308 {dimension_numbers = #tpu.dot_dimension_numbers<[1], [0], [0], [1], [0, 0, 1, 1], [], []>, transpose_lhs_hint = false} : vector<1000x128xbf16>, vector<128x512xbf16>, vector<1000x512xf32> -> vector<1000x512xf32>
    %add3A_310 = arith.addf %dot_general3A_302, %dot_general3A_309 : vector<1000x512xf32>
    %get3A_311 = arith.constant 0 : index
    %get3A_312 = arith.constant 0 : index
    %get3A_313 = vector.load %arg7[%get3A_311, %get3A_312] : memref<1x512xf32, #tpu.memory_space<vmem>>, vector<1x512xf32>
    %add3A_314 = vector.broadcast %get3A_313 : vector<1x512xf32> to vector<1000x512xf32>
    %add3A_315 = arith.addf %add3A_310, %add3A_314 : vector<1000x512xf32>
    %slice3A_316 = vector.extract_strided_slice %add3A_315 {offsets = [0, 0], sizes = [1000, 128], strides = [1, 1]} : vector<1000x512xf32> to vector<1000x128xf32>
    %logistic3A_317 = arith.negf %slice3A_316 : vector<1000x128xf32>
    %logistic3A_318 = math.exp %logistic3A_317 : vector<1000x128xf32>
    %logistic3A_319 = arith.constant 1.000000e+00 : f32
    %logistic3A_320 = vector.broadcast %logistic3A_319 : f32 to vector<1000x128xf32>
    %logistic3A_321 = arith.addf %logistic3A_320, %logistic3A_318 : vector<1000x128xf32>
    %logistic3A_322 = arith.divf %logistic3A_320, %logistic3A_321 : vector<1000x128xf32>
    %slice3A_323 = vector.extract_strided_slice %add3A_315 {offsets = [0, 128], sizes = [1000, 128], strides = [1, 1]} : vector<1000x512xf32> to vector<1000x128xf32>
    %logistic3A_324 = arith.negf %slice3A_323 : vector<1000x128xf32>
    %logistic3A_325 = math.exp %logistic3A_324 : vector<1000x128xf32>
    %logistic3A_326 = arith.constant 1.000000e+00 : f32
    %logistic3A_327 = vector.broadcast %logistic3A_326 : f32 to vector<1000x128xf32>
    %logistic3A_328 = arith.addf %logistic3A_327, %logistic3A_325 : vector<1000x128xf32>
    %logistic3A_329 = arith.divf %logistic3A_327, %logistic3A_328 : vector<1000x128xf32>
    %slice3A_330 = vector.extract_strided_slice %add3A_315 {offsets = [0, 256], sizes = [1000, 128], strides = [1, 1]} : vector<1000x512xf32> to vector<1000x128xf32>
    %tanh3A_331 = math.tanh %slice3A_330 : vector<1000x128xf32>
    %slice3A_332 = vector.extract_strided_slice %add3A_315 {offsets = [0, 384], sizes = [1000, 128], strides = [1, 1]} : vector<1000x512xf32> to vector<1000x128xf32>
    %logistic3A_333 = arith.negf %slice3A_332 : vector<1000x128xf32>
    %logistic3A_334 = math.exp %logistic3A_333 : vector<1000x128xf32>
    %logistic3A_335 = arith.constant 1.000000e+00 : f32
    %logistic3A_336 = vector.broadcast %logistic3A_335 : f32 to vector<1000x128xf32>
    %logistic3A_337 = arith.addf %logistic3A_336, %logistic3A_334 : vector<1000x128xf32>
    %logistic3A_338 = arith.divf %logistic3A_336, %logistic3A_337 : vector<1000x128xf32>
    %mul3A_339 = arith.mulf %logistic3A_329, %add3A_241 : vector<1000x128xf32>
    %mul3A_340 = arith.mulf %logistic3A_322, %tanh3A_331 : vector<1000x128xf32>
    %add3A_341 = arith.addf %mul3A_339, %mul3A_340 : vector<1000x128xf32>
    %tanh3A_342 = math.tanh %add3A_341 : vector<1000x128xf32>
    %mul3A_343 = arith.mulf %logistic3A_338, %tanh3A_342 : vector<1000x128xf32>
    %get3A_344 = arith.constant 0 : index
    %get3A_345 = arith.constant 0 : index
    %get3A_346 = vector.load %arg8[%get3A_344, %get3A_345] : memref<128x512xf32, #tpu.memory_space<vmem>>, vector<128x512xf32>
    %convert_element_type3A_347 = arith.truncf %mul3A_343 : vector<1000x128xf32> to vector<1000x128xbf16>
    %convert_element_type3A_348 = arith.truncf %get3A_346 : vector<128x512xf32> to vector<128x512xbf16>
    %dot_general3A_349 = arith.constant dense<0.000000e+00> : vector<1000x512xf32>
    %dot_general3A_350 = tpu.matmul %convert_element_type3A_347, %convert_element_type3A_348, %dot_general3A_349 {dimension_numbers = #tpu.dot_dimension_numbers<[1], [0], [0], [1], [0, 0, 1, 1], [], []>, transpose_lhs_hint = false} : vector<1000x128xbf16>, vector<128x512xbf16>, vector<1000x512xf32> -> vector<1000x512xf32>
    %get3A_351 = arith.constant 0 : index
    %get3A_352 = arith.constant 0 : index
    %get3A_353 = vector.load %arg9[%get3A_351, %get3A_352] : memref<128x512xf32, #tpu.memory_space<vmem>>, vector<128x512xf32>
    %convert_element_type3A_354 = arith.truncf %mul3A_291 : vector<1000x128xf32> to vector<1000x128xbf16>
    %convert_element_type3A_355 = arith.truncf %get3A_353 : vector<128x512xf32> to vector<128x512xbf16>
    %dot_general3A_356 = arith.constant dense<0.000000e+00> : vector<1000x512xf32>
    %dot_general3A_357 = tpu.matmul %convert_element_type3A_354, %convert_element_type3A_355, %dot_general3A_356 {dimension_numbers = #tpu.dot_dimension_numbers<[1], [0], [0], [1], [0, 0, 1, 1], [], []>, transpose_lhs_hint = false} : vector<1000x128xbf16>, vector<128x512xbf16>, vector<1000x512xf32> -> vector<1000x512xf32>
    %add3A_358 = arith.addf %dot_general3A_350, %dot_general3A_357 : vector<1000x512xf32>
    %get3A_359 = arith.constant 0 : index
    %get3A_360 = arith.constant 0 : index
    %get3A_361 = vector.load %arg10[%get3A_359, %get3A_360] : memref<1x512xf32, #tpu.memory_space<vmem>>, vector<1x512xf32>
    %add3A_362 = vector.broadcast %get3A_361 : vector<1x512xf32> to vector<1000x512xf32>
    %add3A_363 = arith.addf %add3A_358, %add3A_362 : vector<1000x512xf32>
    %slice3A_364 = vector.extract_strided_slice %add3A_363 {offsets = [0, 0], sizes = [1000, 128], strides = [1, 1]} : vector<1000x512xf32> to vector<1000x128xf32>
    %logistic3A_365 = arith.negf %slice3A_364 : vector<1000x128xf32>
    %logistic3A_366 = math.exp %logistic3A_365 : vector<1000x128xf32>
    %logistic3A_367 = arith.constant 1.000000e+00 : f32
    %logistic3A_368 = vector.broadcast %logistic3A_367 : f32 to vector<1000x128xf32>
    %logistic3A_369 = arith.addf %logistic3A_368, %logistic3A_366 : vector<1000x128xf32>
    %logistic3A_370 = arith.divf %logistic3A_368, %logistic3A_369 : vector<1000x128xf32>
    %slice3A_371 = vector.extract_strided_slice %add3A_363 {offsets = [0, 128], sizes = [1000, 128], strides = [1, 1]} : vector<1000x512xf32> to vector<1000x128xf32>
    %logistic3A_372 = arith.negf %slice3A_371 : vector<1000x128xf32>
    %logistic3A_373 = math.exp %logistic3A_372 : vector<1000x128xf32>
    %logistic3A_374 = arith.constant 1.000000e+00 : f32
    %logistic3A_375 = vector.broadcast %logistic3A_374 : f32 to vector<1000x128xf32>
    %logistic3A_376 = arith.addf %logistic3A_375, %logistic3A_373 : vector<1000x128xf32>
    %logistic3A_377 = arith.divf %logistic3A_375, %logistic3A_376 : vector<1000x128xf32>
    %slice3A_378 = vector.extract_strided_slice %add3A_363 {offsets = [0, 256], sizes = [1000, 128], strides = [1, 1]} : vector<1000x512xf32> to vector<1000x128xf32>
    %tanh3A_379 = math.tanh %slice3A_378 : vector<1000x128xf32>
    %slice3A_380 = vector.extract_strided_slice %add3A_363 {offsets = [0, 384], sizes = [1000, 128], strides = [1, 1]} : vector<1000x512xf32> to vector<1000x128xf32>
    %logistic3A_381 = arith.negf %slice3A_380 : vector<1000x128xf32>
    %logistic3A_382 = math.exp %logistic3A_381 : vector<1000x128xf32>
    %logistic3A_383 = arith.constant 1.000000e+00 : f32
    %logistic3A_384 = vector.broadcast %logistic3A_383 : f32 to vector<1000x128xf32>
    %logistic3A_385 = arith.addf %logistic3A_384, %logistic3A_382 : vector<1000x128xf32>
    %logistic3A_386 = arith.divf %logistic3A_384, %logistic3A_385 : vector<1000x128xf32>
    %mul3A_387 = arith.mulf %logistic3A_377, %add3A_289 : vector<1000x128xf32>
    %mul3A_388 = arith.mulf %logistic3A_370, %tanh3A_379 : vector<1000x128xf32>
    %add3A_389 = arith.addf %mul3A_387, %mul3A_388 : vector<1000x128xf32>
    %tanh3A_390 = math.tanh %add3A_389 : vector<1000x128xf32>
    %mul3A_391 = arith.mulf %logistic3A_386, %tanh3A_390 : vector<1000x128xf32>
    %add3A_392 = arith.addf %add3A_292, %mul3A_391 : vector<1000x128xf32>
    %mul3A_393 = arith.constant 2.500000e-01 : f32
    %mul3A_394 = vector.broadcast %mul3A_393 : f32 to vector<1000x128xf32>
    %mul3A_395 = arith.mulf %add3A_392, %mul3A_394 : vector<1000x128xf32>
    %swap3A = arith.constant 0 : index
    %swap3A_396 = arith.constant 0 : index
    %swap3A_397 = vector.load %arg11[%swap3A, %swap3A_396] : memref<1000x128xf32, #tpu.memory_space<vmem>>, vector<1000x128xf32>
    tpu.vector_store %arg11[%swap3A, %swap3A_396], %mul3A_395 {strides = array<i32>} : memref<1000x128xf32, #tpu.memory_space<vmem>>, vector<1000x128xf32>,
    return
  }
  func.func @transform_0(%arg0: i32) -> (i32, i32) {
    %c0_i32 = arith.constant 0 : i32
    %c0_i32_0 = arith.constant 0 : i32
    return %arg0, %c0_i32 : i32, i32
  }
  func.func @transform_1(%arg0: i32) -> (i32, i32) {
    %c0_i32 = arith.constant 0 : i32
    %c0_i32_0 = arith.constant 0 : i32
    return %arg0, %c0_i32 : i32, i32
  }
  func.func @transform_2(%arg0: i32) -> (i32, i32) {
    %c0_i32 = arith.constant 0 : i32
    %c0_i32_0 = arith.constant 0 : i32
    return %arg0, %c0_i32 : i32, i32
  }
  func.func @transform_3(%arg0: i32) -> (i32, i32) {
    %c0_i32 = arith.constant 0 : i32
    %c0_i32_0 = arith.constant 0 : i32
    return %arg0, %c0_i32 : i32, i32
  }
  func.func @transform_4(%arg0: i32) -> (i32, i32) {
    %c0_i32 = arith.constant 0 : i32
    %c0_i32_0 = arith.constant 0 : i32
    %c0_i32_1 = arith.constant 0 : i32
    return %c0_i32, %c0_i32_0 : i32, i32
  }
  func.func @transform_5(%arg0: i32) -> (i32, i32) {
    %c0_i32 = arith.constant 0 : i32
    %c0_i32_0 = arith.constant 0 : i32
    %c0_i32_1 = arith.constant 0 : i32
    return %c0_i32, %c0_i32_0 : i32, i32
  }
  func.func @transform_6(%arg0: i32) -> (i32, i32) {
    %c0_i32 = arith.constant 0 : i32
    %c0_i32_0 = arith.constant 0 : i32
    %c0_i32_1 = arith.constant 0 : i32
    return %c0_i32, %c0_i32_0 : i32, i32
  }
  func.func @transform_7(%arg0: i32) -> (i32, i32) {
    %c0_i32 = arith.constant 0 : i32
    %c0_i32_0 = arith.constant 0 : i32
    %c0_i32_1 = arith.constant 0 : i32
    return %c0_i32, %c0_i32_0 : i32, i32
  }
  func.func @transform_8(%arg0: i32) -> (i32, i32) {
    %c0_i32 = arith.constant 0 : i32
    %c0_i32_0 = arith.constant 0 : i32
    %c0_i32_1 = arith.constant 0 : i32
    return %c0_i32, %c0_i32_0 : i32, i32
  }
  func.func @transform_9(%arg0: i32) -> (i32, i32) {
    %c0_i32 = arith.constant 0 : i32
    %c0_i32_0 = arith.constant 0 : i32
    %c0_i32_1 = arith.constant 0 : i32
    return %c0_i32, %c0_i32_0 : i32, i32
  }
  func.func @transform_10(%arg0: i32) -> (i32, i32) {
    %c0_i32 = arith.constant 0 : i32
    %c0_i32_0 = arith.constant 0 : i32
    return %arg0, %c0_i32 : i32, i32
  }
}

</mosaic_0001>

<sc_bundles>
// kernel: kernel.11.cloned.1.call-start
scs
__scs_entry_jumppad:
0x0: {  	(pc) =	sbr.rel $0x88, $3  }
0x1: {  	(tag) =	ssettag $0x0;
	lr =	simm.s32 $0x1  }
0x2: {  	[smem:$0x3F8A] =	sst lr;
	_ =	strace $0xD0000000  }
0x3: {  	_ = 	snop  }
0x4: {  	_ = 	snop  }
0x5: {  	_ = 	snop  }
0x6: {  	_ = 	snop  }
0x7: {  	_ = 	snop  }
__scs_overlays_trampoline_lowered:
0x8: {  	[smem:$0x3F99] =	sst s0  }
0x9: {  	[smem:$0x3F9A] =	sst s1  }
0xa: {  	[smem:$0x3F9B] =	sst s2  }
0xb: {  	[smem:$0x3F9C] =	sst s3  }
0xc: {  	[smem:$0x3F9D] =	sst s4  }
0xd: {  	[smem:$0x3F9E] =	sst s5  }
0xe: {  	[smem:$0x3F9F] =	sst s6  }
0xf: {  	[smem:$0x3FA0] =	sst s7  }
0x10: {  	[smem:$0x3FA1] =	sst s8  }
0x11: {  	[smem:$0x3FA2] =	sst s9;
	s0 =	simm.s32 @!p0 $0x0  }
0x12: {  	s1 =	sld [smem:$0x3F88];
	s0 =	simm.s32 @p0 $0x1  }
0x13: {  	[smem:$0x3FA3] =	sst s0;
	s0 =	simm.s32 @!p1 $0x0  }
0x14: {  	s2 =	sld [smem:$0x3F87];
	s0 =	simm.s32 @p1 $0x1  }
0x15: {  	[smem:$0x3FA4] =	sst s0;
	s0 =	simm.s32 @!p2 $0x0  }
0x16: {  	s3 =	sld [smem:$0x3FDB];
	s0 =	simm.s32 @p2 $0x1  }
0x17: {  	s4 =	simm.s32 $0x1BF5;
	[smem:$0x3FA6] =	sst s0  }
0x18: {  	s0 =	sld [smem:$0x3F89];
	_ =	swait.ge [sflag:s4], $0x0  }
0x19: {  	s7 =	sld [smem:$0x3F8A]  }
0x1a: {  	s8 =	sadd.s32 $0xFFFFE003, lr  }
0x1b: {  	s9 =	sadd.s32 $0xFFFFFEF7, lr;
	s5 =	simm.s32 $0xFFFFFFFF;
	p2 =	slt.u32 s8, $0xFFFFF086  }
0x1c: {  	p1 =	slt.u32 s9, $0xF7A;
	s5 =	simm.s32 @!p2 $0x0  }
0x1d: {  	s5 =	simm.s32 @p1 $0x1;
	p0 =	seq.s32 s7, s2  }
0x1e: {  	s7 =	smul.u32 @!p0 $0xF7A, s2;
	p2 =	seq.s32 @!p0 s5, $0x0  }
0x1f: {  	s9 =	smul.u32 $0xF7A, s1;
	s8 =	simm.s32 @!p0 $0x1BF5;
	p2 =	por !p2, p0  }
0x20: {  	[sflag:s8] =	ssyncset.s32 @!p0 $0xFFFFF086;
	s6 =	sadd.s32 @!p0 s3, s7;
	s7 =	simm.s32 @!p0 $0x108  }
0x21: {  	s3 =	sadd.s32 s3, s9;
	s6 =	sadd.s32 @!p0 $0x88, s6;
	s7 =	simm.s32 @p2 $0x1082  }
0x22: {  	[simem:s7], [sflag:s8] =	dma.local @!p0 [hbm:s6], $0xF7A  }
0x23: {  	s9 =	sor.u32 $0xD0000000, s2;
	s6 =	simm.s32 $0x108;
	_ =	swait.ge @!p0 [sflag:s8], $0x0  }
0x24: {  	s3 =	sadd.s32 $0x88, s3;
	s6 =	simm.s32 @!p1 $0x1082;
	[sflag:s4] =	ssyncset.s32 $0xFFFFF086  }
0x25: {  	[simem:s6], [sflag:s4] =	dma.local [hbm:s3], $0xF7A  }
0x26: {  	[smem:$0x3F8A] =	sst s1;
	(tag) =	ssettag s2;
	_ =	strace s9  }
0x27: {  	s1 =	sld [smem:$0x3F9A]  }
0x28: {  	s2 =	sld [smem:$0x3F9B]  }
0x29: {  	s4 =	sld [smem:$0x3F9D]  }
0x2a: {  	p0 =	seq.s32 s5, $0x0;
	s5 =	sld [smem:$0x3F9E]  }
0x2b: {  	s6 =	sld [smem:$0x3F9F]  }
0x2c: {  	s7 =	sld [smem:$0x3FA0]  }
0x2d: {  	s3 =	simm.s32 $0x108;
	s8 =	sld [smem:$0x3FA1]  }
0x2e: {  	s3 =	simm.s32 @!p0 $0x1082;
	s9 =	sld [smem:$0x3FA2]  }
0x2f: {  	lr =	sadd.s32 s0, s3;
	s0 =	sld [smem:$0x3F99]  }
0x30: {  	s3 =	sld [smem:$0x3F9C]  }
0x31: {  	[smem:$0x3FA5] =	sst s10  }
0x32: {  	s10 =	sld [smem:$0x3FA3];
	_ =	sdelay $0x3  }
0x33: {  	p0 =	seq.s32 s10, $0x1;
	s10 =	sld [smem:$0x3FA5];
	_ =	sdelay $0x3  }
0x34: {  	[smem:$0x3FA5] =	sst s10  }
0x35: {  	s10 =	sld [smem:$0x3FA4];
	_ =	sdelay $0x3  }
0x36: {  	p1 =	seq.s32 s10, $0x1;
	s10 =	sld [smem:$0x3FA5];
	_ =	sdelay $0x3  }
0x37: {  	[smem:$0x3FA5] =	sst s10  }
0x38: {  	s10 =	sld [smem:$0x3FA6]  }
0x39: {  	_ = 	snop;
	(pc) =	sbr.ind lr, $3  }
0x3a: {  	_ = 	snop  }
0x3b: {  	_ = 	snop  }
0x3c: {  	p2 =	seq.s32 s10, $0x1;
	s10 =	sld [smem:$0x3FA5]  }
0x3d: {  	_ =	shalt  }
0x3e: {  	_ =	shalt  }
0x3f: {  	_ =	shalt  }
0x40: {  	_ =	shalt  }
0x41: {  	_ =	shalt  }
0x42: {  	_ =	shalt  }
0x43: {  	_ =	shalt  }
0x44: {  	_ =	shalt  }
0x45: {  	_ =	shalt  }
0x46: {  	_ =	shalt  }
0x47: {  	_ =	shalt  }
0x48: {  	_ =	shalt  }
0x49: {  	_ =	shalt  }
0x4a: {  	_ =	shalt  }
0x4b: {  	_ =	shalt  }
0x4c: {  	_ =	shalt  }
0x4d: {  	_ =	shalt  }
0x4e: {  	_ =	shalt  }
0x4f: {  	_ =	shalt  }
0x50: {  	_ =	shalt  }
0x51: {  	_ =	shalt  }
0x52: {  	_ =	shalt  }
0x53: {  	_ =	shalt  }
0x54: {  	_ =	shalt  }
0x55: {  	_ =	shalt  }
0x56: {  	_ =	shalt  }
0x57: {  	_ =	shalt  }
0x58: {  	_ =	shalt  }
0x59: {  	_ =	shalt  }
0x5a: {  	_ =	shalt  }
0x5b: {  	_ =	shalt  }
0x5c: {  	_ =	shalt  }
0x5d: {  	_ =	shalt  }
0x5e: {  	_ =	shalt  }
0x5f: {  	_ =	shalt  }
0x60: {  	_ =	shalt  }
0x61: {  	_ =	shalt  }
0x62: {  	_ =	shalt  }
0x63: {  	_ =	shalt  }
0x64: {  	_ =	shalt  }
0x65: {  	_ =	shalt  }
0x66: {  	_ =	shalt  }
0x67: {  	_ =	shalt  }
0x68: {  	_ =	shalt  }
0x69: {  	_ =	shalt  }
0x6a: {  	_ =	shalt  }
0x6b: {  	_ =	shalt  }
0x6c: {  	_ =	shalt  }
0x6d: {  	_ =	shalt  }
0x6e: {  	_ =	shalt  }
0x6f: {  	_ =	shalt  }
0x70: {  	_ =	shalt  }
0x71: {  	_ =	shalt  }
0x72: {  	_ =	shalt  }
0x73: {  	_ =	shalt  }
0x74: {  	_ =	shalt  }
0x75: {  	_ =	shalt  }
0x76: {  	_ =	shalt  }
0x77: {  	_ =	shalt  }
0x78: {  	_ =	shalt  }
0x79: {  	_ =	shalt  }
0x7a: {  	_ =	shalt  }
0x7b: {  	_ =	shalt  }
0x7c: {  	_ =	shalt  }
0x7d: {  	_ =	shalt  }
0x7e: {  	_ =	shalt  }
0x7f: {  	_ =	shalt  }
0x80: {  	_ =	shalt  }
0x81: {  	_ =	shalt  }
0x82: {  	_ =	shalt  }
0x83: {  	_ =	shalt  }
0x84: {  	_ =	shalt  }
0x85: {  	_ =	shalt  }
0x86: {  	_ =	shalt  }
0x87: {  	_ =	shalt  }
.Lfunc_end0:
.L_simem_size_0:
called_computation_lowered:
.L_overlay_start_0:
0x88: {  	s2 =	sld [smem:$0x3FD9]  }
0x89: {  	s3 =	sld [smem:$0x3FFE];
	_ =	sdelay $0x1  }
0x8a: {  	s1 =	srdreg.scid  }
0x8b: {  	s0 =	sand.u32 $0x1, s1  }
0x8c: {  	s17 =	sshll.u32 s0, $0xA;
	s2 =	sadd.s32 s3, s2  }
0x8d: {  	s2 =	sadd.s32 s2, s17  }
0x8e: {  	[smem:$0x3FB1] =	sst s2  }
0x8f: {  	_ = 	snop  }
0x90: {  	s2 =	sld [smem:$0x3FC8]  }
0x91: {  	s18 =	sld [smem:$0x3FC7];
	(tm) =	ssettm $0x1  }
0x92: {  	s4 =	sld [smem:$0x3FFB];
	_ =	sdelay $0x3  }
0x93: {  	_ =	strace s4  }
0x94: {  	s4 =	sld [smem:$0x3FFC];
	_ =	sdelay $0x3  }
0x95: {  	_ =	strace s4  }
0x96: {  	s4 =	sld [smem:$0x3FFD];
	_ =	sdelay $0x3  }
0x97: {  	_ =	strace s4  }
0x98: {  	_ =	strace $0x8FFFFFFF  }
0x99: {  	s19 =	sld [smem:$0x3FDB];
	_ =	sdelay $0x1  }
0x9a: {  	s5 =	simm.s32 $_scs_section_size  }
0x9b: {  	s6 =	simm.s32 $_size__tile_overlayer_lowered;
	s7 =	simm.s32 $_tile_overlayer_lowered  }
0x9c: {  	s22 =	simm.s32 $0x1BFF;
	s21 =	sshll.u32 s7, $0x1;
	s4 =	sadd.s32 s5, s19  }
0x9d: {  	s8 =	simm.s32 $0x0;
	s20 =	sshll.u32 s6, $0x1;
	s6 =	sadd.s32 s21, s4  }
0x9e: {  	[timem:s8], [sflag:s22] =	dma.local [hbm:s6], s20  }
0x9f: {  	_ =	swait.ge [sflag:s22], s20  }
0xa0: {  	s5 =	ssub.s32 $0x0, s20;
	[sflag:s22] =	ssyncset.done $0x0  }
0xa1: {  	[sflag:s22] =	ssyncadd.s32 s5;
	_ =	sdelay $0x1  }
0xa2: {  	s23 =	simm.s32 $0x1B8B  }
0xa3: {  	_ =	swait.ge [sflag:s23], $0x1  }
0xa4: {  	[sflag:s23] =	ssyncset.done $0x0  }
0xa5: {  	s25 =	simm.s32 $0x1B8E;
	s24 =	sld [smem:$0x3FFE];
	[sflag:s23] =	ssyncadd.s32 $0xFFFFFFFF  }
0xa6: {  	s26 =	simm.s32 $execute0_lowered;
	[smem:$0x3FD2] =	sst s25  }
0xa7: {  	s6 =	sshll.u32 s26, $0x1;
	_ =	strace $0x80000046;
	[dreg:$0x1] =	wrdreg $0xFFFFFFFF  }
0xa8: {  	s28 =	simm.s32 $_size_execute0_lowered;
	s4 =	sadd.s32 s4, s6;
	[dreg:$0x0] =	wrdreg $0x0  }
0xa9: {  	s6 =	sshll.u32 s28, $0x1;
	[dreg:$0x2] =	wrdreg s4  }
0xaa: {  	[dreg:$0x3] =	wrdreg s6  }
0xab: {  	[dreg:$0x4] =	wrdreg $0xC0  }
0xac: {  	_ =	task [dreg:s8], $0x5FFFF  }
0xad: {  	[dreg:$0x1] =	wrdreg $0xFFFFFFFF  }
0xae: {  	[dreg:$0x0] =	wrdreg $0x60  }
0xaf: {  	[dreg:$0x2] =	wrdreg s24  }
0xb0: {  	[dreg:$0x3] =	wrdreg s2  }
0xb1: {  	[dreg:$0x4] =	wrdreg s18  }
0xb2: {  	[dreg:$0x5] =	wrdreg $0x81000  }
0xb3: {  	[dreg:$0x6] =	wrdreg $0x9  }
0xb4: {  	_ =	task.clear_ibuf [dreg:s8], $0x7FFFF;
	_ =	strace $0x90000046  }
0xb5: {  	s29 =	simm.s32 $0x9;
	_ =	strace $0x80000048  }
0xb6: {  	_ =	swait.ge [sflag:s29], $0x1  }
0xb7: {  	[sflag:s29] =	ssyncadd.s32 $0xFFFFFFFF  }
0xb8: {  	_ =	strace $0x90000048  }
0xb9: {  	_ =	sfence  }
0xba: {  	s30 =	sld [smem:$0x0];
	_ =	sdelay $0x2  }
0xbb: {  	s31 =	sshll.u32 s1, $0xD;
	s1 =	sshrl.u32 s1, $0x2  }
0xbc: {  	s3 =	sand.u32 $0x4000, s31;
	s1 =	sadd.s32 s1, s30  }
0xbd: {  	s0 =	sor.u32 s3, s0;
	s1 =	sshll.u32 s1, $0x11  }
0xbe: {  	s0 =	sor.u32 s1, s0  }
0xbf: {  	s0 =	sadd.s32 $0x8F2B, s0  }
0xc0: {  	[sflag:s0] =	ssyncadd.remote.s32 $0x1  }
0xc1: {  	_ =	sfence.sel $0xFFFF  }
0xc2: {  	[dreg:$0x0] =	wrdreg $0xFFFFFFFF;
	(pc) =	sbr.abs _section_cstart, $3  }
0xc3: {  	[dreg:$0x1] =	wrdreg $0xFFFFFFFF  }
0xc4: {  	_ =	task.clear_ibuf [dreg:s8], $0x2FFFF;
	_ =	strace $0x9FFFFFFF  }
0xc5: {  	(tm) =	ssettm $0x7FFFFFFF  }
tec
execute0_lowered:
.L_overlay_start_1:
0x0: {  	(tag) =	ssettag $0x1  }
0x1: {  	s0 =	rddreg [dreg:$0x0]  }
0x2: {  	s1 =	rddreg [dreg:$0x1]  }
0x3: {  	s2 =	rddreg [dreg:$0x2]  }
0x4: {  	s3 =	rddreg [dreg:$0x3]  }
0x5: {  	s5 =	simm.s32 $0x0;
	s4 =	srdreg.scid;
	s12 =	stileid.u32  }
0x6: {  	s28 =	simm.s32 $0x1;
	s29 =	simm.s32 $0x1C100;
	s30 =	simm.s32 $0x1C180  }
0x7: {  	s31 =	simm.s32 $0x10;
	[smem:$0x7FF] =	sst s5;
	s4 =	sand.u32 $0x1, s4  }
0x8: {  	s6 =	sadd.s32 $0x10800, s0;
	s9 =	smul.u32 $0x50000, s12;
	s7 =	sadd.s32 $0x6A00, s0  }
0x9: {  	s0 =	sadd.s32 $0x1A600, s0;
	s14 =	smul.u32 $0x14000, s12;
	_ =	strace $0x80000047  }
0xa: {  	s8 =	ssub.s32 $0x2, s4;
	s11 =	sshll.u32 s4, $0x4;
	s4 =	smul.u32 $0x140000, s4  }
0xb: {  	s10 =	sshrl.u32 s8, $0x1;
	s9 =	sshrl.u32 s9, $0x2;
	s23 =	sor.u32 s12, s11  }
0xc: {  	s16 =	sadd.s32 $0x4000, s14;
	s19 =	sadd.s32 $0x8000, s14;
	s20 =	sadd.s32 $0xC000, s14  }
0xd: {  	s21 =	sadd.s32 $0x10000, s14;
	s15 =	ssub.s32 s8, s10;
	s8 =	sadd.s32 s9, s3  }
0xe: {  	s9 =	smul.u32 $0x2710, s23;
	s10 =	sadd.s32 s16, s3;
	s11 =	sadd.s32 s19, s3  }
0xf: {  	s12 =	sadd.s32 s20, s3;
	s13 =	sadd.s32 s21, s3;
	s14 =	sadd.s32 s14, s4  }
0x10: {  	s16 =	sadd.s32 s4, s16;
	s25 =	sadd.s32 s4, s19;
	s26 =	sadd.s32 s4, s20  }
0x11: {  	s4 =	sadd.s32 s4, s21;
	s23 =	simm.s32 $0x100;
	s14 =	sshrl.u32 s14, $0x3  }
0x12: {  	s24 =	sshrl.u32 s16, $0x3;
	s16 =	sshrl.u32 s26, $0x3;
	s4 =	sshrl.u32 s4, $0x3  }
0x13: {  	s26 =	simm.s32 $0x4100;
	s17 =	sadd.s32 $0x2700, s9;
	s14 =	sadd.s32 s0, s14  }
0x14: {  	s20 =	sadd.s32 s0, s16;
	s21 =	sadd.s32 s0, s4;
	s18 =	sshrl.u32 s17, $0x3  }
0x15: {  	s17 =	sshll.u32 s17, $0x4;
	[dreg:$0x8] =	wrdreg s14;
	s22 =	sadd.s32 s6, s18  }
0x16: {  	s14 =	sshrl.u32 s25, $0x3;
	s18 =	sadd.s32 s7, s18;
	[dreg:$0x5] =	wrdreg s22  }
0x17: {  	s25 =	simm.s32 $0x80;
	s17 =	sadd.s32 s2, s17;
	[dreg:$0x6] =	wrdreg s18  }
0x18: {  	s19 =	sadd.s32 s0, s14;
	[dreg:$0x7] =	wrdreg s17;
	s18 =	sadd.s32 s0, s24  }
0x19: {  	v0 =	vimm.f32 $0.0e+00;
	s22 =	smax.u32 s15, $0x1;
	s24 =	simm.s32 $0x2;
	s0 =	simm.s32 $0x1C200  }
.LBB2_1:
0x1a: {  	s4 =	simm.s32 $0x0;
	s14 =	simm.s32 $0x200  }
.LBB2_2:
0x1b: {  	p0 =	sne.s32 s14, $0xFE00;
	[tilespmem:s4+$0x170] =	vst v0  }
0x1c: {  	[tilespmem:s4+$0x100] =	vst v0  }
0x1d: {  	[tilespmem:s4+$0x110] =	vst v0  }
.Ltmp0:
0x1e: {  	[tilespmem:s4+$0x120] =	vst v0;
	(pc) =	sbr.rel @p0 .LBB2_2-.Ltmp0, $4  }
0x1f: {  	[tilespmem:s4+$0x130] =	vst v0  }
0x20: {  	[tilespmem:s4+$0x140] =	vst v0  }
0x21: {  	[tilespmem:s4+$0x150] =	vst v0  }
0x22: {  	[tilespmem:s4+$0x160] =	vst v0;
	s4 =	sshra.s32 s14, $0x2;
	s14 =	sadd.s32 $0x200, s14  }
0x23: {  	[tilespmem:s4+$0x170] =	vst v0  }
0x24: {  	[tilespmem:s4+$0x100] =	vst v0  }
0x25: {  	[tilespmem:s4+$0x110] =	vst v0  }
0x26: {  	[tilespmem:s4+$0x120] =	vst v0  }
0x27: {  	[tilespmem:s4+$0x130] =	vst v0  }
0x28: {  	[tilespmem:s4+$0x140] =	vst v0  }
0x29: {  	[tilespmem:s4+$0x150] =	vst v0  }
0x2a: {  	[tilespmem:s4+$0x160] =	vst v0  }
0x2b: {  	[spmem:s8] =	stream.linear.scatter [tilespmem:s23], [sflag:$0x2], $0x4000, $0x38;
	[tilespmem:$0x1D200] =	vst v63  }
0x2c: {  	_ =	swait.ge [sflag:s24], $0x4000  }
0x2d: {  	[sflag:s24] =	ssyncset.done $0x0  }
0x2e: {  	[sflag:s24] =	ssyncadd.s32 $0xFFFFC000  }
0x2f: {  	[spmem:s10] =	stream.linear.scatter [tilespmem:s23], [sflag:$0x2], $0x4000, $0x38;
	[tilespmem:$0x1D200] =	vst v63  }
0x30: {  	_ =	swait.ge [sflag:s24], $0x4000  }
0x31: {  	[sflag:s24] =	ssyncset.done $0x0  }
0x32: {  	[sflag:s24] =	ssyncadd.s32 $0xFFFFC000  }
0x33: {  	[spmem:s11] =	stream.linear.scatter [tilespmem:s23], [sflag:$0x2], $0x4000, $0x38;
	[tilespmem:$0x1D200] =	vst v63  }
0x34: {  	_ =	swait.ge [sflag:s24], $0x4000  }
0x35: {  	[sflag:s24] =	ssyncset.done $0x0  }
0x36: {  	[sflag:s24] =	ssyncadd.s32 $0xFFFFC000  }
0x37: {  	[spmem:s12] =	stream.linear.scatter [tilespmem:s23], [sflag:$0x2], $0x4000, $0x38;
	[tilespmem:$0x1D200] =	vst v63  }
0x38: {  	_ =	swait.ge [sflag:s24], $0x4000  }
0x39: {  	[sflag:s24] =	ssyncset.done $0x0  }
0x3a: {  	[sflag:s24] =	ssyncadd.s32 $0xFFFFC000  }
0x3b: {  	[spmem:s13] =	stream.linear.scatter [tilespmem:s23], [sflag:$0x2], $0x4000, $0x38;
	[tilespmem:$0x1D200] =	vst v63  }
0x3c: {  	_ =	swait.ge [sflag:s24], $0x4000  }
0x3d: {  	[sflag:s24] =	ssyncset.done $0x0  }
0x3e: {  	[sflag:s24] =	ssyncadd.s32 $0xFFFFC000  }
0x3f: {  	s4 =	simm.s32 $0x0;
	s14 =	simm.s32 $0x0;
	[bflag:$0x0] =	sbarrier.arrive $0xFFFF  }
.LBB2_4:
0x40: {  	s15 =	sshll.u32 s14, $0x7  }
0x41: {  	s15 =	sadd.s32 s9, s15  }
0x42: {  	s16 =	sshrl.u32 s15, $0x3  }
0x43: {  	s17 =	sadd.s32 s6, s16  }
0x44: {  	[tilespmem:s4], [sflag:$0x2] =	stream.linear.gather [hbm4b:s17+s4], $0x80, $0x38;
	[tilespmem:$0x1D200] =	vst v63  }
0x45: {  	_ =	swait.ge [sflag:s24], $0x80  }
0x46: {  	[sflag:s24] =	ssyncset.done $0x0  }
0x47: {  	s16 =	sadd.s32 s7, s16;
	[sflag:s24] =	ssyncadd.s32 $0xFFFFFF80  }
0x48: {  	[tilespmem:s25], [sflag:$0x2] =	stream.linear.gather [hbm4b:s16+s4], $0x80, $0x38;
	[tilespmem:$0x1D200] =	vst v63  }
0x49: {  	_ =	swait.ge [sflag:s24], $0x80  }
0x4a: {  	[sflag:s24] =	ssyncset.done $0x0  }
0x4b: {  	s15 =	sshll.u32 s15, $0x4;
	[sflag:s24] =	ssyncadd.s32 $0xFFFFFF80  }
0x4c: {  	[tilespmem:s23], [sflag:$0x1] =	stream.indirect.gather [hbm4b:s1+s25], $0x80, s4, s25, $0xb8;
	[tilespmem:$0x1D200] =	vst v63  }
0x4d: {  	s15 =	sadd.s32 s2, s15  }
0x4e: {  	[tilespmem:s26], [sflag:$0x2] =	stream.linear.gather [hbm4b:s15+s4], $0x4000, $0x38;
	[tilespmem:$0x1D200] =	vst v63  }
0x4f: {  	_ =	swait.ge [sflag:s24], $0x4000  }
0x50: {  	[sflag:s24] =	ssyncset.done $0x0  }
0x51: {  	[sflag:s24] =	ssyncadd.s32 $0xFFFFC000  }
0x52: {  	_ =	swait.ge [sflag:s28], $0x4000  }
0x53: {  	[sflag:s28] =	ssyncset.done $0x0  }
0x54: {  	s15 =	simm.s32 $0x0;
	[sflag:s28] =	ssyncadd.s32 $0xFFFFC000  }
0x55: {  	v7 =	vld [tilespmem:s15+$0x4100]  }
0x56: {  	v12 =	vld [tilespmem:s15+$0x4110]  }
0x57: {  	v6 =	vld [tilespmem:s15+$0x4120]  }
0x58: {  	v5 =	vld [tilespmem:s15+$0x4130]  }
0x59: {  	v4 =	vld [tilespmem:s15+$0x4140]  }
0x5a: {  	v3 =	vld [tilespmem:s15+$0x4150]  }
0x5b: {  	v2 =	vld [tilespmem:s15+$0x4160]  }
0x5c: {  	v1 =	vld [tilespmem:s15+$0x4170]  }
0x5d: {  	v13 =	vld [tilespmem:s15+$0x100]  }
0x5e: {  	v14 =	vld [tilespmem:s15+$0x110]  }
0x5f: {  	v11 =	vld [tilespmem:s15+$0x120]  }
0x60: {  	v10 =	vld [tilespmem:s15+$0x130]  }
0x61: {  	v9 =	vld [tilespmem:s15+$0x140]  }
0x62: {  	v8 =	vld [tilespmem:s15+$0x150];
	v13 =	vadd.f32 v7, v13  }
0x63: {  	s16 =	simm.s32 $0x200;
	v12 =	vadd.f32 v12, v14;
	v7 =	vld [tilespmem:s15+$0x160]  }
.LBB2_5:
0x64: {  	s17 =	sshra.s32 s16, $0x2;
	p0 =	sne.s32 s16, $0xFE00;
	v13 =	vmax.f32 v13, $0.0e+00;
	v6 =	vadd.f32 v6, v11;
	v11 =	vld [tilespmem:s15+$0x170]  }
0x65: {  	v14 =	vld [tilespmem:s17+$0x4100];
	[tilespmem:s15+$0x100] =	vst v13;
	v12 =	vmax.f32 v12, $0.0e+00;
	v5 =	vadd.f32 v5, v10  }
0x66: {  	v15 =	vld [tilespmem:s17+$0x4110];
	[tilespmem:s15+$0x110] =	vst v12;
	v10 =	vmax.f32 v6, $0.0e+00;
	v4 =	vadd.f32 v4, v9  }
0x67: {  	v6 =	vld [tilespmem:s17+$0x4120];
	[tilespmem:s15+$0x120] =	vst v10;
	v9 =	vmax.f32 v5, $0.0e+00;
	v3 =	vadd.f32 v3, v8  }
0x68: {  	v5 =	vld [tilespmem:s17+$0x4130];
	[tilespmem:s15+$0x130] =	vst v9;
	v8 =	vmax.f32 v4, $0.0e+00;
	v2 =	vadd.f32 v2, v7  }
0x69: {  	v4 =	vld [tilespmem:s17+$0x4140];
	[tilespmem:s15+$0x140] =	vst v8;
	v7 =	vmax.f32 v3, $0.0e+00;
	v1 =	vadd.f32 v1, v11  }
0x6a: {  	v3 =	vld [tilespmem:s17+$0x4150];
	[tilespmem:s15+$0x150] =	vst v7;
	v7 =	vmax.f32 v2, $0.0e+00  }
0x6b: {  	v2 =	vld [tilespmem:s17+$0x4160];
	[tilespmem:s15+$0x160] =	vst v7;
	v7 =	vmax.f32 v1, $0.0e+00  }
0x6c: {  	v1 =	vld [tilespmem:s17+$0x4170];
	[tilespmem:s15+$0x170] =	vst v7;
	s15 =	smov.u32 s17  }
0x6d: {  	v7 =	vld [tilespmem:s15+$0x100]  }
0x6e: {  	v12 =	vld [tilespmem:s15+$0x110]  }
.Ltmp1:
0x6f: {  	v11 =	vld [tilespmem:s15+$0x120];
	(pc) =	sbr.rel @p0 .LBB2_5-.Ltmp1, $4  }
0x70: {  	v10 =	vld [tilespmem:s15+$0x130]  }
0x71: {  	v9 =	vld [tilespmem:s15+$0x140]  }
0x72: {  	v13 =	vadd.f32 v14, v7;
	v8 =	vld [tilespmem:s15+$0x150]  }
0x73: {  	s16 =	sadd.s32 $0x200, s16;
	v12 =	vadd.f32 v15, v12;
	v7 =	vld [tilespmem:s15+$0x160]  }
0x74: {  	v13 =	vmax.f32 v13, $0.0e+00;
	v6 =	vadd.f32 v6, v11;
	v63 =	vld [tilespmem:s15+$0x170]  }
0x75: {  	[tilespmem:s15+$0x100] =	vst v13;
	v12 =	vmax.f32 v12, $0.0e+00;
	v5 =	vadd.f32 v5, v10  }
0x76: {  	[tilespmem:s15+$0x110] =	vst v12;
	v6 =	vmax.f32 v6, $0.0e+00;
	v4 =	vadd.f32 v4, v9  }
0x77: {  	[tilespmem:s15+$0x120] =	vst v6;
	v5 =	vmax.f32 v5, $0.0e+00;
	v3 =	vadd.f32 v3, v8  }
0x78: {  	[tilespmem:s15+$0x130] =	vst v5;
	v4 =	vmax.f32 v4, $0.0e+00;
	v2 =	vadd.f32 v2, v7  }
0x79: {  	[tilespmem:s15+$0x140] =	vst v4;
	v3 =	vmax.f32 v3, $0.0e+00;
	v1 =	vadd.f32 v1, v63  }
0x7a: {  	s14 =	sadd.s32 $0x1, s14;
	[tilespmem:s15+$0x150] =	vst v3;
	v2 =	vmax.f32 v2, $0.0e+00  }
0x7b: {  	p0 =	sne.s32 s14, $0x4E;
	[tilespmem:s15+$0x160] =	vst v2;
	v1 =	vmax.f32 v1, $0.0e+00  }
.Ltmp2:
0x7c: {  	[tilespmem:s15+$0x170] =	vst v1;
	(pc) =	sbr.rel @p0 .LBB2_4-.Ltmp2, $4  }
0x7d: {  	[spmem:s3] =	stream.indirect.scatter.add.f32 [tilespmem:s23], [sflag:$0x2], $0x80, s25, s25, $0xb8;
	[tilespmem:$0x1D200] =	vst v63  }
0x7e: {  	_ =	swait.ge [sflag:s24], $0x4000  }
0x7f: {  	[sflag:s24] =	ssyncset.done $0x0  }
0x80: {  	[sflag:s24] =	ssyncadd.s32 $0xFFFFC000  }
0x81: {  	s4 =	simm.s32 $0x0;
	s14 =	rddreg [dreg:$0x5]  }
0x82: {  	[tilespmem:s29], [sflag:$0x2] =	stream.linear.gather [hbm4b:s14+s4], $0x10, $0x38;
	[tilespmem:$0x1D200] =	vst v63  }
0x83: {  	_ =	swait.ge [sflag:s24], $0x10  }
0x84: {  	[sflag:s24] =	ssyncset.done $0x0  }
0x85: {  	s16 =	rddreg [dreg:$0x6];
	[sflag:s24] =	ssyncadd.s32 $0xFFFFFFF0  }
0x86: {  	[tilespmem:s30], [sflag:$0x2] =	stream.linear.gather [hbm4b:s16+s4], $0x10, $0x38;
	[tilespmem:$0x1D200] =	vst v63  }
0x87: {  	_ =	swait.ge [sflag:s24], $0x10  }
0x88: {  	[sflag:s24] =	ssyncset.done $0x0  }
0x89: {  	[sflag:s24] =	ssyncadd.s32 $0xFFFFFFF0  }
0x8a: {  	[tilespmem:s0], [sflag:$0x1] =	stream.indirect.gather [hbm4b:s1+s31], $0x80, s29, s31, $0xb8;
	[tilespmem:$0x1D200] =	vst v63  }
0x8b: {  	s15 =	simm.s32 $0x1CA00;
	s17 =	rddreg [dreg:$0x7]  }
0x8c: {  	[tilespmem:s15], [sflag:$0x2] =	stream.linear.gather [hbm4b:s17+s4], $0x800, $0x38;
	[tilespmem:$0x1D200] =	vst v63  }
0x8d: {  	_ =	swait.ge [sflag:s24], $0x800  }
0x8e: {  	[sflag:s24] =	ssyncset.done $0x0  }
0x8f: {  	[sflag:s24] =	ssyncadd.s32 $0xFFFFF800  }
0x90: {  	_ =	swait.ge [sflag:s28], $0x800  }
0x91: {  	[sflag:s28] =	ssyncset.done $0x0  }
0x92: {  	s4 =	simm.s32 $0x0;
	[sflag:s28] =	ssyncadd.s32 $0xFFFFF800  }
0x93: {  	v7 =	vld [tilespmem:s4+$0x1CA00]  }
0x94: {  	v12 =	vld [tilespmem:s4+$0x1CA10]  }
0x95: {  	v6 =	vld [tilespmem:s4+$0x1CA20]  }
0x96: {  	v5 =	vld [tilespmem:s4+$0x1CA30]  }
0x97: {  	v4 =	vld [tilespmem:s4+$0x1CA40]  }
0x98: {  	v3 =	vld [tilespmem:s4+$0x1CA50]  }
0x99: {  	v2 =	vld [tilespmem:s4+$0x1CA60]  }
0x9a: {  	v1 =	vld [tilespmem:s4+$0x1CA70]  }
0x9b: {  	v13 =	vld [tilespmem:s4+$0x1C200]  }
0x9c: {  	v14 =	vld [tilespmem:s4+$0x1C210]  }
0x9d: {  	v11 =	vld [tilespmem:s4+$0x1C220]  }
0x9e: {  	v10 =	vld [tilespmem:s4+$0x1C230]  }
0x9f: {  	v9 =	vld [tilespmem:s4+$0x1C240]  }
0xa0: {  	v8 =	vld [tilespmem:s4+$0x1C250];
	v13 =	vadd.f32 v7, v13  }
0xa1: {  	s14 =	simm.s32 $0x200;
	v12 =	vadd.f32 v12, v14;
	v7 =	vld [tilespmem:s4+$0x1C260]  }
.LBB2_8:
0xa2: {  	s15 =	sshra.s32 s14, $0x2;
	p0 =	sne.s32 s14, $0x1E00;
	v13 =	vmax.f32 v13, $0.0e+00;
	v6 =	vadd.f32 v6, v11;
	v11 =	vld [tilespmem:s4+$0x1C270]  }
0xa3: {  	v14 =	vld [tilespmem:s15+$0x1CA00];
	[tilespmem:s4+$0x1C200] =	vst v13;
	v12 =	vmax.f32 v12, $0.0e+00;
	v5 =	vadd.f32 v5, v10  }
0xa4: {  	v15 =	vld [tilespmem:s15+$0x1CA10];
	[tilespmem:s4+$0x1C210] =	vst v12;
	v10 =	vmax.f32 v6, $0.0e+00;
	v4 =	vadd.f32 v4, v9  }
0xa5: {  	v6 =	vld [tilespmem:s15+$0x1CA20];
	[tilespmem:s4+$0x1C220] =	vst v10;
	v9 =	vmax.f32 v5, $0.0e+00;
	v3 =	vadd.f32 v3, v8  }
0xa6: {  	v5 =	vld [tilespmem:s15+$0x1CA30];
	[tilespmem:s4+$0x1C230] =	vst v9;
	v8 =	vmax.f32 v4, $0.0e+00;
	v2 =	vadd.f32 v2, v7  }
0xa7: {  	v4 =	vld [tilespmem:s15+$0x1CA40];
	[tilespmem:s4+$0x1C240] =	vst v8;
	v7 =	vmax.f32 v3, $0.0e+00;
	v1 =	vadd.f32 v1, v11  }
0xa8: {  	v3 =	vld [tilespmem:s15+$0x1CA50];
	[tilespmem:s4+$0x1C250] =	vst v7;
	v7 =	vmax.f32 v2, $0.0e+00  }
0xa9: {  	v2 =	vld [tilespmem:s15+$0x1CA60];
	[tilespmem:s4+$0x1C260] =	vst v7;
	v7 =	vmax.f32 v1, $0.0e+00  }
0xaa: {  	v1 =	vld [tilespmem:s15+$0x1CA70];
	[tilespmem:s4+$0x1C270] =	vst v7;
	s4 =	smov.u32 s15  }
0xab: {  	v7 =	vld [tilespmem:s4+$0x1C200]  }
0xac: {  	v12 =	vld [tilespmem:s4+$0x1C210]  }
.Ltmp3:
0xad: {  	v11 =	vld [tilespmem:s4+$0x1C220];
	(pc) =	sbr.rel @p0 .LBB2_8-.Ltmp3, $4  }
0xae: {  	v10 =	vld [tilespmem:s4+$0x1C230]  }
0xaf: {  	v9 =	vld [tilespmem:s4+$0x1C240]  }
0xb0: {  	v13 =	vadd.f32 v14, v7;
	v8 =	vld [tilespmem:s4+$0x1C250]  }
0xb1: {  	s14 =	sadd.s32 $0x200, s14;
	v12 =	vadd.f32 v15, v12;
	v7 =	vld [tilespmem:s4+$0x1C260]  }
0xb2: {  	v13 =	vmax.f32 v13, $0.0e+00;
	v6 =	vadd.f32 v6, v11;
	v63 =	vld [tilespmem:s4+$0x1C270]  }
0xb3: {  	[tilespmem:s4+$0x1C200] =	vst v13;
	v12 =	vmax.f32 v12, $0.0e+00;
	v5 =	vadd.f32 v5, v10  }
0xb4: {  	[tilespmem:s4+$0x1C210] =	vst v12;
	v6 =	vmax.f32 v6, $0.0e+00;
	v4 =	vadd.f32 v4, v9  }
0xb5: {  	[tilespmem:s4+$0x1C220] =	vst v6;
	v5 =	vmax.f32 v5, $0.0e+00;
	v3 =	vadd.f32 v3, v8  }
0xb6: {  	[tilespmem:s4+$0x1C230] =	vst v5;
	v4 =	vmax.f32 v4, $0.0e+00;
	v2 =	vadd.f32 v2, v7  }
0xb7: {  	[tilespmem:s4+$0x1C240] =	vst v4;
	v3 =	vmax.f32 v3, $0.0e+00;
	v1 =	vadd.f32 v1, v63  }
0xb8: {  	[tilespmem:s4+$0x1C250] =	vst v3;
	v2 =	vmax.f32 v2, $0.0e+00  }
0xb9: {  	[tilespmem:s4+$0x1C260] =	vst v2;
	v1 =	vmax.f32 v1, $0.0e+00  }
0xba: {  	[tilespmem:s4+$0x1C270] =	vst v1  }
0xbb: {  	[spmem:s3] =	stream.indirect.scatter.add.f32 [tilespmem:s0], [sflag:$0x2], $0x80, s30, s31, $0xb8;
	[tilespmem:$0x1D200] =	vst v63  }
0xbc: {  	_ =	swait.ge [sflag:s24], $0x800  }
0xbd: {  	[sflag:s24] =	ssyncset.done $0x0  }
0xbe: {  	s16 =	stileid.u32;
	[sflag:s24] =	ssyncadd.s32 $0xFFFFF800  }
0xbf: {  	s4 =	sshll.u32 s16, $0x6;
	[bflag:$0x0] =	sbarrier.arrive $0xFFFF  }
0xc0: {  	s14 =	sshrl.u32 s8, $0x3;
	s4 =	sor.u32 $0x1C02, s4;
	s15 =	rddreg [dreg:$0x8]  }
0xc1: {  	[hbm:s15], [sflag:s4] =	dma.local [spmem:s14], $0x800  }
0xc2: {  	_ =	swait.ge [sflag:s24], $0x800  }
0xc3: {  	[sflag:s24] =	ssyncset.done $0x0  }
0xc4: {  	s17 =	sshrl.u32 s10, $0x3;
	[sflag:s24] =	ssyncadd.s32 $0xFFFFF800  }
0xc5: {  	[hbm:s18], [sflag:s4] =	dma.local [spmem:s17], $0x800  }
0xc6: {  	_ =	swait.ge [sflag:s24], $0x800  }
0xc7: {  	[sflag:s24] =	ssyncset.done $0x0  }
0xc8: {  	s15 =	sshrl.u32 s11, $0x3;
	[sflag:s24] =	ssyncadd.s32 $0xFFFFF800  }
0xc9: {  	[hbm:s19], [sflag:s4] =	dma.local [spmem:s15], $0x800  }
0xca: {  	_ =	swait.ge [sflag:s24], $0x800  }
0xcb: {  	[sflag:s24] =	ssyncset.done $0x0  }
0xcc: {  	s16 =	sshrl.u32 s12, $0x3;
	[sflag:s24] =	ssyncadd.s32 $0xFFFFF800  }
0xcd: {  	[hbm:s20], [sflag:s4] =	dma.local [spmem:s16], $0x800  }
0xce: {  	s5 =	sadd.s32 $0x1, s5;
	_ =	swait.ge [sflag:s24], $0x800  }
0xcf: {  	p0 =	sne.s32 s5, s22;
	[sflag:s24] =	ssyncset.done $0x0  }
.Ltmp4:
0xd0: {  	s17 =	sshrl.u32 s13, $0x3;
	[sflag:s24] =	ssyncadd.s32 $0xFFFFF800;
	(pc) =	sbr.rel @p0 .LBB2_1-.Ltmp4, $4  }
0xd1: {  	[hbm:s21], [sflag:s4] =	dma.local [spmem:s17], $0x800  }
0xd2: {  	_ =	swait.ge [sflag:s24], $0x800  }
0xd3: {  	[sflag:s24] =	ssyncset.done $0x0  }
0xd4: {  	[sflag:s24] =	ssyncadd.s32 $0xFFFFF800  }
0xd5: {  	_ =	sfence.sel $0x180000  }
0xd6: {  	[bflag:$0x0] =	sbarrier.arrive $0xFFFF  }
0xd7: {  	_ =	strace $0x90000047  }
0xd8: {  	s0 =	stileid.u32;
	[bflag:$0x2] =	sbarrier.arrive $0xFFFF  }
0xd9: {  	p0 =	sne.s32 s0, $0x0;
	s0 =	rddreg [dreg:$0x4]  }
0xda: {  	s0 =	sadd.s32 @!p0 $0x100000, s0  }
0xdb: {  	[sflag:s0] =	ssyncadd.tile.s32 @!p0 $0x1;
	_ =	shalt  }
.Lfunc_end2:
_tile_overlayer_lowered:
.L_overlay_start_2:
0xdc: {  	(tag) =	ssettag $0x2  }
0xdd: {  	s0 =	rddreg [dreg:$0x0];
	s2 =	stileid.u32  }
0xde: {  	s1 =	rddreg [dreg:$0x1];
	p0 =	sne.s32 s2, $0x0  }
0xdf: {  	s3 =	rddreg [dreg:$0x2];
	[bflag:$0x3] =	sbarrier.arrive $0xFFFF;
	s2 =	simm.s32 @!p0 $0x1C02  }
0xe0: {  	[timem:s3], [sflag:s2] =	dma.local @!p0 [hbm:s0], s1  }
0xe1: {  	s0 =	simm.s32 @!p0 $0x2  }
0xe2: {  	_ =	swait.ge @!p0 [sflag:s0], s1  }
0xe3: {  	s1 =	ssub.s32 @!p0 $0x0, s1;
	[sflag:s0] =	ssyncset.done @!p0 $0x0  }
0xe4: {  	[sflag:s0] =	ssyncadd.s32 @!p0 s1  }
0xe5: {  	[bflag:$0x3] =	sbarrier.arrive $0xFFFF  }
0xe6: {  	_ =	shalt  }

// kernel: kernel.14.cloned.1.call-start
scs
__scs_entry_jumppad:
0x0: {  	(pc) =	sbr.rel $0x88, $3  }
0x1: {  	(tag) =	ssettag $0x0;
	lr =	simm.s32 $0x1  }
0x2: {  	[smem:$0x3F8A] =	sst lr;
	_ =	strace $0xD0000000  }
0x3: {  	_ = 	snop  }
0x4: {  	_ = 	snop  }
0x5: {  	_ = 	snop  }
0x6: {  	_ = 	snop  }
0x7: {  	_ = 	snop  }
__scs_overlays_trampoline_lowered:
0x8: {  	[smem:$0x3F99] =	sst s0  }
0x9: {  	[smem:$0x3F9A] =	sst s1  }
0xa: {  	[smem:$0x3F9B] =	sst s2  }
0xb: {  	[smem:$0x3F9C] =	sst s3  }
0xc: {  	[smem:$0x3F9D] =	sst s4  }
0xd: {  	[smem:$0x3F9E] =	sst s5  }
0xe: {  	[smem:$0x3F9F] =	sst s6  }
0xf: {  	[smem:$0x3FA0] =	sst s7  }
0x10: {  	[smem:$0x3FA1] =	sst s8  }
0x11: {  	[smem:$0x3FA2] =	sst s9;
	s0 =	simm.s32 @!p0 $0x0  }
0x12: {  	s1 =	sld [smem:$0x3F88];
	s0 =	simm.s32 @p0 $0x1  }
0x13: {  	[smem:$0x3FA3] =	sst s0;
	s0 =	simm.s32 @!p1 $0x0  }
0x14: {  	s2 =	sld [smem:$0x3F87];
	s0 =	simm.s32 @p1 $0x1  }
0x15: {  	[smem:$0x3FA4] =	sst s0;
	s0 =	simm.s32 @!p2 $0x0  }
0x16: {  	s3 =	sld [smem:$0x3FDB];
	s0 =	simm.s32 @p2 $0x1  }
0x17: {  	s4 =	simm.s32 $0x1BF5;
	[smem:$0x3FA6] =	sst s0  }
0x18: {  	s0 =	sld [smem:$0x3F89];
	_ =	swait.ge [sflag:s4], $0x0  }
0x19: {  	s7 =	sld [smem:$0x3F8A]  }
0x1a: {  	s8 =	sadd.s32 $0xFFFFE003, lr  }
0x1b: {  	s9 =	sadd.s32 $0xFFFFFEF7, lr;
	s5 =	simm.s32 $0xFFFFFFFF;
	p2 =	slt.u32 s8, $0xFFFFF086  }
0x1c: {  	p1 =	slt.u32 s9, $0xF7A;
	s5 =	simm.s32 @!p2 $0x0  }
0x1d: {  	s5 =	simm.s32 @p1 $0x1;
	p0 =	seq.s32 s7, s2  }
0x1e: {  	s7 =	smul.u32 @!p0 $0xF7A, s2;
	p2 =	seq.s32 @!p0 s5, $0x0  }
0x1f: {  	s9 =	smul.u32 $0xF7A, s1;
	s8 =	simm.s32 @!p0 $0x1BF5;
	p2 =	por !p2, p0  }
0x20: {  	[sflag:s8] =	ssyncset.s32 @!p0 $0xFFFFF086;
	s6 =	sadd.s32 @!p0 s3, s7;
	s7 =	simm.s32 @!p0 $0x108  }
0x21: {  	s3 =	sadd.s32 s3, s9;
	s6 =	sadd.s32 @!p0 $0x88, s6;
	s7 =	simm.s32 @p2 $0x1082  }
0x22: {  	[simem:s7], [sflag:s8] =	dma.local @!p0 [hbm:s6], $0xF7A  }
0x23: {  	s9 =	sor.u32 $0xD0000000, s2;
	s6 =	simm.s32 $0x108;
	_ =	swait.ge @!p0 [sflag:s8], $0x0  }
0x24: {  	s3 =	sadd.s32 $0x88, s3;
	s6 =	simm.s32 @!p1 $0x1082;
	[sflag:s4] =	ssyncset.s32 $0xFFFFF086  }
0x25: {  	[simem:s6], [sflag:s4] =	dma.local [hbm:s3], $0xF7A  }
0x26: {  	[smem:$0x3F8A] =	sst s1;
	(tag) =	ssettag s2;
	_ =	strace s9  }
0x27: {  	s1 =	sld [smem:$0x3F9A]  }
0x28: {  	s2 =	sld [smem:$0x3F9B]  }
0x29: {  	s4 =	sld [smem:$0x3F9D]  }
0x2a: {  	p0 =	seq.s32 s5, $0x0;
	s5 =	sld [smem:$0x3F9E]  }
0x2b: {  	s6 =	sld [smem:$0x3F9F]  }
0x2c: {  	s7 =	sld [smem:$0x3FA0]  }
0x2d: {  	s3 =	simm.s32 $0x108;
	s8 =	sld [smem:$0x3FA1]  }
0x2e: {  	s3 =	simm.s32 @!p0 $0x1082;
	s9 =	sld [smem:$0x3FA2]  }
0x2f: {  	lr =	sadd.s32 s0, s3;
	s0 =	sld [smem:$0x3F99]  }
0x30: {  	s3 =	sld [smem:$0x3F9C]  }
0x31: {  	[smem:$0x3FA5] =	sst s10  }
0x32: {  	s10 =	sld [smem:$0x3FA3];
	_ =	sdelay $0x3  }
0x33: {  	p0 =	seq.s32 s10, $0x1;
	s10 =	sld [smem:$0x3FA5];
	_ =	sdelay $0x3  }
0x34: {  	[smem:$0x3FA5] =	sst s10  }
0x35: {  	s10 =	sld [smem:$0x3FA4];
	_ =	sdelay $0x3  }
0x36: {  	p1 =	seq.s32 s10, $0x1;
	s10 =	sld [smem:$0x3FA5];
	_ =	sdelay $0x3  }
0x37: {  	[smem:$0x3FA5] =	sst s10  }
0x38: {  	s10 =	sld [smem:$0x3FA6]  }
0x39: {  	_ = 	snop;
	(pc) =	sbr.ind lr, $3  }
0x3a: {  	_ = 	snop  }
0x3b: {  	_ = 	snop  }
0x3c: {  	p2 =	seq.s32 s10, $0x1;
	s10 =	sld [smem:$0x3FA5]  }
0x3d: {  	_ =	shalt  }
0x3e: {  	_ =	shalt  }
0x3f: {  	_ =	shalt  }
0x40: {  	_ =	shalt  }
0x41: {  	_ =	shalt  }
0x42: {  	_ =	shalt  }
0x43: {  	_ =	shalt  }
0x44: {  	_ =	shalt  }
0x45: {  	_ =	shalt  }
0x46: {  	_ =	shalt  }
0x47: {  	_ =	shalt  }
0x48: {  	_ =	shalt  }
0x49: {  	_ =	shalt  }
0x4a: {  	_ =	shalt  }
0x4b: {  	_ =	shalt  }
0x4c: {  	_ =	shalt  }
0x4d: {  	_ =	shalt  }
0x4e: {  	_ =	shalt  }
0x4f: {  	_ =	shalt  }
0x50: {  	_ =	shalt  }
0x51: {  	_ =	shalt  }
0x52: {  	_ =	shalt  }
0x53: {  	_ =	shalt  }
0x54: {  	_ =	shalt  }
0x55: {  	_ =	shalt  }
0x56: {  	_ =	shalt  }
0x57: {  	_ =	shalt  }
0x58: {  	_ =	shalt  }
0x59: {  	_ =	shalt  }
0x5a: {  	_ =	shalt  }
0x5b: {  	_ =	shalt  }
0x5c: {  	_ =	shalt  }
0x5d: {  	_ =	shalt  }
0x5e: {  	_ =	shalt  }
0x5f: {  	_ =	shalt  }
0x60: {  	_ =	shalt  }
0x61: {  	_ =	shalt  }
0x62: {  	_ =	shalt  }
0x63: {  	_ =	shalt  }
0x64: {  	_ =	shalt  }
0x65: {  	_ =	shalt  }
0x66: {  	_ =	shalt  }
0x67: {  	_ =	shalt  }
0x68: {  	_ =	shalt  }
0x69: {  	_ =	shalt  }
0x6a: {  	_ =	shalt  }
0x6b: {  	_ =	shalt  }
0x6c: {  	_ =	shalt  }
0x6d: {  	_ =	shalt  }
0x6e: {  	_ =	shalt  }
0x6f: {  	_ =	shalt  }
0x70: {  	_ =	shalt  }
0x71: {  	_ =	shalt  }
0x72: {  	_ =	shalt  }
0x73: {  	_ =	shalt  }
0x74: {  	_ =	shalt  }
0x75: {  	_ =	shalt  }
0x76: {  	_ =	shalt  }
0x77: {  	_ =	shalt  }
0x78: {  	_ =	shalt  }
0x79: {  	_ =	shalt  }
0x7a: {  	_ =	shalt  }
0x7b: {  	_ =	shalt  }
0x7c: {  	_ =	shalt  }
0x7d: {  	_ =	shalt  }
0x7e: {  	_ =	shalt  }
0x7f: {  	_ =	shalt  }
0x80: {  	_ =	shalt  }
0x81: {  	_ =	shalt  }
0x82: {  	_ =	shalt  }
0x83: {  	_ =	shalt  }
0x84: {  	_ =	shalt  }
0x85: {  	_ =	shalt  }
0x86: {  	_ =	shalt  }
0x87: {  	_ =	shalt  }
.Lfunc_end0:
.L_simem_size_0:
called_computation.1_lowered:
.L_overlay_start_0:
0x88: {  	s2 =	sld [smem:$0x3FD9]  }
0x89: {  	s3 =	sld [smem:$0x3FFE];
	_ =	sdelay $0x1  }
0x8a: {  	s1 =	srdreg.scid  }
0x8b: {  	s0 =	sand.u32 $0x1, s1  }
0x8c: {  	s17 =	sshll.u32 s0, $0xA;
	s2 =	sadd.s32 s3, s2  }
0x8d: {  	s2 =	sadd.s32 s2, s17  }
0x8e: {  	[smem:$0x3FB1] =	sst s2  }
0x8f: {  	_ = 	snop  }
0x90: {  	s2 =	sld [smem:$0x3FC7]  }
0x91: {  	s18 =	sld [smem:$0x3FD0];
	(tm) =	ssettm $0x1  }
0x92: {  	s4 =	sld [smem:$0x3FFB];
	_ =	sdelay $0x3  }
0x93: {  	_ =	strace s4  }
0x94: {  	s4 =	sld [smem:$0x3FFC];
	_ =	sdelay $0x3  }
0x95: {  	_ =	strace s4  }
0x96: {  	s4 =	sld [smem:$0x3FFD];
	_ =	sdelay $0x3  }
0x97: {  	_ =	strace s4  }
0x98: {  	_ =	strace $0x8FFFFFFF  }
0x99: {  	s19 =	sld [smem:$0x3FDB];
	_ =	sdelay $0x1  }
0x9a: {  	s5 =	simm.s32 $_scs_section_size  }
0x9b: {  	s6 =	simm.s32 $_size__tile_overlayer_lowered;
	s7 =	simm.s32 $_tile_overlayer_lowered  }
0x9c: {  	s22 =	simm.s32 $0x1BFF;
	s21 =	sshll.u32 s7, $0x1;
	s4 =	sadd.s32 s5, s19  }
0x9d: {  	s8 =	simm.s32 $0x0;
	s20 =	sshll.u32 s6, $0x1;
	s6 =	sadd.s32 s21, s4  }
0x9e: {  	[timem:s8], [sflag:s22] =	dma.local [hbm:s6], s20  }
0x9f: {  	_ =	swait.ge [sflag:s22], s20  }
0xa0: {  	s5 =	ssub.s32 $0x0, s20;
	[sflag:s22] =	ssyncset.done $0x0  }
0xa1: {  	[sflag:s22] =	ssyncadd.s32 s5;
	_ =	sdelay $0x1  }
0xa2: {  	s23 =	simm.s32 $0x1B8B  }
0xa3: {  	_ =	swait.ge [sflag:s23], $0x1  }
0xa4: {  	[sflag:s23] =	ssyncset.done $0x0  }
0xa5: {  	s25 =	simm.s32 $0x1B8E;
	s24 =	sld [smem:$0x3FFE];
	[sflag:s23] =	ssyncadd.s32 $0xFFFFFFFF  }
0xa6: {  	s26 =	simm.s32 $execute0_lowered;
	[smem:$0x3FD2] =	sst s25  }
0xa7: {  	s6 =	sshll.u32 s26, $0x1;
	_ =	strace $0x80000049;
	[dreg:$0x1] =	wrdreg $0xFFFFFFFF  }
0xa8: {  	s28 =	simm.s32 $_size_execute0_lowered;
	s4 =	sadd.s32 s4, s6;
	[dreg:$0x0] =	wrdreg $0x0  }
0xa9: {  	s6 =	sshll.u32 s28, $0x1;
	[dreg:$0x2] =	wrdreg s4  }
0xaa: {  	[dreg:$0x3] =	wrdreg s6  }
0xab: {  	[dreg:$0x4] =	wrdreg $0xC0  }
0xac: {  	_ =	task [dreg:s8], $0x5FFFF  }
0xad: {  	[dreg:$0x1] =	wrdreg $0xFFFFFFFF  }
0xae: {  	[dreg:$0x0] =	wrdreg $0x60  }
0xaf: {  	[dreg:$0x2] =	wrdreg s24  }
0xb0: {  	[dreg:$0x3] =	wrdreg s18  }
0xb1: {  	[dreg:$0x4] =	wrdreg s2  }
0xb2: {  	[dreg:$0x5] =	wrdreg $0x81000  }
0xb3: {  	[dreg:$0x6] =	wrdreg $0x9  }
0xb4: {  	_ =	task.clear_ibuf [dreg:s8], $0x7FFFF;
	_ =	strace $0x90000049  }
0xb5: {  	s29 =	simm.s32 $0x9;
	_ =	strace $0x8000004B  }
0xb6: {  	_ =	swait.ge [sflag:s29], $0x1  }
0xb7: {  	[sflag:s29] =	ssyncadd.s32 $0xFFFFFFFF  }
0xb8: {  	_ =	strace $0x9000004B  }
0xb9: {  	_ =	sfence  }
0xba: {  	s30 =	sld [smem:$0x0];
	_ =	sdelay $0x2  }
0xbb: {  	s31 =	sshll.u32 s1, $0xD;
	s1 =	sshrl.u32 s1, $0x2  }
0xbc: {  	s3 =	sand.u32 $0x4000, s31;
	s1 =	sadd.s32 s1, s30  }
0xbd: {  	s0 =	sor.u32 s3, s0;
	s1 =	sshll.u32 s1, $0x11  }
0xbe: {  	s0 =	sor.u32 s1, s0  }
0xbf: {  	s0 =	sadd.s32 $0x8F2B, s0  }
0xc0: {  	[sflag:s0] =	ssyncadd.remote.s32 $0x1  }
0xc1: {  	_ =	sfence.sel $0xFFFF  }
0xc2: {  	[dreg:$0x0] =	wrdreg $0xFFFFFFFF;
	(pc) =	sbr.abs _section_cstart, $3  }
0xc3: {  	[dreg:$0x1] =	wrdreg $0xFFFFFFFF  }
0xc4: {  	_ =	task.clear_ibuf [dreg:s8], $0x2FFFF;
	_ =	strace $0x9FFFFFFF  }
0xc5: {  	(tm) =	ssettm $0x7FFFFFFF  }
tec
execute0_lowered:
.L_overlay_start_1:
0x0: {  	(tag) =	ssettag $0x1  }
0x1: {  	s0 =	rddreg [dreg:$0x0]  }
0x2: {  	s1 =	rddreg [dreg:$0x1]  }
0x3: {  	s2 =	rddreg [dreg:$0x2]  }
0x4: {  	s3 =	rddreg [dreg:$0x3]  }
0x5: {  	s5 =	simm.s32 $0x0;
	s4 =	srdreg.scid;
	s12 =	stileid.u32  }
0x6: {  	s28 =	simm.s32 $0x1;
	s29 =	simm.s32 $0x1C100;
	s30 =	simm.s32 $0x1C180  }
0x7: {  	s31 =	simm.s32 $0x10;
	[smem:$0x7FF] =	sst s5;
	s4 =	sand.u32 $0x1, s4  }
0x8: {  	s6 =	sadd.s32 $0x10800, s0;
	s9 =	smul.u32 $0x50000, s12;
	s7 =	sadd.s32 $0x6A00, s0  }
0x9: {  	s0 =	sadd.s32 $0x1A600, s0;
	s14 =	smul.u32 $0x14000, s12;
	_ =	strace $0x8000004A  }
0xa: {  	s8 =	ssub.s32 $0x2, s4;
	s11 =	sshll.u32 s4, $0x4;
	s4 =	smul.u32 $0x140000, s4  }
0xb: {  	s10 =	sshrl.u32 s8, $0x1;
	s9 =	sshrl.u32 s9, $0x2;
	s23 =	sor.u32 s12, s11  }
0xc: {  	s16 =	sadd.s32 $0x4000, s14;
	s19 =	sadd.s32 $0x8000, s14;
	s20 =	sadd.s32 $0xC000, s14  }
0xd: {  	s21 =	sadd.s32 $0x10000, s14;
	s15 =	ssub.s32 s8, s10;
	s8 =	sadd.s32 s9, s3  }
0xe: {  	s9 =	smul.u32 $0x2710, s23;
	s10 =	sadd.s32 s16, s3;
	s11 =	sadd.s32 s19, s3  }
0xf: {  	s12 =	sadd.s32 s20, s3;
	s13 =	sadd.s32 s21, s3;
	s14 =	sadd.s32 s14, s4  }
0x10: {  	s16 =	sadd.s32 s4, s16;
	s25 =	sadd.s32 s4, s19;
	s26 =	sadd.s32 s4, s20  }
0x11: {  	s4 =	sadd.s32 s4, s21;
	s23 =	simm.s32 $0x100;
	s14 =	sshrl.u32 s14, $0x3  }
0x12: {  	s24 =	sshrl.u32 s16, $0x3;
	s16 =	sshrl.u32 s26, $0x3;
	s4 =	sshrl.u32 s4, $0x3  }
0x13: {  	s26 =	simm.s32 $0x4100;
	s17 =	sadd.s32 $0x2700, s9;
	s14 =	sadd.s32 s0, s14  }
0x14: {  	s20 =	sadd.s32 s0, s16;
	s21 =	sadd.s32 s0, s4;
	s18 =	sshrl.u32 s17, $0x3  }
0x15: {  	s17 =	sshll.u32 s17, $0x4;
	[dreg:$0x8] =	wrdreg s14;
	s22 =	sadd.s32 s6, s18  }
0x16: {  	s14 =	sshrl.u32 s25, $0x3;
	s18 =	sadd.s32 s7, s18;
	[dreg:$0x5] =	wrdreg s22  }
0x17: {  	s25 =	simm.s32 $0x80;
	s17 =	sadd.s32 s2, s17;
	[dreg:$0x6] =	wrdreg s18  }
0x18: {  	s19 =	sadd.s32 s0, s14;
	[dreg:$0x7] =	wrdreg s17;
	s18 =	sadd.s32 s0, s24  }
0x19: {  	v0 =	vimm.f32 $0.0e+00;
	s22 =	smax.u32 s15, $0x1;
	s24 =	simm.s32 $0x2;
	s0 =	simm.s32 $0x1C200  }
.LBB2_1:
0x1a: {  	s4 =	simm.s32 $0x0;
	s14 =	simm.s32 $0x200  }
.LBB2_2:
0x1b: {  	p0 =	sne.s32 s14, $0xFE00;
	[tilespmem:s4+$0x170] =	vst v0  }
0x1c: {  	[tilespmem:s4+$0x100] =	vst v0  }
0x1d: {  	[tilespmem:s4+$0x110] =	vst v0  }
.Ltmp0:
0x1e: {  	[tilespmem:s4+$0x120] =	vst v0;
	(pc) =	sbr.rel @p0 .LBB2_2-.Ltmp0, $4  }
0x1f: {  	[tilespmem:s4+$0x130] =	vst v0  }
0x20: {  	[tilespmem:s4+$0x140] =	vst v0  }
0x21: {  	[tilespmem:s4+$0x150] =	vst v0  }
0x22: {  	[tilespmem:s4+$0x160] =	vst v0;
	s4 =	sshra.s32 s14, $0x2;
	s14 =	sadd.s32 $0x200, s14  }
0x23: {  	[tilespmem:s4+$0x170] =	vst v0  }
0x24: {  	[tilespmem:s4+$0x100] =	vst v0  }
0x25: {  	[tilespmem:s4+$0x110] =	vst v0  }
0x26: {  	[tilespmem:s4+$0x120] =	vst v0  }
0x27: {  	[tilespmem:s4+$0x130] =	vst v0  }
0x28: {  	[tilespmem:s4+$0x140] =	vst v0  }
0x29: {  	[tilespmem:s4+$0x150] =	vst v0  }
0x2a: {  	[tilespmem:s4+$0x160] =	vst v0  }
0x2b: {  	[spmem:s8] =	stream.linear.scatter [tilespmem:s23], [sflag:$0x2], $0x4000, $0x38;
	[tilespmem:$0x1D200] =	vst v63  }
0x2c: {  	_ =	swait.ge [sflag:s24], $0x4000  }
0x2d: {  	[sflag:s24] =	ssyncset.done $0x0  }
0x2e: {  	[sflag:s24] =	ssyncadd.s32 $0xFFFFC000  }
0x2f: {  	[spmem:s10] =	stream.linear.scatter [tilespmem:s23], [sflag:$0x2], $0x4000, $0x38;
	[tilespmem:$0x1D200] =	vst v63  }
0x30: {  	_ =	swait.ge [sflag:s24], $0x4000  }
0x31: {  	[sflag:s24] =	ssyncset.done $0x0  }
0x32: {  	[sflag:s24] =	ssyncadd.s32 $0xFFFFC000  }
0x33: {  	[spmem:s11] =	stream.linear.scatter [tilespmem:s23], [sflag:$0x2], $0x4000, $0x38;
	[tilespmem:$0x1D200] =	vst v63  }
0x34: {  	_ =	swait.ge [sflag:s24], $0x4000  }
0x35: {  	[sflag:s24] =	ssyncset.done $0x0  }
0x36: {  	[sflag:s24] =	ssyncadd.s32 $0xFFFFC000  }
0x37: {  	[spmem:s12] =	stream.linear.scatter [tilespmem:s23], [sflag:$0x2], $0x4000, $0x38;
	[tilespmem:$0x1D200] =	vst v63  }
0x38: {  	_ =	swait.ge [sflag:s24], $0x4000  }
0x39: {  	[sflag:s24] =	ssyncset.done $0x0  }
0x3a: {  	[sflag:s24] =	ssyncadd.s32 $0xFFFFC000  }
0x3b: {  	[spmem:s13] =	stream.linear.scatter [tilespmem:s23], [sflag:$0x2], $0x4000, $0x38;
	[tilespmem:$0x1D200] =	vst v63  }
0x3c: {  	_ =	swait.ge [sflag:s24], $0x4000  }
0x3d: {  	[sflag:s24] =	ssyncset.done $0x0  }
0x3e: {  	[sflag:s24] =	ssyncadd.s32 $0xFFFFC000  }
0x3f: {  	s4 =	simm.s32 $0x0;
	s14 =	simm.s32 $0x0;
	[bflag:$0x0] =	sbarrier.arrive $0xFFFF  }
.LBB2_4:
0x40: {  	s15 =	sshll.u32 s14, $0x7  }
0x41: {  	s15 =	sadd.s32 s9, s15  }
0x42: {  	s16 =	sshrl.u32 s15, $0x3  }
0x43: {  	s17 =	sadd.s32 s6, s16  }
0x44: {  	[tilespmem:s4], [sflag:$0x2] =	stream.linear.gather [hbm4b:s17+s4], $0x80, $0x38;
	[tilespmem:$0x1D200] =	vst v63  }
0x45: {  	_ =	swait.ge [sflag:s24], $0x80  }
0x46: {  	[sflag:s24] =	ssyncset.done $0x0  }
0x47: {  	s16 =	sadd.s32 s7, s16;
	[sflag:s24] =	ssyncadd.s32 $0xFFFFFF80  }
0x48: {  	[tilespmem:s25], [sflag:$0x2] =	stream.linear.gather [hbm4b:s16+s4], $0x80, $0x38;
	[tilespmem:$0x1D200] =	vst v63  }
0x49: {  	_ =	swait.ge [sflag:s24], $0x80  }
0x4a: {  	[sflag:s24] =	ssyncset.done $0x0  }
0x4b: {  	s15 =	sshll.u32 s15, $0x4;
	[sflag:s24] =	ssyncadd.s32 $0xFFFFFF80  }
0x4c: {  	[tilespmem:s23], [sflag:$0x1] =	stream.indirect.gather [hbm4b:s1+s25], $0x80, s4, s25, $0xb8;
	[tilespmem:$0x1D200] =	vst v63  }
0x4d: {  	s15 =	sadd.s32 s2, s15  }
0x4e: {  	[tilespmem:s26], [sflag:$0x2] =	stream.linear.gather [hbm4b:s15+s4], $0x4000, $0x38;
	[tilespmem:$0x1D200] =	vst v63  }
0x4f: {  	_ =	swait.ge [sflag:s24], $0x4000  }
0x50: {  	[sflag:s24] =	ssyncset.done $0x0  }
0x51: {  	[sflag:s24] =	ssyncadd.s32 $0xFFFFC000  }
0x52: {  	_ =	swait.ge [sflag:s28], $0x4000  }
0x53: {  	[sflag:s28] =	ssyncset.done $0x0  }
0x54: {  	s15 =	simm.s32 $0x0;
	[sflag:s28] =	ssyncadd.s32 $0xFFFFC000  }
0x55: {  	v7 =	vld [tilespmem:s15+$0x4100]  }
0x56: {  	v12 =	vld [tilespmem:s15+$0x4110]  }
0x57: {  	v6 =	vld [tilespmem:s15+$0x4120]  }
0x58: {  	v5 =	vld [tilespmem:s15+$0x4130]  }
0x59: {  	v4 =	vld [tilespmem:s15+$0x4140]  }
0x5a: {  	v3 =	vld [tilespmem:s15+$0x4150]  }
0x5b: {  	v2 =	vld [tilespmem:s15+$0x4160]  }
0x5c: {  	v1 =	vld [tilespmem:s15+$0x4170]  }
0x5d: {  	v13 =	vld [tilespmem:s15+$0x100]  }
0x5e: {  	v14 =	vld [tilespmem:s15+$0x110]  }
0x5f: {  	v11 =	vld [tilespmem:s15+$0x120]  }
0x60: {  	v10 =	vld [tilespmem:s15+$0x130]  }
0x61: {  	v9 =	vld [tilespmem:s15+$0x140]  }
0x62: {  	v8 =	vld [tilespmem:s15+$0x150];
	v13 =	vadd.f32 v7, v13  }
0x63: {  	s16 =	simm.s32 $0x200;
	v12 =	vadd.f32 v12, v14;
	v7 =	vld [tilespmem:s15+$0x160]  }
.LBB2_5:
0x64: {  	s17 =	sshra.s32 s16, $0x2;
	p0 =	sne.s32 s16, $0xFE00;
	v13 =	vmax.f32 v13, $0.0e+00;
	v6 =	vadd.f32 v6, v11;
	v11 =	vld [tilespmem:s15+$0x170]  }
0x65: {  	v14 =	vld [tilespmem:s17+$0x4100];
	[tilespmem:s15+$0x100] =	vst v13;
	v12 =	vmax.f32 v12, $0.0e+00;
	v5 =	vadd.f32 v5, v10  }
0x66: {  	v15 =	vld [tilespmem:s17+$0x4110];
	[tilespmem:s15+$0x110] =	vst v12;
	v10 =	vmax.f32 v6, $0.0e+00;
	v4 =	vadd.f32 v4, v9  }
0x67: {  	v6 =	vld [tilespmem:s17+$0x4120];
	[tilespmem:s15+$0x120] =	vst v10;
	v9 =	vmax.f32 v5, $0.0e+00;
	v3 =	vadd.f32 v3, v8  }
0x68: {  	v5 =	vld [tilespmem:s17+$0x4130];
	[tilespmem:s15+$0x130] =	vst v9;
	v8 =	vmax.f32 v4, $0.0e+00;
	v2 =	vadd.f32 v2, v7  }
0x69: {  	v4 =	vld [tilespmem:s17+$0x4140];
	[tilespmem:s15+$0x140] =	vst v8;
	v7 =	vmax.f32 v3, $0.0e+00;
	v1 =	vadd.f32 v1, v11  }
0x6a: {  	v3 =	vld [tilespmem:s17+$0x4150];
	[tilespmem:s15+$0x150] =	vst v7;
	v7 =	vmax.f32 v2, $0.0e+00  }
0x6b: {  	v2 =	vld [tilespmem:s17+$0x4160];
	[tilespmem:s15+$0x160] =	vst v7;
	v7 =	vmax.f32 v1, $0.0e+00  }
0x6c: {  	v1 =	vld [tilespmem:s17+$0x4170];
	[tilespmem:s15+$0x170] =	vst v7;
	s15 =	smov.u32 s17  }
0x6d: {  	v7 =	vld [tilespmem:s15+$0x100]  }
0x6e: {  	v12 =	vld [tilespmem:s15+$0x110]  }
.Ltmp1:
0x6f: {  	v11 =	vld [tilespmem:s15+$0x120];
	(pc) =	sbr.rel @p0 .LBB2_5-.Ltmp1, $4  }
0x70: {  	v10 =	vld [tilespmem:s15+$0x130]  }
0x71: {  	v9 =	vld [tilespmem:s15+$0x140]  }
0x72: {  	v13 =	vadd.f32 v14, v7;
	v8 =	vld [tilespmem:s15+$0x150]  }
0x73: {  	s16 =	sadd.s32 $0x200, s16;
	v12 =	vadd.f32 v15, v12;
	v7 =	vld [tilespmem:s15+$0x160]  }
0x74: {  	v13 =	vmax.f32 v13, $0.0e+00;
	v6 =	vadd.f32 v6, v11;
	v63 =	vld [tilespmem:s15+$0x170]  }
0x75: {  	[tilespmem:s15+$0x100] =	vst v13;
	v12 =	vmax.f32 v12, $0.0e+00;
	v5 =	vadd.f32 v5, v10  }
0x76: {  	[tilespmem:s15+$0x110] =	vst v12;
	v6 =	vmax.f32 v6, $0.0e+00;
	v4 =	vadd.f32 v4, v9  }
0x77: {  	[tilespmem:s15+$0x120] =	vst v6;
	v5 =	vmax.f32 v5, $0.0e+00;
	v3 =	vadd.f32 v3, v8  }
0x78: {  	[tilespmem:s15+$0x130] =	vst v5;
	v4 =	vmax.f32 v4, $0.0e+00;
	v2 =	vadd.f32 v2, v7  }
0x79: {  	[tilespmem:s15+$0x140] =	vst v4;
	v3 =	vmax.f32 v3, $0.0e+00;
	v1 =	vadd.f32 v1, v63  }
0x7a: {  	s14 =	sadd.s32 $0x1, s14;
	[tilespmem:s15+$0x150] =	vst v3;
	v2 =	vmax.f32 v2, $0.0e+00  }
0x7b: {  	p0 =	sne.s32 s14, $0x4E;
	[tilespmem:s15+$0x160] =	vst v2;
	v1 =	vmax.f32 v1, $0.0e+00  }
.Ltmp2:
0x7c: {  	[tilespmem:s15+$0x170] =	vst v1;
	(pc) =	sbr.rel @p0 .LBB2_4-.Ltmp2, $4  }
0x7d: {  	[spmem:s3] =	stream.indirect.scatter.add.f32 [tilespmem:s23], [sflag:$0x2], $0x80, s25, s25, $0xb8;
	[tilespmem:$0x1D200] =	vst v63  }
0x7e: {  	_ =	swait.ge [sflag:s24], $0x4000  }
0x7f: {  	[sflag:s24] =	ssyncset.done $0x0  }
0x80: {  	[sflag:s24] =	ssyncadd.s32 $0xFFFFC000  }
0x81: {  	s4 =	simm.s32 $0x0;
	s14 =	rddreg [dreg:$0x5]  }
0x82: {  	[tilespmem:s29], [sflag:$0x2] =	stream.linear.gather [hbm4b:s14+s4], $0x10, $0x38;
	[tilespmem:$0x1D200] =	vst v63  }
0x83: {  	_ =	swait.ge [sflag:s24], $0x10  }
0x84: {  	[sflag:s24] =	ssyncset.done $0x0  }
0x85: {  	s16 =	rddreg [dreg:$0x6];
	[sflag:s24] =	ssyncadd.s32 $0xFFFFFFF0  }
0x86: {  	[tilespmem:s30], [sflag:$0x2] =	stream.linear.gather [hbm4b:s16+s4], $0x10, $0x38;
	[tilespmem:$0x1D200] =	vst v63  }
0x87: {  	_ =	swait.ge [sflag:s24], $0x10  }
0x88: {  	[sflag:s24] =	ssyncset.done $0x0  }
0x89: {  	[sflag:s24] =	ssyncadd.s32 $0xFFFFFFF0  }
0x8a: {  	[tilespmem:s0], [sflag:$0x1] =	stream.indirect.gather [hbm4b:s1+s31], $0x80, s29, s31, $0xb8;
	[tilespmem:$0x1D200] =	vst v63  }
0x8b: {  	s15 =	simm.s32 $0x1CA00;
	s17 =	rddreg [dreg:$0x7]  }
0x8c: {  	[tilespmem:s15], [sflag:$0x2] =	stream.linear.gather [hbm4b:s17+s4], $0x800, $0x38;
	[tilespmem:$0x1D200] =	vst v63  }
0x8d: {  	_ =	swait.ge [sflag:s24], $0x800  }
0x8e: {  	[sflag:s24] =	ssyncset.done $0x0  }
0x8f: {  	[sflag:s24] =	ssyncadd.s32 $0xFFFFF800  }
0x90: {  	_ =	swait.ge [sflag:s28], $0x800  }
0x91: {  	[sflag:s28] =	ssyncset.done $0x0  }
0x92: {  	s4 =	simm.s32 $0x0;
	[sflag:s28] =	ssyncadd.s32 $0xFFFFF800  }
0x93: {  	v7 =	vld [tilespmem:s4+$0x1CA00]  }
0x94: {  	v12 =	vld [tilespmem:s4+$0x1CA10]  }
0x95: {  	v6 =	vld [tilespmem:s4+$0x1CA20]  }
0x96: {  	v5 =	vld [tilespmem:s4+$0x1CA30]  }
0x97: {  	v4 =	vld [tilespmem:s4+$0x1CA40]  }
0x98: {  	v3 =	vld [tilespmem:s4+$0x1CA50]  }
0x99: {  	v2 =	vld [tilespmem:s4+$0x1CA60]  }
0x9a: {  	v1 =	vld [tilespmem:s4+$0x1CA70]  }
0x9b: {  	v13 =	vld [tilespmem:s4+$0x1C200]  }
0x9c: {  	v14 =	vld [tilespmem:s4+$0x1C210]  }
0x9d: {  	v11 =	vld [tilespmem:s4+$0x1C220]  }
0x9e: {  	v10 =	vld [tilespmem:s4+$0x1C230]  }
0x9f: {  	v9 =	vld [tilespmem:s4+$0x1C240]  }
0xa0: {  	v8 =	vld [tilespmem:s4+$0x1C250];
	v13 =	vadd.f32 v7, v13  }
0xa1: {  	s14 =	simm.s32 $0x200;
	v12 =	vadd.f32 v12, v14;
	v7 =	vld [tilespmem:s4+$0x1C260]  }
.LBB2_8:
0xa2: {  	s15 =	sshra.s32 s14, $0x2;
	p0 =	sne.s32 s14, $0x1E00;
	v13 =	vmax.f32 v13, $0.0e+00;
	v6 =	vadd.f32 v6, v11;
	v11 =	vld [tilespmem:s4+$0x1C270]  }
0xa3: {  	v14 =	vld [tilespmem:s15+$0x1CA00];
	[tilespmem:s4+$0x1C200] =	vst v13;
	v12 =	vmax.f32 v12, $0.0e+00;
	v5 =	vadd.f32 v5, v10  }
0xa4: {  	v15 =	vld [tilespmem:s15+$0x1CA10];
	[tilespmem:s4+$0x1C210] =	vst v12;
	v10 =	vmax.f32 v6, $0.0e+00;
	v4 =	vadd.f32 v4, v9  }
0xa5: {  	v6 =	vld [tilespmem:s15+$0x1CA20];
	[tilespmem:s4+$0x1C220] =	vst v10;
	v9 =	vmax.f32 v5, $0.0e+00;
	v3 =	vadd.f32 v3, v8  }
0xa6: {  	v5 =	vld [tilespmem:s15+$0x1CA30];
	[tilespmem:s4+$0x1C230] =	vst v9;
	v8 =	vmax.f32 v4, $0.0e+00;
	v2 =	vadd.f32 v2, v7  }
0xa7: {  	v4 =	vld [tilespmem:s15+$0x1CA40];
	[tilespmem:s4+$0x1C240] =	vst v8;
	v7 =	vmax.f32 v3, $0.0e+00;
	v1 =	vadd.f32 v1, v11  }
0xa8: {  	v3 =	vld [tilespmem:s15+$0x1CA50];
	[tilespmem:s4+$0x1C250] =	vst v7;
	v7 =	vmax.f32 v2, $0.0e+00  }
0xa9: {  	v2 =	vld [tilespmem:s15+$0x1CA60];
	[tilespmem:s4+$0x1C260] =	vst v7;
	v7 =	vmax.f32 v1, $0.0e+00  }
0xaa: {  	v1 =	vld [tilespmem:s15+$0x1CA70];
	[tilespmem:s4+$0x1C270] =	vst v7;
	s4 =	smov.u32 s15  }
0xab: {  	v7 =	vld [tilespmem:s4+$0x1C200]  }
0xac: {  	v12 =	vld [tilespmem:s4+$0x1C210]  }
.Ltmp3:
0xad: {  	v11 =	vld [tilespmem:s4+$0x1C220];
	(pc) =	sbr.rel @p0 .LBB2_8-.Ltmp3, $4  }
0xae: {  	v10 =	vld [tilespmem:s4+$0x1C230]  }
0xaf: {  	v9 =	vld [tilespmem:s4+$0x1C240]  }
0xb0: {  	v13 =	vadd.f32 v14, v7;
	v8 =	vld [tilespmem:s4+$0x1C250]  }
0xb1: {  	s14 =	sadd.s32 $0x200, s14;
	v12 =	vadd.f32 v15, v12;
	v7 =	vld [tilespmem:s4+$0x1C260]  }
0xb2: {  	v13 =	vmax.f32 v13, $0.0e+00;
	v6 =	vadd.f32 v6, v11;
	v63 =	vld [tilespmem:s4+$0x1C270]  }
0xb3: {  	[tilespmem:s4+$0x1C200] =	vst v13;
	v12 =	vmax.f32 v12, $0.0e+00;
	v5 =	vadd.f32 v5, v10  }
0xb4: {  	[tilespmem:s4+$0x1C210] =	vst v12;
	v6 =	vmax.f32 v6, $0.0e+00;
	v4 =	vadd.f32 v4, v9  }
0xb5: {  	[tilespmem:s4+$0x1C220] =	vst v6;
	v5 =	vmax.f32 v5, $0.0e+00;
	v3 =	vadd.f32 v3, v8  }
0xb6: {  	[tilespmem:s4+$0x1C230] =	vst v5;
	v4 =	vmax.f32 v4, $0.0e+00;
	v2 =	vadd.f32 v2, v7  }
0xb7: {  	[tilespmem:s4+$0x1C240] =	vst v4;
	v3 =	vmax.f32 v3, $0.0e+00;
	v1 =	vadd.f32 v1, v63  }
0xb8: {  	[tilespmem:s4+$0x1C250] =	vst v3;
	v2 =	vmax.f32 v2, $0.0e+00  }
0xb9: {  	[tilespmem:s4+$0x1C260] =	vst v2;
	v1 =	vmax.f32 v1, $0.0e+00  }
0xba: {  	[tilespmem:s4+$0x1C270] =	vst v1  }
0xbb: {  	[spmem:s3] =	stream.indirect.scatter.add.f32 [tilespmem:s0], [sflag:$0x2], $0x80, s30, s31, $0xb8;
	[tilespmem:$0x1D200] =	vst v63  }
0xbc: {  	_ =	swait.ge [sflag:s24], $0x800  }
0xbd: {  	[sflag:s24] =	ssyncset.done $0x0  }
0xbe: {  	s16 =	stileid.u32;
	[sflag:s24] =	ssyncadd.s32 $0xFFFFF800  }
0xbf: {  	s4 =	sshll.u32 s16, $0x6;
	[bflag:$0x0] =	sbarrier.arrive $0xFFFF  }
0xc0: {  	s14 =	sshrl.u32 s8, $0x3;
	s4 =	sor.u32 $0x1C02, s4;
	s15 =	rddreg [dreg:$0x8]  }
0xc1: {  	[hbm:s15], [sflag:s4] =	dma.local [spmem:s14], $0x800  }
0xc2: {  	_ =	swait.ge [sflag:s24], $0x800  }
0xc3: {  	[sflag:s24] =	ssyncset.done $0x0  }
0xc4: {  	s17 =	sshrl.u32 s10, $0x3;
	[sflag:s24] =	ssyncadd.s32 $0xFFFFF800  }
0xc5: {  	[hbm:s18], [sflag:s4] =	dma.local [spmem:s17], $0x800  }
0xc6: {  	_ =	swait.ge [sflag:s24], $0x800  }
0xc7: {  	[sflag:s24] =	ssyncset.done $0x0  }
0xc8: {  	s15 =	sshrl.u32 s11, $0x3;
	[sflag:s24] =	ssyncadd.s32 $0xFFFFF800  }
0xc9: {  	[hbm:s19], [sflag:s4] =	dma.local [spmem:s15], $0x800  }
0xca: {  	_ =	swait.ge [sflag:s24], $0x800  }
0xcb: {  	[sflag:s24] =	ssyncset.done $0x0  }
0xcc: {  	s16 =	sshrl.u32 s12, $0x3;
	[sflag:s24] =	ssyncadd.s32 $0xFFFFF800  }
0xcd: {  	[hbm:s20], [sflag:s4] =	dma.local [spmem:s16], $0x800  }
0xce: {  	s5 =	sadd.s32 $0x1, s5;
	_ =	swait.ge [sflag:s24], $0x800  }
0xcf: {  	p0 =	sne.s32 s5, s22;
	[sflag:s24] =	ssyncset.done $0x0  }
.Ltmp4:
0xd0: {  	s17 =	sshrl.u32 s13, $0x3;
	[sflag:s24] =	ssyncadd.s32 $0xFFFFF800;
	(pc) =	sbr.rel @p0 .LBB2_1-.Ltmp4, $4  }
0xd1: {  	[hbm:s21], [sflag:s4] =	dma.local [spmem:s17], $0x800  }
0xd2: {  	_ =	swait.ge [sflag:s24], $0x800  }
0xd3: {  	[sflag:s24] =	ssyncset.done $0x0  }
0xd4: {  	[sflag:s24] =	ssyncadd.s32 $0xFFFFF800  }
0xd5: {  	_ =	sfence.sel $0x180000  }
0xd6: {  	[bflag:$0x0] =	sbarrier.arrive $0xFFFF  }
0xd7: {  	_ =	strace $0x9000004A  }
0xd8: {  	s0 =	stileid.u32;
	[bflag:$0x2] =	sbarrier.arrive $0xFFFF  }
0xd9: {  	p0 =	sne.s32 s0, $0x0;
	s0 =	rddreg [dreg:$0x4]  }
0xda: {  	s0 =	sadd.s32 @!p0 $0x100000, s0  }
0xdb: {  	[sflag:s0] =	ssyncadd.tile.s32 @!p0 $0x1;
	_ =	shalt  }
.Lfunc_end2:
_tile_overlayer_lowered:
.L_overlay_start_2:
0xdc: {  	(tag) =	ssettag $0x2  }
0xdd: {  	s0 =	rddreg [dreg:$0x0];
	s2 =	stileid.u32  }
0xde: {  	s1 =	rddreg [dreg:$0x1];
	p0 =	sne.s32 s2, $0x0  }
0xdf: {  	s3 =	rddreg [dreg:$0x2];
	[bflag:$0x3] =	sbarrier.arrive $0xFFFF;
	s2 =	simm.s32 @!p0 $0x1C02  }
0xe0: {  	[timem:s3], [sflag:s2] =	dma.local @!p0 [hbm:s0], s1  }
0xe1: {  	s0 =	simm.s32 @!p0 $0x2  }
0xe2: {  	_ =	swait.ge @!p0 [sflag:s0], s1  }
0xe3: {  	s1 =	ssub.s32 @!p0 $0x0, s1;
	[sflag:s0] =	ssyncset.done @!p0 $0x0  }
0xe4: {  	[sflag:s0] =	ssyncadd.s32 @!p0 s1  }
0xe5: {  	[bflag:$0x3] =	sbarrier.arrive $0xFFFF  }
0xe6: {  	_ =	shalt  }

// kernel: kernel.17.cloned.1.call-start
scs
__scs_entry_jumppad:
0x0: {  	(pc) =	sbr.rel $0x88, $3  }
0x1: {  	(tag) =	ssettag $0x0;
	lr =	simm.s32 $0x1  }
0x2: {  	[smem:$0x3F8A] =	sst lr;
	_ =	strace $0xD0000000  }
0x3: {  	_ = 	snop  }
0x4: {  	_ = 	snop  }
0x5: {  	_ = 	snop  }
0x6: {  	_ = 	snop  }
0x7: {  	_ = 	snop  }
__scs_overlays_trampoline_lowered:
0x8: {  	[smem:$0x3F99] =	sst s0  }
0x9: {  	[smem:$0x3F9A] =	sst s1  }
0xa: {  	[smem:$0x3F9B] =	sst s2  }
0xb: {  	[smem:$0x3F9C] =	sst s3  }
0xc: {  	[smem:$0x3F9D] =	sst s4  }
0xd: {  	[smem:$0x3F9E] =	sst s5  }
0xe: {  	[smem:$0x3F9F] =	sst s6  }
0xf: {  	[smem:$0x3FA0] =	sst s7  }
0x10: {  	[smem:$0x3FA1] =	sst s8  }
0x11: {  	[smem:$0x3FA2] =	sst s9;
	s0 =	simm.s32 @!p0 $0x0  }
0x12: {  	s1 =	sld [smem:$0x3F88];
	s0 =	simm.s32 @p0 $0x1  }
0x13: {  	[smem:$0x3FA3] =	sst s0;
	s0 =	simm.s32 @!p1 $0x0  }
0x14: {  	s2 =	sld [smem:$0x3F87];
	s0 =	simm.s32 @p1 $0x1  }
0x15: {  	[smem:$0x3FA4] =	sst s0;
	s0 =	simm.s32 @!p2 $0x0  }
0x16: {  	s3 =	sld [smem:$0x3FDB];
	s0 =	simm.s32 @p2 $0x1  }
0x17: {  	s4 =	simm.s32 $0x1BF5;
	[smem:$0x3FA6] =	sst s0  }
0x18: {  	s0 =	sld [smem:$0x3F89];
	_ =	swait.ge [sflag:s4], $0x0  }
0x19: {  	s7 =	sld [smem:$0x3F8A]  }
0x1a: {  	s8 =	sadd.s32 $0xFFFFE003, lr  }
0x1b: {  	s9 =	sadd.s32 $0xFFFFFEF7, lr;
	s5 =	simm.s32 $0xFFFFFFFF;
	p2 =	slt.u32 s8, $0xFFFFF086  }
0x1c: {  	p1 =	slt.u32 s9, $0xF7A;
	s5 =	simm.s32 @!p2 $0x0  }
0x1d: {  	s5 =	simm.s32 @p1 $0x1;
	p0 =	seq.s32 s7, s2  }
0x1e: {  	s7 =	smul.u32 @!p0 $0xF7A, s2;
	p2 =	seq.s32 @!p0 s5, $0x0  }
0x1f: {  	s9 =	smul.u32 $0xF7A, s1;
	s8 =	simm.s32 @!p0 $0x1BF5;
	p2 =	por !p2, p0  }
0x20: {  	[sflag:s8] =	ssyncset.s32 @!p0 $0xFFFFF086;
	s6 =	sadd.s32 @!p0 s3, s7;
	s7 =	simm.s32 @!p0 $0x108  }
0x21: {  	s3 =	sadd.s32 s3, s9;
	s6 =	sadd.s32 @!p0 $0x88, s6;
	s7 =	simm.s32 @p2 $0x1082  }
0x22: {  	[simem:s7], [sflag:s8] =	dma.local @!p0 [hbm:s6], $0xF7A  }
0x23: {  	s9 =	sor.u32 $0xD0000000, s2;
	s6 =	simm.s32 $0x108;
	_ =	swait.ge @!p0 [sflag:s8], $0x0  }
0x24: {  	s3 =	sadd.s32 $0x88, s3;
	s6 =	simm.s32 @!p1 $0x1082;
	[sflag:s4] =	ssyncset.s32 $0xFFFFF086  }
0x25: {  	[simem:s6], [sflag:s4] =	dma.local [hbm:s3], $0xF7A  }
0x26: {  	[smem:$0x3F8A] =	sst s1;
	(tag) =	ssettag s2;
	_ =	strace s9  }
0x27: {  	s1 =	sld [smem:$0x3F9A]  }
0x28: {  	s2 =	sld [smem:$0x3F9B]  }
0x29: {  	s4 =	sld [smem:$0x3F9D]  }
0x2a: {  	p0 =	seq.s32 s5, $0x0;
	s5 =	sld [smem:$0x3F9E]  }
0x2b: {  	s6 =	sld [smem:$0x3F9F]  }
0x2c: {  	s7 =	sld [smem:$0x3FA0]  }
0x2d: {  	s3 =	simm.s32 $0x108;
	s8 =	sld [smem:$0x3FA1]  }
0x2e: {  	s3 =	simm.s32 @!p0 $0x1082;
	s9 =	sld [smem:$0x3FA2]  }
0x2f: {  	lr =	sadd.s32 s0, s3;
	s0 =	sld [smem:$0x3F99]  }
0x30: {  	s3 =	sld [smem:$0x3F9C]  }
0x31: {  	[smem:$0x3FA5] =	sst s10  }
0x32: {  	s10 =	sld [smem:$0x3FA3];
	_ =	sdelay $0x3  }
0x33: {  	p0 =	seq.s32 s10, $0x1;
	s10 =	sld [smem:$0x3FA5];
	_ =	sdelay $0x3  }
0x34: {  	[smem:$0x3FA5] =	sst s10  }
0x35: {  	s10 =	sld [smem:$0x3FA4];
	_ =	sdelay $0x3  }
0x36: {  	p1 =	seq.s32 s10, $0x1;
	s10 =	sld [smem:$0x3FA5];
	_ =	sdelay $0x3  }
0x37: {  	[smem:$0x3FA5] =	sst s10  }
0x38: {  	s10 =	sld [smem:$0x3FA6]  }
0x39: {  	_ = 	snop;
	(pc) =	sbr.ind lr, $3  }
0x3a: {  	_ = 	snop  }
0x3b: {  	_ = 	snop  }
0x3c: {  	p2 =	seq.s32 s10, $0x1;
	s10 =	sld [smem:$0x3FA5]  }
0x3d: {  	_ =	shalt  }
0x3e: {  	_ =	shalt  }
0x3f: {  	_ =	shalt  }
0x40: {  	_ =	shalt  }
0x41: {  	_ =	shalt  }
0x42: {  	_ =	shalt  }
0x43: {  	_ =	shalt  }
0x44: {  	_ =	shalt  }
0x45: {  	_ =	shalt  }
0x46: {  	_ =	shalt  }
0x47: {  	_ =	shalt  }
0x48: {  	_ =	shalt  }
0x49: {  	_ =	shalt  }
0x4a: {  	_ =	shalt  }
0x4b: {  	_ =	shalt  }
0x4c: {  	_ =	shalt  }
0x4d: {  	_ =	shalt  }
0x4e: {  	_ =	shalt  }
0x4f: {  	_ =	shalt  }
0x50: {  	_ =	shalt  }
0x51: {  	_ =	shalt  }
0x52: {  	_ =	shalt  }
0x53: {  	_ =	shalt  }
0x54: {  	_ =	shalt  }
0x55: {  	_ =	shalt  }
0x56: {  	_ =	shalt  }
0x57: {  	_ =	shalt  }
0x58: {  	_ =	shalt  }
0x59: {  	_ =	shalt  }
0x5a: {  	_ =	shalt  }
0x5b: {  	_ =	shalt  }
0x5c: {  	_ =	shalt  }
0x5d: {  	_ =	shalt  }
0x5e: {  	_ =	shalt  }
0x5f: {  	_ =	shalt  }
0x60: {  	_ =	shalt  }
0x61: {  	_ =	shalt  }
0x62: {  	_ =	shalt  }
0x63: {  	_ =	shalt  }
0x64: {  	_ =	shalt  }
0x65: {  	_ =	shalt  }
0x66: {  	_ =	shalt  }
0x67: {  	_ =	shalt  }
0x68: {  	_ =	shalt  }
0x69: {  	_ =	shalt  }
0x6a: {  	_ =	shalt  }
0x6b: {  	_ =	shalt  }
0x6c: {  	_ =	shalt  }
0x6d: {  	_ =	shalt  }
0x6e: {  	_ =	shalt  }
0x6f: {  	_ =	shalt  }
0x70: {  	_ =	shalt  }
0x71: {  	_ =	shalt  }
0x72: {  	_ =	shalt  }
0x73: {  	_ =	shalt  }
0x74: {  	_ =	shalt  }
0x75: {  	_ =	shalt  }
0x76: {  	_ =	shalt  }
0x77: {  	_ =	shalt  }
0x78: {  	_ =	shalt  }
0x79: {  	_ =	shalt  }
0x7a: {  	_ =	shalt  }
0x7b: {  	_ =	shalt  }
0x7c: {  	_ =	shalt  }
0x7d: {  	_ =	shalt  }
0x7e: {  	_ =	shalt  }
0x7f: {  	_ =	shalt  }
0x80: {  	_ =	shalt  }
0x81: {  	_ =	shalt  }
0x82: {  	_ =	shalt  }
0x83: {  	_ =	shalt  }
0x84: {  	_ =	shalt  }
0x85: {  	_ =	shalt  }
0x86: {  	_ =	shalt  }
0x87: {  	_ =	shalt  }
.Lfunc_end0:
.L_simem_size_0:
called_computation.2_lowered:
.L_overlay_start_0:
0x88: {  	s2 =	sld [smem:$0x3FD9]  }
0x89: {  	s3 =	sld [smem:$0x3FFE];
	_ =	sdelay $0x1  }
0x8a: {  	s1 =	srdreg.scid  }
0x8b: {  	s0 =	sand.u32 $0x1, s1  }
0x8c: {  	s17 =	sshll.u32 s0, $0xA;
	s2 =	sadd.s32 s3, s2  }
0x8d: {  	s2 =	sadd.s32 s2, s17  }
0x8e: {  	[smem:$0x3FB1] =	sst s2  }
0x8f: {  	_ = 	snop  }
0x90: {  	s2 =	sld [smem:$0x3FC7];
	(tm) =	ssettm $0x1  }
0x91: {  	s18 =	sld [smem:$0x3FFB];
	_ =	sdelay $0x3  }
0x92: {  	_ =	strace s18  }
0x93: {  	s3 =	sld [smem:$0x3FFC];
	_ =	sdelay $0x3  }
0x94: {  	_ =	strace s3  }
0x95: {  	s3 =	sld [smem:$0x3FFD];
	_ =	sdelay $0x3  }
0x96: {  	_ =	strace s3  }
0x97: {  	_ =	strace $0x8FFFFFFF  }
0x98: {  	s19 =	sld [smem:$0x3FDB];
	_ =	sdelay $0x1  }
0x99: {  	s4 =	simm.s32 $_scs_section_size  }
0x9a: {  	s5 =	simm.s32 $_size__tile_overlayer_lowered;
	s6 =	simm.s32 $_tile_overlayer_lowered  }
0x9b: {  	s22 =	simm.s32 $0x1BFF;
	s21 =	sshll.u32 s6, $0x1;
	s3 =	sadd.s32 s4, s19  }
0x9c: {  	s7 =	simm.s32 $0x0;
	s20 =	sshll.u32 s5, $0x1;
	s5 =	sadd.s32 s21, s3  }
0x9d: {  	[timem:s7], [sflag:s22] =	dma.local [hbm:s5], s20  }
0x9e: {  	_ =	swait.ge [sflag:s22], s20  }
0x9f: {  	s4 =	ssub.s32 $0x0, s20;
	[sflag:s22] =	ssyncset.done $0x0  }
0xa0: {  	[sflag:s22] =	ssyncadd.s32 s4;
	_ =	sdelay $0x1  }
0xa1: {  	s23 =	simm.s32 $0x1B8B  }
0xa2: {  	_ =	swait.ge [sflag:s23], $0x1  }
0xa3: {  	[sflag:s23] =	ssyncset.done $0x0  }
0xa4: {  	s25 =	simm.s32 $0x1B8E;
	s24 =	sld [smem:$0x3FFE];
	[sflag:s23] =	ssyncadd.s32 $0xFFFFFFFF  }
0xa5: {  	s26 =	simm.s32 $execute0_lowered;
	[smem:$0x3FD2] =	sst s25  }
0xa6: {  	s5 =	sshll.u32 s26, $0x1;
	_ =	strace $0x8000004C;
	[dreg:$0x1] =	wrdreg $0xFFFFFFFF  }
0xa7: {  	s28 =	simm.s32 $_size_execute0_lowered;
	s3 =	sadd.s32 s3, s5;
	[dreg:$0x0] =	wrdreg $0x0  }
0xa8: {  	s5 =	sshll.u32 s28, $0x1;
	[dreg:$0x2] =	wrdreg s3  }
0xa9: {  	[dreg:$0x3] =	wrdreg s5  }
0xaa: {  	[dreg:$0x4] =	wrdreg $0xC0  }
0xab: {  	_ =	task [dreg:s7], $0x5FFFF  }
0xac: {  	[dreg:$0x1] =	wrdreg $0xFFFFFFFF  }
0xad: {  	[dreg:$0x0] =	wrdreg $0x60  }
0xae: {  	[dreg:$0x2] =	wrdreg s24  }
0xaf: {  	[dreg:$0x3] =	wrdreg s2  }
0xb0: {  	[dreg:$0x4] =	wrdreg $0x81000  }
0xb1: {  	[dreg:$0x5] =	wrdreg $0x9  }
0xb2: {  	_ =	task.clear_ibuf [dreg:s7], $0x6FFFF;
	_ =	strace $0x9000004C  }
0xb3: {  	s29 =	simm.s32 $0x9;
	_ =	strace $0x8000004E  }
0xb4: {  	_ =	swait.ge [sflag:s29], $0x1  }
0xb5: {  	[sflag:s29] =	ssyncadd.s32 $0xFFFFFFFF  }
0xb6: {  	_ =	strace $0x9000004E  }
0xb7: {  	_ =	sfence  }
0xb8: {  	s30 =	sld [smem:$0x0];
	_ =	sdelay $0x2  }
0xb9: {  	s31 =	sshll.u32 s1, $0xD;
	s1 =	sshrl.u32 s1, $0x2  }
0xba: {  	s3 =	sand.u32 $0x4000, s31;
	s1 =	sadd.s32 s1, s30  }
0xbb: {  	s0 =	sor.u32 s3, s0;
	s1 =	sshll.u32 s1, $0x11  }
0xbc: {  	s0 =	sor.u32 s1, s0  }
0xbd: {  	s0 =	sadd.s32 $0x8F2B, s0  }
0xbe: {  	[sflag:s0] =	ssyncadd.remote.s32 $0x1  }
0xbf: {  	_ =	sfence.sel $0xFFFF  }
0xc0: {  	[dreg:$0x0] =	wrdreg $0xFFFFFFFF;
	(pc) =	sbr.abs _section_cstart, $3  }
0xc1: {  	[dreg:$0x1] =	wrdreg $0xFFFFFFFF  }
0xc2: {  	_ =	task.clear_ibuf [dreg:s7], $0x2FFFF;
	_ =	strace $0x9FFFFFFF  }
0xc3: {  	(tm) =	ssettm $0x7FFFFFFF  }
tec
execute0_lowered:
.L_overlay_start_1:
0x0: {  	(tag) =	ssettag $0x1  }
0x1: {  	s0 =	rddreg [dreg:$0x0]  }
0x2: {  	s1 =	rddreg [dreg:$0x1]  }
0x3: {  	s2 =	rddreg [dreg:$0x2];
	s3 =	simm.s32 $0x0  }
0x4: {  	s4 =	srdreg.scid;
	s12 =	stileid.u32;
	s28 =	simm.s32 $0x1  }
0x5: {  	s29 =	simm.s32 $0x1C100;
	s30 =	simm.s32 $0x1C180;
	s31 =	simm.s32 $0x10  }
0x6: {  	[smem:$0x7FF] =	sst s3;
	s5 =	sadd.s32 $0x10800, s0;
	s4 =	sand.u32 $0x1, s4  }
0x7: {  	s6 =	sadd.s32 $0x6A00, s0;
	s9 =	smul.u32 $0x50000, s12;
	s7 =	sadd.s32 $0x1A600, s0  }
0x8: {  	s0 =	sadd.s32 $0x41800, s0;
	s14 =	smul.u32 $0x14000, s12;
	_ =	strace $0x8000004D  }
0x9: {  	s8 =	ssub.s32 $0x2, s4;
	s11 =	sshll.u32 s4, $0x4;
	s4 =	smul.u32 $0x140000, s4  }
0xa: {  	s10 =	sshrl.u32 s8, $0x1;
	s9 =	sshrl.u32 s9, $0x2;
	s23 =	sor.u32 s12, s11  }
0xb: {  	s16 =	sadd.s32 $0x4000, s14;
	s19 =	sadd.s32 $0x8000, s14;
	s20 =	sadd.s32 $0xC000, s14  }
0xc: {  	s21 =	sadd.s32 $0x10000, s14;
	s15 =	ssub.s32 s8, s10;
	s8 =	sadd.s32 s9, s2  }
0xd: {  	s9 =	smul.u32 $0x2710, s23;
	s10 =	sadd.s32 s16, s2;
	s11 =	sadd.s32 s19, s2  }
0xe: {  	s12 =	sadd.s32 s20, s2;
	s13 =	sadd.s32 s21, s2;
	s14 =	sadd.s32 s14, s4  }
0xf: {  	s16 =	sadd.s32 s4, s16;
	s25 =	sadd.s32 s4, s19;
	s26 =	sadd.s32 s4, s20  }
0x10: {  	s4 =	sadd.s32 s4, s21;
	s23 =	simm.s32 $0x100;
	s14 =	sshrl.u32 s14, $0x3  }
0x11: {  	s24 =	sshrl.u32 s16, $0x3;
	s16 =	sshrl.u32 s26, $0x3;
	s4 =	sshrl.u32 s4, $0x3  }
0x12: {  	s26 =	simm.s32 $0x4100;
	s17 =	sadd.s32 $0x2700, s9;
	s14 =	sadd.s32 s0, s14  }
0x13: {  	s20 =	sadd.s32 s0, s16;
	s21 =	sadd.s32 s0, s4;
	s18 =	sshrl.u32 s17, $0x3  }
0x14: {  	s17 =	sshll.u32 s17, $0x4;
	[dreg:$0x7] =	wrdreg s14;
	s22 =	sadd.s32 s5, s18  }
0x15: {  	s14 =	sshrl.u32 s25, $0x3;
	s18 =	sadd.s32 s6, s18;
	[dreg:$0x4] =	wrdreg s22  }
0x16: {  	s25 =	simm.s32 $0x80;
	s17 =	sadd.s32 s1, s17;
	[dreg:$0x5] =	wrdreg s18  }
0x17: {  	s19 =	sadd.s32 s0, s14;
	[dreg:$0x6] =	wrdreg s17;
	s18 =	sadd.s32 s0, s24  }
0x18: {  	v0 =	vimm.f32 $0.0e+00;
	s22 =	smax.u32 s15, $0x1;
	s24 =	simm.s32 $0x2;
	s0 =	simm.s32 $0x1C200  }
.LBB2_1:
0x19: {  	s4 =	simm.s32 $0x0;
	s14 =	simm.s32 $0x200  }
.LBB2_2:
0x1a: {  	p0 =	sne.s32 s14, $0xFE00;
	[tilespmem:s4+$0x170] =	vst v0  }
0x1b: {  	[tilespmem:s4+$0x100] =	vst v0  }
0x1c: {  	[tilespmem:s4+$0x110] =	vst v0  }
.Ltmp0:
0x1d: {  	[tilespmem:s4+$0x120] =	vst v0;
	(pc) =	sbr.rel @p0 .LBB2_2-.Ltmp0, $4  }
0x1e: {  	[tilespmem:s4+$0x130] =	vst v0  }
0x1f: {  	[tilespmem:s4+$0x140] =	vst v0  }
0x20: {  	[tilespmem:s4+$0x150] =	vst v0  }
0x21: {  	[tilespmem:s4+$0x160] =	vst v0;
	s4 =	sshra.s32 s14, $0x2;
	s14 =	sadd.s32 $0x200, s14  }
0x22: {  	[tilespmem:s4+$0x170] =	vst v0  }
0x23: {  	[tilespmem:s4+$0x100] =	vst v0  }
0x24: {  	[tilespmem:s4+$0x110] =	vst v0  }
0x25: {  	[tilespmem:s4+$0x120] =	vst v0  }
0x26: {  	[tilespmem:s4+$0x130] =	vst v0  }
0x27: {  	[tilespmem:s4+$0x140] =	vst v0  }
0x28: {  	[tilespmem:s4+$0x150] =	vst v0  }
0x29: {  	[tilespmem:s4+$0x160] =	vst v0  }
0x2a: {  	[spmem:s8] =	stream.linear.scatter [tilespmem:s23], [sflag:$0x2], $0x4000, $0x38;
	[tilespmem:$0x1D200] =	vst v63  }
0x2b: {  	_ =	swait.ge [sflag:s24], $0x4000  }
0x2c: {  	[sflag:s24] =	ssyncset.done $0x0  }
0x2d: {  	[sflag:s24] =	ssyncadd.s32 $0xFFFFC000  }
0x2e: {  	[spmem:s10] =	stream.linear.scatter [tilespmem:s23], [sflag:$0x2], $0x4000, $0x38;
	[tilespmem:$0x1D200] =	vst v63  }
0x2f: {  	_ =	swait.ge [sflag:s24], $0x4000  }
0x30: {  	[sflag:s24] =	ssyncset.done $0x0  }
0x31: {  	[sflag:s24] =	ssyncadd.s32 $0xFFFFC000  }
0x32: {  	[spmem:s11] =	stream.linear.scatter [tilespmem:s23], [sflag:$0x2], $0x4000, $0x38;
	[tilespmem:$0x1D200] =	vst v63  }
0x33: {  	_ =	swait.ge [sflag:s24], $0x4000  }
0x34: {  	[sflag:s24] =	ssyncset.done $0x0  }
0x35: {  	[sflag:s24] =	ssyncadd.s32 $0xFFFFC000  }
0x36: {  	[spmem:s12] =	stream.linear.scatter [tilespmem:s23], [sflag:$0x2], $0x4000, $0x38;
	[tilespmem:$0x1D200] =	vst v63  }
0x37: {  	_ =	swait.ge [sflag:s24], $0x4000  }
0x38: {  	[sflag:s24] =	ssyncset.done $0x0  }
0x39: {  	[sflag:s24] =	ssyncadd.s32 $0xFFFFC000  }
0x3a: {  	[spmem:s13] =	stream.linear.scatter [tilespmem:s23], [sflag:$0x2], $0x4000, $0x38;
	[tilespmem:$0x1D200] =	vst v63  }
0x3b: {  	_ =	swait.ge [sflag:s24], $0x4000  }
0x3c: {  	[sflag:s24] =	ssyncset.done $0x0  }
0x3d: {  	[sflag:s24] =	ssyncadd.s32 $0xFFFFC000  }
0x3e: {  	s4 =	simm.s32 $0x0;
	s14 =	simm.s32 $0x0;
	[bflag:$0x0] =	sbarrier.arrive $0xFFFF  }
.LBB2_4:
0x3f: {  	s15 =	sshll.u32 s14, $0x7  }
0x40: {  	s15 =	sadd.s32 s9, s15  }
0x41: {  	s16 =	sshrl.u32 s15, $0x3  }
0x42: {  	s17 =	sadd.s32 s5, s16  }
0x43: {  	[tilespmem:s4], [sflag:$0x2] =	stream.linear.gather [hbm4b:s17+s4], $0x80, $0x38;
	[tilespmem:$0x1D200] =	vst v63  }
0x44: {  	_ =	swait.ge [sflag:s24], $0x80  }
0x45: {  	[sflag:s24] =	ssyncset.done $0x0  }
0x46: {  	s16 =	sadd.s32 s6, s16;
	[sflag:s24] =	ssyncadd.s32 $0xFFFFFF80  }
0x47: {  	[tilespmem:s25], [sflag:$0x2] =	stream.linear.gather [hbm4b:s16+s4], $0x80, $0x38;
	[tilespmem:$0x1D200] =	vst v63  }
0x48: {  	_ =	swait.ge [sflag:s24], $0x80  }
0x49: {  	[sflag:s24] =	ssyncset.done $0x0  }
0x4a: {  	s15 =	sshll.u32 s15, $0x4;
	[sflag:s24] =	ssyncadd.s32 $0xFFFFFF80  }
0x4b: {  	[tilespmem:s23], [sflag:$0x1] =	stream.indirect.gather [hbm4b:s7+s25], $0x80, s4, s25, $0xb8;
	[tilespmem:$0x1D200] =	vst v63  }
0x4c: {  	s15 =	sadd.s32 s1, s15  }
0x4d: {  	[tilespmem:s26], [sflag:$0x2] =	stream.linear.gather [hbm4b:s15+s4], $0x4000, $0x38;
	[tilespmem:$0x1D200] =	vst v63  }
0x4e: {  	_ =	swait.ge [sflag:s24], $0x4000  }
0x4f: {  	[sflag:s24] =	ssyncset.done $0x0  }
0x50: {  	[sflag:s24] =	ssyncadd.s32 $0xFFFFC000  }
0x51: {  	_ =	swait.ge [sflag:s28], $0x4000  }
0x52: {  	[sflag:s28] =	ssyncset.done $0x0  }
0x53: {  	s15 =	simm.s32 $0x0;
	[sflag:s28] =	ssyncadd.s32 $0xFFFFC000  }
0x54: {  	v7 =	vld [tilespmem:s15+$0x4100]  }
0x55: {  	v12 =	vld [tilespmem:s15+$0x4110]  }
0x56: {  	v6 =	vld [tilespmem:s15+$0x4120]  }
0x57: {  	v5 =	vld [tilespmem:s15+$0x4130]  }
0x58: {  	v4 =	vld [tilespmem:s15+$0x4140]  }
0x59: {  	v3 =	vld [tilespmem:s15+$0x4150]  }
0x5a: {  	v2 =	vld [tilespmem:s15+$0x4160]  }
0x5b: {  	v1 =	vld [tilespmem:s15+$0x4170]  }
0x5c: {  	v13 =	vld [tilespmem:s15+$0x100]  }
0x5d: {  	v14 =	vld [tilespmem:s15+$0x110]  }
0x5e: {  	v11 =	vld [tilespmem:s15+$0x120]  }
0x5f: {  	v10 =	vld [tilespmem:s15+$0x130]  }
0x60: {  	v9 =	vld [tilespmem:s15+$0x140]  }
0x61: {  	v8 =	vld [tilespmem:s15+$0x150];
	v13 =	vadd.f32 v7, v13  }
0x62: {  	s16 =	simm.s32 $0x200;
	v12 =	vadd.f32 v12, v14;
	v7 =	vld [tilespmem:s15+$0x160]  }
.LBB2_5:
0x63: {  	s17 =	sshra.s32 s16, $0x2;
	p0 =	sne.s32 s16, $0xFE00;
	v13 =	vmax.f32 v13, $0.0e+00;
	v6 =	vadd.f32 v6, v11;
	v11 =	vld [tilespmem:s15+$0x170]  }
0x64: {  	v14 =	vld [tilespmem:s17+$0x4100];
	[tilespmem:s15+$0x100] =	vst v13;
	v12 =	vmax.f32 v12, $0.0e+00;
	v5 =	vadd.f32 v5, v10  }
0x65: {  	v15 =	vld [tilespmem:s17+$0x4110];
	[tilespmem:s15+$0x110] =	vst v12;
	v10 =	vmax.f32 v6, $0.0e+00;
	v4 =	vadd.f32 v4, v9  }
0x66: {  	v6 =	vld [tilespmem:s17+$0x4120];
	[tilespmem:s15+$0x120] =	vst v10;
	v9 =	vmax.f32 v5, $0.0e+00;
	v3 =	vadd.f32 v3, v8  }
0x67: {  	v5 =	vld [tilespmem:s17+$0x4130];
	[tilespmem:s15+$0x130] =	vst v9;
	v8 =	vmax.f32 v4, $0.0e+00;
	v2 =	vadd.f32 v2, v7  }
0x68: {  	v4 =	vld [tilespmem:s17+$0x4140];
	[tilespmem:s15+$0x140] =	vst v8;
	v7 =	vmax.f32 v3, $0.0e+00;
	v1 =	vadd.f32 v1, v11  }
0x69: {  	v3 =	vld [tilespmem:s17+$0x4150];
	[tilespmem:s15+$0x150] =	vst v7;
	v7 =	vmax.f32 v2, $0.0e+00  }
0x6a: {  	v2 =	vld [tilespmem:s17+$0x4160];
	[tilespmem:s15+$0x160] =	vst v7;
	v7 =	vmax.f32 v1, $0.0e+00  }
0x6b: {  	v1 =	vld [tilespmem:s17+$0x4170];
	[tilespmem:s15+$0x170] =	vst v7;
	s15 =	smov.u32 s17  }
0x6c: {  	v7 =	vld [tilespmem:s15+$0x100]  }
0x6d: {  	v12 =	vld [tilespmem:s15+$0x110]  }
.Ltmp1:
0x6e: {  	v11 =	vld [tilespmem:s15+$0x120];
	(pc) =	sbr.rel @p0 .LBB2_5-.Ltmp1, $4  }
0x6f: {  	v10 =	vld [tilespmem:s15+$0x130]  }
0x70: {  	v9 =	vld [tilespmem:s15+$0x140]  }
0x71: {  	v13 =	vadd.f32 v14, v7;
	v8 =	vld [tilespmem:s15+$0x150]  }
0x72: {  	s16 =	sadd.s32 $0x200, s16;
	v12 =	vadd.f32 v15, v12;
	v7 =	vld [tilespmem:s15+$0x160]  }
0x73: {  	v13 =	vmax.f32 v13, $0.0e+00;
	v6 =	vadd.f32 v6, v11;
	v63 =	vld [tilespmem:s15+$0x170]  }
0x74: {  	[tilespmem:s15+$0x100] =	vst v13;
	v12 =	vmax.f32 v12, $0.0e+00;
	v5 =	vadd.f32 v5, v10  }
0x75: {  	[tilespmem:s15+$0x110] =	vst v12;
	v6 =	vmax.f32 v6, $0.0e+00;
	v4 =	vadd.f32 v4, v9  }
0x76: {  	[tilespmem:s15+$0x120] =	vst v6;
	v5 =	vmax.f32 v5, $0.0e+00;
	v3 =	vadd.f32 v3, v8  }
0x77: {  	[tilespmem:s15+$0x130] =	vst v5;
	v4 =	vmax.f32 v4, $0.0e+00;
	v2 =	vadd.f32 v2, v7  }
0x78: {  	[tilespmem:s15+$0x140] =	vst v4;
	v3 =	vmax.f32 v3, $0.0e+00;
	v1 =	vadd.f32 v1, v63  }
0x79: {  	s14 =	sadd.s32 $0x1, s14;
	[tilespmem:s15+$0x150] =	vst v3;
	v2 =	vmax.f32 v2, $0.0e+00  }
0x7a: {  	p0 =	sne.s32 s14, $0x4E;
	[tilespmem:s15+$0x160] =	vst v2;
	v1 =	vmax.f32 v1, $0.0e+00  }
.Ltmp2:
0x7b: {  	[tilespmem:s15+$0x170] =	vst v1;
	(pc) =	sbr.rel @p0 .LBB2_4-.Ltmp2, $4  }
0x7c: {  	[spmem:s2] =	stream.indirect.scatter.add.f32 [tilespmem:s23], [sflag:$0x2], $0x80, s25, s25, $0xb8;
	[tilespmem:$0x1D200] =	vst v63  }
0x7d: {  	_ =	swait.ge [sflag:s24], $0x4000  }
0x7e: {  	[sflag:s24] =	ssyncset.done $0x0  }
0x7f: {  	[sflag:s24] =	ssyncadd.s32 $0xFFFFC000  }
0x80: {  	s4 =	simm.s32 $0x0;
	s14 =	rddreg [dreg:$0x4]  }
0x81: {  	[tilespmem:s29], [sflag:$0x2] =	stream.linear.gather [hbm4b:s14+s4], $0x10, $0x38;
	[tilespmem:$0x1D200] =	vst v63  }
0x82: {  	_ =	swait.ge [sflag:s24], $0x10  }
0x83: {  	[sflag:s24] =	ssyncset.done $0x0  }
0x84: {  	s16 =	rddreg [dreg:$0x5];
	[sflag:s24] =	ssyncadd.s32 $0xFFFFFFF0  }
0x85: {  	[tilespmem:s30], [sflag:$0x2] =	stream.linear.gather [hbm4b:s16+s4], $0x10, $0x38;
	[tilespmem:$0x1D200] =	vst v63  }
0x86: {  	_ =	swait.ge [sflag:s24], $0x10  }
0x87: {  	[sflag:s24] =	ssyncset.done $0x0  }
0x88: {  	[sflag:s24] =	ssyncadd.s32 $0xFFFFFFF0  }
0x89: {  	[tilespmem:s0], [sflag:$0x1] =	stream.indirect.gather [hbm4b:s7+s31], $0x80, s29, s31, $0xb8;
	[tilespmem:$0x1D200] =	vst v63  }
0x8a: {  	s15 =	simm.s32 $0x1CA00;
	s17 =	rddreg [dreg:$0x6]  }
0x8b: {  	[tilespmem:s15], [sflag:$0x2] =	stream.linear.gather [hbm4b:s17+s4], $0x800, $0x38;
	[tilespmem:$0x1D200] =	vst v63  }
0x8c: {  	_ =	swait.ge [sflag:s24], $0x800  }
0x8d: {  	[sflag:s24] =	ssyncset.done $0x0  }
0x8e: {  	[sflag:s24] =	ssyncadd.s32 $0xFFFFF800  }
0x8f: {  	_ =	swait.ge [sflag:s28], $0x800  }
0x90: {  	[sflag:s28] =	ssyncset.done $0x0  }
0x91: {  	s4 =	simm.s32 $0x0;
	[sflag:s28] =	ssyncadd.s32 $0xFFFFF800  }
0x92: {  	v7 =	vld [tilespmem:s4+$0x1CA00]  }
0x93: {  	v12 =	vld [tilespmem:s4+$0x1CA10]  }
0x94: {  	v6 =	vld [tilespmem:s4+$0x1CA20]  }
0x95: {  	v5 =	vld [tilespmem:s4+$0x1CA30]  }
0x96: {  	v4 =	vld [tilespmem:s4+$0x1CA40]  }
0x97: {  	v3 =	vld [tilespmem:s4+$0x1CA50]  }
0x98: {  	v2 =	vld [tilespmem:s4+$0x1CA60]  }
0x99: {  	v1 =	vld [tilespmem:s4+$0x1CA70]  }
0x9a: {  	v13 =	vld [tilespmem:s4+$0x1C200]  }
0x9b: {  	v14 =	vld [tilespmem:s4+$0x1C210]  }
0x9c: {  	v11 =	vld [tilespmem:s4+$0x1C220]  }
0x9d: {  	v10 =	vld [tilespmem:s4+$0x1C230]  }
0x9e: {  	v9 =	vld [tilespmem:s4+$0x1C240]  }
0x9f: {  	v8 =	vld [tilespmem:s4+$0x1C250];
	v13 =	vadd.f32 v7, v13  }
0xa0: {  	s14 =	simm.s32 $0x200;
	v12 =	vadd.f32 v12, v14;
	v7 =	vld [tilespmem:s4+$0x1C260]  }
.LBB2_8:
0xa1: {  	s15 =	sshra.s32 s14, $0x2;
	p0 =	sne.s32 s14, $0x1E00;
	v13 =	vmax.f32 v13, $0.0e+00;
	v6 =	vadd.f32 v6, v11;
	v11 =	vld [tilespmem:s4+$0x1C270]  }
0xa2: {  	v14 =	vld [tilespmem:s15+$0x1CA00];
	[tilespmem:s4+$0x1C200] =	vst v13;
	v12 =	vmax.f32 v12, $0.0e+00;
	v5 =	vadd.f32 v5, v10  }
0xa3: {  	v15 =	vld [tilespmem:s15+$0x1CA10];
	[tilespmem:s4+$0x1C210] =	vst v12;
	v10 =	vmax.f32 v6, $0.0e+00;
	v4 =	vadd.f32 v4, v9  }
0xa4: {  	v6 =	vld [tilespmem:s15+$0x1CA20];
	[tilespmem:s4+$0x1C220] =	vst v10;
	v9 =	vmax.f32 v5, $0.0e+00;
	v3 =	vadd.f32 v3, v8  }
0xa5: {  	v5 =	vld [tilespmem:s15+$0x1CA30];
	[tilespmem:s4+$0x1C230] =	vst v9;
	v8 =	vmax.f32 v4, $0.0e+00;
	v2 =	vadd.f32 v2, v7  }
0xa6: {  	v4 =	vld [tilespmem:s15+$0x1CA40];
	[tilespmem:s4+$0x1C240] =	vst v8;
	v7 =	vmax.f32 v3, $0.0e+00;
	v1 =	vadd.f32 v1, v11  }
0xa7: {  	v3 =	vld [tilespmem:s15+$0x1CA50];
	[tilespmem:s4+$0x1C250] =	vst v7;
	v7 =	vmax.f32 v2, $0.0e+00  }
0xa8: {  	v2 =	vld [tilespmem:s15+$0x1CA60];
	[tilespmem:s4+$0x1C260] =	vst v7;
	v7 =	vmax.f32 v1, $0.0e+00  }
0xa9: {  	v1 =	vld [tilespmem:s15+$0x1CA70];
	[tilespmem:s4+$0x1C270] =	vst v7;
	s4 =	smov.u32 s15  }
0xaa: {  	v7 =	vld [tilespmem:s4+$0x1C200]  }
0xab: {  	v12 =	vld [tilespmem:s4+$0x1C210]  }
.Ltmp3:
0xac: {  	v11 =	vld [tilespmem:s4+$0x1C220];
	(pc) =	sbr.rel @p0 .LBB2_8-.Ltmp3, $4  }
0xad: {  	v10 =	vld [tilespmem:s4+$0x1C230]  }
0xae: {  	v9 =	vld [tilespmem:s4+$0x1C240]  }
0xaf: {  	v13 =	vadd.f32 v14, v7;
	v8 =	vld [tilespmem:s4+$0x1C250]  }
0xb0: {  	s14 =	sadd.s32 $0x200, s14;
	v12 =	vadd.f32 v15, v12;
	v7 =	vld [tilespmem:s4+$0x1C260]  }
0xb1: {  	v13 =	vmax.f32 v13, $0.0e+00;
	v6 =	vadd.f32 v6, v11;
	v63 =	vld [tilespmem:s4+$0x1C270]  }
0xb2: {  	[tilespmem:s4+$0x1C200] =	vst v13;
	v12 =	vmax.f32 v12, $0.0e+00;
	v5 =	vadd.f32 v5, v10  }
0xb3: {  	[tilespmem:s4+$0x1C210] =	vst v12;
	v6 =	vmax.f32 v6, $0.0e+00;
	v4 =	vadd.f32 v4, v9  }
0xb4: {  	[tilespmem:s4+$0x1C220] =	vst v6;
	v5 =	vmax.f32 v5, $0.0e+00;
	v3 =	vadd.f32 v3, v8  }
0xb5: {  	[tilespmem:s4+$0x1C230] =	vst v5;
	v4 =	vmax.f32 v4, $0.0e+00;
	v2 =	vadd.f32 v2, v7  }
0xb6: {  	[tilespmem:s4+$0x1C240] =	vst v4;
	v3 =	vmax.f32 v3, $0.0e+00;
	v1 =	vadd.f32 v1, v63  }
0xb7: {  	[tilespmem:s4+$0x1C250] =	vst v3;
	v2 =	vmax.f32 v2, $0.0e+00  }
0xb8: {  	[tilespmem:s4+$0x1C260] =	vst v2;
	v1 =	vmax.f32 v1, $0.0e+00  }
0xb9: {  	[tilespmem:s4+$0x1C270] =	vst v1  }
0xba: {  	[spmem:s2] =	stream.indirect.scatter.add.f32 [tilespmem:s0], [sflag:$0x2], $0x80, s30, s31, $0xb8;
	[tilespmem:$0x1D200] =	vst v63  }
0xbb: {  	_ =	swait.ge [sflag:s24], $0x800  }
0xbc: {  	[sflag:s24] =	ssyncset.done $0x0  }
0xbd: {  	s16 =	stileid.u32;
	[sflag:s24] =	ssyncadd.s32 $0xFFFFF800  }
0xbe: {  	s4 =	sshll.u32 s16, $0x6;
	[bflag:$0x0] =	sbarrier.arrive $0xFFFF  }
0xbf: {  	s14 =	sshrl.u32 s8, $0x3;
	s4 =	sor.u32 $0x1C02, s4;
	s15 =	rddreg [dreg:$0x7]  }
0xc0: {  	[hbm:s15], [sflag:s4] =	dma.local [spmem:s14], $0x800  }
0xc1: {  	_ =	swait.ge [sflag:s24], $0x800  }
0xc2: {  	[sflag:s24] =	ssyncset.done $0x0  }
0xc3: {  	s17 =	sshrl.u32 s10, $0x3;
	[sflag:s24] =	ssyncadd.s32 $0xFFFFF800  }
0xc4: {  	[hbm:s18], [sflag:s4] =	dma.local [spmem:s17], $0x800  }
0xc5: {  	_ =	swait.ge [sflag:s24], $0x800  }
0xc6: {  	[sflag:s24] =	ssyncset.done $0x0  }
0xc7: {  	s15 =	sshrl.u32 s11, $0x3;
	[sflag:s24] =	ssyncadd.s32 $0xFFFFF800  }
0xc8: {  	[hbm:s19], [sflag:s4] =	dma.local [spmem:s15], $0x800  }
0xc9: {  	_ =	swait.ge [sflag:s24], $0x800  }
0xca: {  	[sflag:s24] =	ssyncset.done $0x0  }
0xcb: {  	s16 =	sshrl.u32 s12, $0x3;
	[sflag:s24] =	ssyncadd.s32 $0xFFFFF800  }
0xcc: {  	[hbm:s20], [sflag:s4] =	dma.local [spmem:s16], $0x800  }
0xcd: {  	s3 =	sadd.s32 $0x1, s3;
	_ =	swait.ge [sflag:s24], $0x800  }
0xce: {  	p0 =	sne.s32 s3, s22;
	[sflag:s24] =	ssyncset.done $0x0  }
.Ltmp4:
0xcf: {  	s17 =	sshrl.u32 s13, $0x3;
	[sflag:s24] =	ssyncadd.s32 $0xFFFFF800;
	(pc) =	sbr.rel @p0 .LBB2_1-.Ltmp4, $4  }
0xd0: {  	[hbm:s21], [sflag:s4] =	dma.local [spmem:s17], $0x800  }
0xd1: {  	_ =	swait.ge [sflag:s24], $0x800  }
0xd2: {  	[sflag:s24] =	ssyncset.done $0x0  }
0xd3: {  	[sflag:s24] =	ssyncadd.s32 $0xFFFFF800  }
0xd4: {  	_ =	sfence.sel $0x180000  }
0xd5: {  	[bflag:$0x0] =	sbarrier.arrive $0xFFFF  }
0xd6: {  	_ =	strace $0x9000004D  }
0xd7: {  	s0 =	stileid.u32;
	[bflag:$0x2] =	sbarrier.arrive $0xFFFF  }
0xd8: {  	p0 =	sne.s32 s0, $0x0;
	s0 =	rddreg [dreg:$0x3]  }
0xd9: {  	s0 =	sadd.s32 @!p0 $0x100000, s0  }
0xda: {  	[sflag:s0] =	ssyncadd.tile.s32 @!p0 $0x1;
	_ =	shalt  }
.Lfunc_end2:
_tile_overlayer_lowered:
.L_overlay_start_2:
0xdb: {  	(tag) =	ssettag $0x2  }
0xdc: {  	s0 =	rddreg [dreg:$0x0];
	s2 =	stileid.u32  }
0xdd: {  	s1 =	rddreg [dreg:$0x1];
	p0 =	sne.s32 s2, $0x0  }
0xde: {  	s3 =	rddreg [dreg:$0x2];
	[bflag:$0x3] =	sbarrier.arrive $0xFFFF;
	s2 =	simm.s32 @!p0 $0x1C02  }
0xdf: {  	[timem:s3], [sflag:s2] =	dma.local @!p0 [hbm:s0], s1  }
0xe0: {  	s0 =	simm.s32 @!p0 $0x2  }
0xe1: {  	_ =	swait.ge @!p0 [sflag:s0], s1  }
0xe2: {  	s1 =	ssub.s32 @!p0 $0x0, s1;
	[sflag:s0] =	ssyncset.done @!p0 $0x0  }
0xe3: {  	[sflag:s0] =	ssyncadd.s32 @!p0 s1  }
0xe4: {  	[bflag:$0x3] =	sbarrier.arrive $0xFFFF  }
0xe5: {  	_ =	shalt  }

// kernel: kernel.20.cloned.1.call-start
scs
__scs_entry_jumppad:
0x0: {  	(pc) =	sbr.rel $0x88, $3  }
0x1: {  	(tag) =	ssettag $0x0;
	lr =	simm.s32 $0x1  }
0x2: {  	[smem:$0x3F8A] =	sst lr;
	_ =	strace $0xD0000000  }
0x3: {  	_ = 	snop  }
0x4: {  	_ = 	snop  }
0x5: {  	_ = 	snop  }
0x6: {  	_ = 	snop  }
0x7: {  	_ = 	snop  }
__scs_overlays_trampoline_lowered:
0x8: {  	[smem:$0x3F99] =	sst s0  }
0x9: {  	[smem:$0x3F9A] =	sst s1  }
0xa: {  	[smem:$0x3F9B] =	sst s2  }
0xb: {  	[smem:$0x3F9C] =	sst s3  }
0xc: {  	[smem:$0x3F9D] =	sst s4  }
0xd: {  	[smem:$0x3F9E] =	sst s5  }
0xe: {  	[smem:$0x3F9F] =	sst s6  }
0xf: {  	[smem:$0x3FA0] =	sst s7  }
0x10: {  	[smem:$0x3FA1] =	sst s8  }
0x11: {  	[smem:$0x3FA2] =	sst s9;
	s0 =	simm.s32 @!p0 $0x0  }
0x12: {  	s1 =	sld [smem:$0x3F88];
	s0 =	simm.s32 @p0 $0x1  }
0x13: {  	[smem:$0x3FA3] =	sst s0;
	s0 =	simm.s32 @!p1 $0x0  }
0x14: {  	s2 =	sld [smem:$0x3F87];
	s0 =	simm.s32 @p1 $0x1  }
0x15: {  	[smem:$0x3FA4] =	sst s0;
	s0 =	simm.s32 @!p2 $0x0  }
0x16: {  	s3 =	sld [smem:$0x3FDB];
	s0 =	simm.s32 @p2 $0x1  }
0x17: {  	s4 =	simm.s32 $0x1BF5;
	[smem:$0x3FA6] =	sst s0  }
0x18: {  	s0 =	sld [smem:$0x3F89];
	_ =	swait.ge [sflag:s4], $0x0  }
0x19: {  	s7 =	sld [smem:$0x3F8A]  }
0x1a: {  	s8 =	sadd.s32 $0xFFFFE003, lr  }
0x1b: {  	s9 =	sadd.s32 $0xFFFFFEF7, lr;
	s5 =	simm.s32 $0xFFFFFFFF;
	p2 =	slt.u32 s8, $0xFFFFF086  }
0x1c: {  	p1 =	slt.u32 s9, $0xF7A;
	s5 =	simm.s32 @!p2 $0x0  }
0x1d: {  	s5 =	simm.s32 @p1 $0x1;
	p0 =	seq.s32 s7, s2  }
0x1e: {  	s7 =	smul.u32 @!p0 $0xF7A, s2;
	p2 =	seq.s32 @!p0 s5, $0x0  }
0x1f: {  	s9 =	smul.u32 $0xF7A, s1;
	s8 =	simm.s32 @!p0 $0x1BF5;
	p2 =	por !p2, p0  }
0x20: {  	[sflag:s8] =	ssyncset.s32 @!p0 $0xFFFFF086;
	s6 =	sadd.s32 @!p0 s3, s7;
	s7 =	simm.s32 @!p0 $0x108  }
0x21: {  	s3 =	sadd.s32 s3, s9;
	s6 =	sadd.s32 @!p0 $0x88, s6;
	s7 =	simm.s32 @p2 $0x1082  }
0x22: {  	[simem:s7], [sflag:s8] =	dma.local @!p0 [hbm:s6], $0xF7A  }
0x23: {  	s9 =	sor.u32 $0xD0000000, s2;
	s6 =	simm.s32 $0x108;
	_ =	swait.ge @!p0 [sflag:s8], $0x0  }
0x24: {  	s3 =	sadd.s32 $0x88, s3;
	s6 =	simm.s32 @!p1 $0x1082;
	[sflag:s4] =	ssyncset.s32 $0xFFFFF086  }
0x25: {  	[simem:s6], [sflag:s4] =	dma.local [hbm:s3], $0xF7A  }
0x26: {  	[smem:$0x3F8A] =	sst s1;
	(tag) =	ssettag s2;
	_ =	strace s9  }
0x27: {  	s1 =	sld [smem:$0x3F9A]  }
0x28: {  	s2 =	sld [smem:$0x3F9B]  }
0x29: {  	s4 =	sld [smem:$0x3F9D]  }
0x2a: {  	p0 =	seq.s32 s5, $0x0;
	s5 =	sld [smem:$0x3F9E]  }
0x2b: {  	s6 =	sld [smem:$0x3F9F]  }
0x2c: {  	s7 =	sld [smem:$0x3FA0]  }
0x2d: {  	s3 =	simm.s32 $0x108;
	s8 =	sld [smem:$0x3FA1]  }
0x2e: {  	s3 =	simm.s32 @!p0 $0x1082;
	s9 =	sld [smem:$0x3FA2]  }
0x2f: {  	lr =	sadd.s32 s0, s3;
	s0 =	sld [smem:$0x3F99]  }
0x30: {  	s3 =	sld [smem:$0x3F9C]  }
0x31: {  	[smem:$0x3FA5] =	sst s10  }
0x32: {  	s10 =	sld [smem:$0x3FA3];
	_ =	sdelay $0x3  }
0x33: {  	p0 =	seq.s32 s10, $0x1;
	s10 =	sld [smem:$0x3FA5];
	_ =	sdelay $0x3  }
0x34: {  	[smem:$0x3FA5] =	sst s10  }
0x35: {  	s10 =	sld [smem:$0x3FA4];
	_ =	sdelay $0x3  }
0x36: {  	p1 =	seq.s32 s10, $0x1;
	s10 =	sld [smem:$0x3FA5];
	_ =	sdelay $0x3  }
0x37: {  	[smem:$0x3FA5] =	sst s10  }
0x38: {  	s10 =	sld [smem:$0x3FA6]  }
0x39: {  	_ = 	snop;
	(pc) =	sbr.ind lr, $3  }
0x3a: {  	_ = 	snop  }
0x3b: {  	_ = 	snop  }
0x3c: {  	p2 =	seq.s32 s10, $0x1;
	s10 =	sld [smem:$0x3FA5]  }
0x3d: {  	_ =	shalt  }
0x3e: {  	_ =	shalt  }
0x3f: {  	_ =	shalt  }
0x40: {  	_ =	shalt  }
0x41: {  	_ =	shalt  }
0x42: {  	_ =	shalt  }
0x43: {  	_ =	shalt  }
0x44: {  	_ =	shalt  }
0x45: {  	_ =	shalt  }
0x46: {  	_ =	shalt  }
0x47: {  	_ =	shalt  }
0x48: {  	_ =	shalt  }
0x49: {  	_ =	shalt  }
0x4a: {  	_ =	shalt  }
0x4b: {  	_ =	shalt  }
0x4c: {  	_ =	shalt  }
0x4d: {  	_ =	shalt  }
0x4e: {  	_ =	shalt  }
0x4f: {  	_ =	shalt  }
0x50: {  	_ =	shalt  }
0x51: {  	_ =	shalt  }
0x52: {  	_ =	shalt  }
0x53: {  	_ =	shalt  }
0x54: {  	_ =	shalt  }
0x55: {  	_ =	shalt  }
0x56: {  	_ =	shalt  }
0x57: {  	_ =	shalt  }
0x58: {  	_ =	shalt  }
0x59: {  	_ =	shalt  }
0x5a: {  	_ =	shalt  }
0x5b: {  	_ =	shalt  }
0x5c: {  	_ =	shalt  }
0x5d: {  	_ =	shalt  }
0x5e: {  	_ =	shalt  }
0x5f: {  	_ =	shalt  }
0x60: {  	_ =	shalt  }
0x61: {  	_ =	shalt  }
0x62: {  	_ =	shalt  }
0x63: {  	_ =	shalt  }
0x64: {  	_ =	shalt  }
0x65: {  	_ =	shalt  }
0x66: {  	_ =	shalt  }
0x67: {  	_ =	shalt  }
0x68: {  	_ =	shalt  }
0x69: {  	_ =	shalt  }
0x6a: {  	_ =	shalt  }
0x6b: {  	_ =	shalt  }
0x6c: {  	_ =	shalt  }
0x6d: {  	_ =	shalt  }
0x6e: {  	_ =	shalt  }
0x6f: {  	_ =	shalt  }
0x70: {  	_ =	shalt  }
0x71: {  	_ =	shalt  }
0x72: {  	_ =	shalt  }
0x73: {  	_ =	shalt  }
0x74: {  	_ =	shalt  }
0x75: {  	_ =	shalt  }
0x76: {  	_ =	shalt  }
0x77: {  	_ =	shalt  }
0x78: {  	_ =	shalt  }
0x79: {  	_ =	shalt  }
0x7a: {  	_ =	shalt  }
0x7b: {  	_ =	shalt  }
0x7c: {  	_ =	shalt  }
0x7d: {  	_ =	shalt  }
0x7e: {  	_ =	shalt  }
0x7f: {  	_ =	shalt  }
0x80: {  	_ =	shalt  }
0x81: {  	_ =	shalt  }
0x82: {  	_ =	shalt  }
0x83: {  	_ =	shalt  }
0x84: {  	_ =	shalt  }
0x85: {  	_ =	shalt  }
0x86: {  	_ =	shalt  }
0x87: {  	_ =	shalt  }
.Lfunc_end0:
.L_simem_size_0:
called_computation.3_lowered:
.L_overlay_start_0:
0x88: {  	s2 =	sld [smem:$0x3FD9]  }
0x89: {  	s3 =	sld [smem:$0x3FFE];
	_ =	sdelay $0x1  }
0x8a: {  	s1 =	srdreg.scid  }
0x8b: {  	s0 =	sand.u32 $0x1, s1  }
0x8c: {  	s17 =	sshll.u32 s0, $0xA;
	s2 =	sadd.s32 s3, s2  }
0x8d: {  	s2 =	sadd.s32 s2, s17  }
0x8e: {  	[smem:$0x3FB1] =	sst s2  }
0x8f: {  	_ = 	snop  }
0x90: {  	s2 =	sld [smem:$0x3FC7];
	(tm) =	ssettm $0x1  }
0x91: {  	s18 =	sld [smem:$0x3FFB];
	_ =	sdelay $0x3  }
0x92: {  	_ =	strace s18  }
0x93: {  	s3 =	sld [smem:$0x3FFC];
	_ =	sdelay $0x3  }
0x94: {  	_ =	strace s3  }
0x95: {  	s3 =	sld [smem:$0x3FFD];
	_ =	sdelay $0x3  }
0x96: {  	_ =	strace s3  }
0x97: {  	_ =	strace $0x8FFFFFFF  }
0x98: {  	s19 =	sld [smem:$0x3FDB];
	_ =	sdelay $0x1  }
0x99: {  	s4 =	simm.s32 $_scs_section_size  }
0x9a: {  	s5 =	simm.s32 $_size__tile_overlayer_lowered;
	s6 =	simm.s32 $_tile_overlayer_lowered  }
0x9b: {  	s22 =	simm.s32 $0x1BFF;
	s21 =	sshll.u32 s6, $0x1;
	s3 =	sadd.s32 s4, s19  }
0x9c: {  	s7 =	simm.s32 $0x0;
	s20 =	sshll.u32 s5, $0x1;
	s5 =	sadd.s32 s21, s3  }
0x9d: {  	[timem:s7], [sflag:s22] =	dma.local [hbm:s5], s20  }
0x9e: {  	_ =	swait.ge [sflag:s22], s20  }
0x9f: {  	s4 =	ssub.s32 $0x0, s20;
	[sflag:s22] =	ssyncset.done $0x0  }
0xa0: {  	[sflag:s22] =	ssyncadd.s32 s4;
	_ =	sdelay $0x1  }
0xa1: {  	s23 =	simm.s32 $0x1B8B  }
0xa2: {  	_ =	swait.ge [sflag:s23], $0x1  }
0xa3: {  	[sflag:s23] =	ssyncset.done $0x0  }
0xa4: {  	s25 =	simm.s32 $0x1B8E;
	s24 =	sld [smem:$0x3FFE];
	[sflag:s23] =	ssyncadd.s32 $0xFFFFFFFF  }
0xa5: {  	s26 =	simm.s32 $execute0_lowered;
	[smem:$0x3FD2] =	sst s25  }
0xa6: {  	s5 =	sshll.u32 s26, $0x1;
	_ =	strace $0x8000004F;
	[dreg:$0x1] =	wrdreg $0xFFFFFFFF  }
0xa7: {  	s28 =	simm.s32 $_size_execute0_lowered;
	s3 =	sadd.s32 s3, s5;
	[dreg:$0x0] =	wrdreg $0x0  }
0xa8: {  	s5 =	sshll.u32 s28, $0x1;
	[dreg:$0x2] =	wrdreg s3  }
0xa9: {  	[dreg:$0x3] =	wrdreg s5  }
0xaa: {  	[dreg:$0x4] =	wrdreg $0xC0  }
0xab: {  	_ =	task [dreg:s7], $0x5FFFF  }
0xac: {  	[dreg:$0x1] =	wrdreg $0xFFFFFFFF  }
0xad: {  	[dreg:$0x0] =	wrdreg $0x60  }
0xae: {  	[dreg:$0x2] =	wrdreg s24  }
0xaf: {  	[dreg:$0x3] =	wrdreg s2  }
0xb0: {  	[dreg:$0x4] =	wrdreg $0x81000  }
0xb1: {  	[dreg:$0x5] =	wrdreg $0x9  }
0xb2: {  	_ =	task.clear_ibuf [dreg:s7], $0x6FFFF;
	_ =	strace $0x9000004F  }
0xb3: {  	s29 =	simm.s32 $0x9;
	_ =	strace $0x80000051  }
0xb4: {  	_ =	swait.ge [sflag:s29], $0x1  }
0xb5: {  	[sflag:s29] =	ssyncadd.s32 $0xFFFFFFFF  }
0xb6: {  	_ =	strace $0x90000051  }
0xb7: {  	_ =	sfence  }
0xb8: {  	s30 =	sld [smem:$0x0];
	_ =	sdelay $0x2  }
0xb9: {  	s31 =	sshll.u32 s1, $0xD;
	s1 =	sshrl.u32 s1, $0x2  }
0xba: {  	s3 =	sand.u32 $0x4000, s31;
	s1 =	sadd.s32 s1, s30  }
0xbb: {  	s0 =	sor.u32 s3, s0;
	s1 =	sshll.u32 s1, $0x11  }
0xbc: {  	s0 =	sor.u32 s1, s0  }
0xbd: {  	s0 =	sadd.s32 $0x8F2B, s0  }
0xbe: {  	[sflag:s0] =	ssyncadd.remote.s32 $0x1  }
0xbf: {  	_ =	sfence.sel $0xFFFF  }
0xc0: {  	[dreg:$0x0] =	wrdreg $0xFFFFFFFF;
	(pc) =	sbr.abs _section_cstart, $3  }
0xc1: {  	[dreg:$0x1] =	wrdreg $0xFFFFFFFF  }
0xc2: {  	_ =	task.clear_ibuf [dreg:s7], $0x2FFFF;
	_ =	strace $0x9FFFFFFF  }
0xc3: {  	(tm) =	ssettm $0x7FFFFFFF  }
tec
execute0_lowered:
.L_overlay_start_1:
0x0: {  	(tag) =	ssettag $0x1  }
0x1: {  	s0 =	rddreg [dreg:$0x0]  }
0x2: {  	s1 =	rddreg [dreg:$0x1]  }
0x3: {  	s2 =	rddreg [dreg:$0x2];
	s3 =	simm.s32 $0x0  }
0x4: {  	s4 =	srdreg.scid;
	s12 =	stileid.u32;
	s28 =	simm.s32 $0x1  }
0x5: {  	s29 =	simm.s32 $0x1C100;
	s30 =	simm.s32 $0x1C180;
	s31 =	simm.s32 $0x10  }
0x6: {  	[smem:$0x7FF] =	sst s3;
	s5 =	sadd.s32 $0x10800, s0;
	s4 =	sand.u32 $0x1, s4  }
0x7: {  	s6 =	sadd.s32 $0x6A00, s0;
	s9 =	smul.u32 $0x50000, s12;
	s7 =	sadd.s32 $0x41800, s0  }
0x8: {  	s0 =	sadd.s32 $0x68A00, s0;
	s14 =	smul.u32 $0x14000, s12;
	_ =	strace $0x80000050  }
0x9: {  	s8 =	ssub.s32 $0x2, s4;
	s11 =	sshll.u32 s4, $0x4;
	s4 =	smul.u32 $0x140000, s4  }
0xa: {  	s10 =	sshrl.u32 s8, $0x1;
	s9 =	sshrl.u32 s9, $0x2;
	s23 =	sor.u32 s12, s11  }
0xb: {  	s16 =	sadd.s32 $0x4000, s14;
	s19 =	sadd.s32 $0x8000, s14;
	s20 =	sadd.s32 $0xC000, s14  }
0xc: {  	s21 =	sadd.s32 $0x10000, s14;
	s15 =	ssub.s32 s8, s10;
	s8 =	sadd.s32 s9, s2  }
0xd: {  	s9 =	smul.u32 $0x2710, s23;
	s10 =	sadd.s32 s16, s2;
	s11 =	sadd.s32 s19, s2  }
0xe: {  	s12 =	sadd.s32 s20, s2;
	s13 =	sadd.s32 s21, s2;
	s14 =	sadd.s32 s14, s4  }
0xf: {  	s16 =	sadd.s32 s4, s16;
	s25 =	sadd.s32 s4, s19;
	s26 =	sadd.s32 s4, s20  }
0x10: {  	s4 =	sadd.s32 s4, s21;
	s23 =	simm.s32 $0x100;
	s14 =	sshrl.u32 s14, $0x3  }
0x11: {  	s24 =	sshrl.u32 s16, $0x3;
	s16 =	sshrl.u32 s26, $0x3;
	s4 =	sshrl.u32 s4, $0x3  }
0x12: {  	s26 =	simm.s32 $0x4100;
	s17 =	sadd.s32 $0x2700, s9;
	s14 =	sadd.s32 s0, s14  }
0x13: {  	s20 =	sadd.s32 s0, s16;
	s21 =	sadd.s32 s0, s4;
	s18 =	sshrl.u32 s17, $0x3  }
0x14: {  	s17 =	sshll.u32 s17, $0x4;
	[dreg:$0x7] =	wrdreg s14;
	s22 =	sadd.s32 s5, s18  }
0x15: {  	s14 =	sshrl.u32 s25, $0x3;
	s18 =	sadd.s32 s6, s18;
	[dreg:$0x4] =	wrdreg s22  }
0x16: {  	s25 =	simm.s32 $0x80;
	s17 =	sadd.s32 s1, s17;
	[dreg:$0x5] =	wrdreg s18  }
0x17: {  	s19 =	sadd.s32 s0, s14;
	[dreg:$0x6] =	wrdreg s17;
	s18 =	sadd.s32 s0, s24  }
0x18: {  	v0 =	vimm.f32 $0.0e+00;
	s22 =	smax.u32 s15, $0x1;
	s24 =	simm.s32 $0x2;
	s0 =	simm.s32 $0x1C200  }
.LBB2_1:
0x19: {  	s4 =	simm.s32 $0x0;
	s14 =	simm.s32 $0x200  }
.LBB2_2:
0x1a: {  	p0 =	sne.s32 s14, $0xFE00;
	[tilespmem:s4+$0x170] =	vst v0  }
0x1b: {  	[tilespmem:s4+$0x100] =	vst v0  }
0x1c: {  	[tilespmem:s4+$0x110] =	vst v0  }
.Ltmp0:
0x1d: {  	[tilespmem:s4+$0x120] =	vst v0;
	(pc) =	sbr.rel @p0 .LBB2_2-.Ltmp0, $4  }
0x1e: {  	[tilespmem:s4+$0x130] =	vst v0  }
0x1f: {  	[tilespmem:s4+$0x140] =	vst v0  }
0x20: {  	[tilespmem:s4+$0x150] =	vst v0  }
0x21: {  	[tilespmem:s4+$0x160] =	vst v0;
	s4 =	sshra.s32 s14, $0x2;
	s14 =	sadd.s32 $0x200, s14  }
0x22: {  	[tilespmem:s4+$0x170] =	vst v0  }
0x23: {  	[tilespmem:s4+$0x100] =	vst v0  }
0x24: {  	[tilespmem:s4+$0x110] =	vst v0  }
0x25: {  	[tilespmem:s4+$0x120] =	vst v0  }
0x26: {  	[tilespmem:s4+$0x130] =	vst v0  }
0x27: {  	[tilespmem:s4+$0x140] =	vst v0  }
0x28: {  	[tilespmem:s4+$0x150] =	vst v0  }
0x29: {  	[tilespmem:s4+$0x160] =	vst v0  }
0x2a: {  	[spmem:s8] =	stream.linear.scatter [tilespmem:s23], [sflag:$0x2], $0x4000, $0x38;
	[tilespmem:$0x1D200] =	vst v63  }
0x2b: {  	_ =	swait.ge [sflag:s24], $0x4000  }
0x2c: {  	[sflag:s24] =	ssyncset.done $0x0  }
0x2d: {  	[sflag:s24] =	ssyncadd.s32 $0xFFFFC000  }
0x2e: {  	[spmem:s10] =	stream.linear.scatter [tilespmem:s23], [sflag:$0x2], $0x4000, $0x38;
	[tilespmem:$0x1D200] =	vst v63  }
0x2f: {  	_ =	swait.ge [sflag:s24], $0x4000  }
0x30: {  	[sflag:s24] =	ssyncset.done $0x0  }
0x31: {  	[sflag:s24] =	ssyncadd.s32 $0xFFFFC000  }
0x32: {  	[spmem:s11] =	stream.linear.scatter [tilespmem:s23], [sflag:$0x2], $0x4000, $0x38;
	[tilespmem:$0x1D200] =	vst v63  }
0x33: {  	_ =	swait.ge [sflag:s24], $0x4000  }
0x34: {  	[sflag:s24] =	ssyncset.done $0x0  }
0x35: {  	[sflag:s24] =	ssyncadd.s32 $0xFFFFC000  }
0x36: {  	[spmem:s12] =	stream.linear.scatter [tilespmem:s23], [sflag:$0x2], $0x4000, $0x38;
	[tilespmem:$0x1D200] =	vst v63  }
0x37: {  	_ =	swait.ge [sflag:s24], $0x4000  }
0x38: {  	[sflag:s24] =	ssyncset.done $0x0  }
0x39: {  	[sflag:s24] =	ssyncadd.s32 $0xFFFFC000  }
0x3a: {  	[spmem:s13] =	stream.linear.scatter [tilespmem:s23], [sflag:$0x2], $0x4000, $0x38;
	[tilespmem:$0x1D200] =	vst v63  }
0x3b: {  	_ =	swait.ge [sflag:s24], $0x4000  }
0x3c: {  	[sflag:s24] =	ssyncset.done $0x0  }
0x3d: {  	[sflag:s24] =	ssyncadd.s32 $0xFFFFC000  }
0x3e: {  	s4 =	simm.s32 $0x0;
	s14 =	simm.s32 $0x0;
	[bflag:$0x0] =	sbarrier.arrive $0xFFFF  }
.LBB2_4:
0x3f: {  	s15 =	sshll.u32 s14, $0x7  }
0x40: {  	s15 =	sadd.s32 s9, s15  }
0x41: {  	s16 =	sshrl.u32 s15, $0x3  }
0x42: {  	s17 =	sadd.s32 s5, s16  }
0x43: {  	[tilespmem:s4], [sflag:$0x2] =	stream.linear.gather [hbm4b:s17+s4], $0x80, $0x38;
	[tilespmem:$0x1D200] =	vst v63  }
0x44: {  	_ =	swait.ge [sflag:s24], $0x80  }
0x45: {  	[sflag:s24] =	ssyncset.done $0x0  }
0x46: {  	s16 =	sadd.s32 s6, s16;
	[sflag:s24] =	ssyncadd.s32 $0xFFFFFF80  }
0x47: {  	[tilespmem:s25], [sflag:$0x2] =	stream.linear.gather [hbm4b:s16+s4], $0x80, $0x38;
	[tilespmem:$0x1D200] =	vst v63  }
0x48: {  	_ =	swait.ge [sflag:s24], $0x80  }
0x49: {  	[sflag:s24] =	ssyncset.done $0x0  }
0x4a: {  	s15 =	sshll.u32 s15, $0x4;
	[sflag:s24] =	ssyncadd.s32 $0xFFFFFF80  }
0x4b: {  	[tilespmem:s23], [sflag:$0x1] =	stream.indirect.gather [hbm4b:s7+s25], $0x80, s4, s25, $0xb8;
	[tilespmem:$0x1D200] =	vst v63  }
0x4c: {  	s15 =	sadd.s32 s1, s15  }
0x4d: {  	[tilespmem:s26], [sflag:$0x2] =	stream.linear.gather [hbm4b:s15+s4], $0x4000, $0x38;
	[tilespmem:$0x1D200] =	vst v63  }
0x4e: {  	_ =	swait.ge [sflag:s24], $0x4000  }
0x4f: {  	[sflag:s24] =	ssyncset.done $0x0  }
0x50: {  	[sflag:s24] =	ssyncadd.s32 $0xFFFFC000  }
0x51: {  	_ =	swait.ge [sflag:s28], $0x4000  }
0x52: {  	[sflag:s28] =	ssyncset.done $0x0  }
0x53: {  	s15 =	simm.s32 $0x0;
	[sflag:s28] =	ssyncadd.s32 $0xFFFFC000  }
0x54: {  	v7 =	vld [tilespmem:s15+$0x4100]  }
0x55: {  	v12 =	vld [tilespmem:s15+$0x4110]  }
0x56: {  	v6 =	vld [tilespmem:s15+$0x4120]  }
0x57: {  	v5 =	vld [tilespmem:s15+$0x4130]  }
0x58: {  	v4 =	vld [tilespmem:s15+$0x4140]  }
0x59: {  	v3 =	vld [tilespmem:s15+$0x4150]  }
0x5a: {  	v2 =	vld [tilespmem:s15+$0x4160]  }
0x5b: {  	v1 =	vld [tilespmem:s15+$0x4170]  }
0x5c: {  	v13 =	vld [tilespmem:s15+$0x100]  }
0x5d: {  	v14 =	vld [tilespmem:s15+$0x110]  }
0x5e: {  	v11 =	vld [tilespmem:s15+$0x120]  }
0x5f: {  	v10 =	vld [tilespmem:s15+$0x130]  }
0x60: {  	v9 =	vld [tilespmem:s15+$0x140]  }
0x61: {  	v8 =	vld [tilespmem:s15+$0x150];
	v13 =	vadd.f32 v7, v13  }
0x62: {  	s16 =	simm.s32 $0x200;
	v12 =	vadd.f32 v12, v14;
	v7 =	vld [tilespmem:s15+$0x160]  }
.LBB2_5:
0x63: {  	s17 =	sshra.s32 s16, $0x2;
	p0 =	sne.s32 s16, $0xFE00;
	v13 =	vmax.f32 v13, $0.0e+00;
	v6 =	vadd.f32 v6, v11;
	v11 =	vld [tilespmem:s15+$0x170]  }
0x64: {  	v14 =	vld [tilespmem:s17+$0x4100];
	[tilespmem:s15+$0x100] =	vst v13;
	v12 =	vmax.f32 v12, $0.0e+00;
	v5 =	vadd.f32 v5, v10  }
0x65: {  	v15 =	vld [tilespmem:s17+$0x4110];
	[tilespmem:s15+$0x110] =	vst v12;
	v10 =	vmax.f32 v6, $0.0e+00;
	v4 =	vadd.f32 v4, v9  }
0x66: {  	v6 =	vld [tilespmem:s17+$0x4120];
	[tilespmem:s15+$0x120] =	vst v10;
	v9 =	vmax.f32 v5, $0.0e+00;
	v3 =	vadd.f32 v3, v8  }
0x67: {  	v5 =	vld [tilespmem:s17+$0x4130];
	[tilespmem:s15+$0x130] =	vst v9;
	v8 =	vmax.f32 v4, $0.0e+00;
	v2 =	vadd.f32 v2, v7  }
0x68: {  	v4 =	vld [tilespmem:s17+$0x4140];
	[tilespmem:s15+$0x140] =	vst v8;
	v7 =	vmax.f32 v3, $0.0e+00;
	v1 =	vadd.f32 v1, v11  }
0x69: {  	v3 =	vld [tilespmem:s17+$0x4150];
	[tilespmem:s15+$0x150] =	vst v7;
	v7 =	vmax.f32 v2, $0.0e+00  }
0x6a: {  	v2 =	vld [tilespmem:s17+$0x4160];
	[tilespmem:s15+$0x160] =	vst v7;
	v7 =	vmax.f32 v1, $0.0e+00  }
0x6b: {  	v1 =	vld [tilespmem:s17+$0x4170];
	[tilespmem:s15+$0x170] =	vst v7;
	s15 =	smov.u32 s17  }
0x6c: {  	v7 =	vld [tilespmem:s15+$0x100]  }
0x6d: {  	v12 =	vld [tilespmem:s15+$0x110]  }
.Ltmp1:
0x6e: {  	v11 =	vld [tilespmem:s15+$0x120];
	(pc) =	sbr.rel @p0 .LBB2_5-.Ltmp1, $4  }
0x6f: {  	v10 =	vld [tilespmem:s15+$0x130]  }
0x70: {  	v9 =	vld [tilespmem:s15+$0x140]  }
0x71: {  	v13 =	vadd.f32 v14, v7;
	v8 =	vld [tilespmem:s15+$0x150]  }
0x72: {  	s16 =	sadd.s32 $0x200, s16;
	v12 =	vadd.f32 v15, v12;
	v7 =	vld [tilespmem:s15+$0x160]  }
0x73: {  	v13 =	vmax.f32 v13, $0.0e+00;
	v6 =	vadd.f32 v6, v11;
	v63 =	vld [tilespmem:s15+$0x170]  }
0x74: {  	[tilespmem:s15+$0x100] =	vst v13;
	v12 =	vmax.f32 v12, $0.0e+00;
	v5 =	vadd.f32 v5, v10  }
0x75: {  	[tilespmem:s15+$0x110] =	vst v12;
	v6 =	vmax.f32 v6, $0.0e+00;
	v4 =	vadd.f32 v4, v9  }
0x76: {  	[tilespmem:s15+$0x120] =	vst v6;
	v5 =	vmax.f32 v5, $0.0e+00;
	v3 =	vadd.f32 v3, v8  }
0x77: {  	[tilespmem:s15+$0x130] =	vst v5;
	v4 =	vmax.f32 v4, $0.0e+00;
	v2 =	vadd.f32 v2, v7  }
0x78: {  	[tilespmem:s15+$0x140] =	vst v4;
	v3 =	vmax.f32 v3, $0.0e+00;
	v1 =	vadd.f32 v1, v63  }
0x79: {  	s14 =	sadd.s32 $0x1, s14;
	[tilespmem:s15+$0x150] =	vst v3;
	v2 =	vmax.f32 v2, $0.0e+00  }
0x7a: {  	p0 =	sne.s32 s14, $0x4E;
	[tilespmem:s15+$0x160] =	vst v2;
	v1 =	vmax.f32 v1, $0.0e+00  }
.Ltmp2:
0x7b: {  	[tilespmem:s15+$0x170] =	vst v1;
	(pc) =	sbr.rel @p0 .LBB2_4-.Ltmp2, $4  }
0x7c: {  	[spmem:s2] =	stream.indirect.scatter.add.f32 [tilespmem:s23], [sflag:$0x2], $0x80, s25, s25, $0xb8;
	[tilespmem:$0x1D200] =	vst v63  }
0x7d: {  	_ =	swait.ge [sflag:s24], $0x4000  }
0x7e: {  	[sflag:s24] =	ssyncset.done $0x0  }
0x7f: {  	[sflag:s24] =	ssyncadd.s32 $0xFFFFC000  }
0x80: {  	s4 =	simm.s32 $0x0;
	s14 =	rddreg [dreg:$0x4]  }
0x81: {  	[tilespmem:s29], [sflag:$0x2] =	stream.linear.gather [hbm4b:s14+s4], $0x10, $0x38;
	[tilespmem:$0x1D200] =	vst v63  }
0x82: {  	_ =	swait.ge [sflag:s24], $0x10  }
0x83: {  	[sflag:s24] =	ssyncset.done $0x0  }
0x84: {  	s16 =	rddreg [dreg:$0x5];
	[sflag:s24] =	ssyncadd.s32 $0xFFFFFFF0  }
0x85: {  	[tilespmem:s30], [sflag:$0x2] =	stream.linear.gather [hbm4b:s16+s4], $0x10, $0x38;
	[tilespmem:$0x1D200] =	vst v63  }
0x86: {  	_ =	swait.ge [sflag:s24], $0x10  }
0x87: {  	[sflag:s24] =	ssyncset.done $0x0  }
0x88: {  	[sflag:s24] =	ssyncadd.s32 $0xFFFFFFF0  }
0x89: {  	[tilespmem:s0], [sflag:$0x1] =	stream.indirect.gather [hbm4b:s7+s31], $0x80, s29, s31, $0xb8;
	[tilespmem:$0x1D200] =	vst v63  }
0x8a: {  	s15 =	simm.s32 $0x1CA00;
	s17 =	rddreg [dreg:$0x6]  }
0x8b: {  	[tilespmem:s15], [sflag:$0x2] =	stream.linear.gather [hbm4b:s17+s4], $0x800, $0x38;
	[tilespmem:$0x1D200] =	vst v63  }
0x8c: {  	_ =	swait.ge [sflag:s24], $0x800  }
0x8d: {  	[sflag:s24] =	ssyncset.done $0x0  }
0x8e: {  	[sflag:s24] =	ssyncadd.s32 $0xFFFFF800  }
0x8f: {  	_ =	swait.ge [sflag:s28], $0x800  }
0x90: {  	[sflag:s28] =	ssyncset.done $0x0  }
0x91: {  	s4 =	simm.s32 $0x0;
	[sflag:s28] =	ssyncadd.s32 $0xFFFFF800  }
0x92: {  	v7 =	vld [tilespmem:s4+$0x1CA00]  }
0x93: {  	v12 =	vld [tilespmem:s4+$0x1CA10]  }
0x94: {  	v6 =	vld [tilespmem:s4+$0x1CA20]  }
0x95: {  	v5 =	vld [tilespmem:s4+$0x1CA30]  }
0x96: {  	v4 =	vld [tilespmem:s4+$0x1CA40]  }
0x97: {  	v3 =	vld [tilespmem:s4+$0x1CA50]  }
0x98: {  	v2 =	vld [tilespmem:s4+$0x1CA60]  }
0x99: {  	v1 =	vld [tilespmem:s4+$0x1CA70]  }
0x9a: {  	v13 =	vld [tilespmem:s4+$0x1C200]  }
0x9b: {  	v14 =	vld [tilespmem:s4+$0x1C210]  }
0x9c: {  	v11 =	vld [tilespmem:s4+$0x1C220]  }
0x9d: {  	v10 =	vld [tilespmem:s4+$0x1C230]  }
0x9e: {  	v9 =	vld [tilespmem:s4+$0x1C240]  }
0x9f: {  	v8 =	vld [tilespmem:s4+$0x1C250];
	v13 =	vadd.f32 v7, v13  }
0xa0: {  	s14 =	simm.s32 $0x200;
	v12 =	vadd.f32 v12, v14;
	v7 =	vld [tilespmem:s4+$0x1C260]  }
.LBB2_8:
0xa1: {  	s15 =	sshra.s32 s14, $0x2;
	p0 =	sne.s32 s14, $0x1E00;
	v13 =	vmax.f32 v13, $0.0e+00;
	v6 =	vadd.f32 v6, v11;
	v11 =	vld [tilespmem:s4+$0x1C270]  }
0xa2: {  	v14 =	vld [tilespmem:s15+$0x1CA00];
	[tilespmem:s4+$0x1C200] =	vst v13;
	v12 =	vmax.f32 v12, $0.0e+00;
	v5 =	vadd.f32 v5, v10  }
0xa3: {  	v15 =	vld [tilespmem:s15+$0x1CA10];
	[tilespmem:s4+$0x1C210] =	vst v12;
	v10 =	vmax.f32 v6, $0.0e+00;
	v4 =	vadd.f32 v4, v9  }
0xa4: {  	v6 =	vld [tilespmem:s15+$0x1CA20];
	[tilespmem:s4+$0x1C220] =	vst v10;
	v9 =	vmax.f32 v5, $0.0e+00;
	v3 =	vadd.f32 v3, v8  }
0xa5: {  	v5 =	vld [tilespmem:s15+$0x1CA30];
	[tilespmem:s4+$0x1C230] =	vst v9;
	v8 =	vmax.f32 v4, $0.0e+00;
	v2 =	vadd.f32 v2, v7  }
0xa6: {  	v4 =	vld [tilespmem:s15+$0x1CA40];
	[tilespmem:s4+$0x1C240] =	vst v8;
	v7 =	vmax.f32 v3, $0.0e+00;
	v1 =	vadd.f32 v1, v11  }
0xa7: {  	v3 =	vld [tilespmem:s15+$0x1CA50];
	[tilespmem:s4+$0x1C250] =	vst v7;
	v7 =	vmax.f32 v2, $0.0e+00  }
0xa8: {  	v2 =	vld [tilespmem:s15+$0x1CA60];
	[tilespmem:s4+$0x1C260] =	vst v7;
	v7 =	vmax.f32 v1, $0.0e+00  }
0xa9: {  	v1 =	vld [tilespmem:s15+$0x1CA70];
	[tilespmem:s4+$0x1C270] =	vst v7;
	s4 =	smov.u32 s15  }
0xaa: {  	v7 =	vld [tilespmem:s4+$0x1C200]  }
0xab: {  	v12 =	vld [tilespmem:s4+$0x1C210]  }
.Ltmp3:
0xac: {  	v11 =	vld [tilespmem:s4+$0x1C220];
	(pc) =	sbr.rel @p0 .LBB2_8-.Ltmp3, $4  }
0xad: {  	v10 =	vld [tilespmem:s4+$0x1C230]  }
0xae: {  	v9 =	vld [tilespmem:s4+$0x1C240]  }
0xaf: {  	v13 =	vadd.f32 v14, v7;
	v8 =	vld [tilespmem:s4+$0x1C250]  }
0xb0: {  	s14 =	sadd.s32 $0x200, s14;
	v12 =	vadd.f32 v15, v12;
	v7 =	vld [tilespmem:s4+$0x1C260]  }
0xb1: {  	v13 =	vmax.f32 v13, $0.0e+00;
	v6 =	vadd.f32 v6, v11;
	v63 =	vld [tilespmem:s4+$0x1C270]  }
0xb2: {  	[tilespmem:s4+$0x1C200] =	vst v13;
	v12 =	vmax.f32 v12, $0.0e+00;
	v5 =	vadd.f32 v5, v10  }
0xb3: {  	[tilespmem:s4+$0x1C210] =	vst v12;
	v6 =	vmax.f32 v6, $0.0e+00;
	v4 =	vadd.f32 v4, v9  }
0xb4: {  	[tilespmem:s4+$0x1C220] =	vst v6;
	v5 =	vmax.f32 v5, $0.0e+00;
	v3 =	vadd.f32 v3, v8  }
0xb5: {  	[tilespmem:s4+$0x1C230] =	vst v5;
	v4 =	vmax.f32 v4, $0.0e+00;
	v2 =	vadd.f32 v2, v7  }
0xb6: {  	[tilespmem:s4+$0x1C240] =	vst v4;
	v3 =	vmax.f32 v3, $0.0e+00;
	v1 =	vadd.f32 v1, v63  }
0xb7: {  	[tilespmem:s4+$0x1C250] =	vst v3;
	v2 =	vmax.f32 v2, $0.0e+00  }
0xb8: {  	[tilespmem:s4+$0x1C260] =	vst v2;
	v1 =	vmax.f32 v1, $0.0e+00  }
0xb9: {  	[tilespmem:s4+$0x1C270] =	vst v1  }
0xba: {  	[spmem:s2] =	stream.indirect.scatter.add.f32 [tilespmem:s0], [sflag:$0x2], $0x80, s30, s31, $0xb8;
	[tilespmem:$0x1D200] =	vst v63  }
0xbb: {  	_ =	swait.ge [sflag:s24], $0x800  }
0xbc: {  	[sflag:s24] =	ssyncset.done $0x0  }
0xbd: {  	s16 =	stileid.u32;
	[sflag:s24] =	ssyncadd.s32 $0xFFFFF800  }
0xbe: {  	s4 =	sshll.u32 s16, $0x6;
	[bflag:$0x0] =	sbarrier.arrive $0xFFFF  }
0xbf: {  	s14 =	sshrl.u32 s8, $0x3;
	s4 =	sor.u32 $0x1C02, s4;
	s15 =	rddreg [dreg:$0x7]  }
0xc0: {  	[hbm:s15], [sflag:s4] =	dma.local [spmem:s14], $0x800  }
0xc1: {  	_ =	swait.ge [sflag:s24], $0x800  }
0xc2: {  	[sflag:s24] =	ssyncset.done $0x0  }
0xc3: {  	s17 =	sshrl.u32 s10, $0x3;
	[sflag:s24] =	ssyncadd.s32 $0xFFFFF800  }
0xc4: {  	[hbm:s18], [sflag:s4] =	dma.local [spmem:s17], $0x800  }
0xc5: {  	_ =	swait.ge [sflag:s24], $0x800  }
0xc6: {  	[sflag:s24] =	ssyncset.done $0x0  }
0xc7: {  	s15 =	sshrl.u32 s11, $0x3;
	[sflag:s24] =	ssyncadd.s32 $0xFFFFF800  }
0xc8: {  	[hbm:s19], [sflag:s4] =	dma.local [spmem:s15], $0x800  }
0xc9: {  	_ =	swait.ge [sflag:s24], $0x800  }
0xca: {  	[sflag:s24] =	ssyncset.done $0x0  }
0xcb: {  	s16 =	sshrl.u32 s12, $0x3;
	[sflag:s24] =	ssyncadd.s32 $0xFFFFF800  }
0xcc: {  	[hbm:s20], [sflag:s4] =	dma.local [spmem:s16], $0x800  }
0xcd: {  	s3 =	sadd.s32 $0x1, s3;
	_ =	swait.ge [sflag:s24], $0x800  }
0xce: {  	p0 =	sne.s32 s3, s22;
	[sflag:s24] =	ssyncset.done $0x0  }
.Ltmp4:
0xcf: {  	s17 =	sshrl.u32 s13, $0x3;
	[sflag:s24] =	ssyncadd.s32 $0xFFFFF800;
	(pc) =	sbr.rel @p0 .LBB2_1-.Ltmp4, $4  }
0xd0: {  	[hbm:s21], [sflag:s4] =	dma.local [spmem:s17], $0x800  }
0xd1: {  	_ =	swait.ge [sflag:s24], $0x800  }
0xd2: {  	[sflag:s24] =	ssyncset.done $0x0  }
0xd3: {  	[sflag:s24] =	ssyncadd.s32 $0xFFFFF800  }
0xd4: {  	_ =	sfence.sel $0x180000  }
0xd5: {  	[bflag:$0x0] =	sbarrier.arrive $0xFFFF  }
0xd6: {  	_ =	strace $0x90000050  }
0xd7: {  	s0 =	stileid.u32;
	[bflag:$0x2] =	sbarrier.arrive $0xFFFF  }
0xd8: {  	p0 =	sne.s32 s0, $0x0;
	s0 =	rddreg [dreg:$0x3]  }
0xd9: {  	s0 =	sadd.s32 @!p0 $0x100000, s0  }
0xda: {  	[sflag:s0] =	ssyncadd.tile.s32 @!p0 $0x1;
	_ =	shalt  }
.Lfunc_end2:
_tile_overlayer_lowered:
.L_overlay_start_2:
0xdb: {  	(tag) =	ssettag $0x2  }
0xdc: {  	s0 =	rddreg [dreg:$0x0];
	s2 =	stileid.u32  }
0xdd: {  	s1 =	rddreg [dreg:$0x1];
	p0 =	sne.s32 s2, $0x0  }
0xde: {  	s3 =	rddreg [dreg:$0x2];
	[bflag:$0x3] =	sbarrier.arrive $0xFFFF;
	s2 =	simm.s32 @!p0 $0x1C02  }
0xdf: {  	[timem:s3], [sflag:s2] =	dma.local @!p0 [hbm:s0], s1  }
0xe0: {  	s0 =	simm.s32 @!p0 $0x2  }
0xe1: {  	_ =	swait.ge @!p0 [sflag:s0], s1  }
0xe2: {  	s1 =	ssub.s32 @!p0 $0x0, s1;
	[sflag:s0] =	ssyncset.done @!p0 $0x0  }
0xe3: {  	[sflag:s0] =	ssyncadd.s32 @!p0 s1  }
0xe4: {  	[bflag:$0x3] =	sbarrier.arrive $0xFFFF  }
0xe5: {  	_ =	shalt  }

</sc_bundles>
